<compile_context>
chip_gen: v7x
topology: tpu7x:2x2x1
jax: 0.10.2.dev20260603
libtpu: 0.0.44.dev20260713+nightly
codegen_flags: <defaults>
</compile_context>

<pallas_src>
import functools

import jax
import jax.numpy as jnp
from jax import lax
from jax.experimental import pallas as pl
from jax.experimental.pallas import tpu as pltpu
from jax.experimental.pallas import tpu_sc as plsc

EPS = 1e-5

_NC = 2
_NS = 16
_NW = _NC * _NS

_EB = 128


def _sc_pad(n):
  chunk = _NS * _EB
  return (n + chunk - 1) // chunk * chunk


@functools.lru_cache(maxsize=None)
def _make_sc_aggregate(n, nb, h, mode):
  assert nb % 2 == 1 and nb >= 3, "pipeline assumes an odd batch count"
  npairs = (nb - 1) // 2
  n_pad = _sc_pad(n)
  rpt = n_pad // _NS
  nz = rpt // _EB

  mesh = plsc.VectorSubcoreMesh(core_axis_name="c", subcore_axis_name="s")

  out_type = [jax.ShapeDtypeStruct((_NC, n_pad, h), jnp.float32)]
  if mode == "sum":
    scratch = [
        pltpu.VMEM((2, _EB), jnp.int32), pltpu.VMEM((2, _EB), jnp.int32),
        pltpu.VMEM((_EB, h), jnp.float32), pltpu.VMEM((_EB, h), jnp.float32),
        pltpu.VMEM_SHARED((n_pad, h), jnp.float32),
        pltpu.SemaphoreType.DMA, pltpu.SemaphoreType.DMA,
        pltpu.SemaphoreType.DMA, pltpu.SemaphoreType.DMA,
    ]
  else:
    scratch = [
        pltpu.VMEM((2, _EB), jnp.int32),
        pltpu.VMEM((_EB, h), jnp.float32),
        pltpu.VMEM_SHARED((n_pad, h), jnp.float32),
    ]

  def body(*refs):
    if mode == "sum":
      (x_hbm, sd_hbm, sums_hbm,
       idx0, idx1, rows0, rows1, acc, gs0, gs1, is0, is1) = refs
      idx = (idx0, idx1)
      rows = (rows0, rows1)
      gsem = (gs0, gs1)
      isem = (is0, is1)
    else:
      sd_hbm, sums_hbm, idx0, rows0, acc = refs
    c = lax.axis_index("c")
    s = lax.axis_index("s")
    wid = c * _NS + s
    base = wid * nb

    zero16 = jnp.zeros((16,), jnp.float32)
    row0 = s * rpt

    def zero_acc(buf):
      def fill_zero(i, _):
        for l in range(h // 16):
          buf[i, pl.ds(l * 16, 16)] = zero16
        return 0
      lax.fori_loop(0, _EB, fill_zero, 0)
      for k in range(nz):
        pltpu.sync_copy(buf, acc.at[pl.ds(row0 + k * _EB, _EB)])

    if mode == "sum":
      def idx_start(j, b):
        pltpu.async_copy(sd_hbm.at[base + j], idx[b], isem[b])

      def idx_wait(b):
        pltpu.make_async_copy(sd_hbm.at[0], idx[b], isem[b]).wait()

      def gather_start(b):
        pltpu.async_copy(x_hbm.at[idx[b].at[0]], rows[b], gsem[b])

      def gather_wait(b):
        pltpu.make_async_copy(x_hbm.at[idx[b].at[0]], rows[b],
                              gsem[b]).wait()

      def scatter(b):
        pltpu.sync_copy(rows[b], acc.at[idx[b].at[1]], add=True)

      idx_start(0, 0)
      idx_wait(0)
      gather_start(0)
      idx_start(1, 1)
      zero_acc(rows1)
      plsc.subcore_barrier()

      def pair(p, _):
        j0 = 2 * p
        idx_wait(1)
        gather_wait(0)
        gather_start(1)
        scatter(0)
        idx_start(j0 + 2, 0)
        gather_wait(1)
        idx_wait(0)
        gather_start(0)
        scatter(1)

        @pl.when(p < npairs - 1)
        def _():
          idx_start(j0 + 3, 1)
        return 0
      lax.fori_loop(0, npairs, pair, 0)
      gather_wait(0)
      scatter(0)
    else:
      zero_acc(rows0)
      plsc.subcore_barrier()

      def fill_ones(i, _):
        for l in range(h // 16):
          rows0[i, pl.ds(l * 16, 16)] = zero16 + 1.0
        return 0
      lax.fori_loop(0, _EB, fill_ones, 0)

      def step(j, _):
        pltpu.sync_copy(sd_hbm.at[base + j], idx0)
        pltpu.sync_copy(rows0, acc.at[idx0.at[1]], add=True)
        return 0
      lax.fori_loop(0, nb, step, 0)
    plsc.subcore_barrier()

    for k in range(nz):
      r = row0 + k * _EB
      pltpu.sync_copy(acc.at[pl.ds(r, _EB)], sums_hbm.at[c, pl.ds(r, _EB)])

  return pl.kernel(body, out_type=out_type, mesh=mesh, scratch_types=scratch)


def _rep(shape):
  return pl.BlockSpec(shape, lambda i: (0,) * len(shape))


@functools.lru_cache(maxsize=None)
def _make_tc_layer(n, h, ho, bn, first, head):
  assert n % bn == 0
  grid = (n // bn,)

  def body(*refs):
    it = iter(refs)
    sums = next(it)
    cnt = next(it)
    hin = next(it)
    wl = next(it)
    bli = next(it)
    wr = next(it)
    g = next(it)
    b = next(it)
    rm = next(it)
    rv = next(it)
    if head:
      lng = next(it)
      lnb = next(it)
      w1 = next(it)
      b1 = next(it)
      g2 = next(it)
      b2 = next(it)
      rm2 = next(it)
      rv2 = next(it)
      w2 = next(it)
      b2o = next(it)
    out = next(it)
    if first:
      inv_out = next(it)

    ssum = sums[0] + sums[1]
    if first:
      inv = 1.0 / jnp.maximum(cnt[0, :, 0:1] + cnt[1, :, 0:1], 1.0)
      inv_out[:] = inv
    else:
      inv = cnt[:]
    mean = ssum * inv
    z = (jnp.dot(mean, wl[:], preferred_element_type=jnp.float32)
         + bli[:]
         + jnp.dot(hin[:], wr[:], preferred_element_type=jnp.float32))
    scale = g[:] / jnp.sqrt(rv[:] + EPS)
    z = (z - rm[:]) * scale + b[:]
    z = jnp.maximum(z, 0.0)
    if first:
      z = z + hin[:]
    if not head:
      out[:] = z
      return
    mu = jnp.mean(z, axis=-1, keepdims=True)
    var = jnp.mean(jnp.square(z - mu), axis=-1, keepdims=True)
    z = (z - mu) * lax.rsqrt(var + EPS) * lng[:] + lnb[:]
    t = jnp.dot(z, w1[:], preferred_element_type=jnp.float32) + b1[:]
    scale2 = g2[:] / jnp.sqrt(rv2[:] + EPS)
    t = jnp.maximum((t - rm2[:]) * scale2 + b2[:], 0.0)
    out[:] = jnp.sum(t * w2[:], axis=-1, keepdims=True) + b2o[:]

  in_specs = [
      pl.BlockSpec((2, bn, h), lambda i: (0, i, 0)),
      (pl.BlockSpec((2, bn, h), lambda i: (0, i, 0)) if first
       else pl.BlockSpec((bn, 1), lambda i: (i, 0))),
      pl.BlockSpec((bn, h), lambda i: (i, 0)),
      _rep((h, h)), _rep((1, h)), _rep((h, h)),
      _rep((1, h)), _rep((1, h)), _rep((1, h)), _rep((1, h)),
  ]
  if head:
    in_specs += [
        _rep((1, h)), _rep((1, h)),
        _rep((h, ho)), _rep((1, ho)),
        _rep((1, ho)), _rep((1, ho)), _rep((1, ho)), _rep((1, ho)),
        _rep((1, ho)), _rep((1, 1)),
    ]
    out_spec = pl.BlockSpec((bn, 1), lambda i: (i, 0))
    out_shape = jax.ShapeDtypeStruct((n, 1), jnp.float32)
  else:
    out_spec = pl.BlockSpec((bn, h), lambda i: (i, 0))
    out_shape = jax.ShapeDtypeStruct((n, h), jnp.float32)
  if first:
    out_spec = [out_spec, pl.BlockSpec((bn, 1), lambda i: (i, 0))]
    out_shape = [out_shape, jax.ShapeDtypeStruct((n, 1), jnp.float32)]

  return pl.pallas_call(
      body, grid=grid, in_specs=in_specs, out_specs=out_spec,
      out_shape=out_shape)


def kernel(x, edge_index, Wl, bl, Wr, bn_g, bn_b, bn_rm, bn_rv, ln_g, ln_b,
           lin1_W, lin1_b, bno_g, bno_b, bno_rm, bno_rv, lin2_W, lin2_b):
  n, h = x.shape
  e = edge_index.shape[1]
  L = Wl.shape[0]
  ho = lin1_W.shape[1]

  assert e % _NW == 0
  epw = e // _NW
  nb = -(-epw // _EB)
  pad = nb * _EB - epw
  n_pad = _sc_pad(n)
  sr = edge_index[0].reshape(_NW, epw)
  dr = edge_index[1].reshape(_NW, epw)
  if pad:
    pi = jnp.arange(pad, dtype=jnp.int32)[None, :]
    wi = jnp.arange(_NW, dtype=jnp.int32)[:, None]
    sr = jnp.concatenate([sr, (pi * 89 + wi * 997) % n], axis=1)
    dr = jnp.concatenate([dr, n + (pi + wi * 7) % (n_pad - n)], axis=1)
  sd = jnp.stack([sr.reshape(_NW, nb, _EB), dr.reshape(_NW, nb, _EB)],
                 axis=2).reshape(_NW * nb, 2, _EB)

  agg = _make_sc_aggregate(n, nb, h, "sum")
  agg_cnt = _make_sc_aggregate(n, nb, h, "cnt")
  bn = 400

  def r2(v):
    return v.reshape(1, -1)

  hcur = x
  (cnt_parts,) = agg_cnt(sd)
  inv = None
  for i in range(L):
    (sums_parts,) = agg(hcur, sd)
    first = i == 0
    head = i == L - 1
    layer_fn = _make_tc_layer(n, h, ho, bn, first, head)
    args = [sums_parts, cnt_parts if first else inv, hcur,
            Wl[i], r2(bl[i]), Wr[i],
            r2(bn_g[i]), r2(bn_b[i]), r2(bn_rm[i]), r2(bn_rv[i])]
    if head:
      args += [r2(ln_g), r2(ln_b), lin1_W, r2(lin1_b),
               r2(bno_g), r2(bno_b), r2(bno_rm), r2(bno_rv),
               lin2_W.reshape(1, -1), lin2_b.reshape(1, 1)]
    if first:
      hcur, inv = layer_fn(*args)
    else:
      hcur = layer_fn(*args)
  return hcur[:, 0]

# --- scband reference (transcript-rebuilt; emitter-appended) ---
"""Pipeline reference for scband-improved-gcnregressor-83451214562002 (READ-ONLY COPY).

The authoritative reference and input builder live on the scoring server;
editing this copy changes nothing except your own understanding.
"""

import jax, jax.numpy as jnp
import numpy as np

N = 10000
E = 320000
D = 128
H = 128
HO = H // 2
L = 4
EPS = 1e-5


def setup_inputs(seed: int = 0) -> dict:
    key = jax.random.key(seed)
    ks = jax.random.split(key, 8)
    inp = {}
    inp["x"] = jax.random.normal(ks[0], (N, D), dtype=jnp.float32)
    inp["edge_index"] = jax.random.randint(ks[1], (2, E), 0, N, dtype=jnp.int32)
    # SAGEConv params per layer: lin_l (neighbors, with bias), lin_r (root, no bias)
    inp["Wl"] = jax.random.normal(ks[2], (L, H, H), dtype=jnp.float32) * 0.05
    inp["bl"] = jnp.zeros((L, H), dtype=jnp.float32)
    inp["Wr"] = jax.random.normal(ks[3], (L, H, H), dtype=jnp.float32) * 0.05
    # BatchNorm per layer (eval mode: running stats)
    inp["bn_g"] = jnp.ones((L, H), dtype=jnp.float32)
    inp["bn_b"] = jnp.zeros((L, H), dtype=jnp.float32)
    inp["bn_rm"] = jnp.zeros((L, H), dtype=jnp.float32)
    inp["bn_rv"] = jnp.ones((L, H), dtype=jnp.float32)
    # LayerNorm
    inp["ln_g"] = jnp.ones((H,), dtype=jnp.float32)
    inp["ln_b"] = jnp.zeros((H,), dtype=jnp.float32)
    # Output head
    inp["lin1_W"] = jax.random.normal(ks[4], (H, HO), dtype=jnp.float32) * 0.05
    inp["lin1_b"] = jnp.zeros((HO,), dtype=jnp.float32)
    inp["bno_g"] = jnp.ones((HO,), dtype=jnp.float32)
    inp["bno_b"] = jnp.zeros((HO,), dtype=jnp.float32)
    inp["bno_rm"] = jnp.zeros((HO,), dtype=jnp.float32)
    inp["bno_rv"] = jnp.ones((HO,), dtype=jnp.float32)
    inp["lin2_W"] = jax.random.normal(ks[5], (HO, 1), dtype=jnp.float32) * 0.05
    inp["lin2_b"] = jnp.zeros((1,), dtype=jnp.float32)
    return inp


def _bn_eval(h, g, b, rm, rv):
    return (h - rm) / jnp.sqrt(rv + EPS) * g + b


def _sage_conv(h, src, dst, Wl_i, bl_i, Wr_i):
    # mean aggregation of source features into destination nodes
    msgs = h[src]  # gather [E, H]
    sums = jax.ops.segment_sum(msgs, dst, num_segments=N)
    cnt = jax.ops.segment_sum(jnp.ones((src.shape[0], 1), dtype=h.dtype), dst, num_segments=N)
    mean = sums / jnp.maximum(cnt, 1.0)
    return mean @ Wl_i + bl_i + h @ Wr_i


def reference(x, edge_index, Wl, bl, Wr, bn_g, bn_b, bn_rm, bn_rv, ln_g, ln_b,
              lin1_W, lin1_b, bno_g, bno_b, bno_rm, bno_rv, lin2_W, lin2_b):
    src = edge_index[0]
    dst = edge_index[1]
    residual = x
    h = x
    for i in range(L):
        h = _sage_conv(h, src, dst, Wl[i], bl[i], Wr[i])
        h = _bn_eval(h, bn_g[i], bn_b[i], bn_rm[i], bn_rv[i])
        h = jax.nn.relu(h)
        # dropout is identity in eval mode
        if i == 0 and residual.shape == h.shape:
            h = h + residual[: h.shape[0]]
    # LayerNorm
    mu = jnp.mean(h, axis=-1, keepdims=True)
    var = jnp.var(h, axis=-1, keepdims=True)
    h = (h - mu) / jnp.sqrt(var + EPS) * ln_g + ln_b
    # Output head
    h = h @ lin1_W + lin1_b
    h = jax.nn.relu(_bn_eval(h, bno_g, bno_b, bno_rm, bno_rv))
    out = (h @ lin2_W + lin2_b)[:, 0]
    return out

if __name__ == "__main__":
    import jax
    _d = setup_inputs()
    print(jax.jit(kernel)(*tuple(_d.values())))

</pallas_src>

<mosaic_0001>
#map = affine_map<(d0, d1) -> (0, 0)>
#map1 = affine_map<(d0, d1) -> (0, 0, 0)>
module attributes {stable_mosaic.version = 14 : i64} {
  func.func @body(%arg0: i32, %arg1: i32, %arg2: memref<10000x128xf32, #tpu.memory_space<hbm>>, %arg3: memref<2528x2x128xi32, #tpu.memory_space<hbm>>, %arg4: memref<2x10240x128xf32, #tpu.memory_space<hbm>>, %arg5: memref<2x128xi32, #tpu.memory_space<vmem>>, %arg6: memref<2x128xi32, #tpu.memory_space<vmem>>, %arg7: memref<128x128xf32, #tpu.memory_space<vmem>>, %arg8: memref<128x128xf32, #tpu.memory_space<vmem>>, %arg9: memref<10240x128xf32, #tpu.memory_space<vmem_shared>>, %arg10: memref<!tpu.dma_semaphore, #tpu.memory_space<semaphore_mem>>, %arg11: memref<!tpu.dma_semaphore, #tpu.memory_space<semaphore_mem>>, %arg12: memref<!tpu.dma_semaphore, #tpu.memory_space<semaphore_mem>>, %arg13: memref<!tpu.dma_semaphore, #tpu.memory_space<semaphore_mem>>) attributes {dimension_semantics = [#tpu.dimension_semantics<core_parallel>, #tpu.dimension_semantics<subcore_parallel>], iteration_bounds = array<i64: 2, 16>, scalar_prefetch = 0 : i64, scratch_operands = 9 : i64, tpu.core_type = #tpu.core_type<sc_vector_subcore>, window_params = [{transform_indices = #map}, {transform_indices = #map1}, {transform_indices = #map1}]} {
    %mul3A = arith.constant 16 : i32
    %mul3A_0 = arith.muli %arg0, %mul3A : i32
    %add3A = arith.addi %mul3A_0, %arg1 : i32
    %mul3A_1 = arith.constant 79 : i32
    %mul3A_2 = arith.muli %add3A, %mul3A_1 : i32
    %broadcast_in_dim3A = arith.constant 0.000000e+00 : f32
    %broadcast_in_dim3A_3 = vector.broadcast %broadcast_in_dim3A : f32 to vector<16xf32>
    %mul3A_4 = arith.constant 640 : i32
    %mul3A_5 = arith.muli %arg1, %mul3A_4 : i32
    %add3A_6 = arith.constant 0 : i32
    %add3A_7 = arith.addi %mul3A_2, %add3A_6 : i32
    %dma_start3A = arith.constant 0 : i32
    %dma_start3A_8 = arith.constant 0 : i32
    %dma_start3A_9 = tpu.memref_slice %arg3[%add3A_7, %dma_start3A, %dma_start3A_8] : memref<2528x2x128xi32, #tpu.memory_space<hbm>> -> memref<1x2x128xi32, #tpu.memory_space<hbm>>
    %dma_start3A_10 = tpu.memref_squeeze %dma_start3A_9 : memref<1x2x128xi32, #tpu.memory_space<hbm>> -> memref<2x128xi32, #tpu.memory_space<hbm>>
    %dma_start3A_11 = arith.constant 0 : i32
    %dma_start3A_12 = arith.constant 0 : i32
    %dma_start3A_13 = tpu.memref_slice %arg3[%add3A_7, %dma_start3A_11, %dma_start3A_12] : memref<2528x2x128xi32, #tpu.memory_space<hbm>> -> memref<1x2x128xi32, #tpu.memory_space<hbm>>
    %dma_start3A_14 = tpu.memref_squeeze %dma_start3A_13 : memref<1x2x128xi32, #tpu.memory_space<hbm>> -> memref<2x128xi32, #tpu.memory_space<hbm>>
    tpu.enqueue_dma source(%dma_start3A_14 : memref<2x128xi32, #tpu.memory_space<hbm>>) target(%arg5 : memref<2x128xi32, #tpu.memory_space<vmem>>) target_semaphore(%arg12 : memref<!tpu.dma_semaphore, #tpu.memory_space<semaphore_mem>>)
    %dma_wait3A = arith.constant 0 : i32
    %dma_wait3A_15 = arith.constant 0 : i32
    %dma_wait3A_16 = arith.constant 0 : i32
    %dma_wait3A_17 = tpu.memref_slice %arg3[%dma_wait3A, %dma_wait3A_15, %dma_wait3A_16] : memref<2528x2x128xi32, #tpu.memory_space<hbm>> -> memref<1x2x128xi32, #tpu.memory_space<hbm>>
    %dma_wait3A_18 = tpu.memref_squeeze %dma_wait3A_17 : memref<1x2x128xi32, #tpu.memory_space<hbm>> -> memref<2x128xi32, #tpu.memory_space<hbm>>
    %dma_wait3A_19 = arith.constant 0 : i32
    %dma_wait3A_20 = arith.constant 0 : i32
    %dma_wait3A_21 = tpu.memref_slice %arg3[%dma_wait3A, %dma_wait3A_19, %dma_wait3A_20] : memref<2528x2x128xi32, #tpu.memory_space<hbm>> -> memref<1x2x128xi32, #tpu.memory_space<hbm>>
    %dma_wait3A_22 = tpu.memref_squeeze %dma_wait3A_21 : memref<1x2x128xi32, #tpu.memory_space<hbm>> -> memref<2x128xi32, #tpu.memory_space<hbm>>
    tpu.wait_dma2 semaphore(%arg12 : memref<!tpu.dma_semaphore, #tpu.memory_space<semaphore_mem>>) src(%dma_wait3A_22 : memref<2x128xi32, #tpu.memory_space<hbm>>) dst(%arg5 : memref<2x128xi32, #tpu.memory_space<vmem>>)
    %dma_start3A_23 = arith.constant 0 : i32
    %dma_start3A_24 = arith.constant 0 : i32
    %dma_start3A_25 = tpu.memref_slice %arg5[%dma_start3A_23, %dma_start3A_24] : memref<2x128xi32, #tpu.memory_space<vmem>> -> memref<1x128xi32, #tpu.memory_space<vmem>>
    %dma_start3A_26 = tpu.memref_squeeze %dma_start3A_25 : memref<1x128xi32, #tpu.memory_space<vmem>> -> memref<128xi32, #tpu.memory_space<vmem>>
    %dma_start3A_27 = arith.constant 0 : i32
    %dma_start3A_28 = arith.constant 0 : i32
    %dma_start3A_29 = tpu.memref_slice %arg2[%dma_start3A_27, %dma_start3A_28] : memref<10000x128xf32, #tpu.memory_space<hbm>> -> memref<10000x128xf32, #tpu.memory_space<hbm>>
    tpu.enqueue_indirect_dma source(%dma_start3A_29 : memref<10000x128xf32, #tpu.memory_space<hbm>>) target(%arg7 : memref<128x128xf32, #tpu.memory_space<vmem>>) offsets(%dma_start3A_26 : memref<128xi32, #tpu.memory_space<vmem>>) semaphore(%arg10 : memref<!tpu.dma_semaphore, #tpu.memory_space<semaphore_mem>>)
    %add3A_30 = arith.constant 1 : i32
    %add3A_31 = arith.addi %mul3A_2, %add3A_30 : i32
    %dma_start3A_32 = arith.constant 0 : i32
    %dma_start3A_33 = arith.constant 0 : i32
    %dma_start3A_34 = tpu.memref_slice %arg3[%add3A_31, %dma_start3A_32, %dma_start3A_33] : memref<2528x2x128xi32, #tpu.memory_space<hbm>> -> memref<1x2x128xi32, #tpu.memory_space<hbm>>
    %dma_start3A_35 = tpu.memref_squeeze %dma_start3A_34 : memref<1x2x128xi32, #tpu.memory_space<hbm>> -> memref<2x128xi32, #tpu.memory_space<hbm>>
    %dma_start3A_36 = arith.constant 0 : i32
    %dma_start3A_37 = arith.constant 0 : i32
    %dma_start3A_38 = tpu.memref_slice %arg3[%add3A_31, %dma_start3A_36, %dma_start3A_37] : memref<2528x2x128xi32, #tpu.memory_space<hbm>> -> memref<1x2x128xi32, #tpu.memory_space<hbm>>
    %dma_start3A_39 = tpu.memref_squeeze %dma_start3A_38 : memref<1x2x128xi32, #tpu.memory_space<hbm>> -> memref<2x128xi32, #tpu.memory_space<hbm>>
    tpu.enqueue_dma source(%dma_start3A_39 : memref<2x128xi32, #tpu.memory_space<hbm>>) target(%arg6 : memref<2x128xi32, #tpu.memory_space<vmem>>) target_semaphore(%arg13 : memref<!tpu.dma_semaphore, #tpu.memory_space<semaphore_mem>>)
    %scan3A = arith.constant 0 : i32
    %scan3A_40 = arith.constant 0 : i32
    %scan3A_41 = arith.constant 128 : i32
    %scan3A_42 = arith.addi %scan3A_40, %scan3A_41 : i32
    %scan3A_43 = arith.constant 1 : i32
    %scan3A_44 = scf.for %scan3A_81 = %scan3A_40 to %scan3A_42 step %scan3A_43 iter_args(%scan3A_82 = %scan3A) -> (i32)  : i32 {
      %swap3A = arith.index_cast %scan3A_81 : i32 to index
      %swap3A_83 = arith.constant 0 : index
      %swap3A_84 = tpu.vector_load %arg8[%swap3A, %swap3A_83] {strides = array<i32>} : memref<128x128xf32, #tpu.memory_space<vmem>>, vector<1x16xf32>,
      %swap3A_85 = vector.shape_cast %swap3A_84 : vector<1x16xf32> to vector<16xf32>
      %swap3A_86 = vector.shape_cast %broadcast_in_dim3A_3 : vector<16xf32> to vector<1x16xf32>
      tpu.vector_store %arg8[%swap3A, %swap3A_83], %swap3A_86 {strides = array<i32>} : memref<128x128xf32, #tpu.memory_space<vmem>>, vector<1x16xf32>,
      %swap3A_87 = arith.index_cast %scan3A_81 : i32 to index
      %swap3A_88 = arith.constant 16 : index
      %swap3A_89 = tpu.vector_load %arg8[%swap3A_87, %swap3A_88] {strides = array<i32>} : memref<128x128xf32, #tpu.memory_space<vmem>>, vector<1x16xf32>,
      %swap3A_90 = vector.shape_cast %swap3A_89 : vector<1x16xf32> to vector<16xf32>
      %swap3A_91 = vector.shape_cast %broadcast_in_dim3A_3 : vector<16xf32> to vector<1x16xf32>
      tpu.vector_store %arg8[%swap3A_87, %swap3A_88], %swap3A_91 {strides = array<i32>} : memref<128x128xf32, #tpu.memory_space<vmem>>, vector<1x16xf32>,
      %swap3A_92 = arith.index_cast %scan3A_81 : i32 to index
      %swap3A_93 = arith.constant 32 : index
      %swap3A_94 = tpu.vector_load %arg8[%swap3A_92, %swap3A_93] {strides = array<i32>} : memref<128x128xf32, #tpu.memory_space<vmem>>, vector<1x16xf32>,
      %swap3A_95 = vector.shape_cast %swap3A_94 : vector<1x16xf32> to vector<16xf32>
      %swap3A_96 = vector.shape_cast %broadcast_in_dim3A_3 : vector<16xf32> to vector<1x16xf32>
      tpu.vector_store %arg8[%swap3A_92, %swap3A_93], %swap3A_96 {strides = array<i32>} : memref<128x128xf32, #tpu.memory_space<vmem>>, vector<1x16xf32>,
      %swap3A_97 = arith.index_cast %scan3A_81 : i32 to index
      %swap3A_98 = arith.constant 48 : index
      %swap3A_99 = tpu.vector_load %arg8[%swap3A_97, %swap3A_98] {strides = array<i32>} : memref<128x128xf32, #tpu.memory_space<vmem>>, vector<1x16xf32>,
      %swap3A_100 = vector.shape_cast %swap3A_99 : vector<1x16xf32> to vector<16xf32>
      %swap3A_101 = vector.shape_cast %broadcast_in_dim3A_3 : vector<16xf32> to vector<1x16xf32>
      tpu.vector_store %arg8[%swap3A_97, %swap3A_98], %swap3A_101 {strides = array<i32>} : memref<128x128xf32, #tpu.memory_space<vmem>>, vector<1x16xf32>,
      %swap3A_102 = arith.index_cast %scan3A_81 : i32 to index
      %swap3A_103 = arith.constant 64 : index
      %swap3A_104 = tpu.vector_load %arg8[%swap3A_102, %swap3A_103] {strides = array<i32>} : memref<128x128xf32, #tpu.memory_space<vmem>>, vector<1x16xf32>,
      %swap3A_105 = vector.shape_cast %swap3A_104 : vector<1x16xf32> to vector<16xf32>
      %swap3A_106 = vector.shape_cast %broadcast_in_dim3A_3 : vector<16xf32> to vector<1x16xf32>
      tpu.vector_store %arg8[%swap3A_102, %swap3A_103], %swap3A_106 {strides = array<i32>} : memref<128x128xf32, #tpu.memory_space<vmem>>, vector<1x16xf32>,
      %swap3A_107 = arith.index_cast %scan3A_81 : i32 to index
      %swap3A_108 = arith.constant 80 : index
      %swap3A_109 = tpu.vector_load %arg8[%swap3A_107, %swap3A_108] {strides = array<i32>} : memref<128x128xf32, #tpu.memory_space<vmem>>, vector<1x16xf32>,
      %swap3A_110 = vector.shape_cast %swap3A_109 : vector<1x16xf32> to vector<16xf32>
      %swap3A_111 = vector.shape_cast %broadcast_in_dim3A_3 : vector<16xf32> to vector<1x16xf32>
      tpu.vector_store %arg8[%swap3A_107, %swap3A_108], %swap3A_111 {strides = array<i32>} : memref<128x128xf32, #tpu.memory_space<vmem>>, vector<1x16xf32>,
      %swap3A_112 = arith.index_cast %scan3A_81 : i32 to index
      %swap3A_113 = arith.constant 96 : index
      %swap3A_114 = tpu.vector_load %arg8[%swap3A_112, %swap3A_113] {strides = array<i32>} : memref<128x128xf32, #tpu.memory_space<vmem>>, vector<1x16xf32>,
      %swap3A_115 = vector.shape_cast %swap3A_114 : vector<1x16xf32> to vector<16xf32>
      %swap3A_116 = vector.shape_cast %broadcast_in_dim3A_3 : vector<16xf32> to vector<1x16xf32>
      tpu.vector_store %arg8[%swap3A_112, %swap3A_113], %swap3A_116 {strides = array<i32>} : memref<128x128xf32, #tpu.memory_space<vmem>>, vector<1x16xf32>,
      %swap3A_117 = arith.index_cast %scan3A_81 : i32 to index
      %swap3A_118 = arith.constant 112 : index
      %swap3A_119 = tpu.vector_load %arg8[%swap3A_117, %swap3A_118] {strides = array<i32>} : memref<128x128xf32, #tpu.memory_space<vmem>>, vector<1x16xf32>,
      %swap3A_120 = vector.shape_cast %swap3A_119 : vector<1x16xf32> to vector<16xf32>
      %swap3A_121 = vector.shape_cast %broadcast_in_dim3A_3 : vector<16xf32> to vector<1x16xf32>
      tpu.vector_store %arg8[%swap3A_117, %swap3A_118], %swap3A_121 {strides = array<i32>} : memref<128x128xf32, #tpu.memory_space<vmem>>, vector<1x16xf32>,
      %scan3A_122 = arith.constant 0 : i32
      scf.yield %scan3A_122 : i32
    }
    %scan3A_45 = arith.constant 128 : i32
    %add3A_46 = arith.constant 0 : i32
    %add3A_47 = arith.addi %mul3A_5, %add3A_46 : i32
    "tpu.region"() ({
      %run_scoped3A_81 = tpu.sem_alloc : memref<!tpu.dma_semaphore, #tpu.memory_space<semaphore_mem>>
      %dma_start3A_82 = arith.constant 0 : i32
      %dma_start3A_83 = tpu.memref_slice %arg9[%add3A_47, %dma_start3A_82] : memref<10240x128xf32, #tpu.memory_space<vmem_shared>> -> memref<128x128xf32, #tpu.memory_space<vmem_shared>>
      %dma_start3A_84 = arith.constant 0 : i32
      %dma_start3A_85 = tpu.memref_slice %arg9[%add3A_47, %dma_start3A_84] : memref<10240x128xf32, #tpu.memory_space<vmem_shared>> -> memref<128x128xf32, #tpu.memory_space<vmem_shared>>
      tpu.enqueue_dma source(%arg8 : memref<128x128xf32, #tpu.memory_space<vmem>>) target(%dma_start3A_85 : memref<128x128xf32, #tpu.memory_space<vmem_shared>>) target_semaphore(%run_scoped3A_81 : memref<!tpu.dma_semaphore, #tpu.memory_space<semaphore_mem>>)
      %dma_wait3A_86 = arith.constant 0 : i32
      %dma_wait3A_87 = tpu.memref_slice %arg9[%add3A_47, %dma_wait3A_86] : memref<10240x128xf32, #tpu.memory_space<vmem_shared>> -> memref<128x128xf32, #tpu.memory_space<vmem_shared>>
      %dma_wait3A_88 = arith.constant 0 : i32
      %dma_wait3A_89 = tpu.memref_slice %arg9[%add3A_47, %dma_wait3A_88] : memref<10240x128xf32, #tpu.memory_space<vmem_shared>> -> memref<128x128xf32, #tpu.memory_space<vmem_shared>>
      tpu.wait_dma2 semaphore(%run_scoped3A_81 : memref<!tpu.dma_semaphore, #tpu.memory_space<semaphore_mem>>) src(%arg8 : memref<128x128xf32, #tpu.memory_space<vmem>>) dst(%dma_wait3A_89 : memref<128x128xf32, #tpu.memory_space<vmem_shared>>)
      tpu.yield
    }) : () -> ()
    %add3A_48 = arith.constant 128 : i32
    %add3A_49 = arith.addi %mul3A_5, %add3A_48 : i32
    "tpu.region"() ({
      %run_scoped3A_81 = tpu.sem_alloc : memref<!tpu.dma_semaphore, #tpu.memory_space<semaphore_mem>>
      %dma_start3A_82 = arith.constant 0 : i32
      %dma_start3A_83 = tpu.memref_slice %arg9[%add3A_49, %dma_start3A_82] : memref<10240x128xf32, #tpu.memory_space<vmem_shared>> -> memref<128x128xf32, #tpu.memory_space<vmem_shared>>
      %dma_start3A_84 = arith.constant 0 : i32
      %dma_start3A_85 = tpu.memref_slice %arg9[%add3A_49, %dma_start3A_84] : memref<10240x128xf32, #tpu.memory_space<vmem_shared>> -> memref<128x128xf32, #tpu.memory_space<vmem_shared>>
      tpu.enqueue_dma source(%arg8 : memref<128x128xf32, #tpu.memory_space<vmem>>) target(%dma_start3A_85 : memref<128x128xf32, #tpu.memory_space<vmem_shared>>) target_semaphore(%run_scoped3A_81 : memref<!tpu.dma_semaphore, #tpu.memory_space<semaphore_mem>>)
      %dma_wait3A_86 = arith.constant 0 : i32
      %dma_wait3A_87 = tpu.memref_slice %arg9[%add3A_49, %dma_wait3A_86] : memref<10240x128xf32, #tpu.memory_space<vmem_shared>> -> memref<128x128xf32, #tpu.memory_space<vmem_shared>>
      %dma_wait3A_88 = arith.constant 0 : i32
      %dma_wait3A_89 = tpu.memref_slice %arg9[%add3A_49, %dma_wait3A_88] : memref<10240x128xf32, #tpu.memory_space<vmem_shared>> -> memref<128x128xf32, #tpu.memory_space<vmem_shared>>
      tpu.wait_dma2 semaphore(%run_scoped3A_81 : memref<!tpu.dma_semaphore, #tpu.memory_space<semaphore_mem>>) src(%arg8 : memref<128x128xf32, #tpu.memory_space<vmem>>) dst(%dma_wait3A_89 : memref<128x128xf32, #tpu.memory_space<vmem_shared>>)
      tpu.yield
    }) : () -> ()
    %add3A_50 = arith.constant 256 : i32
    %add3A_51 = arith.addi %mul3A_5, %add3A_50 : i32
    "tpu.region"() ({
      %run_scoped3A_81 = tpu.sem_alloc : memref<!tpu.dma_semaphore, #tpu.memory_space<semaphore_mem>>
      %dma_start3A_82 = arith.constant 0 : i32
      %dma_start3A_83 = tpu.memref_slice %arg9[%add3A_51, %dma_start3A_82] : memref<10240x128xf32, #tpu.memory_space<vmem_shared>> -> memref<128x128xf32, #tpu.memory_space<vmem_shared>>
      %dma_start3A_84 = arith.constant 0 : i32
      %dma_start3A_85 = tpu.memref_slice %arg9[%add3A_51, %dma_start3A_84] : memref<10240x128xf32, #tpu.memory_space<vmem_shared>> -> memref<128x128xf32, #tpu.memory_space<vmem_shared>>
      tpu.enqueue_dma source(%arg8 : memref<128x128xf32, #tpu.memory_space<vmem>>) target(%dma_start3A_85 : memref<128x128xf32, #tpu.memory_space<vmem_shared>>) target_semaphore(%run_scoped3A_81 : memref<!tpu.dma_semaphore, #tpu.memory_space<semaphore_mem>>)
      %dma_wait3A_86 = arith.constant 0 : i32
      %dma_wait3A_87 = tpu.memref_slice %arg9[%add3A_51, %dma_wait3A_86] : memref<10240x128xf32, #tpu.memory_space<vmem_shared>> -> memref<128x128xf32, #tpu.memory_space<vmem_shared>>
      %dma_wait3A_88 = arith.constant 0 : i32
      %dma_wait3A_89 = tpu.memref_slice %arg9[%add3A_51, %dma_wait3A_88] : memref<10240x128xf32, #tpu.memory_space<vmem_shared>> -> memref<128x128xf32, #tpu.memory_space<vmem_shared>>
      tpu.wait_dma2 semaphore(%run_scoped3A_81 : memref<!tpu.dma_semaphore, #tpu.memory_space<semaphore_mem>>) src(%arg8 : memref<128x128xf32, #tpu.memory_space<vmem>>) dst(%dma_wait3A_89 : memref<128x128xf32, #tpu.memory_space<vmem_shared>>)
      tpu.yield
    }) : () -> ()
    %add3A_52 = arith.constant 384 : i32
    %add3A_53 = arith.addi %mul3A_5, %add3A_52 : i32
    "tpu.region"() ({
      %run_scoped3A_81 = tpu.sem_alloc : memref<!tpu.dma_semaphore, #tpu.memory_space<semaphore_mem>>
      %dma_start3A_82 = arith.constant 0 : i32
      %dma_start3A_83 = tpu.memref_slice %arg9[%add3A_53, %dma_start3A_82] : memref<10240x128xf32, #tpu.memory_space<vmem_shared>> -> memref<128x128xf32, #tpu.memory_space<vmem_shared>>
      %dma_start3A_84 = arith.constant 0 : i32
      %dma_start3A_85 = tpu.memref_slice %arg9[%add3A_53, %dma_start3A_84] : memref<10240x128xf32, #tpu.memory_space<vmem_shared>> -> memref<128x128xf32, #tpu.memory_space<vmem_shared>>
      tpu.enqueue_dma source(%arg8 : memref<128x128xf32, #tpu.memory_space<vmem>>) target(%dma_start3A_85 : memref<128x128xf32, #tpu.memory_space<vmem_shared>>) target_semaphore(%run_scoped3A_81 : memref<!tpu.dma_semaphore, #tpu.memory_space<semaphore_mem>>)
      %dma_wait3A_86 = arith.constant 0 : i32
      %dma_wait3A_87 = tpu.memref_slice %arg9[%add3A_53, %dma_wait3A_86] : memref<10240x128xf32, #tpu.memory_space<vmem_shared>> -> memref<128x128xf32, #tpu.memory_space<vmem_shared>>
      %dma_wait3A_88 = arith.constant 0 : i32
      %dma_wait3A_89 = tpu.memref_slice %arg9[%add3A_53, %dma_wait3A_88] : memref<10240x128xf32, #tpu.memory_space<vmem_shared>> -> memref<128x128xf32, #tpu.memory_space<vmem_shared>>
      tpu.wait_dma2 semaphore(%run_scoped3A_81 : memref<!tpu.dma_semaphore, #tpu.memory_space<semaphore_mem>>) src(%arg8 : memref<128x128xf32, #tpu.memory_space<vmem>>) dst(%dma_wait3A_89 : memref<128x128xf32, #tpu.memory_space<vmem_shared>>)
      tpu.yield
    }) : () -> ()
    %add3A_54 = arith.constant 512 : i32
    %add3A_55 = arith.addi %mul3A_5, %add3A_54 : i32
    "tpu.region"() ({
      %run_scoped3A_81 = tpu.sem_alloc : memref<!tpu.dma_semaphore, #tpu.memory_space<semaphore_mem>>
      %dma_start3A_82 = arith.constant 0 : i32
      %dma_start3A_83 = tpu.memref_slice %arg9[%add3A_55, %dma_start3A_82] : memref<10240x128xf32, #tpu.memory_space<vmem_shared>> -> memref<128x128xf32, #tpu.memory_space<vmem_shared>>
      %dma_start3A_84 = arith.constant 0 : i32
      %dma_start3A_85 = tpu.memref_slice %arg9[%add3A_55, %dma_start3A_84] : memref<10240x128xf32, #tpu.memory_space<vmem_shared>> -> memref<128x128xf32, #tpu.memory_space<vmem_shared>>
      tpu.enqueue_dma source(%arg8 : memref<128x128xf32, #tpu.memory_space<vmem>>) target(%dma_start3A_85 : memref<128x128xf32, #tpu.memory_space<vmem_shared>>) target_semaphore(%run_scoped3A_81 : memref<!tpu.dma_semaphore, #tpu.memory_space<semaphore_mem>>)
      %dma_wait3A_86 = arith.constant 0 : i32
      %dma_wait3A_87 = tpu.memref_slice %arg9[%add3A_55, %dma_wait3A_86] : memref<10240x128xf32, #tpu.memory_space<vmem_shared>> -> memref<128x128xf32, #tpu.memory_space<vmem_shared>>
      %dma_wait3A_88 = arith.constant 0 : i32
      %dma_wait3A_89 = tpu.memref_slice %arg9[%add3A_55, %dma_wait3A_88] : memref<10240x128xf32, #tpu.memory_space<vmem_shared>> -> memref<128x128xf32, #tpu.memory_space<vmem_shared>>
      tpu.wait_dma2 semaphore(%run_scoped3A_81 : memref<!tpu.dma_semaphore, #tpu.memory_space<semaphore_mem>>) src(%arg8 : memref<128x128xf32, #tpu.memory_space<vmem>>) dst(%dma_wait3A_89 : memref<128x128xf32, #tpu.memory_space<vmem_shared>>)
      tpu.yield
    }) : () -> ()
    %barrier3A = arith.constant 0 : index
    tpu.barrier barrier_id(%barrier3A)
    %scan3A_56 = arith.constant 0 : i32
    %scan3A_57 = arith.constant 0 : i32
    %scan3A_58 = arith.constant 39 : i32
    %scan3A_59 = arith.addi %scan3A_57, %scan3A_58 : i32
    %scan3A_60 = arith.constant 1 : i32
    %scan3A_61 = scf.for %scan3A_81 = %scan3A_57 to %scan3A_59 step %scan3A_60 iter_args(%scan3A_82 = %scan3A_56) -> (i32)  : i32 {
      %mul3A_83 = arith.constant 2 : i32
      %mul3A_84 = arith.muli %mul3A_83, %scan3A_81 : i32
      %dma_wait3A_85 = arith.constant 0 : i32
      %dma_wait3A_86 = arith.constant 0 : i32
      %dma_wait3A_87 = arith.constant 0 : i32
      %dma_wait3A_88 = tpu.memref_slice %arg3[%dma_wait3A_85, %dma_wait3A_86, %dma_wait3A_87] : memref<2528x2x128xi32, #tpu.memory_space<hbm>> -> memref<1x2x128xi32, #tpu.memory_space<hbm>>
      %dma_wait3A_89 = tpu.memref_squeeze %dma_wait3A_88 : memref<1x2x128xi32, #tpu.memory_space<hbm>> -> memref<2x128xi32, #tpu.memory_space<hbm>>
      %dma_wait3A_90 = arith.constant 0 : i32
      %dma_wait3A_91 = arith.constant 0 : i32
      %dma_wait3A_92 = tpu.memref_slice %arg3[%dma_wait3A_85, %dma_wait3A_90, %dma_wait3A_91] : memref<2528x2x128xi32, #tpu.memory_space<hbm>> -> memref<1x2x128xi32, #tpu.memory_space<hbm>>
      %dma_wait3A_93 = tpu.memref_squeeze %dma_wait3A_92 : memref<1x2x128xi32, #tpu.memory_space<hbm>> -> memref<2x128xi32, #tpu.memory_space<hbm>>
      tpu.wait_dma2 semaphore(%arg13 : memref<!tpu.dma_semaphore, #tpu.memory_space<semaphore_mem>>) src(%dma_wait3A_93 : memref<2x128xi32, #tpu.memory_space<hbm>>) dst(%arg6 : memref<2x128xi32, #tpu.memory_space<vmem>>)
      %dma_wait3A_94 = arith.constant 0 : i32
      %dma_wait3A_95 = arith.constant 0 : i32
      %dma_wait3A_96 = tpu.memref_slice %arg5[%dma_wait3A_94, %dma_wait3A_95] : memref<2x128xi32, #tpu.memory_space<vmem>> -> memref<1x128xi32, #tpu.memory_space<vmem>>
      %dma_wait3A_97 = tpu.memref_squeeze %dma_wait3A_96 : memref<1x128xi32, #tpu.memory_space<vmem>> -> memref<128xi32, #tpu.memory_space<vmem>>
      %dma_wait3A_98 = arith.constant 0 : i32
      %dma_wait3A_99 = arith.constant 0 : i32
      %dma_wait3A_100 = tpu.memref_slice %arg2[%dma_wait3A_98, %dma_wait3A_99] : memref<10000x128xf32, #tpu.memory_space<hbm>> -> memref<10000x128xf32, #tpu.memory_space<hbm>>
      tpu.wait_indirect_dma semaphore(%arg10 : memref<!tpu.dma_semaphore, #tpu.memory_space<semaphore_mem>>) src(%dma_wait3A_100 : memref<10000x128xf32, #tpu.memory_space<hbm>>) dst(%arg7 : memref<128x128xf32, #tpu.memory_space<vmem>>)
      %dma_start3A_101 = arith.constant 0 : i32
      %dma_start3A_102 = arith.constant 0 : i32
      %dma_start3A_103 = tpu.memref_slice %arg6[%dma_start3A_101, %dma_start3A_102] : memref<2x128xi32, #tpu.memory_space<vmem>> -> memref<1x128xi32, #tpu.memory_space<vmem>>
      %dma_start3A_104 = tpu.memref_squeeze %dma_start3A_103 : memref<1x128xi32, #tpu.memory_space<vmem>> -> memref<128xi32, #tpu.memory_space<vmem>>
      %dma_start3A_105 = arith.constant 0 : i32
      %dma_start3A_106 = arith.constant 0 : i32
      %dma_start3A_107 = tpu.memref_slice %arg2[%dma_start3A_105, %dma_start3A_106] : memref<10000x128xf32, #tpu.memory_space<hbm>> -> memref<10000x128xf32, #tpu.memory_space<hbm>>
      tpu.enqueue_indirect_dma source(%dma_start3A_107 : memref<10000x128xf32, #tpu.memory_space<hbm>>) target(%arg8 : memref<128x128xf32, #tpu.memory_space<vmem>>) offsets(%dma_start3A_104 : memref<128xi32, #tpu.memory_space<vmem>>) semaphore(%arg11 : memref<!tpu.dma_semaphore, #tpu.memory_space<semaphore_mem>>)
      %run_scoped3A_108 = arith.constant 1 : i32
      "tpu.region"() ({
        %run_scoped3A_147 = tpu.sem_alloc : memref<!tpu.dma_semaphore, #tpu.memory_space<semaphore_mem>>
        %dma_start3A_148 = arith.constant 0 : i32
        %dma_start3A_149 = tpu.memref_slice %arg5[%run_scoped3A_108, %dma_start3A_148] : memref<2x128xi32, #tpu.memory_space<vmem>> -> memref<1x128xi32, #tpu.memory_space<vmem>>
        %dma_start3A_150 = tpu.memref_squeeze %dma_start3A_149 : memref<1x128xi32, #tpu.memory_space<vmem>> -> memref<128xi32, #tpu.memory_space<vmem>>
        %dma_start3A_151 = arith.constant 0 : i32
        %dma_start3A_152 = arith.constant 0 : i32
        %dma_start3A_153 = tpu.memref_slice %arg9[%dma_start3A_151, %dma_start3A_152] : memref<10240x128xf32, #tpu.memory_space<vmem_shared>> -> memref<10240x128xf32, #tpu.memory_space<vmem_shared>>
        tpu.enqueue_indirect_dma source(%arg7 : memref<128x128xf32, #tpu.memory_space<vmem>>) target(%dma_start3A_153 : memref<10240x128xf32, #tpu.memory_space<vmem_shared>>) offsets(%dma_start3A_150 : memref<128xi32, #tpu.memory_space<vmem>>) semaphore(%run_scoped3A_147 : memref<!tpu.dma_semaphore, #tpu.memory_space<semaphore_mem>>) {add = true}
        %dma_wait3A_154 = arith.constant 0 : i32
        %dma_wait3A_155 = tpu.memref_slice %arg5[%run_scoped3A_108, %dma_wait3A_154] : memref<2x128xi32, #tpu.memory_space<vmem>> -> memref<1x128xi32, #tpu.memory_space<vmem>>
        %dma_wait3A_156 = tpu.memref_squeeze %dma_wait3A_155 : memref<1x128xi32, #tpu.memory_space<vmem>> -> memref<128xi32, #tpu.memory_space<vmem>>
        %dma_wait3A_157 = arith.constant 0 : i32
        %dma_wait3A_158 = arith.constant 0 : i32
        %dma_wait3A_159 = tpu.memref_slice %arg9[%dma_wait3A_157, %dma_wait3A_158] : memref<10240x128xf32, #tpu.memory_space<vmem_shared>> -> memref<10240x128xf32, #tpu.memory_space<vmem_shared>>
        tpu.wait_indirect_dma semaphore(%run_scoped3A_147 : memref<!tpu.dma_semaphore, #tpu.memory_space<semaphore_mem>>) src(%arg7 : memref<128x128xf32, #tpu.memory_space<vmem>>) dst(%dma_wait3A_159 : memref<10240x128xf32, #tpu.memory_space<vmem_shared>>)
        tpu.yield
      }) : () -> ()
      %add3A_109 = arith.constant 2 : i32
      %add3A_110 = arith.addi %mul3A_84, %add3A_109 : i32
      %add3A_111 = arith.addi %mul3A_2, %add3A_110 : i32
      %dma_start3A_112 = arith.constant 0 : i32
      %dma_start3A_113 = arith.constant 0 : i32
      %dma_start3A_114 = tpu.memref_slice %arg3[%add3A_111, %dma_start3A_112, %dma_start3A_113] : memref<2528x2x128xi32, #tpu.memory_space<hbm>> -> memref<1x2x128xi32, #tpu.memory_space<hbm>>
      %dma_start3A_115 = tpu.memref_squeeze %dma_start3A_114 : memref<1x2x128xi32, #tpu.memory_space<hbm>> -> memref<2x128xi32, #tpu.memory_space<hbm>>
      %dma_start3A_116 = arith.constant 0 : i32
      %dma_start3A_117 = arith.constant 0 : i32
      %dma_start3A_118 = tpu.memref_slice %arg3[%add3A_111, %dma_start3A_116, %dma_start3A_117] : memref<2528x2x128xi32, #tpu.memory_space<hbm>> -> memref<1x2x128xi32, #tpu.memory_space<hbm>>
      %dma_start3A_119 = tpu.memref_squeeze %dma_start3A_118 : memref<1x2x128xi32, #tpu.memory_space<hbm>> -> memref<2x128xi32, #tpu.memory_space<hbm>>
      tpu.enqueue_dma source(%dma_start3A_119 : memref<2x128xi32, #tpu.memory_space<hbm>>) target(%arg5 : memref<2x128xi32, #tpu.memory_space<vmem>>) target_semaphore(%arg12 : memref<!tpu.dma_semaphore, #tpu.memory_space<semaphore_mem>>)
      %dma_wait3A_120 = arith.constant 0 : i32
      %dma_wait3A_121 = arith.constant 0 : i32
      %dma_wait3A_122 = tpu.memref_slice %arg6[%dma_wait3A_120, %dma_wait3A_121] : memref<2x128xi32, #tpu.memory_space<vmem>> -> memref<1x128xi32, #tpu.memory_space<vmem>>
      %dma_wait3A_123 = tpu.memref_squeeze %dma_wait3A_122 : memref<1x128xi32, #tpu.memory_space<vmem>> -> memref<128xi32, #tpu.memory_space<vmem>>
      %dma_wait3A_124 = arith.constant 0 : i32
      %dma_wait3A_125 = arith.constant 0 : i32
      %dma_wait3A_126 = tpu.memref_slice %arg2[%dma_wait3A_124, %dma_wait3A_125] : memref<10000x128xf32, #tpu.memory_space<hbm>> -> memref<10000x128xf32, #tpu.memory_space<hbm>>
      tpu.wait_indirect_dma semaphore(%arg11 : memref<!tpu.dma_semaphore, #tpu.memory_space<semaphore_mem>>) src(%dma_wait3A_126 : memref<10000x128xf32, #tpu.memory_space<hbm>>) dst(%arg8 : memref<128x128xf32, #tpu.memory_space<vmem>>)
      %dma_wait3A_127 = arith.constant 0 : i32
      %dma_wait3A_128 = arith.constant 0 : i32
      %dma_wait3A_129 = arith.constant 0 : i32
      %dma_wait3A_130 = tpu.memref_slice %arg3[%dma_wait3A_127, %dma_wait3A_128, %dma_wait3A_129] : memref<2528x2x128xi32, #tpu.memory_space<hbm>> -> memref<1x2x128xi32, #tpu.memory_space<hbm>>
      %dma_wait3A_131 = tpu.memref_squeeze %dma_wait3A_130 : memref<1x2x128xi32, #tpu.memory_space<hbm>> -> memref<2x128xi32, #tpu.memory_space<hbm>>
      %dma_wait3A_132 = arith.constant 0 : i32
      %dma_wait3A_133 = arith.constant 0 : i32
      %dma_wait3A_134 = tpu.memref_slice %arg3[%dma_wait3A_127, %dma_wait3A_132, %dma_wait3A_133] : memref<2528x2x128xi32, #tpu.memory_space<hbm>> -> memref<1x2x128xi32, #tpu.memory_space<hbm>>
      %dma_wait3A_135 = tpu.memref_squeeze %dma_wait3A_134 : memref<1x2x128xi32, #tpu.memory_space<hbm>> -> memref<2x128xi32, #tpu.memory_space<hbm>>
      tpu.wait_dma2 semaphore(%arg12 : memref<!tpu.dma_semaphore, #tpu.memory_space<semaphore_mem>>) src(%dma_wait3A_135 : memref<2x128xi32, #tpu.memory_space<hbm>>) dst(%arg5 : memref<2x128xi32, #tpu.memory_space<vmem>>)
      %dma_start3A_136 = arith.constant 0 : i32
      %dma_start3A_137 = arith.constant 0 : i32
      %dma_start3A_138 = tpu.memref_slice %arg5[%dma_start3A_136, %dma_start3A_137] : memref<2x128xi32, #tpu.memory_space<vmem>> -> memref<1x128xi32, #tpu.memory_space<vmem>>
      %dma_start3A_139 = tpu.memref_squeeze %dma_start3A_138 : memref<1x128xi32, #tpu.memory_space<vmem>> -> memref<128xi32, #tpu.memory_space<vmem>>
      %dma_start3A_140 = arith.constant 0 : i32
      %dma_start3A_141 = arith.constant 0 : i32
      %dma_start3A_142 = tpu.memref_slice %arg2[%dma_start3A_140, %dma_start3A_141] : memref<10000x128xf32, #tpu.memory_space<hbm>> -> memref<10000x128xf32, #tpu.memory_space<hbm>>
      tpu.enqueue_indirect_dma source(%dma_start3A_142 : memref<10000x128xf32, #tpu.memory_space<hbm>>) target(%arg7 : memref<128x128xf32, #tpu.memory_space<vmem>>) offsets(%dma_start3A_139 : memref<128xi32, #tpu.memory_space<vmem>>) semaphore(%arg10 : memref<!tpu.dma_semaphore, #tpu.memory_space<semaphore_mem>>)
      %run_scoped3A_143 = arith.constant 1 : i32
      "tpu.region"() ({
        %run_scoped3A_147 = tpu.sem_alloc : memref<!tpu.dma_semaphore, #tpu.memory_space<semaphore_mem>>
        %dma_start3A_148 = arith.constant 0 : i32
        %dma_start3A_149 = tpu.memref_slice %arg6[%run_scoped3A_143, %dma_start3A_148] : memref<2x128xi32, #tpu.memory_space<vmem>> -> memref<1x128xi32, #tpu.memory_space<vmem>>
        %dma_start3A_150 = tpu.memref_squeeze %dma_start3A_149 : memref<1x128xi32, #tpu.memory_space<vmem>> -> memref<128xi32, #tpu.memory_space<vmem>>
        %dma_start3A_151 = arith.constant 0 : i32
        %dma_start3A_152 = arith.constant 0 : i32
        %dma_start3A_153 = tpu.memref_slice %arg9[%dma_start3A_151, %dma_start3A_152] : memref<10240x128xf32, #tpu.memory_space<vmem_shared>> -> memref<10240x128xf32, #tpu.memory_space<vmem_shared>>
        tpu.enqueue_indirect_dma source(%arg8 : memref<128x128xf32, #tpu.memory_space<vmem>>) target(%dma_start3A_153 : memref<10240x128xf32, #tpu.memory_space<vmem_shared>>) offsets(%dma_start3A_150 : memref<128xi32, #tpu.memory_space<vmem>>) semaphore(%run_scoped3A_147 : memref<!tpu.dma_semaphore, #tpu.memory_space<semaphore_mem>>) {add = true}
        %dma_wait3A_154 = arith.constant 0 : i32
        %dma_wait3A_155 = tpu.memref_slice %arg6[%run_scoped3A_143, %dma_wait3A_154] : memref<2x128xi32, #tpu.memory_space<vmem>> -> memref<1x128xi32, #tpu.memory_space<vmem>>
        %dma_wait3A_156 = tpu.memref_squeeze %dma_wait3A_155 : memref<1x128xi32, #tpu.memory_space<vmem>> -> memref<128xi32, #tpu.memory_space<vmem>>
        %dma_wait3A_157 = arith.constant 0 : i32
        %dma_wait3A_158 = arith.constant 0 : i32
        %dma_wait3A_159 = tpu.memref_slice %arg9[%dma_wait3A_157, %dma_wait3A_158] : memref<10240x128xf32, #tpu.memory_space<vmem_shared>> -> memref<10240x128xf32, #tpu.memory_space<vmem_shared>>
        tpu.wait_indirect_dma semaphore(%run_scoped3A_147 : memref<!tpu.dma_semaphore, #tpu.memory_space<semaphore_mem>>) src(%arg8 : memref<128x128xf32, #tpu.memory_space<vmem>>) dst(%dma_wait3A_159 : memref<10240x128xf32, #tpu.memory_space<vmem_shared>>)
        tpu.yield
      }) : () -> ()
      %lt3A = arith.constant 38 : i32
      %lt3A_144 = arith.cmpi slt, %scan3A_81, %lt3A : i32
      %convert_element_type3A = arith.extui %lt3A_144 : i1 to i32
      %cond3A = arith.constant 0 : i32
      %cond3A_145 = arith.cmpi ne, %convert_element_type3A, %cond3A : i32
      scf.if %cond3A_145 {
        %add3A_147 = arith.constant 3 : i32
        %add3A_148 = arith.addi %mul3A_84, %add3A_147 : i32
        %add3A_149 = arith.addi %mul3A_2, %add3A_148 : i32
        %dma_start3A_150 = arith.constant 0 : i32
        %dma_start3A_151 = arith.constant 0 : i32
        %dma_start3A_152 = tpu.memref_slice %arg3[%add3A_149, %dma_start3A_150, %dma_start3A_151] : memref<2528x2x128xi32, #tpu.memory_space<hbm>> -> memref<1x2x128xi32, #tpu.memory_space<hbm>>
        %dma_start3A_153 = tpu.memref_squeeze %dma_start3A_152 : memref<1x2x128xi32, #tpu.memory_space<hbm>> -> memref<2x128xi32, #tpu.memory_space<hbm>>
        %dma_start3A_154 = arith.constant 0 : i32
        %dma_start3A_155 = arith.constant 0 : i32
        %dma_start3A_156 = tpu.memref_slice %arg3[%add3A_149, %dma_start3A_154, %dma_start3A_155] : memref<2528x2x128xi32, #tpu.memory_space<hbm>> -> memref<1x2x128xi32, #tpu.memory_space<hbm>>
        %dma_start3A_157 = tpu.memref_squeeze %dma_start3A_156 : memref<1x2x128xi32, #tpu.memory_space<hbm>> -> memref<2x128xi32, #tpu.memory_space<hbm>>
        tpu.enqueue_dma source(%dma_start3A_157 : memref<2x128xi32, #tpu.memory_space<hbm>>) target(%arg6 : memref<2x128xi32, #tpu.memory_space<vmem>>) target_semaphore(%arg13 : memref<!tpu.dma_semaphore, #tpu.memory_space<semaphore_mem>>)
      } else {
      }
      %scan3A_146 = arith.constant 0 : i32
      scf.yield %scan3A_146 : i32
    }
    %scan3A_62 = arith.constant 39 : i32
    %dma_wait3A_63 = arith.constant 0 : i32
    %dma_wait3A_64 = arith.constant 0 : i32
    %dma_wait3A_65 = tpu.memref_slice %arg5[%dma_wait3A_63, %dma_wait3A_64] : memref<2x128xi32, #tpu.memory_space<vmem>> -> memref<1x128xi32, #tpu.memory_space<vmem>>
    %dma_wait3A_66 = tpu.memref_squeeze %dma_wait3A_65 : memref<1x128xi32, #tpu.memory_space<vmem>> -> memref<128xi32, #tpu.memory_space<vmem>>
    %dma_wait3A_67 = arith.constant 0 : i32
    %dma_wait3A_68 = arith.constant 0 : i32
    %dma_wait3A_69 = tpu.memref_slice %arg2[%dma_wait3A_67, %dma_wait3A_68] : memref<10000x128xf32, #tpu.memory_space<hbm>> -> memref<10000x128xf32, #tpu.memory_space<hbm>>
    tpu.wait_indirect_dma semaphore(%arg10 : memref<!tpu.dma_semaphore, #tpu.memory_space<semaphore_mem>>) src(%dma_wait3A_69 : memref<10000x128xf32, #tpu.memory_space<hbm>>) dst(%arg7 : memref<128x128xf32, #tpu.memory_space<vmem>>)
    %run_scoped3A = arith.constant 1 : i32
    "tpu.region"() ({
      %run_scoped3A_81 = tpu.sem_alloc : memref<!tpu.dma_semaphore, #tpu.memory_space<semaphore_mem>>
      %dma_start3A_82 = arith.constant 0 : i32
      %dma_start3A_83 = tpu.memref_slice %arg5[%run_scoped3A, %dma_start3A_82] : memref<2x128xi32, #tpu.memory_space<vmem>> -> memref<1x128xi32, #tpu.memory_space<vmem>>
      %dma_start3A_84 = tpu.memref_squeeze %dma_start3A_83 : memref<1x128xi32, #tpu.memory_space<vmem>> -> memref<128xi32, #tpu.memory_space<vmem>>
      %dma_start3A_85 = arith.constant 0 : i32
      %dma_start3A_86 = arith.constant 0 : i32
      %dma_start3A_87 = tpu.memref_slice %arg9[%dma_start3A_85, %dma_start3A_86] : memref<10240x128xf32, #tpu.memory_space<vmem_shared>> -> memref<10240x128xf32, #tpu.memory_space<vmem_shared>>
      tpu.enqueue_indirect_dma source(%arg7 : memref<128x128xf32, #tpu.memory_space<vmem>>) target(%dma_start3A_87 : memref<10240x128xf32, #tpu.memory_space<vmem_shared>>) offsets(%dma_start3A_84 : memref<128xi32, #tpu.memory_space<vmem>>) semaphore(%run_scoped3A_81 : memref<!tpu.dma_semaphore, #tpu.memory_space<semaphore_mem>>) {add = true}
      %dma_wait3A_88 = arith.constant 0 : i32
      %dma_wait3A_89 = tpu.memref_slice %arg5[%run_scoped3A, %dma_wait3A_88] : memref<2x128xi32, #tpu.memory_space<vmem>> -> memref<1x128xi32, #tpu.memory_space<vmem>>
      %dma_wait3A_90 = tpu.memref_squeeze %dma_wait3A_89 : memref<1x128xi32, #tpu.memory_space<vmem>> -> memref<128xi32, #tpu.memory_space<vmem>>
      %dma_wait3A_91 = arith.constant 0 : i32
      %dma_wait3A_92 = arith.constant 0 : i32
      %dma_wait3A_93 = tpu.memref_slice %arg9[%dma_wait3A_91, %dma_wait3A_92] : memref<10240x128xf32, #tpu.memory_space<vmem_shared>> -> memref<10240x128xf32, #tpu.memory_space<vmem_shared>>
      tpu.wait_indirect_dma semaphore(%run_scoped3A_81 : memref<!tpu.dma_semaphore, #tpu.memory_space<semaphore_mem>>) src(%arg7 : memref<128x128xf32, #tpu.memory_space<vmem>>) dst(%dma_wait3A_93 : memref<10240x128xf32, #tpu.memory_space<vmem_shared>>)
      tpu.yield
    }) : () -> ()
    %barrier3A_70 = arith.constant 0 : index
    tpu.barrier barrier_id(%barrier3A_70)
    %add3A_71 = arith.constant 0 : i32
    %add3A_72 = arith.addi %mul3A_5, %add3A_71 : i32
    "tpu.region"() ({
      %run_scoped3A_81 = tpu.sem_alloc : memref<!tpu.dma_semaphore, #tpu.memory_space<semaphore_mem>>
      %dma_start3A_82 = arith.constant 0 : i32
      %dma_start3A_83 = tpu.memref_slice %arg4[%arg0, %add3A_72, %dma_start3A_82] : memref<2x10240x128xf32, #tpu.memory_space<hbm>> -> memref<1x128x128xf32, #tpu.memory_space<hbm>>
      %dma_start3A_84 = tpu.memref_squeeze %dma_start3A_83 : memref<1x128x128xf32, #tpu.memory_space<hbm>> -> memref<128x128xf32, #tpu.memory_space<hbm>>
      %dma_start3A_85 = arith.constant 0 : i32
      %dma_start3A_86 = tpu.memref_slice %arg9[%add3A_72, %dma_start3A_85] : memref<10240x128xf32, #tpu.memory_space<vmem_shared>> -> memref<128x128xf32, #tpu.memory_space<vmem_shared>>
      tpu.enqueue_dma source(%dma_start3A_86 : memref<128x128xf32, #tpu.memory_space<vmem_shared>>) target(%dma_start3A_84 : memref<128x128xf32, #tpu.memory_space<hbm>>) target_semaphore(%run_scoped3A_81 : memref<!tpu.dma_semaphore, #tpu.memory_space<semaphore_mem>>)
      %dma_wait3A_87 = arith.constant 0 : i32
      %dma_wait3A_88 = tpu.memref_slice %arg4[%arg0, %add3A_72, %dma_wait3A_87] : memref<2x10240x128xf32, #tpu.memory_space<hbm>> -> memref<1x128x128xf32, #tpu.memory_space<hbm>>
      %dma_wait3A_89 = tpu.memref_squeeze %dma_wait3A_88 : memref<1x128x128xf32, #tpu.memory_space<hbm>> -> memref<128x128xf32, #tpu.memory_space<hbm>>
      %dma_wait3A_90 = arith.constant 0 : i32
      %dma_wait3A_91 = tpu.memref_slice %arg9[%add3A_72, %dma_wait3A_90] : memref<10240x128xf32, #tpu.memory_space<vmem_shared>> -> memref<128x128xf32, #tpu.memory_space<vmem_shared>>
      tpu.wait_dma2 semaphore(%run_scoped3A_81 : memref<!tpu.dma_semaphore, #tpu.memory_space<semaphore_mem>>) src(%dma_wait3A_91 : memref<128x128xf32, #tpu.memory_space<vmem_shared>>) dst(%dma_wait3A_89 : memref<128x128xf32, #tpu.memory_space<hbm>>)
      tpu.yield
    }) : () -> ()
    %add3A_73 = arith.constant 128 : i32
    %add3A_74 = arith.addi %mul3A_5, %add3A_73 : i32
    "tpu.region"() ({
      %run_scoped3A_81 = tpu.sem_alloc : memref<!tpu.dma_semaphore, #tpu.memory_space<semaphore_mem>>
      %dma_start3A_82 = arith.constant 0 : i32
      %dma_start3A_83 = tpu.memref_slice %arg4[%arg0, %add3A_74, %dma_start3A_82] : memref<2x10240x128xf32, #tpu.memory_space<hbm>> -> memref<1x128x128xf32, #tpu.memory_space<hbm>>
      %dma_start3A_84 = tpu.memref_squeeze %dma_start3A_83 : memref<1x128x128xf32, #tpu.memory_space<hbm>> -> memref<128x128xf32, #tpu.memory_space<hbm>>
      %dma_start3A_85 = arith.constant 0 : i32
      %dma_start3A_86 = tpu.memref_slice %arg9[%add3A_74, %dma_start3A_85] : memref<10240x128xf32, #tpu.memory_space<vmem_shared>> -> memref<128x128xf32, #tpu.memory_space<vmem_shared>>
      tpu.enqueue_dma source(%dma_start3A_86 : memref<128x128xf32, #tpu.memory_space<vmem_shared>>) target(%dma_start3A_84 : memref<128x128xf32, #tpu.memory_space<hbm>>) target_semaphore(%run_scoped3A_81 : memref<!tpu.dma_semaphore, #tpu.memory_space<semaphore_mem>>)
      %dma_wait3A_87 = arith.constant 0 : i32
      %dma_wait3A_88 = tpu.memref_slice %arg4[%arg0, %add3A_74, %dma_wait3A_87] : memref<2x10240x128xf32, #tpu.memory_space<hbm>> -> memref<1x128x128xf32, #tpu.memory_space<hbm>>
      %dma_wait3A_89 = tpu.memref_squeeze %dma_wait3A_88 : memref<1x128x128xf32, #tpu.memory_space<hbm>> -> memref<128x128xf32, #tpu.memory_space<hbm>>
      %dma_wait3A_90 = arith.constant 0 : i32
      %dma_wait3A_91 = tpu.memref_slice %arg9[%add3A_74, %dma_wait3A_90] : memref<10240x128xf32, #tpu.memory_space<vmem_shared>> -> memref<128x128xf32, #tpu.memory_space<vmem_shared>>
      tpu.wait_dma2 semaphore(%run_scoped3A_81 : memref<!tpu.dma_semaphore, #tpu.memory_space<semaphore_mem>>) src(%dma_wait3A_91 : memref<128x128xf32, #tpu.memory_space<vmem_shared>>) dst(%dma_wait3A_89 : memref<128x128xf32, #tpu.memory_space<hbm>>)
      tpu.yield
    }) : () -> ()
    %add3A_75 = arith.constant 256 : i32
    %add3A_76 = arith.addi %mul3A_5, %add3A_75 : i32
    "tpu.region"() ({
      %run_scoped3A_81 = tpu.sem_alloc : memref<!tpu.dma_semaphore, #tpu.memory_space<semaphore_mem>>
      %dma_start3A_82 = arith.constant 0 : i32
      %dma_start3A_83 = tpu.memref_slice %arg4[%arg0, %add3A_76, %dma_start3A_82] : memref<2x10240x128xf32, #tpu.memory_space<hbm>> -> memref<1x128x128xf32, #tpu.memory_space<hbm>>
      %dma_start3A_84 = tpu.memref_squeeze %dma_start3A_83 : memref<1x128x128xf32, #tpu.memory_space<hbm>> -> memref<128x128xf32, #tpu.memory_space<hbm>>
      %dma_start3A_85 = arith.constant 0 : i32
      %dma_start3A_86 = tpu.memref_slice %arg9[%add3A_76, %dma_start3A_85] : memref<10240x128xf32, #tpu.memory_space<vmem_shared>> -> memref<128x128xf32, #tpu.memory_space<vmem_shared>>
      tpu.enqueue_dma source(%dma_start3A_86 : memref<128x128xf32, #tpu.memory_space<vmem_shared>>) target(%dma_start3A_84 : memref<128x128xf32, #tpu.memory_space<hbm>>) target_semaphore(%run_scoped3A_81 : memref<!tpu.dma_semaphore, #tpu.memory_space<semaphore_mem>>)
      %dma_wait3A_87 = arith.constant 0 : i32
      %dma_wait3A_88 = tpu.memref_slice %arg4[%arg0, %add3A_76, %dma_wait3A_87] : memref<2x10240x128xf32, #tpu.memory_space<hbm>> -> memref<1x128x128xf32, #tpu.memory_space<hbm>>
      %dma_wait3A_89 = tpu.memref_squeeze %dma_wait3A_88 : memref<1x128x128xf32, #tpu.memory_space<hbm>> -> memref<128x128xf32, #tpu.memory_space<hbm>>
      %dma_wait3A_90 = arith.constant 0 : i32
      %dma_wait3A_91 = tpu.memref_slice %arg9[%add3A_76, %dma_wait3A_90] : memref<10240x128xf32, #tpu.memory_space<vmem_shared>> -> memref<128x128xf32, #tpu.memory_space<vmem_shared>>
      tpu.wait_dma2 semaphore(%run_scoped3A_81 : memref<!tpu.dma_semaphore, #tpu.memory_space<semaphore_mem>>) src(%dma_wait3A_91 : memref<128x128xf32, #tpu.memory_space<vmem_shared>>) dst(%dma_wait3A_89 : memref<128x128xf32, #tpu.memory_space<hbm>>)
      tpu.yield
    }) : () -> ()
    %add3A_77 = arith.constant 384 : i32
    %add3A_78 = arith.addi %mul3A_5, %add3A_77 : i32
    "tpu.region"() ({
      %run_scoped3A_81 = tpu.sem_alloc : memref<!tpu.dma_semaphore, #tpu.memory_space<semaphore_mem>>
      %dma_start3A_82 = arith.constant 0 : i32
      %dma_start3A_83 = tpu.memref_slice %arg4[%arg0, %add3A_78, %dma_start3A_82] : memref<2x10240x128xf32, #tpu.memory_space<hbm>> -> memref<1x128x128xf32, #tpu.memory_space<hbm>>
      %dma_start3A_84 = tpu.memref_squeeze %dma_start3A_83 : memref<1x128x128xf32, #tpu.memory_space<hbm>> -> memref<128x128xf32, #tpu.memory_space<hbm>>
      %dma_start3A_85 = arith.constant 0 : i32
      %dma_start3A_86 = tpu.memref_slice %arg9[%add3A_78, %dma_start3A_85] : memref<10240x128xf32, #tpu.memory_space<vmem_shared>> -> memref<128x128xf32, #tpu.memory_space<vmem_shared>>
      tpu.enqueue_dma source(%dma_start3A_86 : memref<128x128xf32, #tpu.memory_space<vmem_shared>>) target(%dma_start3A_84 : memref<128x128xf32, #tpu.memory_space<hbm>>) target_semaphore(%run_scoped3A_81 : memref<!tpu.dma_semaphore, #tpu.memory_space<semaphore_mem>>)
      %dma_wait3A_87 = arith.constant 0 : i32
      %dma_wait3A_88 = tpu.memref_slice %arg4[%arg0, %add3A_78, %dma_wait3A_87] : memref<2x10240x128xf32, #tpu.memory_space<hbm>> -> memref<1x128x128xf32, #tpu.memory_space<hbm>>
      %dma_wait3A_89 = tpu.memref_squeeze %dma_wait3A_88 : memref<1x128x128xf32, #tpu.memory_space<hbm>> -> memref<128x128xf32, #tpu.memory_space<hbm>>
      %dma_wait3A_90 = arith.constant 0 : i32
      %dma_wait3A_91 = tpu.memref_slice %arg9[%add3A_78, %dma_wait3A_90] : memref<10240x128xf32, #tpu.memory_space<vmem_shared>> -> memref<128x128xf32, #tpu.memory_space<vmem_shared>>
      tpu.wait_dma2 semaphore(%run_scoped3A_81 : memref<!tpu.dma_semaphore, #tpu.memory_space<semaphore_mem>>) src(%dma_wait3A_91 : memref<128x128xf32, #tpu.memory_space<vmem_shared>>) dst(%dma_wait3A_89 : memref<128x128xf32, #tpu.memory_space<hbm>>)
      tpu.yield
    }) : () -> ()
    %add3A_79 = arith.constant 512 : i32
    %add3A_80 = arith.addi %mul3A_5, %add3A_79 : i32
    "tpu.region"() ({
      %run_scoped3A_81 = tpu.sem_alloc : memref<!tpu.dma_semaphore, #tpu.memory_space<semaphore_mem>>
      %dma_start3A_82 = arith.constant 0 : i32
      %dma_start3A_83 = tpu.memref_slice %arg4[%arg0, %add3A_80, %dma_start3A_82] : memref<2x10240x128xf32, #tpu.memory_space<hbm>> -> memref<1x128x128xf32, #tpu.memory_space<hbm>>
      %dma_start3A_84 = tpu.memref_squeeze %dma_start3A_83 : memref<1x128x128xf32, #tpu.memory_space<hbm>> -> memref<128x128xf32, #tpu.memory_space<hbm>>
      %dma_start3A_85 = arith.constant 0 : i32
      %dma_start3A_86 = tpu.memref_slice %arg9[%add3A_80, %dma_start3A_85] : memref<10240x128xf32, #tpu.memory_space<vmem_shared>> -> memref<128x128xf32, #tpu.memory_space<vmem_shared>>
      tpu.enqueue_dma source(%dma_start3A_86 : memref<128x128xf32, #tpu.memory_space<vmem_shared>>) target(%dma_start3A_84 : memref<128x128xf32, #tpu.memory_space<hbm>>) target_semaphore(%run_scoped3A_81 : memref<!tpu.dma_semaphore, #tpu.memory_space<semaphore_mem>>)
      %dma_wait3A_87 = arith.constant 0 : i32
      %dma_wait3A_88 = tpu.memref_slice %arg4[%arg0, %add3A_80, %dma_wait3A_87] : memref<2x10240x128xf32, #tpu.memory_space<hbm>> -> memref<1x128x128xf32, #tpu.memory_space<hbm>>
      %dma_wait3A_89 = tpu.memref_squeeze %dma_wait3A_88 : memref<1x128x128xf32, #tpu.memory_space<hbm>> -> memref<128x128xf32, #tpu.memory_space<hbm>>
      %dma_wait3A_90 = arith.constant 0 : i32
      %dma_wait3A_91 = tpu.memref_slice %arg9[%add3A_80, %dma_wait3A_90] : memref<10240x128xf32, #tpu.memory_space<vmem_shared>> -> memref<128x128xf32, #tpu.memory_space<vmem_shared>>
      tpu.wait_dma2 semaphore(%run_scoped3A_81 : memref<!tpu.dma_semaphore, #tpu.memory_space<semaphore_mem>>) src(%dma_wait3A_91 : memref<128x128xf32, #tpu.memory_space<vmem_shared>>) dst(%dma_wait3A_89 : memref<128x128xf32, #tpu.memory_space<hbm>>)
      tpu.yield
    }) : () -> ()
    return
  }
}

#map = affine_map<(d0, d1) -> (0, 0, 0)>
module attributes {stable_mosaic.version = 14 : i64} {
  func.func @body(%arg0: i32, %arg1: i32, %arg2: memref<2528x2x128xi32, #tpu.memory_space<hbm>>, %arg3: memref<2x10240x128xf32, #tpu.memory_space<hbm>>, %arg4: memref<2x128xi32, #tpu.memory_space<vmem>>, %arg5: memref<128x128xf32, #tpu.memory_space<vmem>>, %arg6: memref<10240x128xf32, #tpu.memory_space<vmem_shared>>) attributes {dimension_semantics = [#tpu.dimension_semantics<core_parallel>, #tpu.dimension_semantics<subcore_parallel>], iteration_bounds = array<i64: 2, 16>, scalar_prefetch = 0 : i64, scratch_operands = 3 : i64, tpu.core_type = #tpu.core_type<sc_vector_subcore>, window_params = [{transform_indices = #map}, {transform_indices = #map}]} {
    %mul3A = arith.constant 16 : i32
    %mul3A_0 = arith.muli %arg0, %mul3A : i32
    %add3A = arith.addi %mul3A_0, %arg1 : i32
    %mul3A_1 = arith.constant 79 : i32
    %mul3A_2 = arith.muli %add3A, %mul3A_1 : i32
    %broadcast_in_dim3A = arith.constant 0.000000e+00 : f32
    %broadcast_in_dim3A_3 = vector.broadcast %broadcast_in_dim3A : f32 to vector<16xf32>
    %mul3A_4 = arith.constant 640 : i32
    %mul3A_5 = arith.muli %arg1, %mul3A_4 : i32
    %scan3A = arith.constant 0 : i32
    %scan3A_6 = arith.constant 0 : i32
    %scan3A_7 = arith.constant 128 : i32
    %scan3A_8 = arith.addi %scan3A_6, %scan3A_7 : i32
    %scan3A_9 = arith.constant 1 : i32
    %scan3A_10 = scf.for %scan3A_47 = %scan3A_6 to %scan3A_8 step %scan3A_9 iter_args(%scan3A_48 = %scan3A) -> (i32)  : i32 {
      %swap3A = arith.index_cast %scan3A_47 : i32 to index
      %swap3A_49 = arith.constant 0 : index
      %swap3A_50 = tpu.vector_load %arg5[%swap3A, %swap3A_49] {strides = array<i32>} : memref<128x128xf32, #tpu.memory_space<vmem>>, vector<1x16xf32>,
      %swap3A_51 = vector.shape_cast %swap3A_50 : vector<1x16xf32> to vector<16xf32>
      %swap3A_52 = vector.shape_cast %broadcast_in_dim3A_3 : vector<16xf32> to vector<1x16xf32>
      tpu.vector_store %arg5[%swap3A, %swap3A_49], %swap3A_52 {strides = array<i32>} : memref<128x128xf32, #tpu.memory_space<vmem>>, vector<1x16xf32>,
      %swap3A_53 = arith.index_cast %scan3A_47 : i32 to index
      %swap3A_54 = arith.constant 16 : index
      %swap3A_55 = tpu.vector_load %arg5[%swap3A_53, %swap3A_54] {strides = array<i32>} : memref<128x128xf32, #tpu.memory_space<vmem>>, vector<1x16xf32>,
      %swap3A_56 = vector.shape_cast %swap3A_55 : vector<1x16xf32> to vector<16xf32>
      %swap3A_57 = vector.shape_cast %broadcast_in_dim3A_3 : vector<16xf32> to vector<1x16xf32>
      tpu.vector_store %arg5[%swap3A_53, %swap3A_54], %swap3A_57 {strides = array<i32>} : memref<128x128xf32, #tpu.memory_space<vmem>>, vector<1x16xf32>,
      %swap3A_58 = arith.index_cast %scan3A_47 : i32 to index
      %swap3A_59 = arith.constant 32 : index
      %swap3A_60 = tpu.vector_load %arg5[%swap3A_58, %swap3A_59] {strides = array<i32>} : memref<128x128xf32, #tpu.memory_space<vmem>>, vector<1x16xf32>,
      %swap3A_61 = vector.shape_cast %swap3A_60 : vector<1x16xf32> to vector<16xf32>
      %swap3A_62 = vector.shape_cast %broadcast_in_dim3A_3 : vector<16xf32> to vector<1x16xf32>
      tpu.vector_store %arg5[%swap3A_58, %swap3A_59], %swap3A_62 {strides = array<i32>} : memref<128x128xf32, #tpu.memory_space<vmem>>, vector<1x16xf32>,
      %swap3A_63 = arith.index_cast %scan3A_47 : i32 to index
      %swap3A_64 = arith.constant 48 : index
      %swap3A_65 = tpu.vector_load %arg5[%swap3A_63, %swap3A_64] {strides = array<i32>} : memref<128x128xf32, #tpu.memory_space<vmem>>, vector<1x16xf32>,
      %swap3A_66 = vector.shape_cast %swap3A_65 : vector<1x16xf32> to vector<16xf32>
      %swap3A_67 = vector.shape_cast %broadcast_in_dim3A_3 : vector<16xf32> to vector<1x16xf32>
      tpu.vector_store %arg5[%swap3A_63, %swap3A_64], %swap3A_67 {strides = array<i32>} : memref<128x128xf32, #tpu.memory_space<vmem>>, vector<1x16xf32>,
      %swap3A_68 = arith.index_cast %scan3A_47 : i32 to index
      %swap3A_69 = arith.constant 64 : index
      %swap3A_70 = tpu.vector_load %arg5[%swap3A_68, %swap3A_69] {strides = array<i32>} : memref<128x128xf32, #tpu.memory_space<vmem>>, vector<1x16xf32>,
      %swap3A_71 = vector.shape_cast %swap3A_70 : vector<1x16xf32> to vector<16xf32>
      %swap3A_72 = vector.shape_cast %broadcast_in_dim3A_3 : vector<16xf32> to vector<1x16xf32>
      tpu.vector_store %arg5[%swap3A_68, %swap3A_69], %swap3A_72 {strides = array<i32>} : memref<128x128xf32, #tpu.memory_space<vmem>>, vector<1x16xf32>,
      %swap3A_73 = arith.index_cast %scan3A_47 : i32 to index
      %swap3A_74 = arith.constant 80 : index
      %swap3A_75 = tpu.vector_load %arg5[%swap3A_73, %swap3A_74] {strides = array<i32>} : memref<128x128xf32, #tpu.memory_space<vmem>>, vector<1x16xf32>,
      %swap3A_76 = vector.shape_cast %swap3A_75 : vector<1x16xf32> to vector<16xf32>
      %swap3A_77 = vector.shape_cast %broadcast_in_dim3A_3 : vector<16xf32> to vector<1x16xf32>
      tpu.vector_store %arg5[%swap3A_73, %swap3A_74], %swap3A_77 {strides = array<i32>} : memref<128x128xf32, #tpu.memory_space<vmem>>, vector<1x16xf32>,
      %swap3A_78 = arith.index_cast %scan3A_47 : i32 to index
      %swap3A_79 = arith.constant 96 : index
      %swap3A_80 = tpu.vector_load %arg5[%swap3A_78, %swap3A_79] {strides = array<i32>} : memref<128x128xf32, #tpu.memory_space<vmem>>, vector<1x16xf32>,
      %swap3A_81 = vector.shape_cast %swap3A_80 : vector<1x16xf32> to vector<16xf32>
      %swap3A_82 = vector.shape_cast %broadcast_in_dim3A_3 : vector<16xf32> to vector<1x16xf32>
      tpu.vector_store %arg5[%swap3A_78, %swap3A_79], %swap3A_82 {strides = array<i32>} : memref<128x128xf32, #tpu.memory_space<vmem>>, vector<1x16xf32>,
      %swap3A_83 = arith.index_cast %scan3A_47 : i32 to index
      %swap3A_84 = arith.constant 112 : index
      %swap3A_85 = tpu.vector_load %arg5[%swap3A_83, %swap3A_84] {strides = array<i32>} : memref<128x128xf32, #tpu.memory_space<vmem>>, vector<1x16xf32>,
      %swap3A_86 = vector.shape_cast %swap3A_85 : vector<1x16xf32> to vector<16xf32>
      %swap3A_87 = vector.shape_cast %broadcast_in_dim3A_3 : vector<16xf32> to vector<1x16xf32>
      tpu.vector_store %arg5[%swap3A_83, %swap3A_84], %swap3A_87 {strides = array<i32>} : memref<128x128xf32, #tpu.memory_space<vmem>>, vector<1x16xf32>,
      %scan3A_88 = arith.constant 0 : i32
      scf.yield %scan3A_88 : i32
    }
    %scan3A_11 = arith.constant 128 : i32
    %add3A_12 = arith.constant 0 : i32
    %add3A_13 = arith.addi %mul3A_5, %add3A_12 : i32
    "tpu.region"() ({
      %run_scoped3A = tpu.sem_alloc : memref<!tpu.dma_semaphore, #tpu.memory_space<semaphore_mem>>
      %dma_start3A = arith.constant 0 : i32
      %dma_start3A_47 = tpu.memref_slice %arg6[%add3A_13, %dma_start3A] : memref<10240x128xf32, #tpu.memory_space<vmem_shared>> -> memref<128x128xf32, #tpu.memory_space<vmem_shared>>
      %dma_start3A_48 = arith.constant 0 : i32
      %dma_start3A_49 = tpu.memref_slice %arg6[%add3A_13, %dma_start3A_48] : memref<10240x128xf32, #tpu.memory_space<vmem_shared>> -> memref<128x128xf32, #tpu.memory_space<vmem_shared>>
      tpu.enqueue_dma source(%arg5 : memref<128x128xf32, #tpu.memory_space<vmem>>) target(%dma_start3A_49 : memref<128x128xf32, #tpu.memory_space<vmem_shared>>) target_semaphore(%run_scoped3A : memref<!tpu.dma_semaphore, #tpu.memory_space<semaphore_mem>>)
      %dma_wait3A = arith.constant 0 : i32
      %dma_wait3A_50 = tpu.memref_slice %arg6[%add3A_13, %dma_wait3A] : memref<10240x128xf32, #tpu.memory_space<vmem_shared>> -> memref<128x128xf32, #tpu.memory_space<vmem_shared>>
      %dma_wait3A_51 = arith.constant 0 : i32
      %dma_wait3A_52 = tpu.memref_slice %arg6[%add3A_13, %dma_wait3A_51] : memref<10240x128xf32, #tpu.memory_space<vmem_shared>> -> memref<128x128xf32, #tpu.memory_space<vmem_shared>>
      tpu.wait_dma2 semaphore(%run_scoped3A : memref<!tpu.dma_semaphore, #tpu.memory_space<semaphore_mem>>) src(%arg5 : memref<128x128xf32, #tpu.memory_space<vmem>>) dst(%dma_wait3A_52 : memref<128x128xf32, #tpu.memory_space<vmem_shared>>)
      tpu.yield
    }) : () -> ()
    %add3A_14 = arith.constant 128 : i32
    %add3A_15 = arith.addi %mul3A_5, %add3A_14 : i32
    "tpu.region"() ({
      %run_scoped3A = tpu.sem_alloc : memref<!tpu.dma_semaphore, #tpu.memory_space<semaphore_mem>>
      %dma_start3A = arith.constant 0 : i32
      %dma_start3A_47 = tpu.memref_slice %arg6[%add3A_15, %dma_start3A] : memref<10240x128xf32, #tpu.memory_space<vmem_shared>> -> memref<128x128xf32, #tpu.memory_space<vmem_shared>>
      %dma_start3A_48 = arith.constant 0 : i32
      %dma_start3A_49 = tpu.memref_slice %arg6[%add3A_15, %dma_start3A_48] : memref<10240x128xf32, #tpu.memory_space<vmem_shared>> -> memref<128x128xf32, #tpu.memory_space<vmem_shared>>
      tpu.enqueue_dma source(%arg5 : memref<128x128xf32, #tpu.memory_space<vmem>>) target(%dma_start3A_49 : memref<128x128xf32, #tpu.memory_space<vmem_shared>>) target_semaphore(%run_scoped3A : memref<!tpu.dma_semaphore, #tpu.memory_space<semaphore_mem>>)
      %dma_wait3A = arith.constant 0 : i32
      %dma_wait3A_50 = tpu.memref_slice %arg6[%add3A_15, %dma_wait3A] : memref<10240x128xf32, #tpu.memory_space<vmem_shared>> -> memref<128x128xf32, #tpu.memory_space<vmem_shared>>
      %dma_wait3A_51 = arith.constant 0 : i32
      %dma_wait3A_52 = tpu.memref_slice %arg6[%add3A_15, %dma_wait3A_51] : memref<10240x128xf32, #tpu.memory_space<vmem_shared>> -> memref<128x128xf32, #tpu.memory_space<vmem_shared>>
      tpu.wait_dma2 semaphore(%run_scoped3A : memref<!tpu.dma_semaphore, #tpu.memory_space<semaphore_mem>>) src(%arg5 : memref<128x128xf32, #tpu.memory_space<vmem>>) dst(%dma_wait3A_52 : memref<128x128xf32, #tpu.memory_space<vmem_shared>>)
      tpu.yield
    }) : () -> ()
    %add3A_16 = arith.constant 256 : i32
    %add3A_17 = arith.addi %mul3A_5, %add3A_16 : i32
    "tpu.region"() ({
      %run_scoped3A = tpu.sem_alloc : memref<!tpu.dma_semaphore, #tpu.memory_space<semaphore_mem>>
      %dma_start3A = arith.constant 0 : i32
      %dma_start3A_47 = tpu.memref_slice %arg6[%add3A_17, %dma_start3A] : memref<10240x128xf32, #tpu.memory_space<vmem_shared>> -> memref<128x128xf32, #tpu.memory_space<vmem_shared>>
      %dma_start3A_48 = arith.constant 0 : i32
      %dma_start3A_49 = tpu.memref_slice %arg6[%add3A_17, %dma_start3A_48] : memref<10240x128xf32, #tpu.memory_space<vmem_shared>> -> memref<128x128xf32, #tpu.memory_space<vmem_shared>>
      tpu.enqueue_dma source(%arg5 : memref<128x128xf32, #tpu.memory_space<vmem>>) target(%dma_start3A_49 : memref<128x128xf32, #tpu.memory_space<vmem_shared>>) target_semaphore(%run_scoped3A : memref<!tpu.dma_semaphore, #tpu.memory_space<semaphore_mem>>)
      %dma_wait3A = arith.constant 0 : i32
      %dma_wait3A_50 = tpu.memref_slice %arg6[%add3A_17, %dma_wait3A] : memref<10240x128xf32, #tpu.memory_space<vmem_shared>> -> memref<128x128xf32, #tpu.memory_space<vmem_shared>>
      %dma_wait3A_51 = arith.constant 0 : i32
      %dma_wait3A_52 = tpu.memref_slice %arg6[%add3A_17, %dma_wait3A_51] : memref<10240x128xf32, #tpu.memory_space<vmem_shared>> -> memref<128x128xf32, #tpu.memory_space<vmem_shared>>
      tpu.wait_dma2 semaphore(%run_scoped3A : memref<!tpu.dma_semaphore, #tpu.memory_space<semaphore_mem>>) src(%arg5 : memref<128x128xf32, #tpu.memory_space<vmem>>) dst(%dma_wait3A_52 : memref<128x128xf32, #tpu.memory_space<vmem_shared>>)
      tpu.yield
    }) : () -> ()
    %add3A_18 = arith.constant 384 : i32
    %add3A_19 = arith.addi %mul3A_5, %add3A_18 : i32
    "tpu.region"() ({
      %run_scoped3A = tpu.sem_alloc : memref<!tpu.dma_semaphore, #tpu.memory_space<semaphore_mem>>
      %dma_start3A = arith.constant 0 : i32
      %dma_start3A_47 = tpu.memref_slice %arg6[%add3A_19, %dma_start3A] : memref<10240x128xf32, #tpu.memory_space<vmem_shared>> -> memref<128x128xf32, #tpu.memory_space<vmem_shared>>
      %dma_start3A_48 = arith.constant 0 : i32
      %dma_start3A_49 = tpu.memref_slice %arg6[%add3A_19, %dma_start3A_48] : memref<10240x128xf32, #tpu.memory_space<vmem_shared>> -> memref<128x128xf32, #tpu.memory_space<vmem_shared>>
      tpu.enqueue_dma source(%arg5 : memref<128x128xf32, #tpu.memory_space<vmem>>) target(%dma_start3A_49 : memref<128x128xf32, #tpu.memory_space<vmem_shared>>) target_semaphore(%run_scoped3A : memref<!tpu.dma_semaphore, #tpu.memory_space<semaphore_mem>>)
      %dma_wait3A = arith.constant 0 : i32
      %dma_wait3A_50 = tpu.memref_slice %arg6[%add3A_19, %dma_wait3A] : memref<10240x128xf32, #tpu.memory_space<vmem_shared>> -> memref<128x128xf32, #tpu.memory_space<vmem_shared>>
      %dma_wait3A_51 = arith.constant 0 : i32
      %dma_wait3A_52 = tpu.memref_slice %arg6[%add3A_19, %dma_wait3A_51] : memref<10240x128xf32, #tpu.memory_space<vmem_shared>> -> memref<128x128xf32, #tpu.memory_space<vmem_shared>>
      tpu.wait_dma2 semaphore(%run_scoped3A : memref<!tpu.dma_semaphore, #tpu.memory_space<semaphore_mem>>) src(%arg5 : memref<128x128xf32, #tpu.memory_space<vmem>>) dst(%dma_wait3A_52 : memref<128x128xf32, #tpu.memory_space<vmem_shared>>)
      tpu.yield
    }) : () -> ()
    %add3A_20 = arith.constant 512 : i32
    %add3A_21 = arith.addi %mul3A_5, %add3A_20 : i32
    "tpu.region"() ({
      %run_scoped3A = tpu.sem_alloc : memref<!tpu.dma_semaphore, #tpu.memory_space<semaphore_mem>>
      %dma_start3A = arith.constant 0 : i32
      %dma_start3A_47 = tpu.memref_slice %arg6[%add3A_21, %dma_start3A] : memref<10240x128xf32, #tpu.memory_space<vmem_shared>> -> memref<128x128xf32, #tpu.memory_space<vmem_shared>>
      %dma_start3A_48 = arith.constant 0 : i32
      %dma_start3A_49 = tpu.memref_slice %arg6[%add3A_21, %dma_start3A_48] : memref<10240x128xf32, #tpu.memory_space<vmem_shared>> -> memref<128x128xf32, #tpu.memory_space<vmem_shared>>
      tpu.enqueue_dma source(%arg5 : memref<128x128xf32, #tpu.memory_space<vmem>>) target(%dma_start3A_49 : memref<128x128xf32, #tpu.memory_space<vmem_shared>>) target_semaphore(%run_scoped3A : memref<!tpu.dma_semaphore, #tpu.memory_space<semaphore_mem>>)
      %dma_wait3A = arith.constant 0 : i32
      %dma_wait3A_50 = tpu.memref_slice %arg6[%add3A_21, %dma_wait3A] : memref<10240x128xf32, #tpu.memory_space<vmem_shared>> -> memref<128x128xf32, #tpu.memory_space<vmem_shared>>
      %dma_wait3A_51 = arith.constant 0 : i32
      %dma_wait3A_52 = tpu.memref_slice %arg6[%add3A_21, %dma_wait3A_51] : memref<10240x128xf32, #tpu.memory_space<vmem_shared>> -> memref<128x128xf32, #tpu.memory_space<vmem_shared>>
      tpu.wait_dma2 semaphore(%run_scoped3A : memref<!tpu.dma_semaphore, #tpu.memory_space<semaphore_mem>>) src(%arg5 : memref<128x128xf32, #tpu.memory_space<vmem>>) dst(%dma_wait3A_52 : memref<128x128xf32, #tpu.memory_space<vmem_shared>>)
      tpu.yield
    }) : () -> ()
    %barrier3A = arith.constant 0 : index
    tpu.barrier barrier_id(%barrier3A)
    %scan3A_22 = arith.constant 0 : i32
    %scan3A_23 = arith.constant 0 : i32
    %scan3A_24 = arith.constant 128 : i32
    %scan3A_25 = arith.addi %scan3A_23, %scan3A_24 : i32
    %scan3A_26 = arith.constant 1 : i32
    %scan3A_27 = scf.for %scan3A_47 = %scan3A_23 to %scan3A_25 step %scan3A_26 iter_args(%scan3A_48 = %scan3A_22) -> (i32)  : i32 {
      %add3A_49 = arith.constant 1.000000e+00 : f32
      %add3A_50 = vector.broadcast %add3A_49 : f32 to vector<16xf32>
      %add3A_51 = arith.addf %broadcast_in_dim3A_3, %add3A_50 : vector<16xf32>
      %swap3A = arith.index_cast %scan3A_47 : i32 to index
      %swap3A_52 = arith.constant 0 : index
      %swap3A_53 = tpu.vector_load %arg5[%swap3A, %swap3A_52] {strides = array<i32>} : memref<128x128xf32, #tpu.memory_space<vmem>>, vector<1x16xf32>,
      %swap3A_54 = vector.shape_cast %swap3A_53 : vector<1x16xf32> to vector<16xf32>
      %swap3A_55 = vector.shape_cast %add3A_51 : vector<16xf32> to vector<1x16xf32>
      tpu.vector_store %arg5[%swap3A, %swap3A_52], %swap3A_55 {strides = array<i32>} : memref<128x128xf32, #tpu.memory_space<vmem>>, vector<1x16xf32>,
      %add3A_56 = arith.constant 1.000000e+00 : f32
      %add3A_57 = vector.broadcast %add3A_56 : f32 to vector<16xf32>
      %add3A_58 = arith.addf %broadcast_in_dim3A_3, %add3A_57 : vector<16xf32>
      %swap3A_59 = arith.index_cast %scan3A_47 : i32 to index
      %swap3A_60 = arith.constant 16 : index
      %swap3A_61 = tpu.vector_load %arg5[%swap3A_59, %swap3A_60] {strides = array<i32>} : memref<128x128xf32, #tpu.memory_space<vmem>>, vector<1x16xf32>,
      %swap3A_62 = vector.shape_cast %swap3A_61 : vector<1x16xf32> to vector<16xf32>
      %swap3A_63 = vector.shape_cast %add3A_58 : vector<16xf32> to vector<1x16xf32>
      tpu.vector_store %arg5[%swap3A_59, %swap3A_60], %swap3A_63 {strides = array<i32>} : memref<128x128xf32, #tpu.memory_space<vmem>>, vector<1x16xf32>,
      %add3A_64 = arith.constant 1.000000e+00 : f32
      %add3A_65 = vector.broadcast %add3A_64 : f32 to vector<16xf32>
      %add3A_66 = arith.addf %broadcast_in_dim3A_3, %add3A_65 : vector<16xf32>
      %swap3A_67 = arith.index_cast %scan3A_47 : i32 to index
      %swap3A_68 = arith.constant 32 : index
      %swap3A_69 = tpu.vector_load %arg5[%swap3A_67, %swap3A_68] {strides = array<i32>} : memref<128x128xf32, #tpu.memory_space<vmem>>, vector<1x16xf32>,
      %swap3A_70 = vector.shape_cast %swap3A_69 : vector<1x16xf32> to vector<16xf32>
      %swap3A_71 = vector.shape_cast %add3A_66 : vector<16xf32> to vector<1x16xf32>
      tpu.vector_store %arg5[%swap3A_67, %swap3A_68], %swap3A_71 {strides = array<i32>} : memref<128x128xf32, #tpu.memory_space<vmem>>, vector<1x16xf32>,
      %add3A_72 = arith.constant 1.000000e+00 : f32
      %add3A_73 = vector.broadcast %add3A_72 : f32 to vector<16xf32>
      %add3A_74 = arith.addf %broadcast_in_dim3A_3, %add3A_73 : vector<16xf32>
      %swap3A_75 = arith.index_cast %scan3A_47 : i32 to index
      %swap3A_76 = arith.constant 48 : index
      %swap3A_77 = tpu.vector_load %arg5[%swap3A_75, %swap3A_76] {strides = array<i32>} : memref<128x128xf32, #tpu.memory_space<vmem>>, vector<1x16xf32>,
      %swap3A_78 = vector.shape_cast %swap3A_77 : vector<1x16xf32> to vector<16xf32>
      %swap3A_79 = vector.shape_cast %add3A_74 : vector<16xf32> to vector<1x16xf32>
      tpu.vector_store %arg5[%swap3A_75, %swap3A_76], %swap3A_79 {strides = array<i32>} : memref<128x128xf32, #tpu.memory_space<vmem>>, vector<1x16xf32>,
      %add3A_80 = arith.constant 1.000000e+00 : f32
      %add3A_81 = vector.broadcast %add3A_80 : f32 to vector<16xf32>
      %add3A_82 = arith.addf %broadcast_in_dim3A_3, %add3A_81 : vector<16xf32>
      %swap3A_83 = arith.index_cast %scan3A_47 : i32 to index
      %swap3A_84 = arith.constant 64 : index
      %swap3A_85 = tpu.vector_load %arg5[%swap3A_83, %swap3A_84] {strides = array<i32>} : memref<128x128xf32, #tpu.memory_space<vmem>>, vector<1x16xf32>,
      %swap3A_86 = vector.shape_cast %swap3A_85 : vector<1x16xf32> to vector<16xf32>
      %swap3A_87 = vector.shape_cast %add3A_82 : vector<16xf32> to vector<1x16xf32>
      tpu.vector_store %arg5[%swap3A_83, %swap3A_84], %swap3A_87 {strides = array<i32>} : memref<128x128xf32, #tpu.memory_space<vmem>>, vector<1x16xf32>,
      %add3A_88 = arith.constant 1.000000e+00 : f32
      %add3A_89 = vector.broadcast %add3A_88 : f32 to vector<16xf32>
      %add3A_90 = arith.addf %broadcast_in_dim3A_3, %add3A_89 : vector<16xf32>
      %swap3A_91 = arith.index_cast %scan3A_47 : i32 to index
      %swap3A_92 = arith.constant 80 : index
      %swap3A_93 = tpu.vector_load %arg5[%swap3A_91, %swap3A_92] {strides = array<i32>} : memref<128x128xf32, #tpu.memory_space<vmem>>, vector<1x16xf32>,
      %swap3A_94 = vector.shape_cast %swap3A_93 : vector<1x16xf32> to vector<16xf32>
      %swap3A_95 = vector.shape_cast %add3A_90 : vector<16xf32> to vector<1x16xf32>
      tpu.vector_store %arg5[%swap3A_91, %swap3A_92], %swap3A_95 {strides = array<i32>} : memref<128x128xf32, #tpu.memory_space<vmem>>, vector<1x16xf32>,
      %add3A_96 = arith.constant 1.000000e+00 : f32
      %add3A_97 = vector.broadcast %add3A_96 : f32 to vector<16xf32>
      %add3A_98 = arith.addf %broadcast_in_dim3A_3, %add3A_97 : vector<16xf32>
      %swap3A_99 = arith.index_cast %scan3A_47 : i32 to index
      %swap3A_100 = arith.constant 96 : index
      %swap3A_101 = tpu.vector_load %arg5[%swap3A_99, %swap3A_100] {strides = array<i32>} : memref<128x128xf32, #tpu.memory_space<vmem>>, vector<1x16xf32>,
      %swap3A_102 = vector.shape_cast %swap3A_101 : vector<1x16xf32> to vector<16xf32>
      %swap3A_103 = vector.shape_cast %add3A_98 : vector<16xf32> to vector<1x16xf32>
      tpu.vector_store %arg5[%swap3A_99, %swap3A_100], %swap3A_103 {strides = array<i32>} : memref<128x128xf32, #tpu.memory_space<vmem>>, vector<1x16xf32>,
      %add3A_104 = arith.constant 1.000000e+00 : f32
      %add3A_105 = vector.broadcast %add3A_104 : f32 to vector<16xf32>
      %add3A_106 = arith.addf %broadcast_in_dim3A_3, %add3A_105 : vector<16xf32>
      %swap3A_107 = arith.index_cast %scan3A_47 : i32 to index
      %swap3A_108 = arith.constant 112 : index
      %swap3A_109 = tpu.vector_load %arg5[%swap3A_107, %swap3A_108] {strides = array<i32>} : memref<128x128xf32, #tpu.memory_space<vmem>>, vector<1x16xf32>,
      %swap3A_110 = vector.shape_cast %swap3A_109 : vector<1x16xf32> to vector<16xf32>
      %swap3A_111 = vector.shape_cast %add3A_106 : vector<16xf32> to vector<1x16xf32>
      tpu.vector_store %arg5[%swap3A_107, %swap3A_108], %swap3A_111 {strides = array<i32>} : memref<128x128xf32, #tpu.memory_space<vmem>>, vector<1x16xf32>,
      %scan3A_112 = arith.constant 0 : i32
      scf.yield %scan3A_112 : i32
    }
    %scan3A_28 = arith.constant 128 : i32
    %scan3A_29 = arith.constant 0 : i32
    %scan3A_30 = arith.constant 0 : i32
    %scan3A_31 = arith.constant 79 : i32
    %scan3A_32 = arith.addi %scan3A_30, %scan3A_31 : i32
    %scan3A_33 = arith.constant 1 : i32
    %scan3A_34 = scf.for %scan3A_47 = %scan3A_30 to %scan3A_32 step %scan3A_33 iter_args(%scan3A_48 = %scan3A_29) -> (i32)  : i32 {
      %add3A_49 = arith.addi %mul3A_2, %scan3A_47 : i32
      "tpu.region"() ({
        %run_scoped3A_51 = tpu.sem_alloc : memref<!tpu.dma_semaphore, #tpu.memory_space<semaphore_mem>>
        %dma_start3A = arith.constant 0 : i32
        %dma_start3A_52 = arith.constant 0 : i32
        %dma_start3A_53 = tpu.memref_slice %arg2[%add3A_49, %dma_start3A, %dma_start3A_52] : memref<2528x2x128xi32, #tpu.memory_space<hbm>> -> memref<1x2x128xi32, #tpu.memory_space<hbm>>
        %dma_start3A_54 = tpu.memref_squeeze %dma_start3A_53 : memref<1x2x128xi32, #tpu.memory_space<hbm>> -> memref<2x128xi32, #tpu.memory_space<hbm>>
        %dma_start3A_55 = arith.constant 0 : i32
        %dma_start3A_56 = arith.constant 0 : i32
        %dma_start3A_57 = tpu.memref_slice %arg2[%add3A_49, %dma_start3A_55, %dma_start3A_56] : memref<2528x2x128xi32, #tpu.memory_space<hbm>> -> memref<1x2x128xi32, #tpu.memory_space<hbm>>
        %dma_start3A_58 = tpu.memref_squeeze %dma_start3A_57 : memref<1x2x128xi32, #tpu.memory_space<hbm>> -> memref<2x128xi32, #tpu.memory_space<hbm>>
        tpu.enqueue_dma source(%dma_start3A_58 : memref<2x128xi32, #tpu.memory_space<hbm>>) target(%arg4 : memref<2x128xi32, #tpu.memory_space<vmem>>) target_semaphore(%run_scoped3A_51 : memref<!tpu.dma_semaphore, #tpu.memory_space<semaphore_mem>>)
        %dma_wait3A = arith.constant 0 : i32
        %dma_wait3A_59 = arith.constant 0 : i32
        %dma_wait3A_60 = tpu.memref_slice %arg2[%add3A_49, %dma_wait3A, %dma_wait3A_59] : memref<2528x2x128xi32, #tpu.memory_space<hbm>> -> memref<1x2x128xi32, #tpu.memory_space<hbm>>
        %dma_wait3A_61 = tpu.memref_squeeze %dma_wait3A_60 : memref<1x2x128xi32, #tpu.memory_space<hbm>> -> memref<2x128xi32, #tpu.memory_space<hbm>>
        %dma_wait3A_62 = arith.constant 0 : i32
        %dma_wait3A_63 = arith.constant 0 : i32
        %dma_wait3A_64 = tpu.memref_slice %arg2[%add3A_49, %dma_wait3A_62, %dma_wait3A_63] : memref<2528x2x128xi32, #tpu.memory_space<hbm>> -> memref<1x2x128xi32, #tpu.memory_space<hbm>>
        %dma_wait3A_65 = tpu.memref_squeeze %dma_wait3A_64 : memref<1x2x128xi32, #tpu.memory_space<hbm>> -> memref<2x128xi32, #tpu.memory_space<hbm>>
        tpu.wait_dma2 semaphore(%run_scoped3A_51 : memref<!tpu.dma_semaphore, #tpu.memory_space<semaphore_mem>>) src(%dma_wait3A_65 : memref<2x128xi32, #tpu.memory_space<hbm>>) dst(%arg4 : memref<2x128xi32, #tpu.memory_space<vmem>>)
        tpu.yield
      }) : () -> ()
      %run_scoped3A = arith.constant 1 : i32
      "tpu.region"() ({
        %run_scoped3A_51 = tpu.sem_alloc : memref<!tpu.dma_semaphore, #tpu.memory_space<semaphore_mem>>
        %dma_start3A = arith.constant 0 : i32
        %dma_start3A_52 = tpu.memref_slice %arg4[%run_scoped3A, %dma_start3A] : memref<2x128xi32, #tpu.memory_space<vmem>> -> memref<1x128xi32, #tpu.memory_space<vmem>>
        %dma_start3A_53 = tpu.memref_squeeze %dma_start3A_52 : memref<1x128xi32, #tpu.memory_space<vmem>> -> memref<128xi32, #tpu.memory_space<vmem>>
        %dma_start3A_54 = arith.constant 0 : i32
        %dma_start3A_55 = arith.constant 0 : i32
        %dma_start3A_56 = tpu.memref_slice %arg6[%dma_start3A_54, %dma_start3A_55] : memref<10240x128xf32, #tpu.memory_space<vmem_shared>> -> memref<10240x128xf32, #tpu.memory_space<vmem_shared>>
        tpu.enqueue_indirect_dma source(%arg5 : memref<128x128xf32, #tpu.memory_space<vmem>>) target(%dma_start3A_56 : memref<10240x128xf32, #tpu.memory_space<vmem_shared>>) offsets(%dma_start3A_53 : memref<128xi32, #tpu.memory_space<vmem>>) semaphore(%run_scoped3A_51 : memref<!tpu.dma_semaphore, #tpu.memory_space<semaphore_mem>>) {add = true}
        %dma_wait3A = arith.constant 0 : i32
        %dma_wait3A_57 = tpu.memref_slice %arg4[%run_scoped3A, %dma_wait3A] : memref<2x128xi32, #tpu.memory_space<vmem>> -> memref<1x128xi32, #tpu.memory_space<vmem>>
        %dma_wait3A_58 = tpu.memref_squeeze %dma_wait3A_57 : memref<1x128xi32, #tpu.memory_space<vmem>> -> memref<128xi32, #tpu.memory_space<vmem>>
        %dma_wait3A_59 = arith.constant 0 : i32
        %dma_wait3A_60 = arith.constant 0 : i32
        %dma_wait3A_61 = tpu.memref_slice %arg6[%dma_wait3A_59, %dma_wait3A_60] : memref<10240x128xf32, #tpu.memory_space<vmem_shared>> -> memref<10240x128xf32, #tpu.memory_space<vmem_shared>>
        tpu.wait_indirect_dma semaphore(%run_scoped3A_51 : memref<!tpu.dma_semaphore, #tpu.memory_space<semaphore_mem>>) src(%arg5 : memref<128x128xf32, #tpu.memory_space<vmem>>) dst(%dma_wait3A_61 : memref<10240x128xf32, #tpu.memory_space<vmem_shared>>)
        tpu.yield
      }) : () -> ()
      %scan3A_50 = arith.constant 0 : i32
      scf.yield %scan3A_50 : i32
    }
    %scan3A_35 = arith.constant 79 : i32
    %barrier3A_36 = arith.constant 0 : index
    tpu.barrier barrier_id(%barrier3A_36)
    %add3A_37 = arith.constant 0 : i32
    %add3A_38 = arith.addi %mul3A_5, %add3A_37 : i32
    "tpu.region"() ({
      %run_scoped3A = tpu.sem_alloc : memref<!tpu.dma_semaphore, #tpu.memory_space<semaphore_mem>>
      %dma_start3A = arith.constant 0 : i32
      %dma_start3A_47 = tpu.memref_slice %arg3[%arg0, %add3A_38, %dma_start3A] : memref<2x10240x128xf32, #tpu.memory_space<hbm>> -> memref<1x128x128xf32, #tpu.memory_space<hbm>>
      %dma_start3A_48 = tpu.memref_squeeze %dma_start3A_47 : memref<1x128x128xf32, #tpu.memory_space<hbm>> -> memref<128x128xf32, #tpu.memory_space<hbm>>
      %dma_start3A_49 = arith.constant 0 : i32
      %dma_start3A_50 = tpu.memref_slice %arg6[%add3A_38, %dma_start3A_49] : memref<10240x128xf32, #tpu.memory_space<vmem_shared>> -> memref<128x128xf32, #tpu.memory_space<vmem_shared>>
      tpu.enqueue_dma source(%dma_start3A_50 : memref<128x128xf32, #tpu.memory_space<vmem_shared>>) target(%dma_start3A_48 : memref<128x128xf32, #tpu.memory_space<hbm>>) target_semaphore(%run_scoped3A : memref<!tpu.dma_semaphore, #tpu.memory_space<semaphore_mem>>)
      %dma_wait3A = arith.constant 0 : i32
      %dma_wait3A_51 = tpu.memref_slice %arg3[%arg0, %add3A_38, %dma_wait3A] : memref<2x10240x128xf32, #tpu.memory_space<hbm>> -> memref<1x128x128xf32, #tpu.memory_space<hbm>>
      %dma_wait3A_52 = tpu.memref_squeeze %dma_wait3A_51 : memref<1x128x128xf32, #tpu.memory_space<hbm>> -> memref<128x128xf32, #tpu.memory_space<hbm>>
      %dma_wait3A_53 = arith.constant 0 : i32
      %dma_wait3A_54 = tpu.memref_slice %arg6[%add3A_38, %dma_wait3A_53] : memref<10240x128xf32, #tpu.memory_space<vmem_shared>> -> memref<128x128xf32, #tpu.memory_space<vmem_shared>>
      tpu.wait_dma2 semaphore(%run_scoped3A : memref<!tpu.dma_semaphore, #tpu.memory_space<semaphore_mem>>) src(%dma_wait3A_54 : memref<128x128xf32, #tpu.memory_space<vmem_shared>>) dst(%dma_wait3A_52 : memref<128x128xf32, #tpu.memory_space<hbm>>)
      tpu.yield
    }) : () -> ()
    %add3A_39 = arith.constant 128 : i32
    %add3A_40 = arith.addi %mul3A_5, %add3A_39 : i32
    "tpu.region"() ({
      %run_scoped3A = tpu.sem_alloc : memref<!tpu.dma_semaphore, #tpu.memory_space<semaphore_mem>>
      %dma_start3A = arith.constant 0 : i32
      %dma_start3A_47 = tpu.memref_slice %arg3[%arg0, %add3A_40, %dma_start3A] : memref<2x10240x128xf32, #tpu.memory_space<hbm>> -> memref<1x128x128xf32, #tpu.memory_space<hbm>>
      %dma_start3A_48 = tpu.memref_squeeze %dma_start3A_47 : memref<1x128x128xf32, #tpu.memory_space<hbm>> -> memref<128x128xf32, #tpu.memory_space<hbm>>
      %dma_start3A_49 = arith.constant 0 : i32
      %dma_start3A_50 = tpu.memref_slice %arg6[%add3A_40, %dma_start3A_49] : memref<10240x128xf32, #tpu.memory_space<vmem_shared>> -> memref<128x128xf32, #tpu.memory_space<vmem_shared>>
      tpu.enqueue_dma source(%dma_start3A_50 : memref<128x128xf32, #tpu.memory_space<vmem_shared>>) target(%dma_start3A_48 : memref<128x128xf32, #tpu.memory_space<hbm>>) target_semaphore(%run_scoped3A : memref<!tpu.dma_semaphore, #tpu.memory_space<semaphore_mem>>)
      %dma_wait3A = arith.constant 0 : i32
      %dma_wait3A_51 = tpu.memref_slice %arg3[%arg0, %add3A_40, %dma_wait3A] : memref<2x10240x128xf32, #tpu.memory_space<hbm>> -> memref<1x128x128xf32, #tpu.memory_space<hbm>>
      %dma_wait3A_52 = tpu.memref_squeeze %dma_wait3A_51 : memref<1x128x128xf32, #tpu.memory_space<hbm>> -> memref<128x128xf32, #tpu.memory_space<hbm>>
      %dma_wait3A_53 = arith.constant 0 : i32
      %dma_wait3A_54 = tpu.memref_slice %arg6[%add3A_40, %dma_wait3A_53] : memref<10240x128xf32, #tpu.memory_space<vmem_shared>> -> memref<128x128xf32, #tpu.memory_space<vmem_shared>>
      tpu.wait_dma2 semaphore(%run_scoped3A : memref<!tpu.dma_semaphore, #tpu.memory_space<semaphore_mem>>) src(%dma_wait3A_54 : memref<128x128xf32, #tpu.memory_space<vmem_shared>>) dst(%dma_wait3A_52 : memref<128x128xf32, #tpu.memory_space<hbm>>)
      tpu.yield
    }) : () -> ()
    %add3A_41 = arith.constant 256 : i32
    %add3A_42 = arith.addi %mul3A_5, %add3A_41 : i32
    "tpu.region"() ({
      %run_scoped3A = tpu.sem_alloc : memref<!tpu.dma_semaphore, #tpu.memory_space<semaphore_mem>>
      %dma_start3A = arith.constant 0 : i32
      %dma_start3A_47 = tpu.memref_slice %arg3[%arg0, %add3A_42, %dma_start3A] : memref<2x10240x128xf32, #tpu.memory_space<hbm>> -> memref<1x128x128xf32, #tpu.memory_space<hbm>>
      %dma_start3A_48 = tpu.memref_squeeze %dma_start3A_47 : memref<1x128x128xf32, #tpu.memory_space<hbm>> -> memref<128x128xf32, #tpu.memory_space<hbm>>
      %dma_start3A_49 = arith.constant 0 : i32
      %dma_start3A_50 = tpu.memref_slice %arg6[%add3A_42, %dma_start3A_49] : memref<10240x128xf32, #tpu.memory_space<vmem_shared>> -> memref<128x128xf32, #tpu.memory_space<vmem_shared>>
      tpu.enqueue_dma source(%dma_start3A_50 : memref<128x128xf32, #tpu.memory_space<vmem_shared>>) target(%dma_start3A_48 : memref<128x128xf32, #tpu.memory_space<hbm>>) target_semaphore(%run_scoped3A : memref<!tpu.dma_semaphore, #tpu.memory_space<semaphore_mem>>)
      %dma_wait3A = arith.constant 0 : i32
      %dma_wait3A_51 = tpu.memref_slice %arg3[%arg0, %add3A_42, %dma_wait3A] : memref<2x10240x128xf32, #tpu.memory_space<hbm>> -> memref<1x128x128xf32, #tpu.memory_space<hbm>>
      %dma_wait3A_52 = tpu.memref_squeeze %dma_wait3A_51 : memref<1x128x128xf32, #tpu.memory_space<hbm>> -> memref<128x128xf32, #tpu.memory_space<hbm>>
      %dma_wait3A_53 = arith.constant 0 : i32
      %dma_wait3A_54 = tpu.memref_slice %arg6[%add3A_42, %dma_wait3A_53] : memref<10240x128xf32, #tpu.memory_space<vmem_shared>> -> memref<128x128xf32, #tpu.memory_space<vmem_shared>>
      tpu.wait_dma2 semaphore(%run_scoped3A : memref<!tpu.dma_semaphore, #tpu.memory_space<semaphore_mem>>) src(%dma_wait3A_54 : memref<128x128xf32, #tpu.memory_space<vmem_shared>>) dst(%dma_wait3A_52 : memref<128x128xf32, #tpu.memory_space<hbm>>)
      tpu.yield
    }) : () -> ()
    %add3A_43 = arith.constant 384 : i32
    %add3A_44 = arith.addi %mul3A_5, %add3A_43 : i32
    "tpu.region"() ({
      %run_scoped3A = tpu.sem_alloc : memref<!tpu.dma_semaphore, #tpu.memory_space<semaphore_mem>>
      %dma_start3A = arith.constant 0 : i32
      %dma_start3A_47 = tpu.memref_slice %arg3[%arg0, %add3A_44, %dma_start3A] : memref<2x10240x128xf32, #tpu.memory_space<hbm>> -> memref<1x128x128xf32, #tpu.memory_space<hbm>>
      %dma_start3A_48 = tpu.memref_squeeze %dma_start3A_47 : memref<1x128x128xf32, #tpu.memory_space<hbm>> -> memref<128x128xf32, #tpu.memory_space<hbm>>
      %dma_start3A_49 = arith.constant 0 : i32
      %dma_start3A_50 = tpu.memref_slice %arg6[%add3A_44, %dma_start3A_49] : memref<10240x128xf32, #tpu.memory_space<vmem_shared>> -> memref<128x128xf32, #tpu.memory_space<vmem_shared>>
      tpu.enqueue_dma source(%dma_start3A_50 : memref<128x128xf32, #tpu.memory_space<vmem_shared>>) target(%dma_start3A_48 : memref<128x128xf32, #tpu.memory_space<hbm>>) target_semaphore(%run_scoped3A : memref<!tpu.dma_semaphore, #tpu.memory_space<semaphore_mem>>)
      %dma_wait3A = arith.constant 0 : i32
      %dma_wait3A_51 = tpu.memref_slice %arg3[%arg0, %add3A_44, %dma_wait3A] : memref<2x10240x128xf32, #tpu.memory_space<hbm>> -> memref<1x128x128xf32, #tpu.memory_space<hbm>>
      %dma_wait3A_52 = tpu.memref_squeeze %dma_wait3A_51 : memref<1x128x128xf32, #tpu.memory_space<hbm>> -> memref<128x128xf32, #tpu.memory_space<hbm>>
      %dma_wait3A_53 = arith.constant 0 : i32
      %dma_wait3A_54 = tpu.memref_slice %arg6[%add3A_44, %dma_wait3A_53] : memref<10240x128xf32, #tpu.memory_space<vmem_shared>> -> memref<128x128xf32, #tpu.memory_space<vmem_shared>>
      tpu.wait_dma2 semaphore(%run_scoped3A : memref<!tpu.dma_semaphore, #tpu.memory_space<semaphore_mem>>) src(%dma_wait3A_54 : memref<128x128xf32, #tpu.memory_space<vmem_shared>>) dst(%dma_wait3A_52 : memref<128x128xf32, #tpu.memory_space<hbm>>)
      tpu.yield
    }) : () -> ()
    %add3A_45 = arith.constant 512 : i32
    %add3A_46 = arith.addi %mul3A_5, %add3A_45 : i32
    "tpu.region"() ({
      %run_scoped3A = tpu.sem_alloc : memref<!tpu.dma_semaphore, #tpu.memory_space<semaphore_mem>>
      %dma_start3A = arith.constant 0 : i32
      %dma_start3A_47 = tpu.memref_slice %arg3[%arg0, %add3A_46, %dma_start3A] : memref<2x10240x128xf32, #tpu.memory_space<hbm>> -> memref<1x128x128xf32, #tpu.memory_space<hbm>>
      %dma_start3A_48 = tpu.memref_squeeze %dma_start3A_47 : memref<1x128x128xf32, #tpu.memory_space<hbm>> -> memref<128x128xf32, #tpu.memory_space<hbm>>
      %dma_start3A_49 = arith.constant 0 : i32
      %dma_start3A_50 = tpu.memref_slice %arg6[%add3A_46, %dma_start3A_49] : memref<10240x128xf32, #tpu.memory_space<vmem_shared>> -> memref<128x128xf32, #tpu.memory_space<vmem_shared>>
      tpu.enqueue_dma source(%dma_start3A_50 : memref<128x128xf32, #tpu.memory_space<vmem_shared>>) target(%dma_start3A_48 : memref<128x128xf32, #tpu.memory_space<hbm>>) target_semaphore(%run_scoped3A : memref<!tpu.dma_semaphore, #tpu.memory_space<semaphore_mem>>)
      %dma_wait3A = arith.constant 0 : i32
      %dma_wait3A_51 = tpu.memref_slice %arg3[%arg0, %add3A_46, %dma_wait3A] : memref<2x10240x128xf32, #tpu.memory_space<hbm>> -> memref<1x128x128xf32, #tpu.memory_space<hbm>>
      %dma_wait3A_52 = tpu.memref_squeeze %dma_wait3A_51 : memref<1x128x128xf32, #tpu.memory_space<hbm>> -> memref<128x128xf32, #tpu.memory_space<hbm>>
      %dma_wait3A_53 = arith.constant 0 : i32
      %dma_wait3A_54 = tpu.memref_slice %arg6[%add3A_46, %dma_wait3A_53] : memref<10240x128xf32, #tpu.memory_space<vmem_shared>> -> memref<128x128xf32, #tpu.memory_space<vmem_shared>>
      tpu.wait_dma2 semaphore(%run_scoped3A : memref<!tpu.dma_semaphore, #tpu.memory_space<semaphore_mem>>) src(%dma_wait3A_54 : memref<128x128xf32, #tpu.memory_space<vmem_shared>>) dst(%dma_wait3A_52 : memref<128x128xf32, #tpu.memory_space<hbm>>)
      tpu.yield
    }) : () -> ()
    return
  }
}

#map = affine_map<(d0, d1) -> (0, 0)>
#map1 = affine_map<(d0, d1) -> (0, 0, 0)>
module attributes {stable_mosaic.version = 14 : i64} {
  func.func @body(%arg0: i32, %arg1: i32, %arg2: memref<10000x128xf32, #tpu.memory_space<hbm>>, %arg3: memref<2528x2x128xi32, #tpu.memory_space<hbm>>, %arg4: memref<2x10240x128xf32, #tpu.memory_space<hbm>>, %arg5: memref<2x128xi32, #tpu.memory_space<vmem>>, %arg6: memref<2x128xi32, #tpu.memory_space<vmem>>, %arg7: memref<128x128xf32, #tpu.memory_space<vmem>>, %arg8: memref<128x128xf32, #tpu.memory_space<vmem>>, %arg9: memref<10240x128xf32, #tpu.memory_space<vmem_shared>>, %arg10: memref<!tpu.dma_semaphore, #tpu.memory_space<semaphore_mem>>, %arg11: memref<!tpu.dma_semaphore, #tpu.memory_space<semaphore_mem>>, %arg12: memref<!tpu.dma_semaphore, #tpu.memory_space<semaphore_mem>>, %arg13: memref<!tpu.dma_semaphore, #tpu.memory_space<semaphore_mem>>) attributes {dimension_semantics = [#tpu.dimension_semantics<core_parallel>, #tpu.dimension_semantics<subcore_parallel>], iteration_bounds = array<i64: 2, 16>, scalar_prefetch = 0 : i64, scratch_operands = 9 : i64, tpu.core_type = #tpu.core_type<sc_vector_subcore>, window_params = [{transform_indices = #map}, {transform_indices = #map1}, {transform_indices = #map1}]} {
    %mul3A = arith.constant 16 : i32
    %mul3A_0 = arith.muli %arg0, %mul3A : i32
    %add3A = arith.addi %mul3A_0, %arg1 : i32
    %mul3A_1 = arith.constant 79 : i32
    %mul3A_2 = arith.muli %add3A, %mul3A_1 : i32
    %broadcast_in_dim3A = arith.constant 0.000000e+00 : f32
    %broadcast_in_dim3A_3 = vector.broadcast %broadcast_in_dim3A : f32 to vector<16xf32>
    %mul3A_4 = arith.constant 640 : i32
    %mul3A_5 = arith.muli %arg1, %mul3A_4 : i32
    %add3A_6 = arith.constant 0 : i32
    %add3A_7 = arith.addi %mul3A_2, %add3A_6 : i32
    %dma_start3A = arith.constant 0 : i32
    %dma_start3A_8 = arith.constant 0 : i32
    %dma_start3A_9 = tpu.memref_slice %arg3[%add3A_7, %dma_start3A, %dma_start3A_8] : memref<2528x2x128xi32, #tpu.memory_space<hbm>> -> memref<1x2x128xi32, #tpu.memory_space<hbm>>
    %dma_start3A_10 = tpu.memref_squeeze %dma_start3A_9 : memref<1x2x128xi32, #tpu.memory_space<hbm>> -> memref<2x128xi32, #tpu.memory_space<hbm>>
    %dma_start3A_11 = arith.constant 0 : i32
    %dma_start3A_12 = arith.constant 0 : i32
    %dma_start3A_13 = tpu.memref_slice %arg3[%add3A_7, %dma_start3A_11, %dma_start3A_12] : memref<2528x2x128xi32, #tpu.memory_space<hbm>> -> memref<1x2x128xi32, #tpu.memory_space<hbm>>
    %dma_start3A_14 = tpu.memref_squeeze %dma_start3A_13 : memref<1x2x128xi32, #tpu.memory_space<hbm>> -> memref<2x128xi32, #tpu.memory_space<hbm>>
    tpu.enqueue_dma source(%dma_start3A_14 : memref<2x128xi32, #tpu.memory_space<hbm>>) target(%arg5 : memref<2x128xi32, #tpu.memory_space<vmem>>) target_semaphore(%arg12 : memref<!tpu.dma_semaphore, #tpu.memory_space<semaphore_mem>>)
    %dma_wait3A = arith.constant 0 : i32
    %dma_wait3A_15 = arith.constant 0 : i32
    %dma_wait3A_16 = arith.constant 0 : i32
    %dma_wait3A_17 = tpu.memref_slice %arg3[%dma_wait3A, %dma_wait3A_15, %dma_wait3A_16] : memref<2528x2x128xi32, #tpu.memory_space<hbm>> -> memref<1x2x128xi32, #tpu.memory_space<hbm>>
    %dma_wait3A_18 = tpu.memref_squeeze %dma_wait3A_17 : memref<1x2x128xi32, #tpu.memory_space<hbm>> -> memref<2x128xi32, #tpu.memory_space<hbm>>
    %dma_wait3A_19 = arith.constant 0 : i32
    %dma_wait3A_20 = arith.constant 0 : i32
    %dma_wait3A_21 = tpu.memref_slice %arg3[%dma_wait3A, %dma_wait3A_19, %dma_wait3A_20] : memref<2528x2x128xi32, #tpu.memory_space<hbm>> -> memref<1x2x128xi32, #tpu.memory_space<hbm>>
    %dma_wait3A_22 = tpu.memref_squeeze %dma_wait3A_21 : memref<1x2x128xi32, #tpu.memory_space<hbm>> -> memref<2x128xi32, #tpu.memory_space<hbm>>
    tpu.wait_dma2 semaphore(%arg12 : memref<!tpu.dma_semaphore, #tpu.memory_space<semaphore_mem>>) src(%dma_wait3A_22 : memref<2x128xi32, #tpu.memory_space<hbm>>) dst(%arg5 : memref<2x128xi32, #tpu.memory_space<vmem>>)
    %dma_start3A_23 = arith.constant 0 : i32
    %dma_start3A_24 = arith.constant 0 : i32
    %dma_start3A_25 = tpu.memref_slice %arg5[%dma_start3A_23, %dma_start3A_24] : memref<2x128xi32, #tpu.memory_space<vmem>> -> memref<1x128xi32, #tpu.memory_space<vmem>>
    %dma_start3A_26 = tpu.memref_squeeze %dma_start3A_25 : memref<1x128xi32, #tpu.memory_space<vmem>> -> memref<128xi32, #tpu.memory_space<vmem>>
    %dma_start3A_27 = arith.constant 0 : i32
    %dma_start3A_28 = arith.constant 0 : i32
    %dma_start3A_29 = tpu.memref_slice %arg2[%dma_start3A_27, %dma_start3A_28] : memref<10000x128xf32, #tpu.memory_space<hbm>> -> memref<10000x128xf32, #tpu.memory_space<hbm>>
    tpu.enqueue_indirect_dma source(%dma_start3A_29 : memref<10000x128xf32, #tpu.memory_space<hbm>>) target(%arg7 : memref<128x128xf32, #tpu.memory_space<vmem>>) offsets(%dma_start3A_26 : memref<128xi32, #tpu.memory_space<vmem>>) semaphore(%arg10 : memref<!tpu.dma_semaphore, #tpu.memory_space<semaphore_mem>>)
    %add3A_30 = arith.constant 1 : i32
    %add3A_31 = arith.addi %mul3A_2, %add3A_30 : i32
    %dma_start3A_32 = arith.constant 0 : i32
    %dma_start3A_33 = arith.constant 0 : i32
    %dma_start3A_34 = tpu.memref_slice %arg3[%add3A_31, %dma_start3A_32, %dma_start3A_33] : memref<2528x2x128xi32, #tpu.memory_space<hbm>> -> memref<1x2x128xi32, #tpu.memory_space<hbm>>
    %dma_start3A_35 = tpu.memref_squeeze %dma_start3A_34 : memref<1x2x128xi32, #tpu.memory_space<hbm>> -> memref<2x128xi32, #tpu.memory_space<hbm>>
    %dma_start3A_36 = arith.constant 0 : i32
    %dma_start3A_37 = arith.constant 0 : i32
    %dma_start3A_38 = tpu.memref_slice %arg3[%add3A_31, %dma_start3A_36, %dma_start3A_37] : memref<2528x2x128xi32, #tpu.memory_space<hbm>> -> memref<1x2x128xi32, #tpu.memory_space<hbm>>
    %dma_start3A_39 = tpu.memref_squeeze %dma_start3A_38 : memref<1x2x128xi32, #tpu.memory_space<hbm>> -> memref<2x128xi32, #tpu.memory_space<hbm>>
    tpu.enqueue_dma source(%dma_start3A_39 : memref<2x128xi32, #tpu.memory_space<hbm>>) target(%arg6 : memref<2x128xi32, #tpu.memory_space<vmem>>) target_semaphore(%arg13 : memref<!tpu.dma_semaphore, #tpu.memory_space<semaphore_mem>>)
    %scan3A = arith.constant 0 : i32
    %scan3A_40 = arith.constant 0 : i32
    %scan3A_41 = arith.constant 128 : i32
    %scan3A_42 = arith.addi %scan3A_40, %scan3A_41 : i32
    %scan3A_43 = arith.constant 1 : i32
    %scan3A_44 = scf.for %scan3A_81 = %scan3A_40 to %scan3A_42 step %scan3A_43 iter_args(%scan3A_82 = %scan3A) -> (i32)  : i32 {
      %swap3A = arith.index_cast %scan3A_81 : i32 to index
      %swap3A_83 = arith.constant 0 : index
      %swap3A_84 = tpu.vector_load %arg8[%swap3A, %swap3A_83] {strides = array<i32>} : memref<128x128xf32, #tpu.memory_space<vmem>>, vector<1x16xf32>,
      %swap3A_85 = vector.shape_cast %swap3A_84 : vector<1x16xf32> to vector<16xf32>
      %swap3A_86 = vector.shape_cast %broadcast_in_dim3A_3 : vector<16xf32> to vector<1x16xf32>
      tpu.vector_store %arg8[%swap3A, %swap3A_83], %swap3A_86 {strides = array<i32>} : memref<128x128xf32, #tpu.memory_space<vmem>>, vector<1x16xf32>,
      %swap3A_87 = arith.index_cast %scan3A_81 : i32 to index
      %swap3A_88 = arith.constant 16 : index
      %swap3A_89 = tpu.vector_load %arg8[%swap3A_87, %swap3A_88] {strides = array<i32>} : memref<128x128xf32, #tpu.memory_space<vmem>>, vector<1x16xf32>,
      %swap3A_90 = vector.shape_cast %swap3A_89 : vector<1x16xf32> to vector<16xf32>
      %swap3A_91 = vector.shape_cast %broadcast_in_dim3A_3 : vector<16xf32> to vector<1x16xf32>
      tpu.vector_store %arg8[%swap3A_87, %swap3A_88], %swap3A_91 {strides = array<i32>} : memref<128x128xf32, #tpu.memory_space<vmem>>, vector<1x16xf32>,
      %swap3A_92 = arith.index_cast %scan3A_81 : i32 to index
      %swap3A_93 = arith.constant 32 : index
      %swap3A_94 = tpu.vector_load %arg8[%swap3A_92, %swap3A_93] {strides = array<i32>} : memref<128x128xf32, #tpu.memory_space<vmem>>, vector<1x16xf32>,
      %swap3A_95 = vector.shape_cast %swap3A_94 : vector<1x16xf32> to vector<16xf32>
      %swap3A_96 = vector.shape_cast %broadcast_in_dim3A_3 : vector<16xf32> to vector<1x16xf32>
      tpu.vector_store %arg8[%swap3A_92, %swap3A_93], %swap3A_96 {strides = array<i32>} : memref<128x128xf32, #tpu.memory_space<vmem>>, vector<1x16xf32>,
      %swap3A_97 = arith.index_cast %scan3A_81 : i32 to index
      %swap3A_98 = arith.constant 48 : index
      %swap3A_99 = tpu.vector_load %arg8[%swap3A_97, %swap3A_98] {strides = array<i32>} : memref<128x128xf32, #tpu.memory_space<vmem>>, vector<1x16xf32>,
      %swap3A_100 = vector.shape_cast %swap3A_99 : vector<1x16xf32> to vector<16xf32>
      %swap3A_101 = vector.shape_cast %broadcast_in_dim3A_3 : vector<16xf32> to vector<1x16xf32>
      tpu.vector_store %arg8[%swap3A_97, %swap3A_98], %swap3A_101 {strides = array<i32>} : memref<128x128xf32, #tpu.memory_space<vmem>>, vector<1x16xf32>,
      %swap3A_102 = arith.index_cast %scan3A_81 : i32 to index
      %swap3A_103 = arith.constant 64 : index
      %swap3A_104 = tpu.vector_load %arg8[%swap3A_102, %swap3A_103] {strides = array<i32>} : memref<128x128xf32, #tpu.memory_space<vmem>>, vector<1x16xf32>,
      %swap3A_105 = vector.shape_cast %swap3A_104 : vector<1x16xf32> to vector<16xf32>
      %swap3A_106 = vector.shape_cast %broadcast_in_dim3A_3 : vector<16xf32> to vector<1x16xf32>
      tpu.vector_store %arg8[%swap3A_102, %swap3A_103], %swap3A_106 {strides = array<i32>} : memref<128x128xf32, #tpu.memory_space<vmem>>, vector<1x16xf32>,
      %swap3A_107 = arith.index_cast %scan3A_81 : i32 to index
      %swap3A_108 = arith.constant 80 : index
      %swap3A_109 = tpu.vector_load %arg8[%swap3A_107, %swap3A_108] {strides = array<i32>} : memref<128x128xf32, #tpu.memory_space<vmem>>, vector<1x16xf32>,
      %swap3A_110 = vector.shape_cast %swap3A_109 : vector<1x16xf32> to vector<16xf32>
      %swap3A_111 = vector.shape_cast %broadcast_in_dim3A_3 : vector<16xf32> to vector<1x16xf32>
      tpu.vector_store %arg8[%swap3A_107, %swap3A_108], %swap3A_111 {strides = array<i32>} : memref<128x128xf32, #tpu.memory_space<vmem>>, vector<1x16xf32>,
      %swap3A_112 = arith.index_cast %scan3A_81 : i32 to index
      %swap3A_113 = arith.constant 96 : index
      %swap3A_114 = tpu.vector_load %arg8[%swap3A_112, %swap3A_113] {strides = array<i32>} : memref<128x128xf32, #tpu.memory_space<vmem>>, vector<1x16xf32>,
      %swap3A_115 = vector.shape_cast %swap3A_114 : vector<1x16xf32> to vector<16xf32>
      %swap3A_116 = vector.shape_cast %broadcast_in_dim3A_3 : vector<16xf32> to vector<1x16xf32>
      tpu.vector_store %arg8[%swap3A_112, %swap3A_113], %swap3A_116 {strides = array<i32>} : memref<128x128xf32, #tpu.memory_space<vmem>>, vector<1x16xf32>,
      %swap3A_117 = arith.index_cast %scan3A_81 : i32 to index
      %swap3A_118 = arith.constant 112 : index
      %swap3A_119 = tpu.vector_load %arg8[%swap3A_117, %swap3A_118] {strides = array<i32>} : memref<128x128xf32, #tpu.memory_space<vmem>>, vector<1x16xf32>,
      %swap3A_120 = vector.shape_cast %swap3A_119 : vector<1x16xf32> to vector<16xf32>
      %swap3A_121 = vector.shape_cast %broadcast_in_dim3A_3 : vector<16xf32> to vector<1x16xf32>
      tpu.vector_store %arg8[%swap3A_117, %swap3A_118], %swap3A_121 {strides = array<i32>} : memref<128x128xf32, #tpu.memory_space<vmem>>, vector<1x16xf32>,
      %scan3A_122 = arith.constant 0 : i32
      scf.yield %scan3A_122 : i32
    }
    %scan3A_45 = arith.constant 128 : i32
    %add3A_46 = arith.constant 0 : i32
    %add3A_47 = arith.addi %mul3A_5, %add3A_46 : i32
    "tpu.region"() ({
      %run_scoped3A_81 = tpu.sem_alloc : memref<!tpu.dma_semaphore, #tpu.memory_space<semaphore_mem>>
      %dma_start3A_82 = arith.constant 0 : i32
      %dma_start3A_83 = tpu.memref_slice %arg9[%add3A_47, %dma_start3A_82] : memref<10240x128xf32, #tpu.memory_space<vmem_shared>> -> memref<128x128xf32, #tpu.memory_space<vmem_shared>>
      %dma_start3A_84 = arith.constant 0 : i32
      %dma_start3A_85 = tpu.memref_slice %arg9[%add3A_47, %dma_start3A_84] : memref<10240x128xf32, #tpu.memory_space<vmem_shared>> -> memref<128x128xf32, #tpu.memory_space<vmem_shared>>
      tpu.enqueue_dma source(%arg8 : memref<128x128xf32, #tpu.memory_space<vmem>>) target(%dma_start3A_85 : memref<128x128xf32, #tpu.memory_space<vmem_shared>>) target_semaphore(%run_scoped3A_81 : memref<!tpu.dma_semaphore, #tpu.memory_space<semaphore_mem>>)
      %dma_wait3A_86 = arith.constant 0 : i32
      %dma_wait3A_87 = tpu.memref_slice %arg9[%add3A_47, %dma_wait3A_86] : memref<10240x128xf32, #tpu.memory_space<vmem_shared>> -> memref<128x128xf32, #tpu.memory_space<vmem_shared>>
      %dma_wait3A_88 = arith.constant 0 : i32
      %dma_wait3A_89 = tpu.memref_slice %arg9[%add3A_47, %dma_wait3A_88] : memref<10240x128xf32, #tpu.memory_space<vmem_shared>> -> memref<128x128xf32, #tpu.memory_space<vmem_shared>>
      tpu.wait_dma2 semaphore(%run_scoped3A_81 : memref<!tpu.dma_semaphore, #tpu.memory_space<semaphore_mem>>) src(%arg8 : memref<128x128xf32, #tpu.memory_space<vmem>>) dst(%dma_wait3A_89 : memref<128x128xf32, #tpu.memory_space<vmem_shared>>)
      tpu.yield
    }) : () -> ()
    %add3A_48 = arith.constant 128 : i32
    %add3A_49 = arith.addi %mul3A_5, %add3A_48 : i32
    "tpu.region"() ({
      %run_scoped3A_81 = tpu.sem_alloc : memref<!tpu.dma_semaphore, #tpu.memory_space<semaphore_mem>>
      %dma_start3A_82 = arith.constant 0 : i32
      %dma_start3A_83 = tpu.memref_slice %arg9[%add3A_49, %dma_start3A_82] : memref<10240x128xf32, #tpu.memory_space<vmem_shared>> -> memref<128x128xf32, #tpu.memory_space<vmem_shared>>
      %dma_start3A_84 = arith.constant 0 : i32
      %dma_start3A_85 = tpu.memref_slice %arg9[%add3A_49, %dma_start3A_84] : memref<10240x128xf32, #tpu.memory_space<vmem_shared>> -> memref<128x128xf32, #tpu.memory_space<vmem_shared>>
      tpu.enqueue_dma source(%arg8 : memref<128x128xf32, #tpu.memory_space<vmem>>) target(%dma_start3A_85 : memref<128x128xf32, #tpu.memory_space<vmem_shared>>) target_semaphore(%run_scoped3A_81 : memref<!tpu.dma_semaphore, #tpu.memory_space<semaphore_mem>>)
      %dma_wait3A_86 = arith.constant 0 : i32
      %dma_wait3A_87 = tpu.memref_slice %arg9[%add3A_49, %dma_wait3A_86] : memref<10240x128xf32, #tpu.memory_space<vmem_shared>> -> memref<128x128xf32, #tpu.memory_space<vmem_shared>>
      %dma_wait3A_88 = arith.constant 0 : i32
      %dma_wait3A_89 = tpu.memref_slice %arg9[%add3A_49, %dma_wait3A_88] : memref<10240x128xf32, #tpu.memory_space<vmem_shared>> -> memref<128x128xf32, #tpu.memory_space<vmem_shared>>
      tpu.wait_dma2 semaphore(%run_scoped3A_81 : memref<!tpu.dma_semaphore, #tpu.memory_space<semaphore_mem>>) src(%arg8 : memref<128x128xf32, #tpu.memory_space<vmem>>) dst(%dma_wait3A_89 : memref<128x128xf32, #tpu.memory_space<vmem_shared>>)
      tpu.yield
    }) : () -> ()
    %add3A_50 = arith.constant 256 : i32
    %add3A_51 = arith.addi %mul3A_5, %add3A_50 : i32
    "tpu.region"() ({
      %run_scoped3A_81 = tpu.sem_alloc : memref<!tpu.dma_semaphore, #tpu.memory_space<semaphore_mem>>
      %dma_start3A_82 = arith.constant 0 : i32
      %dma_start3A_83 = tpu.memref_slice %arg9[%add3A_51, %dma_start3A_82] : memref<10240x128xf32, #tpu.memory_space<vmem_shared>> -> memref<128x128xf32, #tpu.memory_space<vmem_shared>>
      %dma_start3A_84 = arith.constant 0 : i32
      %dma_start3A_85 = tpu.memref_slice %arg9[%add3A_51, %dma_start3A_84] : memref<10240x128xf32, #tpu.memory_space<vmem_shared>> -> memref<128x128xf32, #tpu.memory_space<vmem_shared>>
      tpu.enqueue_dma source(%arg8 : memref<128x128xf32, #tpu.memory_space<vmem>>) target(%dma_start3A_85 : memref<128x128xf32, #tpu.memory_space<vmem_shared>>) target_semaphore(%run_scoped3A_81 : memref<!tpu.dma_semaphore, #tpu.memory_space<semaphore_mem>>)
      %dma_wait3A_86 = arith.constant 0 : i32
      %dma_wait3A_87 = tpu.memref_slice %arg9[%add3A_51, %dma_wait3A_86] : memref<10240x128xf32, #tpu.memory_space<vmem_shared>> -> memref<128x128xf32, #tpu.memory_space<vmem_shared>>
      %dma_wait3A_88 = arith.constant 0 : i32
      %dma_wait3A_89 = tpu.memref_slice %arg9[%add3A_51, %dma_wait3A_88] : memref<10240x128xf32, #tpu.memory_space<vmem_shared>> -> memref<128x128xf32, #tpu.memory_space<vmem_shared>>
      tpu.wait_dma2 semaphore(%run_scoped3A_81 : memref<!tpu.dma_semaphore, #tpu.memory_space<semaphore_mem>>) src(%arg8 : memref<128x128xf32, #tpu.memory_space<vmem>>) dst(%dma_wait3A_89 : memref<128x128xf32, #tpu.memory_space<vmem_shared>>)
      tpu.yield
    }) : () -> ()
    %add3A_52 = arith.constant 384 : i32
    %add3A_53 = arith.addi %mul3A_5, %add3A_52 : i32
    "tpu.region"() ({
      %run_scoped3A_81 = tpu.sem_alloc : memref<!tpu.dma_semaphore, #tpu.memory_space<semaphore_mem>>
      %dma_start3A_82 = arith.constant 0 : i32
      %dma_start3A_83 = tpu.memref_slice %arg9[%add3A_53, %dma_start3A_82] : memref<10240x128xf32, #tpu.memory_space<vmem_shared>> -> memref<128x128xf32, #tpu.memory_space<vmem_shared>>
      %dma_start3A_84 = arith.constant 0 : i32
      %dma_start3A_85 = tpu.memref_slice %arg9[%add3A_53, %dma_start3A_84] : memref<10240x128xf32, #tpu.memory_space<vmem_shared>> -> memref<128x128xf32, #tpu.memory_space<vmem_shared>>
      tpu.enqueue_dma source(%arg8 : memref<128x128xf32, #tpu.memory_space<vmem>>) target(%dma_start3A_85 : memref<128x128xf32, #tpu.memory_space<vmem_shared>>) target_semaphore(%run_scoped3A_81 : memref<!tpu.dma_semaphore, #tpu.memory_space<semaphore_mem>>)
      %dma_wait3A_86 = arith.constant 0 : i32
      %dma_wait3A_87 = tpu.memref_slice %arg9[%add3A_53, %dma_wait3A_86] : memref<10240x128xf32, #tpu.memory_space<vmem_shared>> -> memref<128x128xf32, #tpu.memory_space<vmem_shared>>
      %dma_wait3A_88 = arith.constant 0 : i32
      %dma_wait3A_89 = tpu.memref_slice %arg9[%add3A_53, %dma_wait3A_88] : memref<10240x128xf32, #tpu.memory_space<vmem_shared>> -> memref<128x128xf32, #tpu.memory_space<vmem_shared>>
      tpu.wait_dma2 semaphore(%run_scoped3A_81 : memref<!tpu.dma_semaphore, #tpu.memory_space<semaphore_mem>>) src(%arg8 : memref<128x128xf32, #tpu.memory_space<vmem>>) dst(%dma_wait3A_89 : memref<128x128xf32, #tpu.memory_space<vmem_shared>>)
      tpu.yield
    }) : () -> ()
    %add3A_54 = arith.constant 512 : i32
    %add3A_55 = arith.addi %mul3A_5, %add3A_54 : i32
    "tpu.region"() ({
      %run_scoped3A_81 = tpu.sem_alloc : memref<!tpu.dma_semaphore, #tpu.memory_space<semaphore_mem>>
      %dma_start3A_82 = arith.constant 0 : i32
      %dma_start3A_83 = tpu.memref_slice %arg9[%add3A_55, %dma_start3A_82] : memref<10240x128xf32, #tpu.memory_space<vmem_shared>> -> memref<128x128xf32, #tpu.memory_space<vmem_shared>>
      %dma_start3A_84 = arith.constant 0 : i32
      %dma_start3A_85 = tpu.memref_slice %arg9[%add3A_55, %dma_start3A_84] : memref<10240x128xf32, #tpu.memory_space<vmem_shared>> -> memref<128x128xf32, #tpu.memory_space<vmem_shared>>
      tpu.enqueue_dma source(%arg8 : memref<128x128xf32, #tpu.memory_space<vmem>>) target(%dma_start3A_85 : memref<128x128xf32, #tpu.memory_space<vmem_shared>>) target_semaphore(%run_scoped3A_81 : memref<!tpu.dma_semaphore, #tpu.memory_space<semaphore_mem>>)
      %dma_wait3A_86 = arith.constant 0 : i32
      %dma_wait3A_87 = tpu.memref_slice %arg9[%add3A_55, %dma_wait3A_86] : memref<10240x128xf32, #tpu.memory_space<vmem_shared>> -> memref<128x128xf32, #tpu.memory_space<vmem_shared>>
      %dma_wait3A_88 = arith.constant 0 : i32
      %dma_wait3A_89 = tpu.memref_slice %arg9[%add3A_55, %dma_wait3A_88] : memref<10240x128xf32, #tpu.memory_space<vmem_shared>> -> memref<128x128xf32, #tpu.memory_space<vmem_shared>>
      tpu.wait_dma2 semaphore(%run_scoped3A_81 : memref<!tpu.dma_semaphore, #tpu.memory_space<semaphore_mem>>) src(%arg8 : memref<128x128xf32, #tpu.memory_space<vmem>>) dst(%dma_wait3A_89 : memref<128x128xf32, #tpu.memory_space<vmem_shared>>)
      tpu.yield
    }) : () -> ()
    %barrier3A = arith.constant 0 : index
    tpu.barrier barrier_id(%barrier3A)
    %scan3A_56 = arith.constant 0 : i32
    %scan3A_57 = arith.constant 0 : i32
    %scan3A_58 = arith.constant 39 : i32
    %scan3A_59 = arith.addi %scan3A_57, %scan3A_58 : i32
    %scan3A_60 = arith.constant 1 : i32
    %scan3A_61 = scf.for %scan3A_81 = %scan3A_57 to %scan3A_59 step %scan3A_60 iter_args(%scan3A_82 = %scan3A_56) -> (i32)  : i32 {
      %mul3A_83 = arith.constant 2 : i32
      %mul3A_84 = arith.muli %mul3A_83, %scan3A_81 : i32
      %dma_wait3A_85 = arith.constant 0 : i32
      %dma_wait3A_86 = arith.constant 0 : i32
      %dma_wait3A_87 = arith.constant 0 : i32
      %dma_wait3A_88 = tpu.memref_slice %arg3[%dma_wait3A_85, %dma_wait3A_86, %dma_wait3A_87] : memref<2528x2x128xi32, #tpu.memory_space<hbm>> -> memref<1x2x128xi32, #tpu.memory_space<hbm>>
      %dma_wait3A_89 = tpu.memref_squeeze %dma_wait3A_88 : memref<1x2x128xi32, #tpu.memory_space<hbm>> -> memref<2x128xi32, #tpu.memory_space<hbm>>
      %dma_wait3A_90 = arith.constant 0 : i32
      %dma_wait3A_91 = arith.constant 0 : i32
      %dma_wait3A_92 = tpu.memref_slice %arg3[%dma_wait3A_85, %dma_wait3A_90, %dma_wait3A_91] : memref<2528x2x128xi32, #tpu.memory_space<hbm>> -> memref<1x2x128xi32, #tpu.memory_space<hbm>>
      %dma_wait3A_93 = tpu.memref_squeeze %dma_wait3A_92 : memref<1x2x128xi32, #tpu.memory_space<hbm>> -> memref<2x128xi32, #tpu.memory_space<hbm>>
      tpu.wait_dma2 semaphore(%arg13 : memref<!tpu.dma_semaphore, #tpu.memory_space<semaphore_mem>>) src(%dma_wait3A_93 : memref<2x128xi32, #tpu.memory_space<hbm>>) dst(%arg6 : memref<2x128xi32, #tpu.memory_space<vmem>>)
      %dma_wait3A_94 = arith.constant 0 : i32
      %dma_wait3A_95 = arith.constant 0 : i32
      %dma_wait3A_96 = tpu.memref_slice %arg5[%dma_wait3A_94, %dma_wait3A_95] : memref<2x128xi32, #tpu.memory_space<vmem>> -> memref<1x128xi32, #tpu.memory_space<vmem>>
      %dma_wait3A_97 = tpu.memref_squeeze %dma_wait3A_96 : memref<1x128xi32, #tpu.memory_space<vmem>> -> memref<128xi32, #tpu.memory_space<vmem>>
      %dma_wait3A_98 = arith.constant 0 : i32
      %dma_wait3A_99 = arith.constant 0 : i32
      %dma_wait3A_100 = tpu.memref_slice %arg2[%dma_wait3A_98, %dma_wait3A_99] : memref<10000x128xf32, #tpu.memory_space<hbm>> -> memref<10000x128xf32, #tpu.memory_space<hbm>>
      tpu.wait_indirect_dma semaphore(%arg10 : memref<!tpu.dma_semaphore, #tpu.memory_space<semaphore_mem>>) src(%dma_wait3A_100 : memref<10000x128xf32, #tpu.memory_space<hbm>>) dst(%arg7 : memref<128x128xf32, #tpu.memory_space<vmem>>)
      %dma_start3A_101 = arith.constant 0 : i32
      %dma_start3A_102 = arith.constant 0 : i32
      %dma_start3A_103 = tpu.memref_slice %arg6[%dma_start3A_101, %dma_start3A_102] : memref<2x128xi32, #tpu.memory_space<vmem>> -> memref<1x128xi32, #tpu.memory_space<vmem>>
      %dma_start3A_104 = tpu.memref_squeeze %dma_start3A_103 : memref<1x128xi32, #tpu.memory_space<vmem>> -> memref<128xi32, #tpu.memory_space<vmem>>
      %dma_start3A_105 = arith.constant 0 : i32
      %dma_start3A_106 = arith.constant 0 : i32
      %dma_start3A_107 = tpu.memref_slice %arg2[%dma_start3A_105, %dma_start3A_106] : memref<10000x128xf32, #tpu.memory_space<hbm>> -> memref<10000x128xf32, #tpu.memory_space<hbm>>
      tpu.enqueue_indirect_dma source(%dma_start3A_107 : memref<10000x128xf32, #tpu.memory_space<hbm>>) target(%arg8 : memref<128x128xf32, #tpu.memory_space<vmem>>) offsets(%dma_start3A_104 : memref<128xi32, #tpu.memory_space<vmem>>) semaphore(%arg11 : memref<!tpu.dma_semaphore, #tpu.memory_space<semaphore_mem>>)
      %run_scoped3A_108 = arith.constant 1 : i32
      "tpu.region"() ({
        %run_scoped3A_147 = tpu.sem_alloc : memref<!tpu.dma_semaphore, #tpu.memory_space<semaphore_mem>>
        %dma_start3A_148 = arith.constant 0 : i32
        %dma_start3A_149 = tpu.memref_slice %arg5[%run_scoped3A_108, %dma_start3A_148] : memref<2x128xi32, #tpu.memory_space<vmem>> -> memref<1x128xi32, #tpu.memory_space<vmem>>
        %dma_start3A_150 = tpu.memref_squeeze %dma_start3A_149 : memref<1x128xi32, #tpu.memory_space<vmem>> -> memref<128xi32, #tpu.memory_space<vmem>>
        %dma_start3A_151 = arith.constant 0 : i32
        %dma_start3A_152 = arith.constant 0 : i32
        %dma_start3A_153 = tpu.memref_slice %arg9[%dma_start3A_151, %dma_start3A_152] : memref<10240x128xf32, #tpu.memory_space<vmem_shared>> -> memref<10240x128xf32, #tpu.memory_space<vmem_shared>>
        tpu.enqueue_indirect_dma source(%arg7 : memref<128x128xf32, #tpu.memory_space<vmem>>) target(%dma_start3A_153 : memref<10240x128xf32, #tpu.memory_space<vmem_shared>>) offsets(%dma_start3A_150 : memref<128xi32, #tpu.memory_space<vmem>>) semaphore(%run_scoped3A_147 : memref<!tpu.dma_semaphore, #tpu.memory_space<semaphore_mem>>) {add = true}
        %dma_wait3A_154 = arith.constant 0 : i32
        %dma_wait3A_155 = tpu.memref_slice %arg5[%run_scoped3A_108, %dma_wait3A_154] : memref<2x128xi32, #tpu.memory_space<vmem>> -> memref<1x128xi32, #tpu.memory_space<vmem>>
        %dma_wait3A_156 = tpu.memref_squeeze %dma_wait3A_155 : memref<1x128xi32, #tpu.memory_space<vmem>> -> memref<128xi32, #tpu.memory_space<vmem>>
        %dma_wait3A_157 = arith.constant 0 : i32
        %dma_wait3A_158 = arith.constant 0 : i32
        %dma_wait3A_159 = tpu.memref_slice %arg9[%dma_wait3A_157, %dma_wait3A_158] : memref<10240x128xf32, #tpu.memory_space<vmem_shared>> -> memref<10240x128xf32, #tpu.memory_space<vmem_shared>>
        tpu.wait_indirect_dma semaphore(%run_scoped3A_147 : memref<!tpu.dma_semaphore, #tpu.memory_space<semaphore_mem>>) src(%arg7 : memref<128x128xf32, #tpu.memory_space<vmem>>) dst(%dma_wait3A_159 : memref<10240x128xf32, #tpu.memory_space<vmem_shared>>)
        tpu.yield
      }) : () -> ()
      %add3A_109 = arith.constant 2 : i32
      %add3A_110 = arith.addi %mul3A_84, %add3A_109 : i32
      %add3A_111 = arith.addi %mul3A_2, %add3A_110 : i32
      %dma_start3A_112 = arith.constant 0 : i32
      %dma_start3A_113 = arith.constant 0 : i32
      %dma_start3A_114 = tpu.memref_slice %arg3[%add3A_111, %dma_start3A_112, %dma_start3A_113] : memref<2528x2x128xi32, #tpu.memory_space<hbm>> -> memref<1x2x128xi32, #tpu.memory_space<hbm>>
      %dma_start3A_115 = tpu.memref_squeeze %dma_start3A_114 : memref<1x2x128xi32, #tpu.memory_space<hbm>> -> memref<2x128xi32, #tpu.memory_space<hbm>>
      %dma_start3A_116 = arith.constant 0 : i32
      %dma_start3A_117 = arith.constant 0 : i32
      %dma_start3A_118 = tpu.memref_slice %arg3[%add3A_111, %dma_start3A_116, %dma_start3A_117] : memref<2528x2x128xi32, #tpu.memory_space<hbm>> -> memref<1x2x128xi32, #tpu.memory_space<hbm>>
      %dma_start3A_119 = tpu.memref_squeeze %dma_start3A_118 : memref<1x2x128xi32, #tpu.memory_space<hbm>> -> memref<2x128xi32, #tpu.memory_space<hbm>>
      tpu.enqueue_dma source(%dma_start3A_119 : memref<2x128xi32, #tpu.memory_space<hbm>>) target(%arg5 : memref<2x128xi32, #tpu.memory_space<vmem>>) target_semaphore(%arg12 : memref<!tpu.dma_semaphore, #tpu.memory_space<semaphore_mem>>)
      %dma_wait3A_120 = arith.constant 0 : i32
      %dma_wait3A_121 = arith.constant 0 : i32
      %dma_wait3A_122 = tpu.memref_slice %arg6[%dma_wait3A_120, %dma_wait3A_121] : memref<2x128xi32, #tpu.memory_space<vmem>> -> memref<1x128xi32, #tpu.memory_space<vmem>>
      %dma_wait3A_123 = tpu.memref_squeeze %dma_wait3A_122 : memref<1x128xi32, #tpu.memory_space<vmem>> -> memref<128xi32, #tpu.memory_space<vmem>>
      %dma_wait3A_124 = arith.constant 0 : i32
      %dma_wait3A_125 = arith.constant 0 : i32
      %dma_wait3A_126 = tpu.memref_slice %arg2[%dma_wait3A_124, %dma_wait3A_125] : memref<10000x128xf32, #tpu.memory_space<hbm>> -> memref<10000x128xf32, #tpu.memory_space<hbm>>
      tpu.wait_indirect_dma semaphore(%arg11 : memref<!tpu.dma_semaphore, #tpu.memory_space<semaphore_mem>>) src(%dma_wait3A_126 : memref<10000x128xf32, #tpu.memory_space<hbm>>) dst(%arg8 : memref<128x128xf32, #tpu.memory_space<vmem>>)
      %dma_wait3A_127 = arith.constant 0 : i32
      %dma_wait3A_128 = arith.constant 0 : i32
      %dma_wait3A_129 = arith.constant 0 : i32
      %dma_wait3A_130 = tpu.memref_slice %arg3[%dma_wait3A_127, %dma_wait3A_128, %dma_wait3A_129] : memref<2528x2x128xi32, #tpu.memory_space<hbm>> -> memref<1x2x128xi32, #tpu.memory_space<hbm>>
      %dma_wait3A_131 = tpu.memref_squeeze %dma_wait3A_130 : memref<1x2x128xi32, #tpu.memory_space<hbm>> -> memref<2x128xi32, #tpu.memory_space<hbm>>
      %dma_wait3A_132 = arith.constant 0 : i32
      %dma_wait3A_133 = arith.constant 0 : i32
      %dma_wait3A_134 = tpu.memref_slice %arg3[%dma_wait3A_127, %dma_wait3A_132, %dma_wait3A_133] : memref<2528x2x128xi32, #tpu.memory_space<hbm>> -> memref<1x2x128xi32, #tpu.memory_space<hbm>>
      %dma_wait3A_135 = tpu.memref_squeeze %dma_wait3A_134 : memref<1x2x128xi32, #tpu.memory_space<hbm>> -> memref<2x128xi32, #tpu.memory_space<hbm>>
      tpu.wait_dma2 semaphore(%arg12 : memref<!tpu.dma_semaphore, #tpu.memory_space<semaphore_mem>>) src(%dma_wait3A_135 : memref<2x128xi32, #tpu.memory_space<hbm>>) dst(%arg5 : memref<2x128xi32, #tpu.memory_space<vmem>>)
      %dma_start3A_136 = arith.constant 0 : i32
      %dma_start3A_137 = arith.constant 0 : i32
      %dma_start3A_138 = tpu.memref_slice %arg5[%dma_start3A_136, %dma_start3A_137] : memref<2x128xi32, #tpu.memory_space<vmem>> -> memref<1x128xi32, #tpu.memory_space<vmem>>
      %dma_start3A_139 = tpu.memref_squeeze %dma_start3A_138 : memref<1x128xi32, #tpu.memory_space<vmem>> -> memref<128xi32, #tpu.memory_space<vmem>>
      %dma_start3A_140 = arith.constant 0 : i32
      %dma_start3A_141 = arith.constant 0 : i32
      %dma_start3A_142 = tpu.memref_slice %arg2[%dma_start3A_140, %dma_start3A_141] : memref<10000x128xf32, #tpu.memory_space<hbm>> -> memref<10000x128xf32, #tpu.memory_space<hbm>>
      tpu.enqueue_indirect_dma source(%dma_start3A_142 : memref<10000x128xf32, #tpu.memory_space<hbm>>) target(%arg7 : memref<128x128xf32, #tpu.memory_space<vmem>>) offsets(%dma_start3A_139 : memref<128xi32, #tpu.memory_space<vmem>>) semaphore(%arg10 : memref<!tpu.dma_semaphore, #tpu.memory_space<semaphore_mem>>)
      %run_scoped3A_143 = arith.constant 1 : i32
      "tpu.region"() ({
        %run_scoped3A_147 = tpu.sem_alloc : memref<!tpu.dma_semaphore, #tpu.memory_space<semaphore_mem>>
        %dma_start3A_148 = arith.constant 0 : i32
        %dma_start3A_149 = tpu.memref_slice %arg6[%run_scoped3A_143, %dma_start3A_148] : memref<2x128xi32, #tpu.memory_space<vmem>> -> memref<1x128xi32, #tpu.memory_space<vmem>>
        %dma_start3A_150 = tpu.memref_squeeze %dma_start3A_149 : memref<1x128xi32, #tpu.memory_space<vmem>> -> memref<128xi32, #tpu.memory_space<vmem>>
        %dma_start3A_151 = arith.constant 0 : i32
        %dma_start3A_152 = arith.constant 0 : i32
        %dma_start3A_153 = tpu.memref_slice %arg9[%dma_start3A_151, %dma_start3A_152] : memref<10240x128xf32, #tpu.memory_space<vmem_shared>> -> memref<10240x128xf32, #tpu.memory_space<vmem_shared>>
        tpu.enqueue_indirect_dma source(%arg8 : memref<128x128xf32, #tpu.memory_space<vmem>>) target(%dma_start3A_153 : memref<10240x128xf32, #tpu.memory_space<vmem_shared>>) offsets(%dma_start3A_150 : memref<128xi32, #tpu.memory_space<vmem>>) semaphore(%run_scoped3A_147 : memref<!tpu.dma_semaphore, #tpu.memory_space<semaphore_mem>>) {add = true}
        %dma_wait3A_154 = arith.constant 0 : i32
        %dma_wait3A_155 = tpu.memref_slice %arg6[%run_scoped3A_143, %dma_wait3A_154] : memref<2x128xi32, #tpu.memory_space<vmem>> -> memref<1x128xi32, #tpu.memory_space<vmem>>
        %dma_wait3A_156 = tpu.memref_squeeze %dma_wait3A_155 : memref<1x128xi32, #tpu.memory_space<vmem>> -> memref<128xi32, #tpu.memory_space<vmem>>
        %dma_wait3A_157 = arith.constant 0 : i32
        %dma_wait3A_158 = arith.constant 0 : i32
        %dma_wait3A_159 = tpu.memref_slice %arg9[%dma_wait3A_157, %dma_wait3A_158] : memref<10240x128xf32, #tpu.memory_space<vmem_shared>> -> memref<10240x128xf32, #tpu.memory_space<vmem_shared>>
        tpu.wait_indirect_dma semaphore(%run_scoped3A_147 : memref<!tpu.dma_semaphore, #tpu.memory_space<semaphore_mem>>) src(%arg8 : memref<128x128xf32, #tpu.memory_space<vmem>>) dst(%dma_wait3A_159 : memref<10240x128xf32, #tpu.memory_space<vmem_shared>>)
        tpu.yield
      }) : () -> ()
      %lt3A = arith.constant 38 : i32
      %lt3A_144 = arith.cmpi slt, %scan3A_81, %lt3A : i32
      %convert_element_type3A = arith.extui %lt3A_144 : i1 to i32
      %cond3A = arith.constant 0 : i32
      %cond3A_145 = arith.cmpi ne, %convert_element_type3A, %cond3A : i32
      scf.if %cond3A_145 {
        %add3A_147 = arith.constant 3 : i32
        %add3A_148 = arith.addi %mul3A_84, %add3A_147 : i32
        %add3A_149 = arith.addi %mul3A_2, %add3A_148 : i32
        %dma_start3A_150 = arith.constant 0 : i32
        %dma_start3A_151 = arith.constant 0 : i32
        %dma_start3A_152 = tpu.memref_slice %arg3[%add3A_149, %dma_start3A_150, %dma_start3A_151] : memref<2528x2x128xi32, #tpu.memory_space<hbm>> -> memref<1x2x128xi32, #tpu.memory_space<hbm>>
        %dma_start3A_153 = tpu.memref_squeeze %dma_start3A_152 : memref<1x2x128xi32, #tpu.memory_space<hbm>> -> memref<2x128xi32, #tpu.memory_space<hbm>>
        %dma_start3A_154 = arith.constant 0 : i32
        %dma_start3A_155 = arith.constant 0 : i32
        %dma_start3A_156 = tpu.memref_slice %arg3[%add3A_149, %dma_start3A_154, %dma_start3A_155] : memref<2528x2x128xi32, #tpu.memory_space<hbm>> -> memref<1x2x128xi32, #tpu.memory_space<hbm>>
        %dma_start3A_157 = tpu.memref_squeeze %dma_start3A_156 : memref<1x2x128xi32, #tpu.memory_space<hbm>> -> memref<2x128xi32, #tpu.memory_space<hbm>>
        tpu.enqueue_dma source(%dma_start3A_157 : memref<2x128xi32, #tpu.memory_space<hbm>>) target(%arg6 : memref<2x128xi32, #tpu.memory_space<vmem>>) target_semaphore(%arg13 : memref<!tpu.dma_semaphore, #tpu.memory_space<semaphore_mem>>)
      } else {
      }
      %scan3A_146 = arith.constant 0 : i32
      scf.yield %scan3A_146 : i32
    }
    %scan3A_62 = arith.constant 39 : i32
    %dma_wait3A_63 = arith.constant 0 : i32
    %dma_wait3A_64 = arith.constant 0 : i32
    %dma_wait3A_65 = tpu.memref_slice %arg5[%dma_wait3A_63, %dma_wait3A_64] : memref<2x128xi32, #tpu.memory_space<vmem>> -> memref<1x128xi32, #tpu.memory_space<vmem>>
    %dma_wait3A_66 = tpu.memref_squeeze %dma_wait3A_65 : memref<1x128xi32, #tpu.memory_space<vmem>> -> memref<128xi32, #tpu.memory_space<vmem>>
    %dma_wait3A_67 = arith.constant 0 : i32
    %dma_wait3A_68 = arith.constant 0 : i32
    %dma_wait3A_69 = tpu.memref_slice %arg2[%dma_wait3A_67, %dma_wait3A_68] : memref<10000x128xf32, #tpu.memory_space<hbm>> -> memref<10000x128xf32, #tpu.memory_space<hbm>>
    tpu.wait_indirect_dma semaphore(%arg10 : memref<!tpu.dma_semaphore, #tpu.memory_space<semaphore_mem>>) src(%dma_wait3A_69 : memref<10000x128xf32, #tpu.memory_space<hbm>>) dst(%arg7 : memref<128x128xf32, #tpu.memory_space<vmem>>)
    %run_scoped3A = arith.constant 1 : i32
    "tpu.region"() ({
      %run_scoped3A_81 = tpu.sem_alloc : memref<!tpu.dma_semaphore, #tpu.memory_space<semaphore_mem>>
      %dma_start3A_82 = arith.constant 0 : i32
      %dma_start3A_83 = tpu.memref_slice %arg5[%run_scoped3A, %dma_start3A_82] : memref<2x128xi32, #tpu.memory_space<vmem>> -> memref<1x128xi32, #tpu.memory_space<vmem>>
      %dma_start3A_84 = tpu.memref_squeeze %dma_start3A_83 : memref<1x128xi32, #tpu.memory_space<vmem>> -> memref<128xi32, #tpu.memory_space<vmem>>
      %dma_start3A_85 = arith.constant 0 : i32
      %dma_start3A_86 = arith.constant 0 : i32
      %dma_start3A_87 = tpu.memref_slice %arg9[%dma_start3A_85, %dma_start3A_86] : memref<10240x128xf32, #tpu.memory_space<vmem_shared>> -> memref<10240x128xf32, #tpu.memory_space<vmem_shared>>
      tpu.enqueue_indirect_dma source(%arg7 : memref<128x128xf32, #tpu.memory_space<vmem>>) target(%dma_start3A_87 : memref<10240x128xf32, #tpu.memory_space<vmem_shared>>) offsets(%dma_start3A_84 : memref<128xi32, #tpu.memory_space<vmem>>) semaphore(%run_scoped3A_81 : memref<!tpu.dma_semaphore, #tpu.memory_space<semaphore_mem>>) {add = true}
      %dma_wait3A_88 = arith.constant 0 : i32
      %dma_wait3A_89 = tpu.memref_slice %arg5[%run_scoped3A, %dma_wait3A_88] : memref<2x128xi32, #tpu.memory_space<vmem>> -> memref<1x128xi32, #tpu.memory_space<vmem>>
      %dma_wait3A_90 = tpu.memref_squeeze %dma_wait3A_89 : memref<1x128xi32, #tpu.memory_space<vmem>> -> memref<128xi32, #tpu.memory_space<vmem>>
      %dma_wait3A_91 = arith.constant 0 : i32
      %dma_wait3A_92 = arith.constant 0 : i32
      %dma_wait3A_93 = tpu.memref_slice %arg9[%dma_wait3A_91, %dma_wait3A_92] : memref<10240x128xf32, #tpu.memory_space<vmem_shared>> -> memref<10240x128xf32, #tpu.memory_space<vmem_shared>>
      tpu.wait_indirect_dma semaphore(%run_scoped3A_81 : memref<!tpu.dma_semaphore, #tpu.memory_space<semaphore_mem>>) src(%arg7 : memref<128x128xf32, #tpu.memory_space<vmem>>) dst(%dma_wait3A_93 : memref<10240x128xf32, #tpu.memory_space<vmem_shared>>)
      tpu.yield
    }) : () -> ()
    %barrier3A_70 = arith.constant 0 : index
    tpu.barrier barrier_id(%barrier3A_70)
    %add3A_71 = arith.constant 0 : i32
    %add3A_72 = arith.addi %mul3A_5, %add3A_71 : i32
    "tpu.region"() ({
      %run_scoped3A_81 = tpu.sem_alloc : memref<!tpu.dma_semaphore, #tpu.memory_space<semaphore_mem>>
      %dma_start3A_82 = arith.constant 0 : i32
      %dma_start3A_83 = tpu.memref_slice %arg4[%arg0, %add3A_72, %dma_start3A_82] : memref<2x10240x128xf32, #tpu.memory_space<hbm>> -> memref<1x128x128xf32, #tpu.memory_space<hbm>>
      %dma_start3A_84 = tpu.memref_squeeze %dma_start3A_83 : memref<1x128x128xf32, #tpu.memory_space<hbm>> -> memref<128x128xf32, #tpu.memory_space<hbm>>
      %dma_start3A_85 = arith.constant 0 : i32
      %dma_start3A_86 = tpu.memref_slice %arg9[%add3A_72, %dma_start3A_85] : memref<10240x128xf32, #tpu.memory_space<vmem_shared>> -> memref<128x128xf32, #tpu.memory_space<vmem_shared>>
      tpu.enqueue_dma source(%dma_start3A_86 : memref<128x128xf32, #tpu.memory_space<vmem_shared>>) target(%dma_start3A_84 : memref<128x128xf32, #tpu.memory_space<hbm>>) target_semaphore(%run_scoped3A_81 : memref<!tpu.dma_semaphore, #tpu.memory_space<semaphore_mem>>)
      %dma_wait3A_87 = arith.constant 0 : i32
      %dma_wait3A_88 = tpu.memref_slice %arg4[%arg0, %add3A_72, %dma_wait3A_87] : memref<2x10240x128xf32, #tpu.memory_space<hbm>> -> memref<1x128x128xf32, #tpu.memory_space<hbm>>
      %dma_wait3A_89 = tpu.memref_squeeze %dma_wait3A_88 : memref<1x128x128xf32, #tpu.memory_space<hbm>> -> memref<128x128xf32, #tpu.memory_space<hbm>>
      %dma_wait3A_90 = arith.constant 0 : i32
      %dma_wait3A_91 = tpu.memref_slice %arg9[%add3A_72, %dma_wait3A_90] : memref<10240x128xf32, #tpu.memory_space<vmem_shared>> -> memref<128x128xf32, #tpu.memory_space<vmem_shared>>
      tpu.wait_dma2 semaphore(%run_scoped3A_81 : memref<!tpu.dma_semaphore, #tpu.memory_space<semaphore_mem>>) src(%dma_wait3A_91 : memref<128x128xf32, #tpu.memory_space<vmem_shared>>) dst(%dma_wait3A_89 : memref<128x128xf32, #tpu.memory_space<hbm>>)
      tpu.yield
    }) : () -> ()
    %add3A_73 = arith.constant 128 : i32
    %add3A_74 = arith.addi %mul3A_5, %add3A_73 : i32
    "tpu.region"() ({
      %run_scoped3A_81 = tpu.sem_alloc : memref<!tpu.dma_semaphore, #tpu.memory_space<semaphore_mem>>
      %dma_start3A_82 = arith.constant 0 : i32
      %dma_start3A_83 = tpu.memref_slice %arg4[%arg0, %add3A_74, %dma_start3A_82] : memref<2x10240x128xf32, #tpu.memory_space<hbm>> -> memref<1x128x128xf32, #tpu.memory_space<hbm>>
      %dma_start3A_84 = tpu.memref_squeeze %dma_start3A_83 : memref<1x128x128xf32, #tpu.memory_space<hbm>> -> memref<128x128xf32, #tpu.memory_space<hbm>>
      %dma_start3A_85 = arith.constant 0 : i32
      %dma_start3A_86 = tpu.memref_slice %arg9[%add3A_74, %dma_start3A_85] : memref<10240x128xf32, #tpu.memory_space<vmem_shared>> -> memref<128x128xf32, #tpu.memory_space<vmem_shared>>
      tpu.enqueue_dma source(%dma_start3A_86 : memref<128x128xf32, #tpu.memory_space<vmem_shared>>) target(%dma_start3A_84 : memref<128x128xf32, #tpu.memory_space<hbm>>) target_semaphore(%run_scoped3A_81 : memref<!tpu.dma_semaphore, #tpu.memory_space<semaphore_mem>>)
      %dma_wait3A_87 = arith.constant 0 : i32
      %dma_wait3A_88 = tpu.memref_slice %arg4[%arg0, %add3A_74, %dma_wait3A_87] : memref<2x10240x128xf32, #tpu.memory_space<hbm>> -> memref<1x128x128xf32, #tpu.memory_space<hbm>>
      %dma_wait3A_89 = tpu.memref_squeeze %dma_wait3A_88 : memref<1x128x128xf32, #tpu.memory_space<hbm>> -> memref<128x128xf32, #tpu.memory_space<hbm>>
      %dma_wait3A_90 = arith.constant 0 : i32
      %dma_wait3A_91 = tpu.memref_slice %arg9[%add3A_74, %dma_wait3A_90] : memref<10240x128xf32, #tpu.memory_space<vmem_shared>> -> memref<128x128xf32, #tpu.memory_space<vmem_shared>>
      tpu.wait_dma2 semaphore(%run_scoped3A_81 : memref<!tpu.dma_semaphore, #tpu.memory_space<semaphore_mem>>) src(%dma_wait3A_91 : memref<128x128xf32, #tpu.memory_space<vmem_shared>>) dst(%dma_wait3A_89 : memref<128x128xf32, #tpu.memory_space<hbm>>)
      tpu.yield
    }) : () -> ()
    %add3A_75 = arith.constant 256 : i32
    %add3A_76 = arith.addi %mul3A_5, %add3A_75 : i32
    "tpu.region"() ({
      %run_scoped3A_81 = tpu.sem_alloc : memref<!tpu.dma_semaphore, #tpu.memory_space<semaphore_mem>>
      %dma_start3A_82 = arith.constant 0 : i32
      %dma_start3A_83 = tpu.memref_slice %arg4[%arg0, %add3A_76, %dma_start3A_82] : memref<2x10240x128xf32, #tpu.memory_space<hbm>> -> memref<1x128x128xf32, #tpu.memory_space<hbm>>
      %dma_start3A_84 = tpu.memref_squeeze %dma_start3A_83 : memref<1x128x128xf32, #tpu.memory_space<hbm>> -> memref<128x128xf32, #tpu.memory_space<hbm>>
      %dma_start3A_85 = arith.constant 0 : i32
      %dma_start3A_86 = tpu.memref_slice %arg9[%add3A_76, %dma_start3A_85] : memref<10240x128xf32, #tpu.memory_space<vmem_shared>> -> memref<128x128xf32, #tpu.memory_space<vmem_shared>>
      tpu.enqueue_dma source(%dma_start3A_86 : memref<128x128xf32, #tpu.memory_space<vmem_shared>>) target(%dma_start3A_84 : memref<128x128xf32, #tpu.memory_space<hbm>>) target_semaphore(%run_scoped3A_81 : memref<!tpu.dma_semaphore, #tpu.memory_space<semaphore_mem>>)
      %dma_wait3A_87 = arith.constant 0 : i32
      %dma_wait3A_88 = tpu.memref_slice %arg4[%arg0, %add3A_76, %dma_wait3A_87] : memref<2x10240x128xf32, #tpu.memory_space<hbm>> -> memref<1x128x128xf32, #tpu.memory_space<hbm>>
      %dma_wait3A_89 = tpu.memref_squeeze %dma_wait3A_88 : memref<1x128x128xf32, #tpu.memory_space<hbm>> -> memref<128x128xf32, #tpu.memory_space<hbm>>
      %dma_wait3A_90 = arith.constant 0 : i32
      %dma_wait3A_91 = tpu.memref_slice %arg9[%add3A_76, %dma_wait3A_90] : memref<10240x128xf32, #tpu.memory_space<vmem_shared>> -> memref<128x128xf32, #tpu.memory_space<vmem_shared>>
      tpu.wait_dma2 semaphore(%run_scoped3A_81 : memref<!tpu.dma_semaphore, #tpu.memory_space<semaphore_mem>>) src(%dma_wait3A_91 : memref<128x128xf32, #tpu.memory_space<vmem_shared>>) dst(%dma_wait3A_89 : memref<128x128xf32, #tpu.memory_space<hbm>>)
      tpu.yield
    }) : () -> ()
    %add3A_77 = arith.constant 384 : i32
    %add3A_78 = arith.addi %mul3A_5, %add3A_77 : i32
    "tpu.region"() ({
      %run_scoped3A_81 = tpu.sem_alloc : memref<!tpu.dma_semaphore, #tpu.memory_space<semaphore_mem>>
      %dma_start3A_82 = arith.constant 0 : i32
      %dma_start3A_83 = tpu.memref_slice %arg4[%arg0, %add3A_78, %dma_start3A_82] : memref<2x10240x128xf32, #tpu.memory_space<hbm>> -> memref<1x128x128xf32, #tpu.memory_space<hbm>>
      %dma_start3A_84 = tpu.memref_squeeze %dma_start3A_83 : memref<1x128x128xf32, #tpu.memory_space<hbm>> -> memref<128x128xf32, #tpu.memory_space<hbm>>
      %dma_start3A_85 = arith.constant 0 : i32
      %dma_start3A_86 = tpu.memref_slice %arg9[%add3A_78, %dma_start3A_85] : memref<10240x128xf32, #tpu.memory_space<vmem_shared>> -> memref<128x128xf32, #tpu.memory_space<vmem_shared>>
      tpu.enqueue_dma source(%dma_start3A_86 : memref<128x128xf32, #tpu.memory_space<vmem_shared>>) target(%dma_start3A_84 : memref<128x128xf32, #tpu.memory_space<hbm>>) target_semaphore(%run_scoped3A_81 : memref<!tpu.dma_semaphore, #tpu.memory_space<semaphore_mem>>)
      %dma_wait3A_87 = arith.constant 0 : i32
      %dma_wait3A_88 = tpu.memref_slice %arg4[%arg0, %add3A_78, %dma_wait3A_87] : memref<2x10240x128xf32, #tpu.memory_space<hbm>> -> memref<1x128x128xf32, #tpu.memory_space<hbm>>
      %dma_wait3A_89 = tpu.memref_squeeze %dma_wait3A_88 : memref<1x128x128xf32, #tpu.memory_space<hbm>> -> memref<128x128xf32, #tpu.memory_space<hbm>>
      %dma_wait3A_90 = arith.constant 0 : i32
      %dma_wait3A_91 = tpu.memref_slice %arg9[%add3A_78, %dma_wait3A_90] : memref<10240x128xf32, #tpu.memory_space<vmem_shared>> -> memref<128x128xf32, #tpu.memory_space<vmem_shared>>
      tpu.wait_dma2 semaphore(%run_scoped3A_81 : memref<!tpu.dma_semaphore, #tpu.memory_space<semaphore_mem>>) src(%dma_wait3A_91 : memref<128x128xf32, #tpu.memory_space<vmem_shared>>) dst(%dma_wait3A_89 : memref<128x128xf32, #tpu.memory_space<hbm>>)
      tpu.yield
    }) : () -> ()
    %add3A_79 = arith.constant 512 : i32
    %add3A_80 = arith.addi %mul3A_5, %add3A_79 : i32
    "tpu.region"() ({
      %run_scoped3A_81 = tpu.sem_alloc : memref<!tpu.dma_semaphore, #tpu.memory_space<semaphore_mem>>
      %dma_start3A_82 = arith.constant 0 : i32
      %dma_start3A_83 = tpu.memref_slice %arg4[%arg0, %add3A_80, %dma_start3A_82] : memref<2x10240x128xf32, #tpu.memory_space<hbm>> -> memref<1x128x128xf32, #tpu.memory_space<hbm>>
      %dma_start3A_84 = tpu.memref_squeeze %dma_start3A_83 : memref<1x128x128xf32, #tpu.memory_space<hbm>> -> memref<128x128xf32, #tpu.memory_space<hbm>>
      %dma_start3A_85 = arith.constant 0 : i32
      %dma_start3A_86 = tpu.memref_slice %arg9[%add3A_80, %dma_start3A_85] : memref<10240x128xf32, #tpu.memory_space<vmem_shared>> -> memref<128x128xf32, #tpu.memory_space<vmem_shared>>
      tpu.enqueue_dma source(%dma_start3A_86 : memref<128x128xf32, #tpu.memory_space<vmem_shared>>) target(%dma_start3A_84 : memref<128x128xf32, #tpu.memory_space<hbm>>) target_semaphore(%run_scoped3A_81 : memref<!tpu.dma_semaphore, #tpu.memory_space<semaphore_mem>>)
      %dma_wait3A_87 = arith.constant 0 : i32
      %dma_wait3A_88 = tpu.memref_slice %arg4[%arg0, %add3A_80, %dma_wait3A_87] : memref<2x10240x128xf32, #tpu.memory_space<hbm>> -> memref<1x128x128xf32, #tpu.memory_space<hbm>>
      %dma_wait3A_89 = tpu.memref_squeeze %dma_wait3A_88 : memref<1x128x128xf32, #tpu.memory_space<hbm>> -> memref<128x128xf32, #tpu.memory_space<hbm>>
      %dma_wait3A_90 = arith.constant 0 : i32
      %dma_wait3A_91 = tpu.memref_slice %arg9[%add3A_80, %dma_wait3A_90] : memref<10240x128xf32, #tpu.memory_space<vmem_shared>> -> memref<128x128xf32, #tpu.memory_space<vmem_shared>>
      tpu.wait_dma2 semaphore(%run_scoped3A_81 : memref<!tpu.dma_semaphore, #tpu.memory_space<semaphore_mem>>) src(%dma_wait3A_91 : memref<128x128xf32, #tpu.memory_space<vmem_shared>>) dst(%dma_wait3A_89 : memref<128x128xf32, #tpu.memory_space<hbm>>)
      tpu.yield
    }) : () -> ()
    return
  }
}

#map = affine_map<(d0, d1) -> (0, 0)>
#map1 = affine_map<(d0, d1) -> (0, 0, 0)>
module attributes {stable_mosaic.version = 14 : i64} {
  func.func @body(%arg0: i32, %arg1: i32, %arg2: memref<10000x128xf32, #tpu.memory_space<hbm>>, %arg3: memref<2528x2x128xi32, #tpu.memory_space<hbm>>, %arg4: memref<2x10240x128xf32, #tpu.memory_space<hbm>>, %arg5: memref<2x128xi32, #tpu.memory_space<vmem>>, %arg6: memref<2x128xi32, #tpu.memory_space<vmem>>, %arg7: memref<128x128xf32, #tpu.memory_space<vmem>>, %arg8: memref<128x128xf32, #tpu.memory_space<vmem>>, %arg9: memref<10240x128xf32, #tpu.memory_space<vmem_shared>>, %arg10: memref<!tpu.dma_semaphore, #tpu.memory_space<semaphore_mem>>, %arg11: memref<!tpu.dma_semaphore, #tpu.memory_space<semaphore_mem>>, %arg12: memref<!tpu.dma_semaphore, #tpu.memory_space<semaphore_mem>>, %arg13: memref<!tpu.dma_semaphore, #tpu.memory_space<semaphore_mem>>) attributes {dimension_semantics = [#tpu.dimension_semantics<core_parallel>, #tpu.dimension_semantics<subcore_parallel>], iteration_bounds = array<i64: 2, 16>, scalar_prefetch = 0 : i64, scratch_operands = 9 : i64, tpu.core_type = #tpu.core_type<sc_vector_subcore>, window_params = [{transform_indices = #map}, {transform_indices = #map1}, {transform_indices = #map1}]} {
    %mul3A = arith.constant 16 : i32
    %mul3A_0 = arith.muli %arg0, %mul3A : i32
    %add3A = arith.addi %mul3A_0, %arg1 : i32
    %mul3A_1 = arith.constant 79 : i32
    %mul3A_2 = arith.muli %add3A, %mul3A_1 : i32
    %broadcast_in_dim3A = arith.constant 0.000000e+00 : f32
    %broadcast_in_dim3A_3 = vector.broadcast %broadcast_in_dim3A : f32 to vector<16xf32>
    %mul3A_4 = arith.constant 640 : i32
    %mul3A_5 = arith.muli %arg1, %mul3A_4 : i32
    %add3A_6 = arith.constant 0 : i32
    %add3A_7 = arith.addi %mul3A_2, %add3A_6 : i32
    %dma_start3A = arith.constant 0 : i32
    %dma_start3A_8 = arith.constant 0 : i32
    %dma_start3A_9 = tpu.memref_slice %arg3[%add3A_7, %dma_start3A, %dma_start3A_8] : memref<2528x2x128xi32, #tpu.memory_space<hbm>> -> memref<1x2x128xi32, #tpu.memory_space<hbm>>
    %dma_start3A_10 = tpu.memref_squeeze %dma_start3A_9 : memref<1x2x128xi32, #tpu.memory_space<hbm>> -> memref<2x128xi32, #tpu.memory_space<hbm>>
    %dma_start3A_11 = arith.constant 0 : i32
    %dma_start3A_12 = arith.constant 0 : i32
    %dma_start3A_13 = tpu.memref_slice %arg3[%add3A_7, %dma_start3A_11, %dma_start3A_12] : memref<2528x2x128xi32, #tpu.memory_space<hbm>> -> memref<1x2x128xi32, #tpu.memory_space<hbm>>
    %dma_start3A_14 = tpu.memref_squeeze %dma_start3A_13 : memref<1x2x128xi32, #tpu.memory_space<hbm>> -> memref<2x128xi32, #tpu.memory_space<hbm>>
    tpu.enqueue_dma source(%dma_start3A_14 : memref<2x128xi32, #tpu.memory_space<hbm>>) target(%arg5 : memref<2x128xi32, #tpu.memory_space<vmem>>) target_semaphore(%arg12 : memref<!tpu.dma_semaphore, #tpu.memory_space<semaphore_mem>>)
    %dma_wait3A = arith.constant 0 : i32
    %dma_wait3A_15 = arith.constant 0 : i32
    %dma_wait3A_16 = arith.constant 0 : i32
    %dma_wait3A_17 = tpu.memref_slice %arg3[%dma_wait3A, %dma_wait3A_15, %dma_wait3A_16] : memref<2528x2x128xi32, #tpu.memory_space<hbm>> -> memref<1x2x128xi32, #tpu.memory_space<hbm>>
    %dma_wait3A_18 = tpu.memref_squeeze %dma_wait3A_17 : memref<1x2x128xi32, #tpu.memory_space<hbm>> -> memref<2x128xi32, #tpu.memory_space<hbm>>
    %dma_wait3A_19 = arith.constant 0 : i32
    %dma_wait3A_20 = arith.constant 0 : i32
    %dma_wait3A_21 = tpu.memref_slice %arg3[%dma_wait3A, %dma_wait3A_19, %dma_wait3A_20] : memref<2528x2x128xi32, #tpu.memory_space<hbm>> -> memref<1x2x128xi32, #tpu.memory_space<hbm>>
    %dma_wait3A_22 = tpu.memref_squeeze %dma_wait3A_21 : memref<1x2x128xi32, #tpu.memory_space<hbm>> -> memref<2x128xi32, #tpu.memory_space<hbm>>
    tpu.wait_dma2 semaphore(%arg12 : memref<!tpu.dma_semaphore, #tpu.memory_space<semaphore_mem>>) src(%dma_wait3A_22 : memref<2x128xi32, #tpu.memory_space<hbm>>) dst(%arg5 : memref<2x128xi32, #tpu.memory_space<vmem>>)
    %dma_start3A_23 = arith.constant 0 : i32
    %dma_start3A_24 = arith.constant 0 : i32
    %dma_start3A_25 = tpu.memref_slice %arg5[%dma_start3A_23, %dma_start3A_24] : memref<2x128xi32, #tpu.memory_space<vmem>> -> memref<1x128xi32, #tpu.memory_space<vmem>>
    %dma_start3A_26 = tpu.memref_squeeze %dma_start3A_25 : memref<1x128xi32, #tpu.memory_space<vmem>> -> memref<128xi32, #tpu.memory_space<vmem>>
    %dma_start3A_27 = arith.constant 0 : i32
    %dma_start3A_28 = arith.constant 0 : i32
    %dma_start3A_29 = tpu.memref_slice %arg2[%dma_start3A_27, %dma_start3A_28] : memref<10000x128xf32, #tpu.memory_space<hbm>> -> memref<10000x128xf32, #tpu.memory_space<hbm>>
    tpu.enqueue_indirect_dma source(%dma_start3A_29 : memref<10000x128xf32, #tpu.memory_space<hbm>>) target(%arg7 : memref<128x128xf32, #tpu.memory_space<vmem>>) offsets(%dma_start3A_26 : memref<128xi32, #tpu.memory_space<vmem>>) semaphore(%arg10 : memref<!tpu.dma_semaphore, #tpu.memory_space<semaphore_mem>>)
    %add3A_30 = arith.constant 1 : i32
    %add3A_31 = arith.addi %mul3A_2, %add3A_30 : i32
    %dma_start3A_32 = arith.constant 0 : i32
    %dma_start3A_33 = arith.constant 0 : i32
    %dma_start3A_34 = tpu.memref_slice %arg3[%add3A_31, %dma_start3A_32, %dma_start3A_33] : memref<2528x2x128xi32, #tpu.memory_space<hbm>> -> memref<1x2x128xi32, #tpu.memory_space<hbm>>
    %dma_start3A_35 = tpu.memref_squeeze %dma_start3A_34 : memref<1x2x128xi32, #tpu.memory_space<hbm>> -> memref<2x128xi32, #tpu.memory_space<hbm>>
    %dma_start3A_36 = arith.constant 0 : i32
    %dma_start3A_37 = arith.constant 0 : i32
    %dma_start3A_38 = tpu.memref_slice %arg3[%add3A_31, %dma_start3A_36, %dma_start3A_37] : memref<2528x2x128xi32, #tpu.memory_space<hbm>> -> memref<1x2x128xi32, #tpu.memory_space<hbm>>
    %dma_start3A_39 = tpu.memref_squeeze %dma_start3A_38 : memref<1x2x128xi32, #tpu.memory_space<hbm>> -> memref<2x128xi32, #tpu.memory_space<hbm>>
    tpu.enqueue_dma source(%dma_start3A_39 : memref<2x128xi32, #tpu.memory_space<hbm>>) target(%arg6 : memref<2x128xi32, #tpu.memory_space<vmem>>) target_semaphore(%arg13 : memref<!tpu.dma_semaphore, #tpu.memory_space<semaphore_mem>>)
    %scan3A = arith.constant 0 : i32
    %scan3A_40 = arith.constant 0 : i32
    %scan3A_41 = arith.constant 128 : i32
    %scan3A_42 = arith.addi %scan3A_40, %scan3A_41 : i32
    %scan3A_43 = arith.constant 1 : i32
    %scan3A_44 = scf.for %scan3A_81 = %scan3A_40 to %scan3A_42 step %scan3A_43 iter_args(%scan3A_82 = %scan3A) -> (i32)  : i32 {
      %swap3A = arith.index_cast %scan3A_81 : i32 to index
      %swap3A_83 = arith.constant 0 : index
      %swap3A_84 = tpu.vector_load %arg8[%swap3A, %swap3A_83] {strides = array<i32>} : memref<128x128xf32, #tpu.memory_space<vmem>>, vector<1x16xf32>,
      %swap3A_85 = vector.shape_cast %swap3A_84 : vector<1x16xf32> to vector<16xf32>
      %swap3A_86 = vector.shape_cast %broadcast_in_dim3A_3 : vector<16xf32> to vector<1x16xf32>
      tpu.vector_store %arg8[%swap3A, %swap3A_83], %swap3A_86 {strides = array<i32>} : memref<128x128xf32, #tpu.memory_space<vmem>>, vector<1x16xf32>,
      %swap3A_87 = arith.index_cast %scan3A_81 : i32 to index
      %swap3A_88 = arith.constant 16 : index
      %swap3A_89 = tpu.vector_load %arg8[%swap3A_87, %swap3A_88] {strides = array<i32>} : memref<128x128xf32, #tpu.memory_space<vmem>>, vector<1x16xf32>,
      %swap3A_90 = vector.shape_cast %swap3A_89 : vector<1x16xf32> to vector<16xf32>
      %swap3A_91 = vector.shape_cast %broadcast_in_dim3A_3 : vector<16xf32> to vector<1x16xf32>
      tpu.vector_store %arg8[%swap3A_87, %swap3A_88], %swap3A_91 {strides = array<i32>} : memref<128x128xf32, #tpu.memory_space<vmem>>, vector<1x16xf32>,
      %swap3A_92 = arith.index_cast %scan3A_81 : i32 to index
      %swap3A_93 = arith.constant 32 : index
      %swap3A_94 = tpu.vector_load %arg8[%swap3A_92, %swap3A_93] {strides = array<i32>} : memref<128x128xf32, #tpu.memory_space<vmem>>, vector<1x16xf32>,
      %swap3A_95 = vector.shape_cast %swap3A_94 : vector<1x16xf32> to vector<16xf32>
      %swap3A_96 = vector.shape_cast %broadcast_in_dim3A_3 : vector<16xf32> to vector<1x16xf32>
      tpu.vector_store %arg8[%swap3A_92, %swap3A_93], %swap3A_96 {strides = array<i32>} : memref<128x128xf32, #tpu.memory_space<vmem>>, vector<1x16xf32>,
      %swap3A_97 = arith.index_cast %scan3A_81 : i32 to index
      %swap3A_98 = arith.constant 48 : index
      %swap3A_99 = tpu.vector_load %arg8[%swap3A_97, %swap3A_98] {strides = array<i32>} : memref<128x128xf32, #tpu.memory_space<vmem>>, vector<1x16xf32>,
      %swap3A_100 = vector.shape_cast %swap3A_99 : vector<1x16xf32> to vector<16xf32>
      %swap3A_101 = vector.shape_cast %broadcast_in_dim3A_3 : vector<16xf32> to vector<1x16xf32>
      tpu.vector_store %arg8[%swap3A_97, %swap3A_98], %swap3A_101 {strides = array<i32>} : memref<128x128xf32, #tpu.memory_space<vmem>>, vector<1x16xf32>,
      %swap3A_102 = arith.index_cast %scan3A_81 : i32 to index
      %swap3A_103 = arith.constant 64 : index
      %swap3A_104 = tpu.vector_load %arg8[%swap3A_102, %swap3A_103] {strides = array<i32>} : memref<128x128xf32, #tpu.memory_space<vmem>>, vector<1x16xf32>,
      %swap3A_105 = vector.shape_cast %swap3A_104 : vector<1x16xf32> to vector<16xf32>
      %swap3A_106 = vector.shape_cast %broadcast_in_dim3A_3 : vector<16xf32> to vector<1x16xf32>
      tpu.vector_store %arg8[%swap3A_102, %swap3A_103], %swap3A_106 {strides = array<i32>} : memref<128x128xf32, #tpu.memory_space<vmem>>, vector<1x16xf32>,
      %swap3A_107 = arith.index_cast %scan3A_81 : i32 to index
      %swap3A_108 = arith.constant 80 : index
      %swap3A_109 = tpu.vector_load %arg8[%swap3A_107, %swap3A_108] {strides = array<i32>} : memref<128x128xf32, #tpu.memory_space<vmem>>, vector<1x16xf32>,
      %swap3A_110 = vector.shape_cast %swap3A_109 : vector<1x16xf32> to vector<16xf32>
      %swap3A_111 = vector.shape_cast %broadcast_in_dim3A_3 : vector<16xf32> to vector<1x16xf32>
      tpu.vector_store %arg8[%swap3A_107, %swap3A_108], %swap3A_111 {strides = array<i32>} : memref<128x128xf32, #tpu.memory_space<vmem>>, vector<1x16xf32>,
      %swap3A_112 = arith.index_cast %scan3A_81 : i32 to index
      %swap3A_113 = arith.constant 96 : index
      %swap3A_114 = tpu.vector_load %arg8[%swap3A_112, %swap3A_113] {strides = array<i32>} : memref<128x128xf32, #tpu.memory_space<vmem>>, vector<1x16xf32>,
      %swap3A_115 = vector.shape_cast %swap3A_114 : vector<1x16xf32> to vector<16xf32>
      %swap3A_116 = vector.shape_cast %broadcast_in_dim3A_3 : vector<16xf32> to vector<1x16xf32>
      tpu.vector_store %arg8[%swap3A_112, %swap3A_113], %swap3A_116 {strides = array<i32>} : memref<128x128xf32, #tpu.memory_space<vmem>>, vector<1x16xf32>,
      %swap3A_117 = arith.index_cast %scan3A_81 : i32 to index
      %swap3A_118 = arith.constant 112 : index
      %swap3A_119 = tpu.vector_load %arg8[%swap3A_117, %swap3A_118] {strides = array<i32>} : memref<128x128xf32, #tpu.memory_space<vmem>>, vector<1x16xf32>,
      %swap3A_120 = vector.shape_cast %swap3A_119 : vector<1x16xf32> to vector<16xf32>
      %swap3A_121 = vector.shape_cast %broadcast_in_dim3A_3 : vector<16xf32> to vector<1x16xf32>
      tpu.vector_store %arg8[%swap3A_117, %swap3A_118], %swap3A_121 {strides = array<i32>} : memref<128x128xf32, #tpu.memory_space<vmem>>, vector<1x16xf32>,
      %scan3A_122 = arith.constant 0 : i32
      scf.yield %scan3A_122 : i32
    }
    %scan3A_45 = arith.constant 128 : i32
    %add3A_46 = arith.constant 0 : i32
    %add3A_47 = arith.addi %mul3A_5, %add3A_46 : i32
    "tpu.region"() ({
      %run_scoped3A_81 = tpu.sem_alloc : memref<!tpu.dma_semaphore, #tpu.memory_space<semaphore_mem>>
      %dma_start3A_82 = arith.constant 0 : i32
      %dma_start3A_83 = tpu.memref_slice %arg9[%add3A_47, %dma_start3A_82] : memref<10240x128xf32, #tpu.memory_space<vmem_shared>> -> memref<128x128xf32, #tpu.memory_space<vmem_shared>>
      %dma_start3A_84 = arith.constant 0 : i32
      %dma_start3A_85 = tpu.memref_slice %arg9[%add3A_47, %dma_start3A_84] : memref<10240x128xf32, #tpu.memory_space<vmem_shared>> -> memref<128x128xf32, #tpu.memory_space<vmem_shared>>
      tpu.enqueue_dma source(%arg8 : memref<128x128xf32, #tpu.memory_space<vmem>>) target(%dma_start3A_85 : memref<128x128xf32, #tpu.memory_space<vmem_shared>>) target_semaphore(%run_scoped3A_81 : memref<!tpu.dma_semaphore, #tpu.memory_space<semaphore_mem>>)
      %dma_wait3A_86 = arith.constant 0 : i32
      %dma_wait3A_87 = tpu.memref_slice %arg9[%add3A_47, %dma_wait3A_86] : memref<10240x128xf32, #tpu.memory_space<vmem_shared>> -> memref<128x128xf32, #tpu.memory_space<vmem_shared>>
      %dma_wait3A_88 = arith.constant 0 : i32
      %dma_wait3A_89 = tpu.memref_slice %arg9[%add3A_47, %dma_wait3A_88] : memref<10240x128xf32, #tpu.memory_space<vmem_shared>> -> memref<128x128xf32, #tpu.memory_space<vmem_shared>>
      tpu.wait_dma2 semaphore(%run_scoped3A_81 : memref<!tpu.dma_semaphore, #tpu.memory_space<semaphore_mem>>) src(%arg8 : memref<128x128xf32, #tpu.memory_space<vmem>>) dst(%dma_wait3A_89 : memref<128x128xf32, #tpu.memory_space<vmem_shared>>)
      tpu.yield
    }) : () -> ()
    %add3A_48 = arith.constant 128 : i32
    %add3A_49 = arith.addi %mul3A_5, %add3A_48 : i32
    "tpu.region"() ({
      %run_scoped3A_81 = tpu.sem_alloc : memref<!tpu.dma_semaphore, #tpu.memory_space<semaphore_mem>>
      %dma_start3A_82 = arith.constant 0 : i32
      %dma_start3A_83 = tpu.memref_slice %arg9[%add3A_49, %dma_start3A_82] : memref<10240x128xf32, #tpu.memory_space<vmem_shared>> -> memref<128x128xf32, #tpu.memory_space<vmem_shared>>
      %dma_start3A_84 = arith.constant 0 : i32
      %dma_start3A_85 = tpu.memref_slice %arg9[%add3A_49, %dma_start3A_84] : memref<10240x128xf32, #tpu.memory_space<vmem_shared>> -> memref<128x128xf32, #tpu.memory_space<vmem_shared>>
      tpu.enqueue_dma source(%arg8 : memref<128x128xf32, #tpu.memory_space<vmem>>) target(%dma_start3A_85 : memref<128x128xf32, #tpu.memory_space<vmem_shared>>) target_semaphore(%run_scoped3A_81 : memref<!tpu.dma_semaphore, #tpu.memory_space<semaphore_mem>>)
      %dma_wait3A_86 = arith.constant 0 : i32
      %dma_wait3A_87 = tpu.memref_slice %arg9[%add3A_49, %dma_wait3A_86] : memref<10240x128xf32, #tpu.memory_space<vmem_shared>> -> memref<128x128xf32, #tpu.memory_space<vmem_shared>>
      %dma_wait3A_88 = arith.constant 0 : i32
      %dma_wait3A_89 = tpu.memref_slice %arg9[%add3A_49, %dma_wait3A_88] : memref<10240x128xf32, #tpu.memory_space<vmem_shared>> -> memref<128x128xf32, #tpu.memory_space<vmem_shared>>
      tpu.wait_dma2 semaphore(%run_scoped3A_81 : memref<!tpu.dma_semaphore, #tpu.memory_space<semaphore_mem>>) src(%arg8 : memref<128x128xf32, #tpu.memory_space<vmem>>) dst(%dma_wait3A_89 : memref<128x128xf32, #tpu.memory_space<vmem_shared>>)
      tpu.yield
    }) : () -> ()
    %add3A_50 = arith.constant 256 : i32
    %add3A_51 = arith.addi %mul3A_5, %add3A_50 : i32
    "tpu.region"() ({
      %run_scoped3A_81 = tpu.sem_alloc : memref<!tpu.dma_semaphore, #tpu.memory_space<semaphore_mem>>
      %dma_start3A_82 = arith.constant 0 : i32
      %dma_start3A_83 = tpu.memref_slice %arg9[%add3A_51, %dma_start3A_82] : memref<10240x128xf32, #tpu.memory_space<vmem_shared>> -> memref<128x128xf32, #tpu.memory_space<vmem_shared>>
      %dma_start3A_84 = arith.constant 0 : i32
      %dma_start3A_85 = tpu.memref_slice %arg9[%add3A_51, %dma_start3A_84] : memref<10240x128xf32, #tpu.memory_space<vmem_shared>> -> memref<128x128xf32, #tpu.memory_space<vmem_shared>>
      tpu.enqueue_dma source(%arg8 : memref<128x128xf32, #tpu.memory_space<vmem>>) target(%dma_start3A_85 : memref<128x128xf32, #tpu.memory_space<vmem_shared>>) target_semaphore(%run_scoped3A_81 : memref<!tpu.dma_semaphore, #tpu.memory_space<semaphore_mem>>)
      %dma_wait3A_86 = arith.constant 0 : i32
      %dma_wait3A_87 = tpu.memref_slice %arg9[%add3A_51, %dma_wait3A_86] : memref<10240x128xf32, #tpu.memory_space<vmem_shared>> -> memref<128x128xf32, #tpu.memory_space<vmem_shared>>
      %dma_wait3A_88 = arith.constant 0 : i32
      %dma_wait3A_89 = tpu.memref_slice %arg9[%add3A_51, %dma_wait3A_88] : memref<10240x128xf32, #tpu.memory_space<vmem_shared>> -> memref<128x128xf32, #tpu.memory_space<vmem_shared>>
      tpu.wait_dma2 semaphore(%run_scoped3A_81 : memref<!tpu.dma_semaphore, #tpu.memory_space<semaphore_mem>>) src(%arg8 : memref<128x128xf32, #tpu.memory_space<vmem>>) dst(%dma_wait3A_89 : memref<128x128xf32, #tpu.memory_space<vmem_shared>>)
      tpu.yield
    }) : () -> ()
    %add3A_52 = arith.constant 384 : i32
    %add3A_53 = arith.addi %mul3A_5, %add3A_52 : i32
    "tpu.region"() ({
      %run_scoped3A_81 = tpu.sem_alloc : memref<!tpu.dma_semaphore, #tpu.memory_space<semaphore_mem>>
      %dma_start3A_82 = arith.constant 0 : i32
      %dma_start3A_83 = tpu.memref_slice %arg9[%add3A_53, %dma_start3A_82] : memref<10240x128xf32, #tpu.memory_space<vmem_shared>> -> memref<128x128xf32, #tpu.memory_space<vmem_shared>>
      %dma_start3A_84 = arith.constant 0 : i32
      %dma_start3A_85 = tpu.memref_slice %arg9[%add3A_53, %dma_start3A_84] : memref<10240x128xf32, #tpu.memory_space<vmem_shared>> -> memref<128x128xf32, #tpu.memory_space<vmem_shared>>
      tpu.enqueue_dma source(%arg8 : memref<128x128xf32, #tpu.memory_space<vmem>>) target(%dma_start3A_85 : memref<128x128xf32, #tpu.memory_space<vmem_shared>>) target_semaphore(%run_scoped3A_81 : memref<!tpu.dma_semaphore, #tpu.memory_space<semaphore_mem>>)
      %dma_wait3A_86 = arith.constant 0 : i32
      %dma_wait3A_87 = tpu.memref_slice %arg9[%add3A_53, %dma_wait3A_86] : memref<10240x128xf32, #tpu.memory_space<vmem_shared>> -> memref<128x128xf32, #tpu.memory_space<vmem_shared>>
      %dma_wait3A_88 = arith.constant 0 : i32
      %dma_wait3A_89 = tpu.memref_slice %arg9[%add3A_53, %dma_wait3A_88] : memref<10240x128xf32, #tpu.memory_space<vmem_shared>> -> memref<128x128xf32, #tpu.memory_space<vmem_shared>>
      tpu.wait_dma2 semaphore(%run_scoped3A_81 : memref<!tpu.dma_semaphore, #tpu.memory_space<semaphore_mem>>) src(%arg8 : memref<128x128xf32, #tpu.memory_space<vmem>>) dst(%dma_wait3A_89 : memref<128x128xf32, #tpu.memory_space<vmem_shared>>)
      tpu.yield
    }) : () -> ()
    %add3A_54 = arith.constant 512 : i32
    %add3A_55 = arith.addi %mul3A_5, %add3A_54 : i32
    "tpu.region"() ({
      %run_scoped3A_81 = tpu.sem_alloc : memref<!tpu.dma_semaphore, #tpu.memory_space<semaphore_mem>>
      %dma_start3A_82 = arith.constant 0 : i32
      %dma_start3A_83 = tpu.memref_slice %arg9[%add3A_55, %dma_start3A_82] : memref<10240x128xf32, #tpu.memory_space<vmem_shared>> -> memref<128x128xf32, #tpu.memory_space<vmem_shared>>
      %dma_start3A_84 = arith.constant 0 : i32
      %dma_start3A_85 = tpu.memref_slice %arg9[%add3A_55, %dma_start3A_84] : memref<10240x128xf32, #tpu.memory_space<vmem_shared>> -> memref<128x128xf32, #tpu.memory_space<vmem_shared>>
      tpu.enqueue_dma source(%arg8 : memref<128x128xf32, #tpu.memory_space<vmem>>) target(%dma_start3A_85 : memref<128x128xf32, #tpu.memory_space<vmem_shared>>) target_semaphore(%run_scoped3A_81 : memref<!tpu.dma_semaphore, #tpu.memory_space<semaphore_mem>>)
      %dma_wait3A_86 = arith.constant 0 : i32
      %dma_wait3A_87 = tpu.memref_slice %arg9[%add3A_55, %dma_wait3A_86] : memref<10240x128xf32, #tpu.memory_space<vmem_shared>> -> memref<128x128xf32, #tpu.memory_space<vmem_shared>>
      %dma_wait3A_88 = arith.constant 0 : i32
      %dma_wait3A_89 = tpu.memref_slice %arg9[%add3A_55, %dma_wait3A_88] : memref<10240x128xf32, #tpu.memory_space<vmem_shared>> -> memref<128x128xf32, #tpu.memory_space<vmem_shared>>
      tpu.wait_dma2 semaphore(%run_scoped3A_81 : memref<!tpu.dma_semaphore, #tpu.memory_space<semaphore_mem>>) src(%arg8 : memref<128x128xf32, #tpu.memory_space<vmem>>) dst(%dma_wait3A_89 : memref<128x128xf32, #tpu.memory_space<vmem_shared>>)
      tpu.yield
    }) : () -> ()
    %barrier3A = arith.constant 0 : index
    tpu.barrier barrier_id(%barrier3A)
    %scan3A_56 = arith.constant 0 : i32
    %scan3A_57 = arith.constant 0 : i32
    %scan3A_58 = arith.constant 39 : i32
    %scan3A_59 = arith.addi %scan3A_57, %scan3A_58 : i32
    %scan3A_60 = arith.constant 1 : i32
    %scan3A_61 = scf.for %scan3A_81 = %scan3A_57 to %scan3A_59 step %scan3A_60 iter_args(%scan3A_82 = %scan3A_56) -> (i32)  : i32 {
      %mul3A_83 = arith.constant 2 : i32
      %mul3A_84 = arith.muli %mul3A_83, %scan3A_81 : i32
      %dma_wait3A_85 = arith.constant 0 : i32
      %dma_wait3A_86 = arith.constant 0 : i32
      %dma_wait3A_87 = arith.constant 0 : i32
      %dma_wait3A_88 = tpu.memref_slice %arg3[%dma_wait3A_85, %dma_wait3A_86, %dma_wait3A_87] : memref<2528x2x128xi32, #tpu.memory_space<hbm>> -> memref<1x2x128xi32, #tpu.memory_space<hbm>>
      %dma_wait3A_89 = tpu.memref_squeeze %dma_wait3A_88 : memref<1x2x128xi32, #tpu.memory_space<hbm>> -> memref<2x128xi32, #tpu.memory_space<hbm>>
      %dma_wait3A_90 = arith.constant 0 : i32
      %dma_wait3A_91 = arith.constant 0 : i32
      %dma_wait3A_92 = tpu.memref_slice %arg3[%dma_wait3A_85, %dma_wait3A_90, %dma_wait3A_91] : memref<2528x2x128xi32, #tpu.memory_space<hbm>> -> memref<1x2x128xi32, #tpu.memory_space<hbm>>
      %dma_wait3A_93 = tpu.memref_squeeze %dma_wait3A_92 : memref<1x2x128xi32, #tpu.memory_space<hbm>> -> memref<2x128xi32, #tpu.memory_space<hbm>>
      tpu.wait_dma2 semaphore(%arg13 : memref<!tpu.dma_semaphore, #tpu.memory_space<semaphore_mem>>) src(%dma_wait3A_93 : memref<2x128xi32, #tpu.memory_space<hbm>>) dst(%arg6 : memref<2x128xi32, #tpu.memory_space<vmem>>)
      %dma_wait3A_94 = arith.constant 0 : i32
      %dma_wait3A_95 = arith.constant 0 : i32
      %dma_wait3A_96 = tpu.memref_slice %arg5[%dma_wait3A_94, %dma_wait3A_95] : memref<2x128xi32, #tpu.memory_space<vmem>> -> memref<1x128xi32, #tpu.memory_space<vmem>>
      %dma_wait3A_97 = tpu.memref_squeeze %dma_wait3A_96 : memref<1x128xi32, #tpu.memory_space<vmem>> -> memref<128xi32, #tpu.memory_space<vmem>>
      %dma_wait3A_98 = arith.constant 0 : i32
      %dma_wait3A_99 = arith.constant 0 : i32
      %dma_wait3A_100 = tpu.memref_slice %arg2[%dma_wait3A_98, %dma_wait3A_99] : memref<10000x128xf32, #tpu.memory_space<hbm>> -> memref<10000x128xf32, #tpu.memory_space<hbm>>
      tpu.wait_indirect_dma semaphore(%arg10 : memref<!tpu.dma_semaphore, #tpu.memory_space<semaphore_mem>>) src(%dma_wait3A_100 : memref<10000x128xf32, #tpu.memory_space<hbm>>) dst(%arg7 : memref<128x128xf32, #tpu.memory_space<vmem>>)
      %dma_start3A_101 = arith.constant 0 : i32
      %dma_start3A_102 = arith.constant 0 : i32
      %dma_start3A_103 = tpu.memref_slice %arg6[%dma_start3A_101, %dma_start3A_102] : memref<2x128xi32, #tpu.memory_space<vmem>> -> memref<1x128xi32, #tpu.memory_space<vmem>>
      %dma_start3A_104 = tpu.memref_squeeze %dma_start3A_103 : memref<1x128xi32, #tpu.memory_space<vmem>> -> memref<128xi32, #tpu.memory_space<vmem>>
      %dma_start3A_105 = arith.constant 0 : i32
      %dma_start3A_106 = arith.constant 0 : i32
      %dma_start3A_107 = tpu.memref_slice %arg2[%dma_start3A_105, %dma_start3A_106] : memref<10000x128xf32, #tpu.memory_space<hbm>> -> memref<10000x128xf32, #tpu.memory_space<hbm>>
      tpu.enqueue_indirect_dma source(%dma_start3A_107 : memref<10000x128xf32, #tpu.memory_space<hbm>>) target(%arg8 : memref<128x128xf32, #tpu.memory_space<vmem>>) offsets(%dma_start3A_104 : memref<128xi32, #tpu.memory_space<vmem>>) semaphore(%arg11 : memref<!tpu.dma_semaphore, #tpu.memory_space<semaphore_mem>>)
      %run_scoped3A_108 = arith.constant 1 : i32
      "tpu.region"() ({
        %run_scoped3A_147 = tpu.sem_alloc : memref<!tpu.dma_semaphore, #tpu.memory_space<semaphore_mem>>
        %dma_start3A_148 = arith.constant 0 : i32
        %dma_start3A_149 = tpu.memref_slice %arg5[%run_scoped3A_108, %dma_start3A_148] : memref<2x128xi32, #tpu.memory_space<vmem>> -> memref<1x128xi32, #tpu.memory_space<vmem>>
        %dma_start3A_150 = tpu.memref_squeeze %dma_start3A_149 : memref<1x128xi32, #tpu.memory_space<vmem>> -> memref<128xi32, #tpu.memory_space<vmem>>
        %dma_start3A_151 = arith.constant 0 : i32
        %dma_start3A_152 = arith.constant 0 : i32
        %dma_start3A_153 = tpu.memref_slice %arg9[%dma_start3A_151, %dma_start3A_152] : memref<10240x128xf32, #tpu.memory_space<vmem_shared>> -> memref<10240x128xf32, #tpu.memory_space<vmem_shared>>
        tpu.enqueue_indirect_dma source(%arg7 : memref<128x128xf32, #tpu.memory_space<vmem>>) target(%dma_start3A_153 : memref<10240x128xf32, #tpu.memory_space<vmem_shared>>) offsets(%dma_start3A_150 : memref<128xi32, #tpu.memory_space<vmem>>) semaphore(%run_scoped3A_147 : memref<!tpu.dma_semaphore, #tpu.memory_space<semaphore_mem>>) {add = true}
        %dma_wait3A_154 = arith.constant 0 : i32
        %dma_wait3A_155 = tpu.memref_slice %arg5[%run_scoped3A_108, %dma_wait3A_154] : memref<2x128xi32, #tpu.memory_space<vmem>> -> memref<1x128xi32, #tpu.memory_space<vmem>>
        %dma_wait3A_156 = tpu.memref_squeeze %dma_wait3A_155 : memref<1x128xi32, #tpu.memory_space<vmem>> -> memref<128xi32, #tpu.memory_space<vmem>>
        %dma_wait3A_157 = arith.constant 0 : i32
        %dma_wait3A_158 = arith.constant 0 : i32
        %dma_wait3A_159 = tpu.memref_slice %arg9[%dma_wait3A_157, %dma_wait3A_158] : memref<10240x128xf32, #tpu.memory_space<vmem_shared>> -> memref<10240x128xf32, #tpu.memory_space<vmem_shared>>
        tpu.wait_indirect_dma semaphore(%run_scoped3A_147 : memref<!tpu.dma_semaphore, #tpu.memory_space<semaphore_mem>>) src(%arg7 : memref<128x128xf32, #tpu.memory_space<vmem>>) dst(%dma_wait3A_159 : memref<10240x128xf32, #tpu.memory_space<vmem_shared>>)
        tpu.yield
      }) : () -> ()
      %add3A_109 = arith.constant 2 : i32
      %add3A_110 = arith.addi %mul3A_84, %add3A_109 : i32
      %add3A_111 = arith.addi %mul3A_2, %add3A_110 : i32
      %dma_start3A_112 = arith.constant 0 : i32
      %dma_start3A_113 = arith.constant 0 : i32
      %dma_start3A_114 = tpu.memref_slice %arg3[%add3A_111, %dma_start3A_112, %dma_start3A_113] : memref<2528x2x128xi32, #tpu.memory_space<hbm>> -> memref<1x2x128xi32, #tpu.memory_space<hbm>>
      %dma_start3A_115 = tpu.memref_squeeze %dma_start3A_114 : memref<1x2x128xi32, #tpu.memory_space<hbm>> -> memref<2x128xi32, #tpu.memory_space<hbm>>
      %dma_start3A_116 = arith.constant 0 : i32
      %dma_start3A_117 = arith.constant 0 : i32
      %dma_start3A_118 = tpu.memref_slice %arg3[%add3A_111, %dma_start3A_116, %dma_start3A_117] : memref<2528x2x128xi32, #tpu.memory_space<hbm>> -> memref<1x2x128xi32, #tpu.memory_space<hbm>>
      %dma_start3A_119 = tpu.memref_squeeze %dma_start3A_118 : memref<1x2x128xi32, #tpu.memory_space<hbm>> -> memref<2x128xi32, #tpu.memory_space<hbm>>
      tpu.enqueue_dma source(%dma_start3A_119 : memref<2x128xi32, #tpu.memory_space<hbm>>) target(%arg5 : memref<2x128xi32, #tpu.memory_space<vmem>>) target_semaphore(%arg12 : memref<!tpu.dma_semaphore, #tpu.memory_space<semaphore_mem>>)
      %dma_wait3A_120 = arith.constant 0 : i32
      %dma_wait3A_121 = arith.constant 0 : i32
      %dma_wait3A_122 = tpu.memref_slice %arg6[%dma_wait3A_120, %dma_wait3A_121] : memref<2x128xi32, #tpu.memory_space<vmem>> -> memref<1x128xi32, #tpu.memory_space<vmem>>
      %dma_wait3A_123 = tpu.memref_squeeze %dma_wait3A_122 : memref<1x128xi32, #tpu.memory_space<vmem>> -> memref<128xi32, #tpu.memory_space<vmem>>
      %dma_wait3A_124 = arith.constant 0 : i32
      %dma_wait3A_125 = arith.constant 0 : i32
      %dma_wait3A_126 = tpu.memref_slice %arg2[%dma_wait3A_124, %dma_wait3A_125] : memref<10000x128xf32, #tpu.memory_space<hbm>> -> memref<10000x128xf32, #tpu.memory_space<hbm>>
      tpu.wait_indirect_dma semaphore(%arg11 : memref<!tpu.dma_semaphore, #tpu.memory_space<semaphore_mem>>) src(%dma_wait3A_126 : memref<10000x128xf32, #tpu.memory_space<hbm>>) dst(%arg8 : memref<128x128xf32, #tpu.memory_space<vmem>>)
      %dma_wait3A_127 = arith.constant 0 : i32
      %dma_wait3A_128 = arith.constant 0 : i32
      %dma_wait3A_129 = arith.constant 0 : i32
      %dma_wait3A_130 = tpu.memref_slice %arg3[%dma_wait3A_127, %dma_wait3A_128, %dma_wait3A_129] : memref<2528x2x128xi32, #tpu.memory_space<hbm>> -> memref<1x2x128xi32, #tpu.memory_space<hbm>>
      %dma_wait3A_131 = tpu.memref_squeeze %dma_wait3A_130 : memref<1x2x128xi32, #tpu.memory_space<hbm>> -> memref<2x128xi32, #tpu.memory_space<hbm>>
      %dma_wait3A_132 = arith.constant 0 : i32
      %dma_wait3A_133 = arith.constant 0 : i32
      %dma_wait3A_134 = tpu.memref_slice %arg3[%dma_wait3A_127, %dma_wait3A_132, %dma_wait3A_133] : memref<2528x2x128xi32, #tpu.memory_space<hbm>> -> memref<1x2x128xi32, #tpu.memory_space<hbm>>
      %dma_wait3A_135 = tpu.memref_squeeze %dma_wait3A_134 : memref<1x2x128xi32, #tpu.memory_space<hbm>> -> memref<2x128xi32, #tpu.memory_space<hbm>>
      tpu.wait_dma2 semaphore(%arg12 : memref<!tpu.dma_semaphore, #tpu.memory_space<semaphore_mem>>) src(%dma_wait3A_135 : memref<2x128xi32, #tpu.memory_space<hbm>>) dst(%arg5 : memref<2x128xi32, #tpu.memory_space<vmem>>)
      %dma_start3A_136 = arith.constant 0 : i32
      %dma_start3A_137 = arith.constant 0 : i32
      %dma_start3A_138 = tpu.memref_slice %arg5[%dma_start3A_136, %dma_start3A_137] : memref<2x128xi32, #tpu.memory_space<vmem>> -> memref<1x128xi32, #tpu.memory_space<vmem>>
      %dma_start3A_139 = tpu.memref_squeeze %dma_start3A_138 : memref<1x128xi32, #tpu.memory_space<vmem>> -> memref<128xi32, #tpu.memory_space<vmem>>
      %dma_start3A_140 = arith.constant 0 : i32
      %dma_start3A_141 = arith.constant 0 : i32
      %dma_start3A_142 = tpu.memref_slice %arg2[%dma_start3A_140, %dma_start3A_141] : memref<10000x128xf32, #tpu.memory_space<hbm>> -> memref<10000x128xf32, #tpu.memory_space<hbm>>
      tpu.enqueue_indirect_dma source(%dma_start3A_142 : memref<10000x128xf32, #tpu.memory_space<hbm>>) target(%arg7 : memref<128x128xf32, #tpu.memory_space<vmem>>) offsets(%dma_start3A_139 : memref<128xi32, #tpu.memory_space<vmem>>) semaphore(%arg10 : memref<!tpu.dma_semaphore, #tpu.memory_space<semaphore_mem>>)
      %run_scoped3A_143 = arith.constant 1 : i32
      "tpu.region"() ({
        %run_scoped3A_147 = tpu.sem_alloc : memref<!tpu.dma_semaphore, #tpu.memory_space<semaphore_mem>>
        %dma_start3A_148 = arith.constant 0 : i32
        %dma_start3A_149 = tpu.memref_slice %arg6[%run_scoped3A_143, %dma_start3A_148] : memref<2x128xi32, #tpu.memory_space<vmem>> -> memref<1x128xi32, #tpu.memory_space<vmem>>
        %dma_start3A_150 = tpu.memref_squeeze %dma_start3A_149 : memref<1x128xi32, #tpu.memory_space<vmem>> -> memref<128xi32, #tpu.memory_space<vmem>>
        %dma_start3A_151 = arith.constant 0 : i32
        %dma_start3A_152 = arith.constant 0 : i32
        %dma_start3A_153 = tpu.memref_slice %arg9[%dma_start3A_151, %dma_start3A_152] : memref<10240x128xf32, #tpu.memory_space<vmem_shared>> -> memref<10240x128xf32, #tpu.memory_space<vmem_shared>>
        tpu.enqueue_indirect_dma source(%arg8 : memref<128x128xf32, #tpu.memory_space<vmem>>) target(%dma_start3A_153 : memref<10240x128xf32, #tpu.memory_space<vmem_shared>>) offsets(%dma_start3A_150 : memref<128xi32, #tpu.memory_space<vmem>>) semaphore(%run_scoped3A_147 : memref<!tpu.dma_semaphore, #tpu.memory_space<semaphore_mem>>) {add = true}
        %dma_wait3A_154 = arith.constant 0 : i32
        %dma_wait3A_155 = tpu.memref_slice %arg6[%run_scoped3A_143, %dma_wait3A_154] : memref<2x128xi32, #tpu.memory_space<vmem>> -> memref<1x128xi32, #tpu.memory_space<vmem>>
        %dma_wait3A_156 = tpu.memref_squeeze %dma_wait3A_155 : memref<1x128xi32, #tpu.memory_space<vmem>> -> memref<128xi32, #tpu.memory_space<vmem>>
        %dma_wait3A_157 = arith.constant 0 : i32
        %dma_wait3A_158 = arith.constant 0 : i32
        %dma_wait3A_159 = tpu.memref_slice %arg9[%dma_wait3A_157, %dma_wait3A_158] : memref<10240x128xf32, #tpu.memory_space<vmem_shared>> -> memref<10240x128xf32, #tpu.memory_space<vmem_shared>>
        tpu.wait_indirect_dma semaphore(%run_scoped3A_147 : memref<!tpu.dma_semaphore, #tpu.memory_space<semaphore_mem>>) src(%arg8 : memref<128x128xf32, #tpu.memory_space<vmem>>) dst(%dma_wait3A_159 : memref<10240x128xf32, #tpu.memory_space<vmem_shared>>)
        tpu.yield
      }) : () -> ()
      %lt3A = arith.constant 38 : i32
      %lt3A_144 = arith.cmpi slt, %scan3A_81, %lt3A : i32
      %convert_element_type3A = arith.extui %lt3A_144 : i1 to i32
      %cond3A = arith.constant 0 : i32
      %cond3A_145 = arith.cmpi ne, %convert_element_type3A, %cond3A : i32
      scf.if %cond3A_145 {
        %add3A_147 = arith.constant 3 : i32
        %add3A_148 = arith.addi %mul3A_84, %add3A_147 : i32
        %add3A_149 = arith.addi %mul3A_2, %add3A_148 : i32
        %dma_start3A_150 = arith.constant 0 : i32
        %dma_start3A_151 = arith.constant 0 : i32
        %dma_start3A_152 = tpu.memref_slice %arg3[%add3A_149, %dma_start3A_150, %dma_start3A_151] : memref<2528x2x128xi32, #tpu.memory_space<hbm>> -> memref<1x2x128xi32, #tpu.memory_space<hbm>>
        %dma_start3A_153 = tpu.memref_squeeze %dma_start3A_152 : memref<1x2x128xi32, #tpu.memory_space<hbm>> -> memref<2x128xi32, #tpu.memory_space<hbm>>
        %dma_start3A_154 = arith.constant 0 : i32
        %dma_start3A_155 = arith.constant 0 : i32
        %dma_start3A_156 = tpu.memref_slice %arg3[%add3A_149, %dma_start3A_154, %dma_start3A_155] : memref<2528x2x128xi32, #tpu.memory_space<hbm>> -> memref<1x2x128xi32, #tpu.memory_space<hbm>>
        %dma_start3A_157 = tpu.memref_squeeze %dma_start3A_156 : memref<1x2x128xi32, #tpu.memory_space<hbm>> -> memref<2x128xi32, #tpu.memory_space<hbm>>
        tpu.enqueue_dma source(%dma_start3A_157 : memref<2x128xi32, #tpu.memory_space<hbm>>) target(%arg6 : memref<2x128xi32, #tpu.memory_space<vmem>>) target_semaphore(%arg13 : memref<!tpu.dma_semaphore, #tpu.memory_space<semaphore_mem>>)
      } else {
      }
      %scan3A_146 = arith.constant 0 : i32
      scf.yield %scan3A_146 : i32
    }
    %scan3A_62 = arith.constant 39 : i32
    %dma_wait3A_63 = arith.constant 0 : i32
    %dma_wait3A_64 = arith.constant 0 : i32
    %dma_wait3A_65 = tpu.memref_slice %arg5[%dma_wait3A_63, %dma_wait3A_64] : memref<2x128xi32, #tpu.memory_space<vmem>> -> memref<1x128xi32, #tpu.memory_space<vmem>>
    %dma_wait3A_66 = tpu.memref_squeeze %dma_wait3A_65 : memref<1x128xi32, #tpu.memory_space<vmem>> -> memref<128xi32, #tpu.memory_space<vmem>>
    %dma_wait3A_67 = arith.constant 0 : i32
    %dma_wait3A_68 = arith.constant 0 : i32
    %dma_wait3A_69 = tpu.memref_slice %arg2[%dma_wait3A_67, %dma_wait3A_68] : memref<10000x128xf32, #tpu.memory_space<hbm>> -> memref<10000x128xf32, #tpu.memory_space<hbm>>
    tpu.wait_indirect_dma semaphore(%arg10 : memref<!tpu.dma_semaphore, #tpu.memory_space<semaphore_mem>>) src(%dma_wait3A_69 : memref<10000x128xf32, #tpu.memory_space<hbm>>) dst(%arg7 : memref<128x128xf32, #tpu.memory_space<vmem>>)
    %run_scoped3A = arith.constant 1 : i32
    "tpu.region"() ({
      %run_scoped3A_81 = tpu.sem_alloc : memref<!tpu.dma_semaphore, #tpu.memory_space<semaphore_mem>>
      %dma_start3A_82 = arith.constant 0 : i32
      %dma_start3A_83 = tpu.memref_slice %arg5[%run_scoped3A, %dma_start3A_82] : memref<2x128xi32, #tpu.memory_space<vmem>> -> memref<1x128xi32, #tpu.memory_space<vmem>>
      %dma_start3A_84 = tpu.memref_squeeze %dma_start3A_83 : memref<1x128xi32, #tpu.memory_space<vmem>> -> memref<128xi32, #tpu.memory_space<vmem>>
      %dma_start3A_85 = arith.constant 0 : i32
      %dma_start3A_86 = arith.constant 0 : i32
      %dma_start3A_87 = tpu.memref_slice %arg9[%dma_start3A_85, %dma_start3A_86] : memref<10240x128xf32, #tpu.memory_space<vmem_shared>> -> memref<10240x128xf32, #tpu.memory_space<vmem_shared>>
      tpu.enqueue_indirect_dma source(%arg7 : memref<128x128xf32, #tpu.memory_space<vmem>>) target(%dma_start3A_87 : memref<10240x128xf32, #tpu.memory_space<vmem_shared>>) offsets(%dma_start3A_84 : memref<128xi32, #tpu.memory_space<vmem>>) semaphore(%run_scoped3A_81 : memref<!tpu.dma_semaphore, #tpu.memory_space<semaphore_mem>>) {add = true}
      %dma_wait3A_88 = arith.constant 0 : i32
      %dma_wait3A_89 = tpu.memref_slice %arg5[%run_scoped3A, %dma_wait3A_88] : memref<2x128xi32, #tpu.memory_space<vmem>> -> memref<1x128xi32, #tpu.memory_space<vmem>>
      %dma_wait3A_90 = tpu.memref_squeeze %dma_wait3A_89 : memref<1x128xi32, #tpu.memory_space<vmem>> -> memref<128xi32, #tpu.memory_space<vmem>>
      %dma_wait3A_91 = arith.constant 0 : i32
      %dma_wait3A_92 = arith.constant 0 : i32
      %dma_wait3A_93 = tpu.memref_slice %arg9[%dma_wait3A_91, %dma_wait3A_92] : memref<10240x128xf32, #tpu.memory_space<vmem_shared>> -> memref<10240x128xf32, #tpu.memory_space<vmem_shared>>
      tpu.wait_indirect_dma semaphore(%run_scoped3A_81 : memref<!tpu.dma_semaphore, #tpu.memory_space<semaphore_mem>>) src(%arg7 : memref<128x128xf32, #tpu.memory_space<vmem>>) dst(%dma_wait3A_93 : memref<10240x128xf32, #tpu.memory_space<vmem_shared>>)
      tpu.yield
    }) : () -> ()
    %barrier3A_70 = arith.constant 0 : index
    tpu.barrier barrier_id(%barrier3A_70)
    %add3A_71 = arith.constant 0 : i32
    %add3A_72 = arith.addi %mul3A_5, %add3A_71 : i32
    "tpu.region"() ({
      %run_scoped3A_81 = tpu.sem_alloc : memref<!tpu.dma_semaphore, #tpu.memory_space<semaphore_mem>>
      %dma_start3A_82 = arith.constant 0 : i32
      %dma_start3A_83 = tpu.memref_slice %arg4[%arg0, %add3A_72, %dma_start3A_82] : memref<2x10240x128xf32, #tpu.memory_space<hbm>> -> memref<1x128x128xf32, #tpu.memory_space<hbm>>
      %dma_start3A_84 = tpu.memref_squeeze %dma_start3A_83 : memref<1x128x128xf32, #tpu.memory_space<hbm>> -> memref<128x128xf32, #tpu.memory_space<hbm>>
      %dma_start3A_85 = arith.constant 0 : i32
      %dma_start3A_86 = tpu.memref_slice %arg9[%add3A_72, %dma_start3A_85] : memref<10240x128xf32, #tpu.memory_space<vmem_shared>> -> memref<128x128xf32, #tpu.memory_space<vmem_shared>>
      tpu.enqueue_dma source(%dma_start3A_86 : memref<128x128xf32, #tpu.memory_space<vmem_shared>>) target(%dma_start3A_84 : memref<128x128xf32, #tpu.memory_space<hbm>>) target_semaphore(%run_scoped3A_81 : memref<!tpu.dma_semaphore, #tpu.memory_space<semaphore_mem>>)
      %dma_wait3A_87 = arith.constant 0 : i32
      %dma_wait3A_88 = tpu.memref_slice %arg4[%arg0, %add3A_72, %dma_wait3A_87] : memref<2x10240x128xf32, #tpu.memory_space<hbm>> -> memref<1x128x128xf32, #tpu.memory_space<hbm>>
      %dma_wait3A_89 = tpu.memref_squeeze %dma_wait3A_88 : memref<1x128x128xf32, #tpu.memory_space<hbm>> -> memref<128x128xf32, #tpu.memory_space<hbm>>
      %dma_wait3A_90 = arith.constant 0 : i32
      %dma_wait3A_91 = tpu.memref_slice %arg9[%add3A_72, %dma_wait3A_90] : memref<10240x128xf32, #tpu.memory_space<vmem_shared>> -> memref<128x128xf32, #tpu.memory_space<vmem_shared>>
      tpu.wait_dma2 semaphore(%run_scoped3A_81 : memref<!tpu.dma_semaphore, #tpu.memory_space<semaphore_mem>>) src(%dma_wait3A_91 : memref<128x128xf32, #tpu.memory_space<vmem_shared>>) dst(%dma_wait3A_89 : memref<128x128xf32, #tpu.memory_space<hbm>>)
      tpu.yield
    }) : () -> ()
    %add3A_73 = arith.constant 128 : i32
    %add3A_74 = arith.addi %mul3A_5, %add3A_73 : i32
    "tpu.region"() ({
      %run_scoped3A_81 = tpu.sem_alloc : memref<!tpu.dma_semaphore, #tpu.memory_space<semaphore_mem>>
      %dma_start3A_82 = arith.constant 0 : i32
      %dma_start3A_83 = tpu.memref_slice %arg4[%arg0, %add3A_74, %dma_start3A_82] : memref<2x10240x128xf32, #tpu.memory_space<hbm>> -> memref<1x128x128xf32, #tpu.memory_space<hbm>>
      %dma_start3A_84 = tpu.memref_squeeze %dma_start3A_83 : memref<1x128x128xf32, #tpu.memory_space<hbm>> -> memref<128x128xf32, #tpu.memory_space<hbm>>
      %dma_start3A_85 = arith.constant 0 : i32
      %dma_start3A_86 = tpu.memref_slice %arg9[%add3A_74, %dma_start3A_85] : memref<10240x128xf32, #tpu.memory_space<vmem_shared>> -> memref<128x128xf32, #tpu.memory_space<vmem_shared>>
      tpu.enqueue_dma source(%dma_start3A_86 : memref<128x128xf32, #tpu.memory_space<vmem_shared>>) target(%dma_start3A_84 : memref<128x128xf32, #tpu.memory_space<hbm>>) target_semaphore(%run_scoped3A_81 : memref<!tpu.dma_semaphore, #tpu.memory_space<semaphore_mem>>)
      %dma_wait3A_87 = arith.constant 0 : i32
      %dma_wait3A_88 = tpu.memref_slice %arg4[%arg0, %add3A_74, %dma_wait3A_87] : memref<2x10240x128xf32, #tpu.memory_space<hbm>> -> memref<1x128x128xf32, #tpu.memory_space<hbm>>
      %dma_wait3A_89 = tpu.memref_squeeze %dma_wait3A_88 : memref<1x128x128xf32, #tpu.memory_space<hbm>> -> memref<128x128xf32, #tpu.memory_space<hbm>>
      %dma_wait3A_90 = arith.constant 0 : i32
      %dma_wait3A_91 = tpu.memref_slice %arg9[%add3A_74, %dma_wait3A_90] : memref<10240x128xf32, #tpu.memory_space<vmem_shared>> -> memref<128x128xf32, #tpu.memory_space<vmem_shared>>
      tpu.wait_dma2 semaphore(%run_scoped3A_81 : memref<!tpu.dma_semaphore, #tpu.memory_space<semaphore_mem>>) src(%dma_wait3A_91 : memref<128x128xf32, #tpu.memory_space<vmem_shared>>) dst(%dma_wait3A_89 : memref<128x128xf32, #tpu.memory_space<hbm>>)
      tpu.yield
    }) : () -> ()
    %add3A_75 = arith.constant 256 : i32
    %add3A_76 = arith.addi %mul3A_5, %add3A_75 : i32
    "tpu.region"() ({
      %run_scoped3A_81 = tpu.sem_alloc : memref<!tpu.dma_semaphore, #tpu.memory_space<semaphore_mem>>
      %dma_start3A_82 = arith.constant 0 : i32
      %dma_start3A_83 = tpu.memref_slice %arg4[%arg0, %add3A_76, %dma_start3A_82] : memref<2x10240x128xf32, #tpu.memory_space<hbm>> -> memref<1x128x128xf32, #tpu.memory_space<hbm>>
      %dma_start3A_84 = tpu.memref_squeeze %dma_start3A_83 : memref<1x128x128xf32, #tpu.memory_space<hbm>> -> memref<128x128xf32, #tpu.memory_space<hbm>>
      %dma_start3A_85 = arith.constant 0 : i32
      %dma_start3A_86 = tpu.memref_slice %arg9[%add3A_76, %dma_start3A_85] : memref<10240x128xf32, #tpu.memory_space<vmem_shared>> -> memref<128x128xf32, #tpu.memory_space<vmem_shared>>
      tpu.enqueue_dma source(%dma_start3A_86 : memref<128x128xf32, #tpu.memory_space<vmem_shared>>) target(%dma_start3A_84 : memref<128x128xf32, #tpu.memory_space<hbm>>) target_semaphore(%run_scoped3A_81 : memref<!tpu.dma_semaphore, #tpu.memory_space<semaphore_mem>>)
      %dma_wait3A_87 = arith.constant 0 : i32
      %dma_wait3A_88 = tpu.memref_slice %arg4[%arg0, %add3A_76, %dma_wait3A_87] : memref<2x10240x128xf32, #tpu.memory_space<hbm>> -> memref<1x128x128xf32, #tpu.memory_space<hbm>>
      %dma_wait3A_89 = tpu.memref_squeeze %dma_wait3A_88 : memref<1x128x128xf32, #tpu.memory_space<hbm>> -> memref<128x128xf32, #tpu.memory_space<hbm>>
      %dma_wait3A_90 = arith.constant 0 : i32
      %dma_wait3A_91 = tpu.memref_slice %arg9[%add3A_76, %dma_wait3A_90] : memref<10240x128xf32, #tpu.memory_space<vmem_shared>> -> memref<128x128xf32, #tpu.memory_space<vmem_shared>>
      tpu.wait_dma2 semaphore(%run_scoped3A_81 : memref<!tpu.dma_semaphore, #tpu.memory_space<semaphore_mem>>) src(%dma_wait3A_91 : memref<128x128xf32, #tpu.memory_space<vmem_shared>>) dst(%dma_wait3A_89 : memref<128x128xf32, #tpu.memory_space<hbm>>)
      tpu.yield
    }) : () -> ()
    %add3A_77 = arith.constant 384 : i32
    %add3A_78 = arith.addi %mul3A_5, %add3A_77 : i32
    "tpu.region"() ({
      %run_scoped3A_81 = tpu.sem_alloc : memref<!tpu.dma_semaphore, #tpu.memory_space<semaphore_mem>>
      %dma_start3A_82 = arith.constant 0 : i32
      %dma_start3A_83 = tpu.memref_slice %arg4[%arg0, %add3A_78, %dma_start3A_82] : memref<2x10240x128xf32, #tpu.memory_space<hbm>> -> memref<1x128x128xf32, #tpu.memory_space<hbm>>
      %dma_start3A_84 = tpu.memref_squeeze %dma_start3A_83 : memref<1x128x128xf32, #tpu.memory_space<hbm>> -> memref<128x128xf32, #tpu.memory_space<hbm>>
      %dma_start3A_85 = arith.constant 0 : i32
      %dma_start3A_86 = tpu.memref_slice %arg9[%add3A_78, %dma_start3A_85] : memref<10240x128xf32, #tpu.memory_space<vmem_shared>> -> memref<128x128xf32, #tpu.memory_space<vmem_shared>>
      tpu.enqueue_dma source(%dma_start3A_86 : memref<128x128xf32, #tpu.memory_space<vmem_shared>>) target(%dma_start3A_84 : memref<128x128xf32, #tpu.memory_space<hbm>>) target_semaphore(%run_scoped3A_81 : memref<!tpu.dma_semaphore, #tpu.memory_space<semaphore_mem>>)
      %dma_wait3A_87 = arith.constant 0 : i32
      %dma_wait3A_88 = tpu.memref_slice %arg4[%arg0, %add3A_78, %dma_wait3A_87] : memref<2x10240x128xf32, #tpu.memory_space<hbm>> -> memref<1x128x128xf32, #tpu.memory_space<hbm>>
      %dma_wait3A_89 = tpu.memref_squeeze %dma_wait3A_88 : memref<1x128x128xf32, #tpu.memory_space<hbm>> -> memref<128x128xf32, #tpu.memory_space<hbm>>
      %dma_wait3A_90 = arith.constant 0 : i32
      %dma_wait3A_91 = tpu.memref_slice %arg9[%add3A_78, %dma_wait3A_90] : memref<10240x128xf32, #tpu.memory_space<vmem_shared>> -> memref<128x128xf32, #tpu.memory_space<vmem_shared>>
      tpu.wait_dma2 semaphore(%run_scoped3A_81 : memref<!tpu.dma_semaphore, #tpu.memory_space<semaphore_mem>>) src(%dma_wait3A_91 : memref<128x128xf32, #tpu.memory_space<vmem_shared>>) dst(%dma_wait3A_89 : memref<128x128xf32, #tpu.memory_space<hbm>>)
      tpu.yield
    }) : () -> ()
    %add3A_79 = arith.constant 512 : i32
    %add3A_80 = arith.addi %mul3A_5, %add3A_79 : i32
    "tpu.region"() ({
      %run_scoped3A_81 = tpu.sem_alloc : memref<!tpu.dma_semaphore, #tpu.memory_space<semaphore_mem>>
      %dma_start3A_82 = arith.constant 0 : i32
      %dma_start3A_83 = tpu.memref_slice %arg4[%arg0, %add3A_80, %dma_start3A_82] : memref<2x10240x128xf32, #tpu.memory_space<hbm>> -> memref<1x128x128xf32, #tpu.memory_space<hbm>>
      %dma_start3A_84 = tpu.memref_squeeze %dma_start3A_83 : memref<1x128x128xf32, #tpu.memory_space<hbm>> -> memref<128x128xf32, #tpu.memory_space<hbm>>
      %dma_start3A_85 = arith.constant 0 : i32
      %dma_start3A_86 = tpu.memref_slice %arg9[%add3A_80, %dma_start3A_85] : memref<10240x128xf32, #tpu.memory_space<vmem_shared>> -> memref<128x128xf32, #tpu.memory_space<vmem_shared>>
      tpu.enqueue_dma source(%dma_start3A_86 : memref<128x128xf32, #tpu.memory_space<vmem_shared>>) target(%dma_start3A_84 : memref<128x128xf32, #tpu.memory_space<hbm>>) target_semaphore(%run_scoped3A_81 : memref<!tpu.dma_semaphore, #tpu.memory_space<semaphore_mem>>)
      %dma_wait3A_87 = arith.constant 0 : i32
      %dma_wait3A_88 = tpu.memref_slice %arg4[%arg0, %add3A_80, %dma_wait3A_87] : memref<2x10240x128xf32, #tpu.memory_space<hbm>> -> memref<1x128x128xf32, #tpu.memory_space<hbm>>
      %dma_wait3A_89 = tpu.memref_squeeze %dma_wait3A_88 : memref<1x128x128xf32, #tpu.memory_space<hbm>> -> memref<128x128xf32, #tpu.memory_space<hbm>>
      %dma_wait3A_90 = arith.constant 0 : i32
      %dma_wait3A_91 = tpu.memref_slice %arg9[%add3A_80, %dma_wait3A_90] : memref<10240x128xf32, #tpu.memory_space<vmem_shared>> -> memref<128x128xf32, #tpu.memory_space<vmem_shared>>
      tpu.wait_dma2 semaphore(%run_scoped3A_81 : memref<!tpu.dma_semaphore, #tpu.memory_space<semaphore_mem>>) src(%dma_wait3A_91 : memref<128x128xf32, #tpu.memory_space<vmem_shared>>) dst(%dma_wait3A_89 : memref<128x128xf32, #tpu.memory_space<hbm>>)
      tpu.yield
    }) : () -> ()
    return
  }
}

#map = affine_map<(d0, d1) -> (0, 0)>
#map1 = affine_map<(d0, d1) -> (0, 0, 0)>
module attributes {stable_mosaic.version = 14 : i64} {
  func.func @body(%arg0: i32, %arg1: i32, %arg2: memref<10000x128xf32, #tpu.memory_space<hbm>>, %arg3: memref<2528x2x128xi32, #tpu.memory_space<hbm>>, %arg4: memref<2x10240x128xf32, #tpu.memory_space<hbm>>, %arg5: memref<2x128xi32, #tpu.memory_space<vmem>>, %arg6: memref<2x128xi32, #tpu.memory_space<vmem>>, %arg7: memref<128x128xf32, #tpu.memory_space<vmem>>, %arg8: memref<128x128xf32, #tpu.memory_space<vmem>>, %arg9: memref<10240x128xf32, #tpu.memory_space<vmem_shared>>, %arg10: memref<!tpu.dma_semaphore, #tpu.memory_space<semaphore_mem>>, %arg11: memref<!tpu.dma_semaphore, #tpu.memory_space<semaphore_mem>>, %arg12: memref<!tpu.dma_semaphore, #tpu.memory_space<semaphore_mem>>, %arg13: memref<!tpu.dma_semaphore, #tpu.memory_space<semaphore_mem>>) attributes {dimension_semantics = [#tpu.dimension_semantics<core_parallel>, #tpu.dimension_semantics<subcore_parallel>], iteration_bounds = array<i64: 2, 16>, scalar_prefetch = 0 : i64, scratch_operands = 9 : i64, tpu.core_type = #tpu.core_type<sc_vector_subcore>, window_params = [{transform_indices = #map}, {transform_indices = #map1}, {transform_indices = #map1}]} {
    %mul3A = arith.constant 16 : i32
    %mul3A_0 = arith.muli %arg0, %mul3A : i32
    %add3A = arith.addi %mul3A_0, %arg1 : i32
    %mul3A_1 = arith.constant 79 : i32
    %mul3A_2 = arith.muli %add3A, %mul3A_1 : i32
    %broadcast_in_dim3A = arith.constant 0.000000e+00 : f32
    %broadcast_in_dim3A_3 = vector.broadcast %broadcast_in_dim3A : f32 to vector<16xf32>
    %mul3A_4 = arith.constant 640 : i32
    %mul3A_5 = arith.muli %arg1, %mul3A_4 : i32
    %add3A_6 = arith.constant 0 : i32
    %add3A_7 = arith.addi %mul3A_2, %add3A_6 : i32
    %dma_start3A = arith.constant 0 : i32
    %dma_start3A_8 = arith.constant 0 : i32
    %dma_start3A_9 = tpu.memref_slice %arg3[%add3A_7, %dma_start3A, %dma_start3A_8] : memref<2528x2x128xi32, #tpu.memory_space<hbm>> -> memref<1x2x128xi32, #tpu.memory_space<hbm>>
    %dma_start3A_10 = tpu.memref_squeeze %dma_start3A_9 : memref<1x2x128xi32, #tpu.memory_space<hbm>> -> memref<2x128xi32, #tpu.memory_space<hbm>>
    %dma_start3A_11 = arith.constant 0 : i32
    %dma_start3A_12 = arith.constant 0 : i32
    %dma_start3A_13 = tpu.memref_slice %arg3[%add3A_7, %dma_start3A_11, %dma_start3A_12] : memref<2528x2x128xi32, #tpu.memory_space<hbm>> -> memref<1x2x128xi32, #tpu.memory_space<hbm>>
    %dma_start3A_14 = tpu.memref_squeeze %dma_start3A_13 : memref<1x2x128xi32, #tpu.memory_space<hbm>> -> memref<2x128xi32, #tpu.memory_space<hbm>>
    tpu.enqueue_dma source(%dma_start3A_14 : memref<2x128xi32, #tpu.memory_space<hbm>>) target(%arg5 : memref<2x128xi32, #tpu.memory_space<vmem>>) target_semaphore(%arg12 : memref<!tpu.dma_semaphore, #tpu.memory_space<semaphore_mem>>)
    %dma_wait3A = arith.constant 0 : i32
    %dma_wait3A_15 = arith.constant 0 : i32
    %dma_wait3A_16 = arith.constant 0 : i32
    %dma_wait3A_17 = tpu.memref_slice %arg3[%dma_wait3A, %dma_wait3A_15, %dma_wait3A_16] : memref<2528x2x128xi32, #tpu.memory_space<hbm>> -> memref<1x2x128xi32, #tpu.memory_space<hbm>>
    %dma_wait3A_18 = tpu.memref_squeeze %dma_wait3A_17 : memref<1x2x128xi32, #tpu.memory_space<hbm>> -> memref<2x128xi32, #tpu.memory_space<hbm>>
    %dma_wait3A_19 = arith.constant 0 : i32
    %dma_wait3A_20 = arith.constant 0 : i32
    %dma_wait3A_21 = tpu.memref_slice %arg3[%dma_wait3A, %dma_wait3A_19, %dma_wait3A_20] : memref<2528x2x128xi32, #tpu.memory_space<hbm>> -> memref<1x2x128xi32, #tpu.memory_space<hbm>>
    %dma_wait3A_22 = tpu.memref_squeeze %dma_wait3A_21 : memref<1x2x128xi32, #tpu.memory_space<hbm>> -> memref<2x128xi32, #tpu.memory_space<hbm>>
    tpu.wait_dma2 semaphore(%arg12 : memref<!tpu.dma_semaphore, #tpu.memory_space<semaphore_mem>>) src(%dma_wait3A_22 : memref<2x128xi32, #tpu.memory_space<hbm>>) dst(%arg5 : memref<2x128xi32, #tpu.memory_space<vmem>>)
    %dma_start3A_23 = arith.constant 0 : i32
    %dma_start3A_24 = arith.constant 0 : i32
    %dma_start3A_25 = tpu.memref_slice %arg5[%dma_start3A_23, %dma_start3A_24] : memref<2x128xi32, #tpu.memory_space<vmem>> -> memref<1x128xi32, #tpu.memory_space<vmem>>
    %dma_start3A_26 = tpu.memref_squeeze %dma_start3A_25 : memref<1x128xi32, #tpu.memory_space<vmem>> -> memref<128xi32, #tpu.memory_space<vmem>>
    %dma_start3A_27 = arith.constant 0 : i32
    %dma_start3A_28 = arith.constant 0 : i32
    %dma_start3A_29 = tpu.memref_slice %arg2[%dma_start3A_27, %dma_start3A_28] : memref<10000x128xf32, #tpu.memory_space<hbm>> -> memref<10000x128xf32, #tpu.memory_space<hbm>>
    tpu.enqueue_indirect_dma source(%dma_start3A_29 : memref<10000x128xf32, #tpu.memory_space<hbm>>) target(%arg7 : memref<128x128xf32, #tpu.memory_space<vmem>>) offsets(%dma_start3A_26 : memref<128xi32, #tpu.memory_space<vmem>>) semaphore(%arg10 : memref<!tpu.dma_semaphore, #tpu.memory_space<semaphore_mem>>)
    %add3A_30 = arith.constant 1 : i32
    %add3A_31 = arith.addi %mul3A_2, %add3A_30 : i32
    %dma_start3A_32 = arith.constant 0 : i32
    %dma_start3A_33 = arith.constant 0 : i32
    %dma_start3A_34 = tpu.memref_slice %arg3[%add3A_31, %dma_start3A_32, %dma_start3A_33] : memref<2528x2x128xi32, #tpu.memory_space<hbm>> -> memref<1x2x128xi32, #tpu.memory_space<hbm>>
    %dma_start3A_35 = tpu.memref_squeeze %dma_start3A_34 : memref<1x2x128xi32, #tpu.memory_space<hbm>> -> memref<2x128xi32, #tpu.memory_space<hbm>>
    %dma_start3A_36 = arith.constant 0 : i32
    %dma_start3A_37 = arith.constant 0 : i32
    %dma_start3A_38 = tpu.memref_slice %arg3[%add3A_31, %dma_start3A_36, %dma_start3A_37] : memref<2528x2x128xi32, #tpu.memory_space<hbm>> -> memref<1x2x128xi32, #tpu.memory_space<hbm>>
    %dma_start3A_39 = tpu.memref_squeeze %dma_start3A_38 : memref<1x2x128xi32, #tpu.memory_space<hbm>> -> memref<2x128xi32, #tpu.memory_space<hbm>>
    tpu.enqueue_dma source(%dma_start3A_39 : memref<2x128xi32, #tpu.memory_space<hbm>>) target(%arg6 : memref<2x128xi32, #tpu.memory_space<vmem>>) target_semaphore(%arg13 : memref<!tpu.dma_semaphore, #tpu.memory_space<semaphore_mem>>)
    %scan3A = arith.constant 0 : i32
    %scan3A_40 = arith.constant 0 : i32
    %scan3A_41 = arith.constant 128 : i32
    %scan3A_42 = arith.addi %scan3A_40, %scan3A_41 : i32
    %scan3A_43 = arith.constant 1 : i32
    %scan3A_44 = scf.for %scan3A_81 = %scan3A_40 to %scan3A_42 step %scan3A_43 iter_args(%scan3A_82 = %scan3A) -> (i32)  : i32 {
      %swap3A = arith.index_cast %scan3A_81 : i32 to index
      %swap3A_83 = arith.constant 0 : index
      %swap3A_84 = tpu.vector_load %arg8[%swap3A, %swap3A_83] {strides = array<i32>} : memref<128x128xf32, #tpu.memory_space<vmem>>, vector<1x16xf32>,
      %swap3A_85 = vector.shape_cast %swap3A_84 : vector<1x16xf32> to vector<16xf32>
      %swap3A_86 = vector.shape_cast %broadcast_in_dim3A_3 : vector<16xf32> to vector<1x16xf32>
      tpu.vector_store %arg8[%swap3A, %swap3A_83], %swap3A_86 {strides = array<i32>} : memref<128x128xf32, #tpu.memory_space<vmem>>, vector<1x16xf32>,
      %swap3A_87 = arith.index_cast %scan3A_81 : i32 to index
      %swap3A_88 = arith.constant 16 : index
      %swap3A_89 = tpu.vector_load %arg8[%swap3A_87, %swap3A_88] {strides = array<i32>} : memref<128x128xf32, #tpu.memory_space<vmem>>, vector<1x16xf32>,
      %swap3A_90 = vector.shape_cast %swap3A_89 : vector<1x16xf32> to vector<16xf32>
      %swap3A_91 = vector.shape_cast %broadcast_in_dim3A_3 : vector<16xf32> to vector<1x16xf32>
      tpu.vector_store %arg8[%swap3A_87, %swap3A_88], %swap3A_91 {strides = array<i32>} : memref<128x128xf32, #tpu.memory_space<vmem>>, vector<1x16xf32>,
      %swap3A_92 = arith.index_cast %scan3A_81 : i32 to index
      %swap3A_93 = arith.constant 32 : index
      %swap3A_94 = tpu.vector_load %arg8[%swap3A_92, %swap3A_93] {strides = array<i32>} : memref<128x128xf32, #tpu.memory_space<vmem>>, vector<1x16xf32>,
      %swap3A_95 = vector.shape_cast %swap3A_94 : vector<1x16xf32> to vector<16xf32>
      %swap3A_96 = vector.shape_cast %broadcast_in_dim3A_3 : vector<16xf32> to vector<1x16xf32>
      tpu.vector_store %arg8[%swap3A_92, %swap3A_93], %swap3A_96 {strides = array<i32>} : memref<128x128xf32, #tpu.memory_space<vmem>>, vector<1x16xf32>,
      %swap3A_97 = arith.index_cast %scan3A_81 : i32 to index
      %swap3A_98 = arith.constant 48 : index
      %swap3A_99 = tpu.vector_load %arg8[%swap3A_97, %swap3A_98] {strides = array<i32>} : memref<128x128xf32, #tpu.memory_space<vmem>>, vector<1x16xf32>,
      %swap3A_100 = vector.shape_cast %swap3A_99 : vector<1x16xf32> to vector<16xf32>
      %swap3A_101 = vector.shape_cast %broadcast_in_dim3A_3 : vector<16xf32> to vector<1x16xf32>
      tpu.vector_store %arg8[%swap3A_97, %swap3A_98], %swap3A_101 {strides = array<i32>} : memref<128x128xf32, #tpu.memory_space<vmem>>, vector<1x16xf32>,
      %swap3A_102 = arith.index_cast %scan3A_81 : i32 to index
      %swap3A_103 = arith.constant 64 : index
      %swap3A_104 = tpu.vector_load %arg8[%swap3A_102, %swap3A_103] {strides = array<i32>} : memref<128x128xf32, #tpu.memory_space<vmem>>, vector<1x16xf32>,
      %swap3A_105 = vector.shape_cast %swap3A_104 : vector<1x16xf32> to vector<16xf32>
      %swap3A_106 = vector.shape_cast %broadcast_in_dim3A_3 : vector<16xf32> to vector<1x16xf32>
      tpu.vector_store %arg8[%swap3A_102, %swap3A_103], %swap3A_106 {strides = array<i32>} : memref<128x128xf32, #tpu.memory_space<vmem>>, vector<1x16xf32>,
      %swap3A_107 = arith.index_cast %scan3A_81 : i32 to index
      %swap3A_108 = arith.constant 80 : index
      %swap3A_109 = tpu.vector_load %arg8[%swap3A_107, %swap3A_108] {strides = array<i32>} : memref<128x128xf32, #tpu.memory_space<vmem>>, vector<1x16xf32>,
      %swap3A_110 = vector.shape_cast %swap3A_109 : vector<1x16xf32> to vector<16xf32>
      %swap3A_111 = vector.shape_cast %broadcast_in_dim3A_3 : vector<16xf32> to vector<1x16xf32>
      tpu.vector_store %arg8[%swap3A_107, %swap3A_108], %swap3A_111 {strides = array<i32>} : memref<128x128xf32, #tpu.memory_space<vmem>>, vector<1x16xf32>,
      %swap3A_112 = arith.index_cast %scan3A_81 : i32 to index
      %swap3A_113 = arith.constant 96 : index
      %swap3A_114 = tpu.vector_load %arg8[%swap3A_112, %swap3A_113] {strides = array<i32>} : memref<128x128xf32, #tpu.memory_space<vmem>>, vector<1x16xf32>,
      %swap3A_115 = vector.shape_cast %swap3A_114 : vector<1x16xf32> to vector<16xf32>
      %swap3A_116 = vector.shape_cast %broadcast_in_dim3A_3 : vector<16xf32> to vector<1x16xf32>
      tpu.vector_store %arg8[%swap3A_112, %swap3A_113], %swap3A_116 {strides = array<i32>} : memref<128x128xf32, #tpu.memory_space<vmem>>, vector<1x16xf32>,
      %swap3A_117 = arith.index_cast %scan3A_81 : i32 to index
      %swap3A_118 = arith.constant 112 : index
      %swap3A_119 = tpu.vector_load %arg8[%swap3A_117, %swap3A_118] {strides = array<i32>} : memref<128x128xf32, #tpu.memory_space<vmem>>, vector<1x16xf32>,
      %swap3A_120 = vector.shape_cast %swap3A_119 : vector<1x16xf32> to vector<16xf32>
      %swap3A_121 = vector.shape_cast %broadcast_in_dim3A_3 : vector<16xf32> to vector<1x16xf32>
      tpu.vector_store %arg8[%swap3A_117, %swap3A_118], %swap3A_121 {strides = array<i32>} : memref<128x128xf32, #tpu.memory_space<vmem>>, vector<1x16xf32>,
      %scan3A_122 = arith.constant 0 : i32
      scf.yield %scan3A_122 : i32
    }
    %scan3A_45 = arith.constant 128 : i32
    %add3A_46 = arith.constant 0 : i32
    %add3A_47 = arith.addi %mul3A_5, %add3A_46 : i32
    "tpu.region"() ({
      %run_scoped3A_81 = tpu.sem_alloc : memref<!tpu.dma_semaphore, #tpu.memory_space<semaphore_mem>>
      %dma_start3A_82 = arith.constant 0 : i32
      %dma_start3A_83 = tpu.memref_slice %arg9[%add3A_47, %dma_start3A_82] : memref<10240x128xf32, #tpu.memory_space<vmem_shared>> -> memref<128x128xf32, #tpu.memory_space<vmem_shared>>
      %dma_start3A_84 = arith.constant 0 : i32
      %dma_start3A_85 = tpu.memref_slice %arg9[%add3A_47, %dma_start3A_84] : memref<10240x128xf32, #tpu.memory_space<vmem_shared>> -> memref<128x128xf32, #tpu.memory_space<vmem_shared>>
      tpu.enqueue_dma source(%arg8 : memref<128x128xf32, #tpu.memory_space<vmem>>) target(%dma_start3A_85 : memref<128x128xf32, #tpu.memory_space<vmem_shared>>) target_semaphore(%run_scoped3A_81 : memref<!tpu.dma_semaphore, #tpu.memory_space<semaphore_mem>>)
      %dma_wait3A_86 = arith.constant 0 : i32
      %dma_wait3A_87 = tpu.memref_slice %arg9[%add3A_47, %dma_wait3A_86] : memref<10240x128xf32, #tpu.memory_space<vmem_shared>> -> memref<128x128xf32, #tpu.memory_space<vmem_shared>>
      %dma_wait3A_88 = arith.constant 0 : i32
      %dma_wait3A_89 = tpu.memref_slice %arg9[%add3A_47, %dma_wait3A_88] : memref<10240x128xf32, #tpu.memory_space<vmem_shared>> -> memref<128x128xf32, #tpu.memory_space<vmem_shared>>
      tpu.wait_dma2 semaphore(%run_scoped3A_81 : memref<!tpu.dma_semaphore, #tpu.memory_space<semaphore_mem>>) src(%arg8 : memref<128x128xf32, #tpu.memory_space<vmem>>) dst(%dma_wait3A_89 : memref<128x128xf32, #tpu.memory_space<vmem_shared>>)
      tpu.yield
    }) : () -> ()
    %add3A_48 = arith.constant 128 : i32
    %add3A_49 = arith.addi %mul3A_5, %add3A_48 : i32
    "tpu.region"() ({
      %run_scoped3A_81 = tpu.sem_alloc : memref<!tpu.dma_semaphore, #tpu.memory_space<semaphore_mem>>
      %dma_start3A_82 = arith.constant 0 : i32
      %dma_start3A_83 = tpu.memref_slice %arg9[%add3A_49, %dma_start3A_82] : memref<10240x128xf32, #tpu.memory_space<vmem_shared>> -> memref<128x128xf32, #tpu.memory_space<vmem_shared>>
      %dma_start3A_84 = arith.constant 0 : i32
      %dma_start3A_85 = tpu.memref_slice %arg9[%add3A_49, %dma_start3A_84] : memref<10240x128xf32, #tpu.memory_space<vmem_shared>> -> memref<128x128xf32, #tpu.memory_space<vmem_shared>>
      tpu.enqueue_dma source(%arg8 : memref<128x128xf32, #tpu.memory_space<vmem>>) target(%dma_start3A_85 : memref<128x128xf32, #tpu.memory_space<vmem_shared>>) target_semaphore(%run_scoped3A_81 : memref<!tpu.dma_semaphore, #tpu.memory_space<semaphore_mem>>)
      %dma_wait3A_86 = arith.constant 0 : i32
      %dma_wait3A_87 = tpu.memref_slice %arg9[%add3A_49, %dma_wait3A_86] : memref<10240x128xf32, #tpu.memory_space<vmem_shared>> -> memref<128x128xf32, #tpu.memory_space<vmem_shared>>
      %dma_wait3A_88 = arith.constant 0 : i32
      %dma_wait3A_89 = tpu.memref_slice %arg9[%add3A_49, %dma_wait3A_88] : memref<10240x128xf32, #tpu.memory_space<vmem_shared>> -> memref<128x128xf32, #tpu.memory_space<vmem_shared>>
      tpu.wait_dma2 semaphore(%run_scoped3A_81 : memref<!tpu.dma_semaphore, #tpu.memory_space<semaphore_mem>>) src(%arg8 : memref<128x128xf32, #tpu.memory_space<vmem>>) dst(%dma_wait3A_89 : memref<128x128xf32, #tpu.memory_space<vmem_shared>>)
      tpu.yield
    }) : () -> ()
    %add3A_50 = arith.constant 256 : i32
    %add3A_51 = arith.addi %mul3A_5, %add3A_50 : i32
    "tpu.region"() ({
      %run_scoped3A_81 = tpu.sem_alloc : memref<!tpu.dma_semaphore, #tpu.memory_space<semaphore_mem>>
      %dma_start3A_82 = arith.constant 0 : i32
      %dma_start3A_83 = tpu.memref_slice %arg9[%add3A_51, %dma_start3A_82] : memref<10240x128xf32, #tpu.memory_space<vmem_shared>> -> memref<128x128xf32, #tpu.memory_space<vmem_shared>>
      %dma_start3A_84 = arith.constant 0 : i32
      %dma_start3A_85 = tpu.memref_slice %arg9[%add3A_51, %dma_start3A_84] : memref<10240x128xf32, #tpu.memory_space<vmem_shared>> -> memref<128x128xf32, #tpu.memory_space<vmem_shared>>
      tpu.enqueue_dma source(%arg8 : memref<128x128xf32, #tpu.memory_space<vmem>>) target(%dma_start3A_85 : memref<128x128xf32, #tpu.memory_space<vmem_shared>>) target_semaphore(%run_scoped3A_81 : memref<!tpu.dma_semaphore, #tpu.memory_space<semaphore_mem>>)
      %dma_wait3A_86 = arith.constant 0 : i32
      %dma_wait3A_87 = tpu.memref_slice %arg9[%add3A_51, %dma_wait3A_86] : memref<10240x128xf32, #tpu.memory_space<vmem_shared>> -> memref<128x128xf32, #tpu.memory_space<vmem_shared>>
      %dma_wait3A_88 = arith.constant 0 : i32
      %dma_wait3A_89 = tpu.memref_slice %arg9[%add3A_51, %dma_wait3A_88] : memref<10240x128xf32, #tpu.memory_space<vmem_shared>> -> memref<128x128xf32, #tpu.memory_space<vmem_shared>>
      tpu.wait_dma2 semaphore(%run_scoped3A_81 : memref<!tpu.dma_semaphore, #tpu.memory_space<semaphore_mem>>) src(%arg8 : memref<128x128xf32, #tpu.memory_space<vmem>>) dst(%dma_wait3A_89 : memref<128x128xf32, #tpu.memory_space<vmem_shared>>)
      tpu.yield
    }) : () -> ()
    %add3A_52 = arith.constant 384 : i32
    %add3A_53 = arith.addi %mul3A_5, %add3A_52 : i32
    "tpu.region"() ({
      %run_scoped3A_81 = tpu.sem_alloc : memref<!tpu.dma_semaphore, #tpu.memory_space<semaphore_mem>>
      %dma_start3A_82 = arith.constant 0 : i32
      %dma_start3A_83 = tpu.memref_slice %arg9[%add3A_53, %dma_start3A_82] : memref<10240x128xf32, #tpu.memory_space<vmem_shared>> -> memref<128x128xf32, #tpu.memory_space<vmem_shared>>
      %dma_start3A_84 = arith.constant 0 : i32
      %dma_start3A_85 = tpu.memref_slice %arg9[%add3A_53, %dma_start3A_84] : memref<10240x128xf32, #tpu.memory_space<vmem_shared>> -> memref<128x128xf32, #tpu.memory_space<vmem_shared>>
      tpu.enqueue_dma source(%arg8 : memref<128x128xf32, #tpu.memory_space<vmem>>) target(%dma_start3A_85 : memref<128x128xf32, #tpu.memory_space<vmem_shared>>) target_semaphore(%run_scoped3A_81 : memref<!tpu.dma_semaphore, #tpu.memory_space<semaphore_mem>>)
      %dma_wait3A_86 = arith.constant 0 : i32
      %dma_wait3A_87 = tpu.memref_slice %arg9[%add3A_53, %dma_wait3A_86] : memref<10240x128xf32, #tpu.memory_space<vmem_shared>> -> memref<128x128xf32, #tpu.memory_space<vmem_shared>>
      %dma_wait3A_88 = arith.constant 0 : i32
      %dma_wait3A_89 = tpu.memref_slice %arg9[%add3A_53, %dma_wait3A_88] : memref<10240x128xf32, #tpu.memory_space<vmem_shared>> -> memref<128x128xf32, #tpu.memory_space<vmem_shared>>
      tpu.wait_dma2 semaphore(%run_scoped3A_81 : memref<!tpu.dma_semaphore, #tpu.memory_space<semaphore_mem>>) src(%arg8 : memref<128x128xf32, #tpu.memory_space<vmem>>) dst(%dma_wait3A_89 : memref<128x128xf32, #tpu.memory_space<vmem_shared>>)
      tpu.yield
    }) : () -> ()
    %add3A_54 = arith.constant 512 : i32
    %add3A_55 = arith.addi %mul3A_5, %add3A_54 : i32
    "tpu.region"() ({
      %run_scoped3A_81 = tpu.sem_alloc : memref<!tpu.dma_semaphore, #tpu.memory_space<semaphore_mem>>
      %dma_start3A_82 = arith.constant 0 : i32
      %dma_start3A_83 = tpu.memref_slice %arg9[%add3A_55, %dma_start3A_82] : memref<10240x128xf32, #tpu.memory_space<vmem_shared>> -> memref<128x128xf32, #tpu.memory_space<vmem_shared>>
      %dma_start3A_84 = arith.constant 0 : i32
      %dma_start3A_85 = tpu.memref_slice %arg9[%add3A_55, %dma_start3A_84] : memref<10240x128xf32, #tpu.memory_space<vmem_shared>> -> memref<128x128xf32, #tpu.memory_space<vmem_shared>>
      tpu.enqueue_dma source(%arg8 : memref<128x128xf32, #tpu.memory_space<vmem>>) target(%dma_start3A_85 : memref<128x128xf32, #tpu.memory_space<vmem_shared>>) target_semaphore(%run_scoped3A_81 : memref<!tpu.dma_semaphore, #tpu.memory_space<semaphore_mem>>)
      %dma_wait3A_86 = arith.constant 0 : i32
      %dma_wait3A_87 = tpu.memref_slice %arg9[%add3A_55, %dma_wait3A_86] : memref<10240x128xf32, #tpu.memory_space<vmem_shared>> -> memref<128x128xf32, #tpu.memory_space<vmem_shared>>
      %dma_wait3A_88 = arith.constant 0 : i32
      %dma_wait3A_89 = tpu.memref_slice %arg9[%add3A_55, %dma_wait3A_88] : memref<10240x128xf32, #tpu.memory_space<vmem_shared>> -> memref<128x128xf32, #tpu.memory_space<vmem_shared>>
      tpu.wait_dma2 semaphore(%run_scoped3A_81 : memref<!tpu.dma_semaphore, #tpu.memory_space<semaphore_mem>>) src(%arg8 : memref<128x128xf32, #tpu.memory_space<vmem>>) dst(%dma_wait3A_89 : memref<128x128xf32, #tpu.memory_space<vmem_shared>>)
      tpu.yield
    }) : () -> ()
    %barrier3A = arith.constant 0 : index
    tpu.barrier barrier_id(%barrier3A)
    %scan3A_56 = arith.constant 0 : i32
    %scan3A_57 = arith.constant 0 : i32
    %scan3A_58 = arith.constant 39 : i32
    %scan3A_59 = arith.addi %scan3A_57, %scan3A_58 : i32
    %scan3A_60 = arith.constant 1 : i32
    %scan3A_61 = scf.for %scan3A_81 = %scan3A_57 to %scan3A_59 step %scan3A_60 iter_args(%scan3A_82 = %scan3A_56) -> (i32)  : i32 {
      %mul3A_83 = arith.constant 2 : i32
      %mul3A_84 = arith.muli %mul3A_83, %scan3A_81 : i32
      %dma_wait3A_85 = arith.constant 0 : i32
      %dma_wait3A_86 = arith.constant 0 : i32
      %dma_wait3A_87 = arith.constant 0 : i32
      %dma_wait3A_88 = tpu.memref_slice %arg3[%dma_wait3A_85, %dma_wait3A_86, %dma_wait3A_87] : memref<2528x2x128xi32, #tpu.memory_space<hbm>> -> memref<1x2x128xi32, #tpu.memory_space<hbm>>
      %dma_wait3A_89 = tpu.memref_squeeze %dma_wait3A_88 : memref<1x2x128xi32, #tpu.memory_space<hbm>> -> memref<2x128xi32, #tpu.memory_space<hbm>>
      %dma_wait3A_90 = arith.constant 0 : i32
      %dma_wait3A_91 = arith.constant 0 : i32
      %dma_wait3A_92 = tpu.memref_slice %arg3[%dma_wait3A_85, %dma_wait3A_90, %dma_wait3A_91] : memref<2528x2x128xi32, #tpu.memory_space<hbm>> -> memref<1x2x128xi32, #tpu.memory_space<hbm>>
      %dma_wait3A_93 = tpu.memref_squeeze %dma_wait3A_92 : memref<1x2x128xi32, #tpu.memory_space<hbm>> -> memref<2x128xi32, #tpu.memory_space<hbm>>
      tpu.wait_dma2 semaphore(%arg13 : memref<!tpu.dma_semaphore, #tpu.memory_space<semaphore_mem>>) src(%dma_wait3A_93 : memref<2x128xi32, #tpu.memory_space<hbm>>) dst(%arg6 : memref<2x128xi32, #tpu.memory_space<vmem>>)
      %dma_wait3A_94 = arith.constant 0 : i32
      %dma_wait3A_95 = arith.constant 0 : i32
      %dma_wait3A_96 = tpu.memref_slice %arg5[%dma_wait3A_94, %dma_wait3A_95] : memref<2x128xi32, #tpu.memory_space<vmem>> -> memref<1x128xi32, #tpu.memory_space<vmem>>
      %dma_wait3A_97 = tpu.memref_squeeze %dma_wait3A_96 : memref<1x128xi32, #tpu.memory_space<vmem>> -> memref<128xi32, #tpu.memory_space<vmem>>
      %dma_wait3A_98 = arith.constant 0 : i32
      %dma_wait3A_99 = arith.constant 0 : i32
      %dma_wait3A_100 = tpu.memref_slice %arg2[%dma_wait3A_98, %dma_wait3A_99] : memref<10000x128xf32, #tpu.memory_space<hbm>> -> memref<10000x128xf32, #tpu.memory_space<hbm>>
      tpu.wait_indirect_dma semaphore(%arg10 : memref<!tpu.dma_semaphore, #tpu.memory_space<semaphore_mem>>) src(%dma_wait3A_100 : memref<10000x128xf32, #tpu.memory_space<hbm>>) dst(%arg7 : memref<128x128xf32, #tpu.memory_space<vmem>>)
      %dma_start3A_101 = arith.constant 0 : i32
      %dma_start3A_102 = arith.constant 0 : i32
      %dma_start3A_103 = tpu.memref_slice %arg6[%dma_start3A_101, %dma_start3A_102] : memref<2x128xi32, #tpu.memory_space<vmem>> -> memref<1x128xi32, #tpu.memory_space<vmem>>
      %dma_start3A_104 = tpu.memref_squeeze %dma_start3A_103 : memref<1x128xi32, #tpu.memory_space<vmem>> -> memref<128xi32, #tpu.memory_space<vmem>>
      %dma_start3A_105 = arith.constant 0 : i32
      %dma_start3A_106 = arith.constant 0 : i32
      %dma_start3A_107 = tpu.memref_slice %arg2[%dma_start3A_105, %dma_start3A_106] : memref<10000x128xf32, #tpu.memory_space<hbm>> -> memref<10000x128xf32, #tpu.memory_space<hbm>>
      tpu.enqueue_indirect_dma source(%dma_start3A_107 : memref<10000x128xf32, #tpu.memory_space<hbm>>) target(%arg8 : memref<128x128xf32, #tpu.memory_space<vmem>>) offsets(%dma_start3A_104 : memref<128xi32, #tpu.memory_space<vmem>>) semaphore(%arg11 : memref<!tpu.dma_semaphore, #tpu.memory_space<semaphore_mem>>)
      %run_scoped3A_108 = arith.constant 1 : i32
      "tpu.region"() ({
        %run_scoped3A_147 = tpu.sem_alloc : memref<!tpu.dma_semaphore, #tpu.memory_space<semaphore_mem>>
        %dma_start3A_148 = arith.constant 0 : i32
        %dma_start3A_149 = tpu.memref_slice %arg5[%run_scoped3A_108, %dma_start3A_148] : memref<2x128xi32, #tpu.memory_space<vmem>> -> memref<1x128xi32, #tpu.memory_space<vmem>>
        %dma_start3A_150 = tpu.memref_squeeze %dma_start3A_149 : memref<1x128xi32, #tpu.memory_space<vmem>> -> memref<128xi32, #tpu.memory_space<vmem>>
        %dma_start3A_151 = arith.constant 0 : i32
        %dma_start3A_152 = arith.constant 0 : i32
        %dma_start3A_153 = tpu.memref_slice %arg9[%dma_start3A_151, %dma_start3A_152] : memref<10240x128xf32, #tpu.memory_space<vmem_shared>> -> memref<10240x128xf32, #tpu.memory_space<vmem_shared>>
        tpu.enqueue_indirect_dma source(%arg7 : memref<128x128xf32, #tpu.memory_space<vmem>>) target(%dma_start3A_153 : memref<10240x128xf32, #tpu.memory_space<vmem_shared>>) offsets(%dma_start3A_150 : memref<128xi32, #tpu.memory_space<vmem>>) semaphore(%run_scoped3A_147 : memref<!tpu.dma_semaphore, #tpu.memory_space<semaphore_mem>>) {add = true}
        %dma_wait3A_154 = arith.constant 0 : i32
        %dma_wait3A_155 = tpu.memref_slice %arg5[%run_scoped3A_108, %dma_wait3A_154] : memref<2x128xi32, #tpu.memory_space<vmem>> -> memref<1x128xi32, #tpu.memory_space<vmem>>
        %dma_wait3A_156 = tpu.memref_squeeze %dma_wait3A_155 : memref<1x128xi32, #tpu.memory_space<vmem>> -> memref<128xi32, #tpu.memory_space<vmem>>
        %dma_wait3A_157 = arith.constant 0 : i32
        %dma_wait3A_158 = arith.constant 0 : i32
        %dma_wait3A_159 = tpu.memref_slice %arg9[%dma_wait3A_157, %dma_wait3A_158] : memref<10240x128xf32, #tpu.memory_space<vmem_shared>> -> memref<10240x128xf32, #tpu.memory_space<vmem_shared>>
        tpu.wait_indirect_dma semaphore(%run_scoped3A_147 : memref<!tpu.dma_semaphore, #tpu.memory_space<semaphore_mem>>) src(%arg7 : memref<128x128xf32, #tpu.memory_space<vmem>>) dst(%dma_wait3A_159 : memref<10240x128xf32, #tpu.memory_space<vmem_shared>>)
        tpu.yield
      }) : () -> ()
      %add3A_109 = arith.constant 2 : i32
      %add3A_110 = arith.addi %mul3A_84, %add3A_109 : i32
      %add3A_111 = arith.addi %mul3A_2, %add3A_110 : i32
      %dma_start3A_112 = arith.constant 0 : i32
      %dma_start3A_113 = arith.constant 0 : i32
      %dma_start3A_114 = tpu.memref_slice %arg3[%add3A_111, %dma_start3A_112, %dma_start3A_113] : memref<2528x2x128xi32, #tpu.memory_space<hbm>> -> memref<1x2x128xi32, #tpu.memory_space<hbm>>
      %dma_start3A_115 = tpu.memref_squeeze %dma_start3A_114 : memref<1x2x128xi32, #tpu.memory_space<hbm>> -> memref<2x128xi32, #tpu.memory_space<hbm>>
      %dma_start3A_116 = arith.constant 0 : i32
      %dma_start3A_117 = arith.constant 0 : i32
      %dma_start3A_118 = tpu.memref_slice %arg3[%add3A_111, %dma_start3A_116, %dma_start3A_117] : memref<2528x2x128xi32, #tpu.memory_space<hbm>> -> memref<1x2x128xi32, #tpu.memory_space<hbm>>
      %dma_start3A_119 = tpu.memref_squeeze %dma_start3A_118 : memref<1x2x128xi32, #tpu.memory_space<hbm>> -> memref<2x128xi32, #tpu.memory_space<hbm>>
      tpu.enqueue_dma source(%dma_start3A_119 : memref<2x128xi32, #tpu.memory_space<hbm>>) target(%arg5 : memref<2x128xi32, #tpu.memory_space<vmem>>) target_semaphore(%arg12 : memref<!tpu.dma_semaphore, #tpu.memory_space<semaphore_mem>>)
      %dma_wait3A_120 = arith.constant 0 : i32
      %dma_wait3A_121 = arith.constant 0 : i32
      %dma_wait3A_122 = tpu.memref_slice %arg6[%dma_wait3A_120, %dma_wait3A_121] : memref<2x128xi32, #tpu.memory_space<vmem>> -> memref<1x128xi32, #tpu.memory_space<vmem>>
      %dma_wait3A_123 = tpu.memref_squeeze %dma_wait3A_122 : memref<1x128xi32, #tpu.memory_space<vmem>> -> memref<128xi32, #tpu.memory_space<vmem>>
      %dma_wait3A_124 = arith.constant 0 : i32
      %dma_wait3A_125 = arith.constant 0 : i32
      %dma_wait3A_126 = tpu.memref_slice %arg2[%dma_wait3A_124, %dma_wait3A_125] : memref<10000x128xf32, #tpu.memory_space<hbm>> -> memref<10000x128xf32, #tpu.memory_space<hbm>>
      tpu.wait_indirect_dma semaphore(%arg11 : memref<!tpu.dma_semaphore, #tpu.memory_space<semaphore_mem>>) src(%dma_wait3A_126 : memref<10000x128xf32, #tpu.memory_space<hbm>>) dst(%arg8 : memref<128x128xf32, #tpu.memory_space<vmem>>)
      %dma_wait3A_127 = arith.constant 0 : i32
      %dma_wait3A_128 = arith.constant 0 : i32
      %dma_wait3A_129 = arith.constant 0 : i32
      %dma_wait3A_130 = tpu.memref_slice %arg3[%dma_wait3A_127, %dma_wait3A_128, %dma_wait3A_129] : memref<2528x2x128xi32, #tpu.memory_space<hbm>> -> memref<1x2x128xi32, #tpu.memory_space<hbm>>
      %dma_wait3A_131 = tpu.memref_squeeze %dma_wait3A_130 : memref<1x2x128xi32, #tpu.memory_space<hbm>> -> memref<2x128xi32, #tpu.memory_space<hbm>>
      %dma_wait3A_132 = arith.constant 0 : i32
      %dma_wait3A_133 = arith.constant 0 : i32
      %dma_wait3A_134 = tpu.memref_slice %arg3[%dma_wait3A_127, %dma_wait3A_132, %dma_wait3A_133] : memref<2528x2x128xi32, #tpu.memory_space<hbm>> -> memref<1x2x128xi32, #tpu.memory_space<hbm>>
      %dma_wait3A_135 = tpu.memref_squeeze %dma_wait3A_134 : memref<1x2x128xi32, #tpu.memory_space<hbm>> -> memref<2x128xi32, #tpu.memory_space<hbm>>
      tpu.wait_dma2 semaphore(%arg12 : memref<!tpu.dma_semaphore, #tpu.memory_space<semaphore_mem>>) src(%dma_wait3A_135 : memref<2x128xi32, #tpu.memory_space<hbm>>) dst(%arg5 : memref<2x128xi32, #tpu.memory_space<vmem>>)
      %dma_start3A_136 = arith.constant 0 : i32
      %dma_start3A_137 = arith.constant 0 : i32
      %dma_start3A_138 = tpu.memref_slice %arg5[%dma_start3A_136, %dma_start3A_137] : memref<2x128xi32, #tpu.memory_space<vmem>> -> memref<1x128xi32, #tpu.memory_space<vmem>>
      %dma_start3A_139 = tpu.memref_squeeze %dma_start3A_138 : memref<1x128xi32, #tpu.memory_space<vmem>> -> memref<128xi32, #tpu.memory_space<vmem>>
      %dma_start3A_140 = arith.constant 0 : i32
      %dma_start3A_141 = arith.constant 0 : i32
      %dma_start3A_142 = tpu.memref_slice %arg2[%dma_start3A_140, %dma_start3A_141] : memref<10000x128xf32, #tpu.memory_space<hbm>> -> memref<10000x128xf32, #tpu.memory_space<hbm>>
      tpu.enqueue_indirect_dma source(%dma_start3A_142 : memref<10000x128xf32, #tpu.memory_space<hbm>>) target(%arg7 : memref<128x128xf32, #tpu.memory_space<vmem>>) offsets(%dma_start3A_139 : memref<128xi32, #tpu.memory_space<vmem>>) semaphore(%arg10 : memref<!tpu.dma_semaphore, #tpu.memory_space<semaphore_mem>>)
      %run_scoped3A_143 = arith.constant 1 : i32
      "tpu.region"() ({
        %run_scoped3A_147 = tpu.sem_alloc : memref<!tpu.dma_semaphore, #tpu.memory_space<semaphore_mem>>
        %dma_start3A_148 = arith.constant 0 : i32
        %dma_start3A_149 = tpu.memref_slice %arg6[%run_scoped3A_143, %dma_start3A_148] : memref<2x128xi32, #tpu.memory_space<vmem>> -> memref<1x128xi32, #tpu.memory_space<vmem>>
        %dma_start3A_150 = tpu.memref_squeeze %dma_start3A_149 : memref<1x128xi32, #tpu.memory_space<vmem>> -> memref<128xi32, #tpu.memory_space<vmem>>
        %dma_start3A_151 = arith.constant 0 : i32
        %dma_start3A_152 = arith.constant 0 : i32
        %dma_start3A_153 = tpu.memref_slice %arg9[%dma_start3A_151, %dma_start3A_152] : memref<10240x128xf32, #tpu.memory_space<vmem_shared>> -> memref<10240x128xf32, #tpu.memory_space<vmem_shared>>
        tpu.enqueue_indirect_dma source(%arg8 : memref<128x128xf32, #tpu.memory_space<vmem>>) target(%dma_start3A_153 : memref<10240x128xf32, #tpu.memory_space<vmem_shared>>) offsets(%dma_start3A_150 : memref<128xi32, #tpu.memory_space<vmem>>) semaphore(%run_scoped3A_147 : memref<!tpu.dma_semaphore, #tpu.memory_space<semaphore_mem>>) {add = true}
        %dma_wait3A_154 = arith.constant 0 : i32
        %dma_wait3A_155 = tpu.memref_slice %arg6[%run_scoped3A_143, %dma_wait3A_154] : memref<2x128xi32, #tpu.memory_space<vmem>> -> memref<1x128xi32, #tpu.memory_space<vmem>>
        %dma_wait3A_156 = tpu.memref_squeeze %dma_wait3A_155 : memref<1x128xi32, #tpu.memory_space<vmem>> -> memref<128xi32, #tpu.memory_space<vmem>>
        %dma_wait3A_157 = arith.constant 0 : i32
        %dma_wait3A_158 = arith.constant 0 : i32
        %dma_wait3A_159 = tpu.memref_slice %arg9[%dma_wait3A_157, %dma_wait3A_158] : memref<10240x128xf32, #tpu.memory_space<vmem_shared>> -> memref<10240x128xf32, #tpu.memory_space<vmem_shared>>
        tpu.wait_indirect_dma semaphore(%run_scoped3A_147 : memref<!tpu.dma_semaphore, #tpu.memory_space<semaphore_mem>>) src(%arg8 : memref<128x128xf32, #tpu.memory_space<vmem>>) dst(%dma_wait3A_159 : memref<10240x128xf32, #tpu.memory_space<vmem_shared>>)
        tpu.yield
      }) : () -> ()
      %lt3A = arith.constant 38 : i32
      %lt3A_144 = arith.cmpi slt, %scan3A_81, %lt3A : i32
      %convert_element_type3A = arith.extui %lt3A_144 : i1 to i32
      %cond3A = arith.constant 0 : i32
      %cond3A_145 = arith.cmpi ne, %convert_element_type3A, %cond3A : i32
      scf.if %cond3A_145 {
        %add3A_147 = arith.constant 3 : i32
        %add3A_148 = arith.addi %mul3A_84, %add3A_147 : i32
        %add3A_149 = arith.addi %mul3A_2, %add3A_148 : i32
        %dma_start3A_150 = arith.constant 0 : i32
        %dma_start3A_151 = arith.constant 0 : i32
        %dma_start3A_152 = tpu.memref_slice %arg3[%add3A_149, %dma_start3A_150, %dma_start3A_151] : memref<2528x2x128xi32, #tpu.memory_space<hbm>> -> memref<1x2x128xi32, #tpu.memory_space<hbm>>
        %dma_start3A_153 = tpu.memref_squeeze %dma_start3A_152 : memref<1x2x128xi32, #tpu.memory_space<hbm>> -> memref<2x128xi32, #tpu.memory_space<hbm>>
        %dma_start3A_154 = arith.constant 0 : i32
        %dma_start3A_155 = arith.constant 0 : i32
        %dma_start3A_156 = tpu.memref_slice %arg3[%add3A_149, %dma_start3A_154, %dma_start3A_155] : memref<2528x2x128xi32, #tpu.memory_space<hbm>> -> memref<1x2x128xi32, #tpu.memory_space<hbm>>
        %dma_start3A_157 = tpu.memref_squeeze %dma_start3A_156 : memref<1x2x128xi32, #tpu.memory_space<hbm>> -> memref<2x128xi32, #tpu.memory_space<hbm>>
        tpu.enqueue_dma source(%dma_start3A_157 : memref<2x128xi32, #tpu.memory_space<hbm>>) target(%arg6 : memref<2x128xi32, #tpu.memory_space<vmem>>) target_semaphore(%arg13 : memref<!tpu.dma_semaphore, #tpu.memory_space<semaphore_mem>>)
      } else {
      }
      %scan3A_146 = arith.constant 0 : i32
      scf.yield %scan3A_146 : i32
    }
    %scan3A_62 = arith.constant 39 : i32
    %dma_wait3A_63 = arith.constant 0 : i32
    %dma_wait3A_64 = arith.constant 0 : i32
    %dma_wait3A_65 = tpu.memref_slice %arg5[%dma_wait3A_63, %dma_wait3A_64] : memref<2x128xi32, #tpu.memory_space<vmem>> -> memref<1x128xi32, #tpu.memory_space<vmem>>
    %dma_wait3A_66 = tpu.memref_squeeze %dma_wait3A_65 : memref<1x128xi32, #tpu.memory_space<vmem>> -> memref<128xi32, #tpu.memory_space<vmem>>
    %dma_wait3A_67 = arith.constant 0 : i32
    %dma_wait3A_68 = arith.constant 0 : i32
    %dma_wait3A_69 = tpu.memref_slice %arg2[%dma_wait3A_67, %dma_wait3A_68] : memref<10000x128xf32, #tpu.memory_space<hbm>> -> memref<10000x128xf32, #tpu.memory_space<hbm>>
    tpu.wait_indirect_dma semaphore(%arg10 : memref<!tpu.dma_semaphore, #tpu.memory_space<semaphore_mem>>) src(%dma_wait3A_69 : memref<10000x128xf32, #tpu.memory_space<hbm>>) dst(%arg7 : memref<128x128xf32, #tpu.memory_space<vmem>>)
    %run_scoped3A = arith.constant 1 : i32
    "tpu.region"() ({
      %run_scoped3A_81 = tpu.sem_alloc : memref<!tpu.dma_semaphore, #tpu.memory_space<semaphore_mem>>
      %dma_start3A_82 = arith.constant 0 : i32
      %dma_start3A_83 = tpu.memref_slice %arg5[%run_scoped3A, %dma_start3A_82] : memref<2x128xi32, #tpu.memory_space<vmem>> -> memref<1x128xi32, #tpu.memory_space<vmem>>
      %dma_start3A_84 = tpu.memref_squeeze %dma_start3A_83 : memref<1x128xi32, #tpu.memory_space<vmem>> -> memref<128xi32, #tpu.memory_space<vmem>>
      %dma_start3A_85 = arith.constant 0 : i32
      %dma_start3A_86 = arith.constant 0 : i32
      %dma_start3A_87 = tpu.memref_slice %arg9[%dma_start3A_85, %dma_start3A_86] : memref<10240x128xf32, #tpu.memory_space<vmem_shared>> -> memref<10240x128xf32, #tpu.memory_space<vmem_shared>>
      tpu.enqueue_indirect_dma source(%arg7 : memref<128x128xf32, #tpu.memory_space<vmem>>) target(%dma_start3A_87 : memref<10240x128xf32, #tpu.memory_space<vmem_shared>>) offsets(%dma_start3A_84 : memref<128xi32, #tpu.memory_space<vmem>>) semaphore(%run_scoped3A_81 : memref<!tpu.dma_semaphore, #tpu.memory_space<semaphore_mem>>) {add = true}
      %dma_wait3A_88 = arith.constant 0 : i32
      %dma_wait3A_89 = tpu.memref_slice %arg5[%run_scoped3A, %dma_wait3A_88] : memref<2x128xi32, #tpu.memory_space<vmem>> -> memref<1x128xi32, #tpu.memory_space<vmem>>
      %dma_wait3A_90 = tpu.memref_squeeze %dma_wait3A_89 : memref<1x128xi32, #tpu.memory_space<vmem>> -> memref<128xi32, #tpu.memory_space<vmem>>
      %dma_wait3A_91 = arith.constant 0 : i32
      %dma_wait3A_92 = arith.constant 0 : i32
      %dma_wait3A_93 = tpu.memref_slice %arg9[%dma_wait3A_91, %dma_wait3A_92] : memref<10240x128xf32, #tpu.memory_space<vmem_shared>> -> memref<10240x128xf32, #tpu.memory_space<vmem_shared>>
      tpu.wait_indirect_dma semaphore(%run_scoped3A_81 : memref<!tpu.dma_semaphore, #tpu.memory_space<semaphore_mem>>) src(%arg7 : memref<128x128xf32, #tpu.memory_space<vmem>>) dst(%dma_wait3A_93 : memref<10240x128xf32, #tpu.memory_space<vmem_shared>>)
      tpu.yield
    }) : () -> ()
    %barrier3A_70 = arith.constant 0 : index
    tpu.barrier barrier_id(%barrier3A_70)
    %add3A_71 = arith.constant 0 : i32
    %add3A_72 = arith.addi %mul3A_5, %add3A_71 : i32
    "tpu.region"() ({
      %run_scoped3A_81 = tpu.sem_alloc : memref<!tpu.dma_semaphore, #tpu.memory_space<semaphore_mem>>
      %dma_start3A_82 = arith.constant 0 : i32
      %dma_start3A_83 = tpu.memref_slice %arg4[%arg0, %add3A_72, %dma_start3A_82] : memref<2x10240x128xf32, #tpu.memory_space<hbm>> -> memref<1x128x128xf32, #tpu.memory_space<hbm>>
      %dma_start3A_84 = tpu.memref_squeeze %dma_start3A_83 : memref<1x128x128xf32, #tpu.memory_space<hbm>> -> memref<128x128xf32, #tpu.memory_space<hbm>>
      %dma_start3A_85 = arith.constant 0 : i32
      %dma_start3A_86 = tpu.memref_slice %arg9[%add3A_72, %dma_start3A_85] : memref<10240x128xf32, #tpu.memory_space<vmem_shared>> -> memref<128x128xf32, #tpu.memory_space<vmem_shared>>
      tpu.enqueue_dma source(%dma_start3A_86 : memref<128x128xf32, #tpu.memory_space<vmem_shared>>) target(%dma_start3A_84 : memref<128x128xf32, #tpu.memory_space<hbm>>) target_semaphore(%run_scoped3A_81 : memref<!tpu.dma_semaphore, #tpu.memory_space<semaphore_mem>>)
      %dma_wait3A_87 = arith.constant 0 : i32
      %dma_wait3A_88 = tpu.memref_slice %arg4[%arg0, %add3A_72, %dma_wait3A_87] : memref<2x10240x128xf32, #tpu.memory_space<hbm>> -> memref<1x128x128xf32, #tpu.memory_space<hbm>>
      %dma_wait3A_89 = tpu.memref_squeeze %dma_wait3A_88 : memref<1x128x128xf32, #tpu.memory_space<hbm>> -> memref<128x128xf32, #tpu.memory_space<hbm>>
      %dma_wait3A_90 = arith.constant 0 : i32
      %dma_wait3A_91 = tpu.memref_slice %arg9[%add3A_72, %dma_wait3A_90] : memref<10240x128xf32, #tpu.memory_space<vmem_shared>> -> memref<128x128xf32, #tpu.memory_space<vmem_shared>>
      tpu.wait_dma2 semaphore(%run_scoped3A_81 : memref<!tpu.dma_semaphore, #tpu.memory_space<semaphore_mem>>) src(%dma_wait3A_91 : memref<128x128xf32, #tpu.memory_space<vmem_shared>>) dst(%dma_wait3A_89 : memref<128x128xf32, #tpu.memory_space<hbm>>)
      tpu.yield
    }) : () -> ()
    %add3A_73 = arith.constant 128 : i32
    %add3A_74 = arith.addi %mul3A_5, %add3A_73 : i32
    "tpu.region"() ({
      %run_scoped3A_81 = tpu.sem_alloc : memref<!tpu.dma_semaphore, #tpu.memory_space<semaphore_mem>>
      %dma_start3A_82 = arith.constant 0 : i32
      %dma_start3A_83 = tpu.memref_slice %arg4[%arg0, %add3A_74, %dma_start3A_82] : memref<2x10240x128xf32, #tpu.memory_space<hbm>> -> memref<1x128x128xf32, #tpu.memory_space<hbm>>
      %dma_start3A_84 = tpu.memref_squeeze %dma_start3A_83 : memref<1x128x128xf32, #tpu.memory_space<hbm>> -> memref<128x128xf32, #tpu.memory_space<hbm>>
      %dma_start3A_85 = arith.constant 0 : i32
      %dma_start3A_86 = tpu.memref_slice %arg9[%add3A_74, %dma_start3A_85] : memref<10240x128xf32, #tpu.memory_space<vmem_shared>> -> memref<128x128xf32, #tpu.memory_space<vmem_shared>>
      tpu.enqueue_dma source(%dma_start3A_86 : memref<128x128xf32, #tpu.memory_space<vmem_shared>>) target(%dma_start3A_84 : memref<128x128xf32, #tpu.memory_space<hbm>>) target_semaphore(%run_scoped3A_81 : memref<!tpu.dma_semaphore, #tpu.memory_space<semaphore_mem>>)
      %dma_wait3A_87 = arith.constant 0 : i32
      %dma_wait3A_88 = tpu.memref_slice %arg4[%arg0, %add3A_74, %dma_wait3A_87] : memref<2x10240x128xf32, #tpu.memory_space<hbm>> -> memref<1x128x128xf32, #tpu.memory_space<hbm>>
      %dma_wait3A_89 = tpu.memref_squeeze %dma_wait3A_88 : memref<1x128x128xf32, #tpu.memory_space<hbm>> -> memref<128x128xf32, #tpu.memory_space<hbm>>
      %dma_wait3A_90 = arith.constant 0 : i32
      %dma_wait3A_91 = tpu.memref_slice %arg9[%add3A_74, %dma_wait3A_90] : memref<10240x128xf32, #tpu.memory_space<vmem_shared>> -> memref<128x128xf32, #tpu.memory_space<vmem_shared>>
      tpu.wait_dma2 semaphore(%run_scoped3A_81 : memref<!tpu.dma_semaphore, #tpu.memory_space<semaphore_mem>>) src(%dma_wait3A_91 : memref<128x128xf32, #tpu.memory_space<vmem_shared>>) dst(%dma_wait3A_89 : memref<128x128xf32, #tpu.memory_space<hbm>>)
      tpu.yield
    }) : () -> ()
    %add3A_75 = arith.constant 256 : i32
    %add3A_76 = arith.addi %mul3A_5, %add3A_75 : i32
    "tpu.region"() ({
      %run_scoped3A_81 = tpu.sem_alloc : memref<!tpu.dma_semaphore, #tpu.memory_space<semaphore_mem>>
      %dma_start3A_82 = arith.constant 0 : i32
      %dma_start3A_83 = tpu.memref_slice %arg4[%arg0, %add3A_76, %dma_start3A_82] : memref<2x10240x128xf32, #tpu.memory_space<hbm>> -> memref<1x128x128xf32, #tpu.memory_space<hbm>>
      %dma_start3A_84 = tpu.memref_squeeze %dma_start3A_83 : memref<1x128x128xf32, #tpu.memory_space<hbm>> -> memref<128x128xf32, #tpu.memory_space<hbm>>
      %dma_start3A_85 = arith.constant 0 : i32
      %dma_start3A_86 = tpu.memref_slice %arg9[%add3A_76, %dma_start3A_85] : memref<10240x128xf32, #tpu.memory_space<vmem_shared>> -> memref<128x128xf32, #tpu.memory_space<vmem_shared>>
      tpu.enqueue_dma source(%dma_start3A_86 : memref<128x128xf32, #tpu.memory_space<vmem_shared>>) target(%dma_start3A_84 : memref<128x128xf32, #tpu.memory_space<hbm>>) target_semaphore(%run_scoped3A_81 : memref<!tpu.dma_semaphore, #tpu.memory_space<semaphore_mem>>)
      %dma_wait3A_87 = arith.constant 0 : i32
      %dma_wait3A_88 = tpu.memref_slice %arg4[%arg0, %add3A_76, %dma_wait3A_87] : memref<2x10240x128xf32, #tpu.memory_space<hbm>> -> memref<1x128x128xf32, #tpu.memory_space<hbm>>
      %dma_wait3A_89 = tpu.memref_squeeze %dma_wait3A_88 : memref<1x128x128xf32, #tpu.memory_space<hbm>> -> memref<128x128xf32, #tpu.memory_space<hbm>>
      %dma_wait3A_90 = arith.constant 0 : i32
      %dma_wait3A_91 = tpu.memref_slice %arg9[%add3A_76, %dma_wait3A_90] : memref<10240x128xf32, #tpu.memory_space<vmem_shared>> -> memref<128x128xf32, #tpu.memory_space<vmem_shared>>
      tpu.wait_dma2 semaphore(%run_scoped3A_81 : memref<!tpu.dma_semaphore, #tpu.memory_space<semaphore_mem>>) src(%dma_wait3A_91 : memref<128x128xf32, #tpu.memory_space<vmem_shared>>) dst(%dma_wait3A_89 : memref<128x128xf32, #tpu.memory_space<hbm>>)
      tpu.yield
    }) : () -> ()
    %add3A_77 = arith.constant 384 : i32
    %add3A_78 = arith.addi %mul3A_5, %add3A_77 : i32
    "tpu.region"() ({
      %run_scoped3A_81 = tpu.sem_alloc : memref<!tpu.dma_semaphore, #tpu.memory_space<semaphore_mem>>
      %dma_start3A_82 = arith.constant 0 : i32
      %dma_start3A_83 = tpu.memref_slice %arg4[%arg0, %add3A_78, %dma_start3A_82] : memref<2x10240x128xf32, #tpu.memory_space<hbm>> -> memref<1x128x128xf32, #tpu.memory_space<hbm>>
      %dma_start3A_84 = tpu.memref_squeeze %dma_start3A_83 : memref<1x128x128xf32, #tpu.memory_space<hbm>> -> memref<128x128xf32, #tpu.memory_space<hbm>>
      %dma_start3A_85 = arith.constant 0 : i32
      %dma_start3A_86 = tpu.memref_slice %arg9[%add3A_78, %dma_start3A_85] : memref<10240x128xf32, #tpu.memory_space<vmem_shared>> -> memref<128x128xf32, #tpu.memory_space<vmem_shared>>
      tpu.enqueue_dma source(%dma_start3A_86 : memref<128x128xf32, #tpu.memory_space<vmem_shared>>) target(%dma_start3A_84 : memref<128x128xf32, #tpu.memory_space<hbm>>) target_semaphore(%run_scoped3A_81 : memref<!tpu.dma_semaphore, #tpu.memory_space<semaphore_mem>>)
      %dma_wait3A_87 = arith.constant 0 : i32
      %dma_wait3A_88 = tpu.memref_slice %arg4[%arg0, %add3A_78, %dma_wait3A_87] : memref<2x10240x128xf32, #tpu.memory_space<hbm>> -> memref<1x128x128xf32, #tpu.memory_space<hbm>>
      %dma_wait3A_89 = tpu.memref_squeeze %dma_wait3A_88 : memref<1x128x128xf32, #tpu.memory_space<hbm>> -> memref<128x128xf32, #tpu.memory_space<hbm>>
      %dma_wait3A_90 = arith.constant 0 : i32
      %dma_wait3A_91 = tpu.memref_slice %arg9[%add3A_78, %dma_wait3A_90] : memref<10240x128xf32, #tpu.memory_space<vmem_shared>> -> memref<128x128xf32, #tpu.memory_space<vmem_shared>>
      tpu.wait_dma2 semaphore(%run_scoped3A_81 : memref<!tpu.dma_semaphore, #tpu.memory_space<semaphore_mem>>) src(%dma_wait3A_91 : memref<128x128xf32, #tpu.memory_space<vmem_shared>>) dst(%dma_wait3A_89 : memref<128x128xf32, #tpu.memory_space<hbm>>)
      tpu.yield
    }) : () -> ()
    %add3A_79 = arith.constant 512 : i32
    %add3A_80 = arith.addi %mul3A_5, %add3A_79 : i32
    "tpu.region"() ({
      %run_scoped3A_81 = tpu.sem_alloc : memref<!tpu.dma_semaphore, #tpu.memory_space<semaphore_mem>>
      %dma_start3A_82 = arith.constant 0 : i32
      %dma_start3A_83 = tpu.memref_slice %arg4[%arg0, %add3A_80, %dma_start3A_82] : memref<2x10240x128xf32, #tpu.memory_space<hbm>> -> memref<1x128x128xf32, #tpu.memory_space<hbm>>
      %dma_start3A_84 = tpu.memref_squeeze %dma_start3A_83 : memref<1x128x128xf32, #tpu.memory_space<hbm>> -> memref<128x128xf32, #tpu.memory_space<hbm>>
      %dma_start3A_85 = arith.constant 0 : i32
      %dma_start3A_86 = tpu.memref_slice %arg9[%add3A_80, %dma_start3A_85] : memref<10240x128xf32, #tpu.memory_space<vmem_shared>> -> memref<128x128xf32, #tpu.memory_space<vmem_shared>>
      tpu.enqueue_dma source(%dma_start3A_86 : memref<128x128xf32, #tpu.memory_space<vmem_shared>>) target(%dma_start3A_84 : memref<128x128xf32, #tpu.memory_space<hbm>>) target_semaphore(%run_scoped3A_81 : memref<!tpu.dma_semaphore, #tpu.memory_space<semaphore_mem>>)
      %dma_wait3A_87 = arith.constant 0 : i32
      %dma_wait3A_88 = tpu.memref_slice %arg4[%arg0, %add3A_80, %dma_wait3A_87] : memref<2x10240x128xf32, #tpu.memory_space<hbm>> -> memref<1x128x128xf32, #tpu.memory_space<hbm>>
      %dma_wait3A_89 = tpu.memref_squeeze %dma_wait3A_88 : memref<1x128x128xf32, #tpu.memory_space<hbm>> -> memref<128x128xf32, #tpu.memory_space<hbm>>
      %dma_wait3A_90 = arith.constant 0 : i32
      %dma_wait3A_91 = tpu.memref_slice %arg9[%add3A_80, %dma_wait3A_90] : memref<10240x128xf32, #tpu.memory_space<vmem_shared>> -> memref<128x128xf32, #tpu.memory_space<vmem_shared>>
      tpu.wait_dma2 semaphore(%run_scoped3A_81 : memref<!tpu.dma_semaphore, #tpu.memory_space<semaphore_mem>>) src(%dma_wait3A_91 : memref<128x128xf32, #tpu.memory_space<vmem_shared>>) dst(%dma_wait3A_89 : memref<128x128xf32, #tpu.memory_space<hbm>>)
      tpu.yield
    }) : () -> ()
    return
  }
}

module attributes {stable_mosaic.version = 14 : i64} {
  func.func @body(%arg0: i32, %arg1: memref<2x400x128xf32, #tpu.memory_space<vmem>>, %arg2: memref<2x400x128xf32, #tpu.memory_space<vmem>>, %arg3: memref<400x128xf32, #tpu.memory_space<vmem>>, %arg4: memref<128x128xf32, #tpu.memory_space<vmem>>, %arg5: memref<1x128xf32, #tpu.memory_space<vmem>>, %arg6: memref<128x128xf32, #tpu.memory_space<vmem>>, %arg7: memref<1x128xf32, #tpu.memory_space<vmem>>, %arg8: memref<1x128xf32, #tpu.memory_space<vmem>>, %arg9: memref<1x128xf32, #tpu.memory_space<vmem>>, %arg10: memref<1x128xf32, #tpu.memory_space<vmem>>, %arg11: memref<400x128xf32, #tpu.memory_space<vmem>>, %arg12: memref<400x1xf32, #tpu.memory_space<vmem>>) attributes {dimension_semantics = [#tpu.dimension_semantics<arbitrary>], iteration_bounds = array<i64: 25>, scalar_prefetch = 0 : i64, scratch_operands = 0 : i64, tpu.core_type = #tpu.core_type<tc>, window_params = [{transform_indices = @transform_0, window_bounds = array<i64: 2, 400, 128>}, {transform_indices = @transform_1, window_bounds = array<i64: 2, 400, 128>}, {transform_indices = @transform_2, window_bounds = array<i64: 400, 128>}, {pipeline_mode = #tpu.pipeline_mode<synchronous>, transform_indices = @transform_3, window_bounds = array<i64: 128, 128>}, {pipeline_mode = #tpu.pipeline_mode<synchronous>, transform_indices = @transform_4, window_bounds = array<i64: 1, 128>}, {pipeline_mode = #tpu.pipeline_mode<synchronous>, transform_indices = @transform_5, window_bounds = array<i64: 128, 128>}, {pipeline_mode = #tpu.pipeline_mode<synchronous>, transform_indices = @transform_6, window_bounds = array<i64: 1, 128>}, {pipeline_mode = #tpu.pipeline_mode<synchronous>, transform_indices = @transform_7, window_bounds = array<i64: 1, 128>}, {pipeline_mode = #tpu.pipeline_mode<synchronous>, transform_indices = @transform_8, window_bounds = array<i64: 1, 128>}, {pipeline_mode = #tpu.pipeline_mode<synchronous>, transform_indices = @transform_9, window_bounds = array<i64: 1, 128>}, {transform_indices = @transform_10, window_bounds = array<i64: 400, 128>}, {transform_indices = @transform_11, window_bounds = array<i64: 400, 1>}]} {
    %get3A = arith.constant 0 : index
    %get3A_0 = arith.constant 0 : index
    %get3A_1 = arith.constant 0 : index
    %get3A_2 = vector.load %arg1[%get3A, %get3A_0, %get3A_1] : memref<2x400x128xf32, #tpu.memory_space<vmem>>, vector<1x400x128xf32>
    %get3A_3 = vector.shape_cast %get3A_2 : vector<1x400x128xf32> to vector<400x128xf32>
    %get3A_4 = arith.constant 1 : index
    %get3A_5 = arith.constant 0 : index
    %get3A_6 = arith.constant 0 : index
    %get3A_7 = vector.load %arg1[%get3A_4, %get3A_5, %get3A_6] : memref<2x400x128xf32, #tpu.memory_space<vmem>>, vector<1x400x128xf32>
    %get3A_8 = vector.shape_cast %get3A_7 : vector<1x400x128xf32> to vector<400x128xf32>
    %add3A = arith.addf %get3A_3, %get3A_8 : vector<400x128xf32>
    %get3A_9 = arith.constant 0 : index
    %get3A_10 = arith.constant 0 : index
    %get3A_11 = arith.constant 0 : index
    %get3A_12 = vector.load %arg2[%get3A_9, %get3A_10, %get3A_11] : memref<2x400x128xf32, #tpu.memory_space<vmem>>, vector<1x400x1xf32>
    %get3A_13 = vector.shape_cast %get3A_12 : vector<1x400x1xf32> to vector<400x1xf32>
    %get3A_14 = arith.constant 1 : index
    %get3A_15 = arith.constant 0 : index
    %get3A_16 = arith.constant 0 : index
    %get3A_17 = vector.load %arg2[%get3A_14, %get3A_15, %get3A_16] : memref<2x400x128xf32, #tpu.memory_space<vmem>>, vector<1x400x1xf32>
    %get3A_18 = vector.shape_cast %get3A_17 : vector<1x400x1xf32> to vector<400x1xf32>
    %add3A_19 = arith.addf %get3A_13, %get3A_18 : vector<400x1xf32>
    %max3A = arith.constant 1.000000e+00 : f32
    %max3A_20 = vector.broadcast %max3A : f32 to vector<400x1xf32>
    %max3A_21 = arith.maximumf %add3A_19, %max3A_20 : vector<400x1xf32>
    %div3A = arith.constant 1.000000e+00 : f32
    %div3A_22 = vector.broadcast %div3A : f32 to vector<400x1xf32>
    %div3A_23 = arith.divf %div3A_22, %max3A_21 : vector<400x1xf32>
    %swap3A = arith.constant 0 : index
    %swap3A_24 = arith.constant 0 : index
    %swap3A_25 = vector.load %arg12[%swap3A, %swap3A_24] : memref<400x1xf32, #tpu.memory_space<vmem>>, vector<400x1xf32>
    tpu.vector_store %arg12[%swap3A, %swap3A_24], %div3A_23 {strides = array<i32>} : memref<400x1xf32, #tpu.memory_space<vmem>>, vector<400x1xf32>,
    %mul3A = vector.broadcast %div3A_23 : vector<400x1xf32> to vector<400x128xf32>
    %mul3A_26 = arith.mulf %add3A, %mul3A : vector<400x128xf32>
    %get3A_27 = arith.constant 0 : index
    %get3A_28 = arith.constant 0 : index
    %get3A_29 = vector.load %arg4[%get3A_27, %get3A_28] : memref<128x128xf32, #tpu.memory_space<vmem>>, vector<128x128xf32>
    %dot_general3A = arith.constant dense<0.000000e+00> : vector<400x128xf32>
    %dot_general3A_30 = tpu.matmul %mul3A_26, %get3A_29, %dot_general3A {dimension_numbers = #tpu.dot_dimension_numbers<[1], [0], [0], [1], [0, 0, 1, 1], [], []>, transpose_lhs_hint = false} : vector<400x128xf32>, vector<128x128xf32>, vector<400x128xf32> -> vector<400x128xf32>
    %get3A_31 = arith.constant 0 : index
    %get3A_32 = arith.constant 0 : index
    %get3A_33 = vector.load %arg5[%get3A_31, %get3A_32] : memref<1x128xf32, #tpu.memory_space<vmem>>, vector<1x128xf32>
    %add3A_34 = vector.broadcast %get3A_33 : vector<1x128xf32> to vector<400x128xf32>
    %add3A_35 = arith.addf %dot_general3A_30, %add3A_34 : vector<400x128xf32>
    %get3A_36 = arith.constant 0 : index
    %get3A_37 = arith.constant 0 : index
    %get3A_38 = vector.load %arg3[%get3A_36, %get3A_37] : memref<400x128xf32, #tpu.memory_space<vmem>>, vector<400x128xf32>
    %get3A_39 = arith.constant 0 : index
    %get3A_40 = arith.constant 0 : index
    %get3A_41 = vector.load %arg6[%get3A_39, %get3A_40] : memref<128x128xf32, #tpu.memory_space<vmem>>, vector<128x128xf32>
    %dot_general3A_42 = arith.constant dense<0.000000e+00> : vector<400x128xf32>
    %dot_general3A_43 = tpu.matmul %get3A_38, %get3A_41, %dot_general3A_42 {dimension_numbers = #tpu.dot_dimension_numbers<[1], [0], [0], [1], [0, 0, 1, 1], [], []>, transpose_lhs_hint = false} : vector<400x128xf32>, vector<128x128xf32>, vector<400x128xf32> -> vector<400x128xf32>
    %add3A_44 = arith.addf %add3A_35, %dot_general3A_43 : vector<400x128xf32>
    %get3A_45 = arith.constant 0 : index
    %get3A_46 = arith.constant 0 : index
    %get3A_47 = vector.load %arg7[%get3A_45, %get3A_46] : memref<1x128xf32, #tpu.memory_space<vmem>>, vector<1x128xf32>
    %get3A_48 = arith.constant 0 : index
    %get3A_49 = arith.constant 0 : index
    %get3A_50 = vector.load %arg10[%get3A_48, %get3A_49] : memref<1x128xf32, #tpu.memory_space<vmem>>, vector<1x128xf32>
    %add3A_51 = arith.constant 9.99999974E-6 : f32
    %add3A_52 = vector.broadcast %add3A_51 : f32 to vector<1x128xf32>
    %add3A_53 = arith.addf %get3A_50, %add3A_52 : vector<1x128xf32>
    %sqrt3A = math.sqrt %add3A_53 : vector<1x128xf32>
    %div3A_54 = arith.divf %get3A_47, %sqrt3A : vector<1x128xf32>
    %get3A_55 = arith.constant 0 : index
    %get3A_56 = arith.constant 0 : index
    %get3A_57 = vector.load %arg9[%get3A_55, %get3A_56] : memref<1x128xf32, #tpu.memory_space<vmem>>, vector<1x128xf32>
    %sub3A = vector.broadcast %get3A_57 : vector<1x128xf32> to vector<400x128xf32>
    %sub3A_58 = arith.subf %add3A_44, %sub3A : vector<400x128xf32>
    %mul3A_59 = vector.broadcast %div3A_54 : vector<1x128xf32> to vector<400x128xf32>
    %mul3A_60 = arith.mulf %sub3A_58, %mul3A_59 : vector<400x128xf32>
    %get3A_61 = arith.constant 0 : index
    %get3A_62 = arith.constant 0 : index
    %get3A_63 = vector.load %arg8[%get3A_61, %get3A_62] : memref<1x128xf32, #tpu.memory_space<vmem>>, vector<1x128xf32>
    %add3A_64 = vector.broadcast %get3A_63 : vector<1x128xf32> to vector<400x128xf32>
    %add3A_65 = arith.addf %mul3A_60, %add3A_64 : vector<400x128xf32>
    %max3A_66 = arith.constant 0.000000e+00 : f32
    %max3A_67 = vector.broadcast %max3A_66 : f32 to vector<400x128xf32>
    %max3A_68 = arith.maximumf %add3A_65, %max3A_67 : vector<400x128xf32>
    %get3A_69 = arith.constant 0 : index
    %get3A_70 = arith.constant 0 : index
    %get3A_71 = vector.load %arg3[%get3A_69, %get3A_70] : memref<400x128xf32, #tpu.memory_space<vmem>>, vector<400x128xf32>
    %add3A_72 = arith.addf %max3A_68, %get3A_71 : vector<400x128xf32>
    %swap3A_73 = arith.constant 0 : index
    %swap3A_74 = arith.constant 0 : index
    %swap3A_75 = vector.load %arg11[%swap3A_73, %swap3A_74] : memref<400x128xf32, #tpu.memory_space<vmem>>, vector<400x128xf32>
    tpu.vector_store %arg11[%swap3A_73, %swap3A_74], %add3A_72 {strides = array<i32>} : memref<400x128xf32, #tpu.memory_space<vmem>>, vector<400x128xf32>,
    return
  }
  func.func @transform_0(%arg0: i32) -> (i32, i32, i32) {
    %c0_i32 = arith.constant 0 : i32
    %c0_i32_0 = arith.constant 0 : i32
    %c0_i32_1 = arith.constant 0 : i32
    return %c0_i32, %arg0, %c0_i32_0 : i32, i32, i32
  }
  func.func @transform_1(%arg0: i32) -> (i32, i32, i32) {
    %c0_i32 = arith.constant 0 : i32
    %c0_i32_0 = arith.constant 0 : i32
    %c0_i32_1 = arith.constant 0 : i32
    return %c0_i32, %arg0, %c0_i32_0 : i32, i32, i32
  }
  func.func @transform_2(%arg0: i32) -> (i32, i32) {
    %c0_i32 = arith.constant 0 : i32
    %c0_i32_0 = arith.constant 0 : i32
    return %arg0, %c0_i32 : i32, i32
  }
  func.func @transform_3(%arg0: i32) -> (i32, i32) {
    %c0_i32 = arith.constant 0 : i32
    %c0_i32_0 = arith.constant 0 : i32
    %c0_i32_1 = arith.constant 0 : i32
    return %c0_i32, %c0_i32_0 : i32, i32
  }
  func.func @transform_4(%arg0: i32) -> (i32, i32) {
    %c0_i32 = arith.constant 0 : i32
    %c0_i32_0 = arith.constant 0 : i32
    %c0_i32_1 = arith.constant 0 : i32
    return %c0_i32, %c0_i32_0 : i32, i32
  }
  func.func @transform_5(%arg0: i32) -> (i32, i32) {
    %c0_i32 = arith.constant 0 : i32
    %c0_i32_0 = arith.constant 0 : i32
    %c0_i32_1 = arith.constant 0 : i32
    return %c0_i32, %c0_i32_0 : i32, i32
  }
  func.func @transform_6(%arg0: i32) -> (i32, i32) {
    %c0_i32 = arith.constant 0 : i32
    %c0_i32_0 = arith.constant 0 : i32
    %c0_i32_1 = arith.constant 0 : i32
    return %c0_i32, %c0_i32_0 : i32, i32
  }
  func.func @transform_7(%arg0: i32) -> (i32, i32) {
    %c0_i32 = arith.constant 0 : i32
    %c0_i32_0 = arith.constant 0 : i32
    %c0_i32_1 = arith.constant 0 : i32
    return %c0_i32, %c0_i32_0 : i32, i32
  }
  func.func @transform_8(%arg0: i32) -> (i32, i32) {
    %c0_i32 = arith.constant 0 : i32
    %c0_i32_0 = arith.constant 0 : i32
    %c0_i32_1 = arith.constant 0 : i32
    return %c0_i32, %c0_i32_0 : i32, i32
  }
  func.func @transform_9(%arg0: i32) -> (i32, i32) {
    %c0_i32 = arith.constant 0 : i32
    %c0_i32_0 = arith.constant 0 : i32
    %c0_i32_1 = arith.constant 0 : i32
    return %c0_i32, %c0_i32_0 : i32, i32
  }
  func.func @transform_10(%arg0: i32) -> (i32, i32) {
    %c0_i32 = arith.constant 0 : i32
    %c0_i32_0 = arith.constant 0 : i32
    return %arg0, %c0_i32 : i32, i32
  }
  func.func @transform_11(%arg0: i32) -> (i32, i32) {
    %c0_i32 = arith.constant 0 : i32
    %c0_i32_0 = arith.constant 0 : i32
    return %arg0, %c0_i32 : i32, i32
  }
}

module attributes {stable_mosaic.version = 14 : i64} {
  func.func @body(%arg0: i32, %arg1: memref<2x400x128xf32, #tpu.memory_space<vmem>>, %arg2: memref<400x1xf32, #tpu.memory_space<vmem>>, %arg3: memref<400x128xf32, #tpu.memory_space<vmem>>, %arg4: memref<128x128xf32, #tpu.memory_space<vmem>>, %arg5: memref<1x128xf32, #tpu.memory_space<vmem>>, %arg6: memref<128x128xf32, #tpu.memory_space<vmem>>, %arg7: memref<1x128xf32, #tpu.memory_space<vmem>>, %arg8: memref<1x128xf32, #tpu.memory_space<vmem>>, %arg9: memref<1x128xf32, #tpu.memory_space<vmem>>, %arg10: memref<1x128xf32, #tpu.memory_space<vmem>>, %arg11: memref<400x128xf32, #tpu.memory_space<vmem>>) attributes {dimension_semantics = [#tpu.dimension_semantics<arbitrary>], iteration_bounds = array<i64: 25>, scalar_prefetch = 0 : i64, scratch_operands = 0 : i64, tpu.core_type = #tpu.core_type<tc>, window_params = [{transform_indices = @transform_0, window_bounds = array<i64: 2, 400, 128>}, {transform_indices = @transform_1, window_bounds = array<i64: 400, 1>}, {transform_indices = @transform_2, window_bounds = array<i64: 400, 128>}, {pipeline_mode = #tpu.pipeline_mode<synchronous>, transform_indices = @transform_3, window_bounds = array<i64: 128, 128>}, {pipeline_mode = #tpu.pipeline_mode<synchronous>, transform_indices = @transform_4, window_bounds = array<i64: 1, 128>}, {pipeline_mode = #tpu.pipeline_mode<synchronous>, transform_indices = @transform_5, window_bounds = array<i64: 128, 128>}, {pipeline_mode = #tpu.pipeline_mode<synchronous>, transform_indices = @transform_6, window_bounds = array<i64: 1, 128>}, {pipeline_mode = #tpu.pipeline_mode<synchronous>, transform_indices = @transform_7, window_bounds = array<i64: 1, 128>}, {pipeline_mode = #tpu.pipeline_mode<synchronous>, transform_indices = @transform_8, window_bounds = array<i64: 1, 128>}, {pipeline_mode = #tpu.pipeline_mode<synchronous>, transform_indices = @transform_9, window_bounds = array<i64: 1, 128>}, {transform_indices = @transform_10, window_bounds = array<i64: 400, 128>}]} {
    %get3A = arith.constant 0 : index
    %get3A_0 = arith.constant 0 : index
    %get3A_1 = arith.constant 0 : index
    %get3A_2 = vector.load %arg1[%get3A, %get3A_0, %get3A_1] : memref<2x400x128xf32, #tpu.memory_space<vmem>>, vector<1x400x128xf32>
    %get3A_3 = vector.shape_cast %get3A_2 : vector<1x400x128xf32> to vector<400x128xf32>
    %get3A_4 = arith.constant 1 : index
    %get3A_5 = arith.constant 0 : index
    %get3A_6 = arith.constant 0 : index
    %get3A_7 = vector.load %arg1[%get3A_4, %get3A_5, %get3A_6] : memref<2x400x128xf32, #tpu.memory_space<vmem>>, vector<1x400x128xf32>
    %get3A_8 = vector.shape_cast %get3A_7 : vector<1x400x128xf32> to vector<400x128xf32>
    %add3A = arith.addf %get3A_3, %get3A_8 : vector<400x128xf32>
    %get3A_9 = arith.constant 0 : index
    %get3A_10 = arith.constant 0 : index
    %get3A_11 = vector.load %arg2[%get3A_9, %get3A_10] : memref<400x1xf32, #tpu.memory_space<vmem>>, vector<400x1xf32>
    %mul3A = vector.broadcast %get3A_11 : vector<400x1xf32> to vector<400x128xf32>
    %mul3A_12 = arith.mulf %add3A, %mul3A : vector<400x128xf32>
    %get3A_13 = arith.constant 0 : index
    %get3A_14 = arith.constant 0 : index
    %get3A_15 = vector.load %arg4[%get3A_13, %get3A_14] : memref<128x128xf32, #tpu.memory_space<vmem>>, vector<128x128xf32>
    %dot_general3A = arith.constant dense<0.000000e+00> : vector<400x128xf32>
    %dot_general3A_16 = tpu.matmul %mul3A_12, %get3A_15, %dot_general3A {dimension_numbers = #tpu.dot_dimension_numbers<[1], [0], [0], [1], [0, 0, 1, 1], [], []>, transpose_lhs_hint = false} : vector<400x128xf32>, vector<128x128xf32>, vector<400x128xf32> -> vector<400x128xf32>
    %get3A_17 = arith.constant 0 : index
    %get3A_18 = arith.constant 0 : index
    %get3A_19 = vector.load %arg5[%get3A_17, %get3A_18] : memref<1x128xf32, #tpu.memory_space<vmem>>, vector<1x128xf32>
    %add3A_20 = vector.broadcast %get3A_19 : vector<1x128xf32> to vector<400x128xf32>
    %add3A_21 = arith.addf %dot_general3A_16, %add3A_20 : vector<400x128xf32>
    %get3A_22 = arith.constant 0 : index
    %get3A_23 = arith.constant 0 : index
    %get3A_24 = vector.load %arg3[%get3A_22, %get3A_23] : memref<400x128xf32, #tpu.memory_space<vmem>>, vector<400x128xf32>
    %get3A_25 = arith.constant 0 : index
    %get3A_26 = arith.constant 0 : index
    %get3A_27 = vector.load %arg6[%get3A_25, %get3A_26] : memref<128x128xf32, #tpu.memory_space<vmem>>, vector<128x128xf32>
    %dot_general3A_28 = arith.constant dense<0.000000e+00> : vector<400x128xf32>
    %dot_general3A_29 = tpu.matmul %get3A_24, %get3A_27, %dot_general3A_28 {dimension_numbers = #tpu.dot_dimension_numbers<[1], [0], [0], [1], [0, 0, 1, 1], [], []>, transpose_lhs_hint = false} : vector<400x128xf32>, vector<128x128xf32>, vector<400x128xf32> -> vector<400x128xf32>
    %add3A_30 = arith.addf %add3A_21, %dot_general3A_29 : vector<400x128xf32>
    %get3A_31 = arith.constant 0 : index
    %get3A_32 = arith.constant 0 : index
    %get3A_33 = vector.load %arg7[%get3A_31, %get3A_32] : memref<1x128xf32, #tpu.memory_space<vmem>>, vector<1x128xf32>
    %get3A_34 = arith.constant 0 : index
    %get3A_35 = arith.constant 0 : index
    %get3A_36 = vector.load %arg10[%get3A_34, %get3A_35] : memref<1x128xf32, #tpu.memory_space<vmem>>, vector<1x128xf32>
    %add3A_37 = arith.constant 9.99999974E-6 : f32
    %add3A_38 = vector.broadcast %add3A_37 : f32 to vector<1x128xf32>
    %add3A_39 = arith.addf %get3A_36, %add3A_38 : vector<1x128xf32>
    %sqrt3A = math.sqrt %add3A_39 : vector<1x128xf32>
    %div3A = arith.divf %get3A_33, %sqrt3A : vector<1x128xf32>
    %get3A_40 = arith.constant 0 : index
    %get3A_41 = arith.constant 0 : index
    %get3A_42 = vector.load %arg9[%get3A_40, %get3A_41] : memref<1x128xf32, #tpu.memory_space<vmem>>, vector<1x128xf32>
    %sub3A = vector.broadcast %get3A_42 : vector<1x128xf32> to vector<400x128xf32>
    %sub3A_43 = arith.subf %add3A_30, %sub3A : vector<400x128xf32>
    %mul3A_44 = vector.broadcast %div3A : vector<1x128xf32> to vector<400x128xf32>
    %mul3A_45 = arith.mulf %sub3A_43, %mul3A_44 : vector<400x128xf32>
    %get3A_46 = arith.constant 0 : index
    %get3A_47 = arith.constant 0 : index
    %get3A_48 = vector.load %arg8[%get3A_46, %get3A_47] : memref<1x128xf32, #tpu.memory_space<vmem>>, vector<1x128xf32>
    %add3A_49 = vector.broadcast %get3A_48 : vector<1x128xf32> to vector<400x128xf32>
    %add3A_50 = arith.addf %mul3A_45, %add3A_49 : vector<400x128xf32>
    %max3A = arith.constant 0.000000e+00 : f32
    %max3A_51 = vector.broadcast %max3A : f32 to vector<400x128xf32>
    %max3A_52 = arith.maximumf %add3A_50, %max3A_51 : vector<400x128xf32>
    %swap3A = arith.constant 0 : index
    %swap3A_53 = arith.constant 0 : index
    %swap3A_54 = vector.load %arg11[%swap3A, %swap3A_53] : memref<400x128xf32, #tpu.memory_space<vmem>>, vector<400x128xf32>
    tpu.vector_store %arg11[%swap3A, %swap3A_53], %max3A_52 {strides = array<i32>} : memref<400x128xf32, #tpu.memory_space<vmem>>, vector<400x128xf32>,
    return
  }
  func.func @transform_0(%arg0: i32) -> (i32, i32, i32) {
    %c0_i32 = arith.constant 0 : i32
    %c0_i32_0 = arith.constant 0 : i32
    %c0_i32_1 = arith.constant 0 : i32
    return %c0_i32, %arg0, %c0_i32_0 : i32, i32, i32
  }
  func.func @transform_1(%arg0: i32) -> (i32, i32) {
    %c0_i32 = arith.constant 0 : i32
    %c0_i32_0 = arith.constant 0 : i32
    return %arg0, %c0_i32 : i32, i32
  }
  func.func @transform_2(%arg0: i32) -> (i32, i32) {
    %c0_i32 = arith.constant 0 : i32
    %c0_i32_0 = arith.constant 0 : i32
    return %arg0, %c0_i32 : i32, i32
  }
  func.func @transform_3(%arg0: i32) -> (i32, i32) {
    %c0_i32 = arith.constant 0 : i32
    %c0_i32_0 = arith.constant 0 : i32
    %c0_i32_1 = arith.constant 0 : i32
    return %c0_i32, %c0_i32_0 : i32, i32
  }
  func.func @transform_4(%arg0: i32) -> (i32, i32) {
    %c0_i32 = arith.constant 0 : i32
    %c0_i32_0 = arith.constant 0 : i32
    %c0_i32_1 = arith.constant 0 : i32
    return %c0_i32, %c0_i32_0 : i32, i32
  }
  func.func @transform_5(%arg0: i32) -> (i32, i32) {
    %c0_i32 = arith.constant 0 : i32
    %c0_i32_0 = arith.constant 0 : i32
    %c0_i32_1 = arith.constant 0 : i32
    return %c0_i32, %c0_i32_0 : i32, i32
  }
  func.func @transform_6(%arg0: i32) -> (i32, i32) {
    %c0_i32 = arith.constant 0 : i32
    %c0_i32_0 = arith.constant 0 : i32
    %c0_i32_1 = arith.constant 0 : i32
    return %c0_i32, %c0_i32_0 : i32, i32
  }
  func.func @transform_7(%arg0: i32) -> (i32, i32) {
    %c0_i32 = arith.constant 0 : i32
    %c0_i32_0 = arith.constant 0 : i32
    %c0_i32_1 = arith.constant 0 : i32
    return %c0_i32, %c0_i32_0 : i32, i32
  }
  func.func @transform_8(%arg0: i32) -> (i32, i32) {
    %c0_i32 = arith.constant 0 : i32
    %c0_i32_0 = arith.constant 0 : i32
    %c0_i32_1 = arith.constant 0 : i32
    return %c0_i32, %c0_i32_0 : i32, i32
  }
  func.func @transform_9(%arg0: i32) -> (i32, i32) {
    %c0_i32 = arith.constant 0 : i32
    %c0_i32_0 = arith.constant 0 : i32
    %c0_i32_1 = arith.constant 0 : i32
    return %c0_i32, %c0_i32_0 : i32, i32
  }
  func.func @transform_10(%arg0: i32) -> (i32, i32) {
    %c0_i32 = arith.constant 0 : i32
    %c0_i32_0 = arith.constant 0 : i32
    return %arg0, %c0_i32 : i32, i32
  }
}

module attributes {stable_mosaic.version = 14 : i64} {
  func.func @body(%arg0: i32, %arg1: memref<2x400x128xf32, #tpu.memory_space<vmem>>, %arg2: memref<400x1xf32, #tpu.memory_space<vmem>>, %arg3: memref<400x128xf32, #tpu.memory_space<vmem>>, %arg4: memref<128x128xf32, #tpu.memory_space<vmem>>, %arg5: memref<1x128xf32, #tpu.memory_space<vmem>>, %arg6: memref<128x128xf32, #tpu.memory_space<vmem>>, %arg7: memref<1x128xf32, #tpu.memory_space<vmem>>, %arg8: memref<1x128xf32, #tpu.memory_space<vmem>>, %arg9: memref<1x128xf32, #tpu.memory_space<vmem>>, %arg10: memref<1x128xf32, #tpu.memory_space<vmem>>, %arg11: memref<1x128xf32, #tpu.memory_space<vmem>>, %arg12: memref<1x128xf32, #tpu.memory_space<vmem>>, %arg13: memref<128x64xf32, #tpu.memory_space<vmem>>, %arg14: memref<1x64xf32, #tpu.memory_space<vmem>>, %arg15: memref<1x64xf32, #tpu.memory_space<vmem>>, %arg16: memref<1x64xf32, #tpu.memory_space<vmem>>, %arg17: memref<1x64xf32, #tpu.memory_space<vmem>>, %arg18: memref<1x64xf32, #tpu.memory_space<vmem>>, %arg19: memref<1x64xf32, #tpu.memory_space<vmem>>, %arg20: memref<1x1xf32, #tpu.memory_space<vmem>>, %arg21: memref<400x1xf32, #tpu.memory_space<vmem>>) attributes {dimension_semantics = [#tpu.dimension_semantics<arbitrary>], iteration_bounds = array<i64: 25>, scalar_prefetch = 0 : i64, scratch_operands = 0 : i64, tpu.core_type = #tpu.core_type<tc>, window_params = [{transform_indices = @transform_0, window_bounds = array<i64: 2, 400, 128>}, {transform_indices = @transform_1, window_bounds = array<i64: 400, 1>}, {transform_indices = @transform_2, window_bounds = array<i64: 400, 128>}, {pipeline_mode = #tpu.pipeline_mode<synchronous>, transform_indices = @transform_3, window_bounds = array<i64: 128, 128>}, {pipeline_mode = #tpu.pipeline_mode<synchronous>, transform_indices = @transform_4, window_bounds = array<i64: 1, 128>}, {pipeline_mode = #tpu.pipeline_mode<synchronous>, transform_indices = @transform_5, window_bounds = array<i64: 128, 128>}, {pipeline_mode = #tpu.pipeline_mode<synchronous>, transform_indices = @transform_6, window_bounds = array<i64: 1, 128>}, {pipeline_mode = #tpu.pipeline_mode<synchronous>, transform_indices = @transform_7, window_bounds = array<i64: 1, 128>}, {pipeline_mode = #tpu.pipeline_mode<synchronous>, transform_indices = @transform_8, window_bounds = array<i64: 1, 128>}, {pipeline_mode = #tpu.pipeline_mode<synchronous>, transform_indices = @transform_9, window_bounds = array<i64: 1, 128>}, {pipeline_mode = #tpu.pipeline_mode<synchronous>, transform_indices = @transform_10, window_bounds = array<i64: 1, 128>}, {pipeline_mode = #tpu.pipeline_mode<synchronous>, transform_indices = @transform_11, window_bounds = array<i64: 1, 128>}, {pipeline_mode = #tpu.pipeline_mode<synchronous>, transform_indices = @transform_12, window_bounds = array<i64: 128, 64>}, {pipeline_mode = #tpu.pipeline_mode<synchronous>, transform_indices = @transform_13, window_bounds = array<i64: 1, 64>}, {pipeline_mode = #tpu.pipeline_mode<synchronous>, transform_indices = @transform_14, window_bounds = array<i64: 1, 64>}, {pipeline_mode = #tpu.pipeline_mode<synchronous>, transform_indices = @transform_15, window_bounds = array<i64: 1, 64>}, {pipeline_mode = #tpu.pipeline_mode<synchronous>, transform_indices = @transform_16, window_bounds = array<i64: 1, 64>}, {pipeline_mode = #tpu.pipeline_mode<synchronous>, transform_indices = @transform_17, window_bounds = array<i64: 1, 64>}, {pipeline_mode = #tpu.pipeline_mode<synchronous>, transform_indices = @transform_18, window_bounds = array<i64: 1, 64>}, {pipeline_mode = #tpu.pipeline_mode<synchronous>, transform_indices = @transform_19, window_bounds = array<i64: 1, 1>}, {transform_indices = @transform_20, window_bounds = array<i64: 400, 1>}]} {
    %get3A = arith.constant 0 : index
    %get3A_0 = arith.constant 0 : index
    %get3A_1 = arith.constant 0 : index
    %get3A_2 = vector.load %arg1[%get3A, %get3A_0, %get3A_1] : memref<2x400x128xf32, #tpu.memory_space<vmem>>, vector<1x400x128xf32>
    %get3A_3 = vector.shape_cast %get3A_2 : vector<1x400x128xf32> to vector<400x128xf32>
    %get3A_4 = arith.constant 1 : index
    %get3A_5 = arith.constant 0 : index
    %get3A_6 = arith.constant 0 : index
    %get3A_7 = vector.load %arg1[%get3A_4, %get3A_5, %get3A_6] : memref<2x400x128xf32, #tpu.memory_space<vmem>>, vector<1x400x128xf32>
    %get3A_8 = vector.shape_cast %get3A_7 : vector<1x400x128xf32> to vector<400x128xf32>
    %add3A = arith.addf %get3A_3, %get3A_8 : vector<400x128xf32>
    %get3A_9 = arith.constant 0 : index
    %get3A_10 = arith.constant 0 : index
    %get3A_11 = vector.load %arg2[%get3A_9, %get3A_10] : memref<400x1xf32, #tpu.memory_space<vmem>>, vector<400x1xf32>
    %mul3A = vector.broadcast %get3A_11 : vector<400x1xf32> to vector<400x128xf32>
    %mul3A_12 = arith.mulf %add3A, %mul3A : vector<400x128xf32>
    %get3A_13 = arith.constant 0 : index
    %get3A_14 = arith.constant 0 : index
    %get3A_15 = vector.load %arg4[%get3A_13, %get3A_14] : memref<128x128xf32, #tpu.memory_space<vmem>>, vector<128x128xf32>
    %dot_general3A = arith.constant dense<0.000000e+00> : vector<400x128xf32>
    %dot_general3A_16 = tpu.matmul %mul3A_12, %get3A_15, %dot_general3A {dimension_numbers = #tpu.dot_dimension_numbers<[1], [0], [0], [1], [0, 0, 1, 1], [], []>, transpose_lhs_hint = false} : vector<400x128xf32>, vector<128x128xf32>, vector<400x128xf32> -> vector<400x128xf32>
    %get3A_17 = arith.constant 0 : index
    %get3A_18 = arith.constant 0 : index
    %get3A_19 = vector.load %arg5[%get3A_17, %get3A_18] : memref<1x128xf32, #tpu.memory_space<vmem>>, vector<1x128xf32>
    %add3A_20 = vector.broadcast %get3A_19 : vector<1x128xf32> to vector<400x128xf32>
    %add3A_21 = arith.addf %dot_general3A_16, %add3A_20 : vector<400x128xf32>
    %get3A_22 = arith.constant 0 : index
    %get3A_23 = arith.constant 0 : index
    %get3A_24 = vector.load %arg3[%get3A_22, %get3A_23] : memref<400x128xf32, #tpu.memory_space<vmem>>, vector<400x128xf32>
    %get3A_25 = arith.constant 0 : index
    %get3A_26 = arith.constant 0 : index
    %get3A_27 = vector.load %arg6[%get3A_25, %get3A_26] : memref<128x128xf32, #tpu.memory_space<vmem>>, vector<128x128xf32>
    %dot_general3A_28 = arith.constant dense<0.000000e+00> : vector<400x128xf32>
    %dot_general3A_29 = tpu.matmul %get3A_24, %get3A_27, %dot_general3A_28 {dimension_numbers = #tpu.dot_dimension_numbers<[1], [0], [0], [1], [0, 0, 1, 1], [], []>, transpose_lhs_hint = false} : vector<400x128xf32>, vector<128x128xf32>, vector<400x128xf32> -> vector<400x128xf32>
    %add3A_30 = arith.addf %add3A_21, %dot_general3A_29 : vector<400x128xf32>
    %get3A_31 = arith.constant 0 : index
    %get3A_32 = arith.constant 0 : index
    %get3A_33 = vector.load %arg7[%get3A_31, %get3A_32] : memref<1x128xf32, #tpu.memory_space<vmem>>, vector<1x128xf32>
    %get3A_34 = arith.constant 0 : index
    %get3A_35 = arith.constant 0 : index
    %get3A_36 = vector.load %arg10[%get3A_34, %get3A_35] : memref<1x128xf32, #tpu.memory_space<vmem>>, vector<1x128xf32>
    %add3A_37 = arith.constant 9.99999974E-6 : f32
    %add3A_38 = vector.broadcast %add3A_37 : f32 to vector<1x128xf32>
    %add3A_39 = arith.addf %get3A_36, %add3A_38 : vector<1x128xf32>
    %sqrt3A = math.sqrt %add3A_39 : vector<1x128xf32>
    %div3A = arith.divf %get3A_33, %sqrt3A : vector<1x128xf32>
    %get3A_40 = arith.constant 0 : index
    %get3A_41 = arith.constant 0 : index
    %get3A_42 = vector.load %arg9[%get3A_40, %get3A_41] : memref<1x128xf32, #tpu.memory_space<vmem>>, vector<1x128xf32>
    %sub3A = vector.broadcast %get3A_42 : vector<1x128xf32> to vector<400x128xf32>
    %sub3A_43 = arith.subf %add3A_30, %sub3A : vector<400x128xf32>
    %mul3A_44 = vector.broadcast %div3A : vector<1x128xf32> to vector<400x128xf32>
    %mul3A_45 = arith.mulf %sub3A_43, %mul3A_44 : vector<400x128xf32>
    %get3A_46 = arith.constant 0 : index
    %get3A_47 = arith.constant 0 : index
    %get3A_48 = vector.load %arg8[%get3A_46, %get3A_47] : memref<1x128xf32, #tpu.memory_space<vmem>>, vector<1x128xf32>
    %add3A_49 = vector.broadcast %get3A_48 : vector<1x128xf32> to vector<400x128xf32>
    %add3A_50 = arith.addf %mul3A_45, %add3A_49 : vector<400x128xf32>
    %max3A = arith.constant 0.000000e+00 : f32
    %max3A_51 = vector.broadcast %max3A : f32 to vector<400x128xf32>
    %max3A_52 = arith.maximumf %add3A_50, %max3A_51 : vector<400x128xf32>
    %reduce_sum3A = arith.constant dense<0.000000e+00> : vector<400xf32>
    %reduce_sum3A_53 = vector.multi_reduction <add>, %max3A_52, %reduce_sum3A [1] : vector<400x128xf32> to vector<400xf32>
    %broadcast_in_dim3A = vector.shape_cast %reduce_sum3A_53 : vector<400xf32> to vector<400x1xf32>
    %div3A_54 = arith.constant 1.280000e+02 : f32
    %div3A_55 = vector.broadcast %div3A_54 : f32 to vector<400x1xf32>
    %div3A_56 = arith.divf %broadcast_in_dim3A, %div3A_55 : vector<400x1xf32>
    %sub3A_57 = vector.broadcast %div3A_56 : vector<400x1xf32> to vector<400x128xf32>
    %sub3A_58 = arith.subf %max3A_52, %sub3A_57 : vector<400x128xf32>
    %square3A = arith.mulf %sub3A_58, %sub3A_58 : vector<400x128xf32>
    %reduce_sum3A_59 = arith.constant dense<0.000000e+00> : vector<400xf32>
    %reduce_sum3A_60 = vector.multi_reduction <add>, %square3A, %reduce_sum3A_59 [1] : vector<400x128xf32> to vector<400xf32>
    %broadcast_in_dim3A_61 = vector.shape_cast %reduce_sum3A_60 : vector<400xf32> to vector<400x1xf32>
    %div3A_62 = arith.constant 1.280000e+02 : f32
    %div3A_63 = vector.broadcast %div3A_62 : f32 to vector<400x1xf32>
    %div3A_64 = arith.divf %broadcast_in_dim3A_61, %div3A_63 : vector<400x1xf32>
    %sub3A_65 = vector.broadcast %div3A_56 : vector<400x1xf32> to vector<400x128xf32>
    %sub3A_66 = arith.subf %max3A_52, %sub3A_65 : vector<400x128xf32>
    %add3A_67 = arith.constant 9.99999974E-6 : f32
    %add3A_68 = vector.broadcast %add3A_67 : f32 to vector<400x1xf32>
    %add3A_69 = arith.addf %div3A_64, %add3A_68 : vector<400x1xf32>
    %rsqrt3A = math.rsqrt %add3A_69 : vector<400x1xf32>
    %mul3A_70 = vector.broadcast %rsqrt3A : vector<400x1xf32> to vector<400x128xf32>
    %mul3A_71 = arith.mulf %sub3A_66, %mul3A_70 : vector<400x128xf32>
    %get3A_72 = arith.constant 0 : index
    %get3A_73 = arith.constant 0 : index
    %get3A_74 = vector.load %arg11[%get3A_72, %get3A_73] : memref<1x128xf32, #tpu.memory_space<vmem>>, vector<1x128xf32>
    %mul3A_75 = vector.broadcast %get3A_74 : vector<1x128xf32> to vector<400x128xf32>
    %mul3A_76 = arith.mulf %mul3A_71, %mul3A_75 : vector<400x128xf32>
    %get3A_77 = arith.constant 0 : index
    %get3A_78 = arith.constant 0 : index
    %get3A_79 = vector.load %arg12[%get3A_77, %get3A_78] : memref<1x128xf32, #tpu.memory_space<vmem>>, vector<1x128xf32>
    %add3A_80 = vector.broadcast %get3A_79 : vector<1x128xf32> to vector<400x128xf32>
    %add3A_81 = arith.addf %mul3A_76, %add3A_80 : vector<400x128xf32>
    %get3A_82 = arith.constant 0 : index
    %get3A_83 = arith.constant 0 : index
    %get3A_84 = vector.load %arg13[%get3A_82, %get3A_83] : memref<128x64xf32, #tpu.memory_space<vmem>>, vector<128x64xf32>
    %dot_general3A_85 = arith.constant dense<0.000000e+00> : vector<400x64xf32>
    %dot_general3A_86 = tpu.matmul %add3A_81, %get3A_84, %dot_general3A_85 {dimension_numbers = #tpu.dot_dimension_numbers<[1], [0], [0], [1], [0, 0, 1, 1], [], []>, transpose_lhs_hint = false} : vector<400x128xf32>, vector<128x64xf32>, vector<400x64xf32> -> vector<400x64xf32>
    %get3A_87 = arith.constant 0 : index
    %get3A_88 = arith.constant 0 : index
    %get3A_89 = vector.load %arg14[%get3A_87, %get3A_88] : memref<1x64xf32, #tpu.memory_space<vmem>>, vector<1x64xf32>
    %add3A_90 = vector.broadcast %get3A_89 : vector<1x64xf32> to vector<400x64xf32>
    %add3A_91 = arith.addf %dot_general3A_86, %add3A_90 : vector<400x64xf32>
    %get3A_92 = arith.constant 0 : index
    %get3A_93 = arith.constant 0 : index
    %get3A_94 = vector.load %arg15[%get3A_92, %get3A_93] : memref<1x64xf32, #tpu.memory_space<vmem>>, vector<1x64xf32>
    %get3A_95 = arith.constant 0 : index
    %get3A_96 = arith.constant 0 : index
    %get3A_97 = vector.load %arg18[%get3A_95, %get3A_96] : memref<1x64xf32, #tpu.memory_space<vmem>>, vector<1x64xf32>
    %add3A_98 = arith.constant 9.99999974E-6 : f32
    %add3A_99 = vector.broadcast %add3A_98 : f32 to vector<1x64xf32>
    %add3A_100 = arith.addf %get3A_97, %add3A_99 : vector<1x64xf32>
    %sqrt3A_101 = math.sqrt %add3A_100 : vector<1x64xf32>
    %div3A_102 = arith.divf %get3A_94, %sqrt3A_101 : vector<1x64xf32>
    %get3A_103 = arith.constant 0 : index
    %get3A_104 = arith.constant 0 : index
    %get3A_105 = vector.load %arg17[%get3A_103, %get3A_104] : memref<1x64xf32, #tpu.memory_space<vmem>>, vector<1x64xf32>
    %sub3A_106 = vector.broadcast %get3A_105 : vector<1x64xf32> to vector<400x64xf32>
    %sub3A_107 = arith.subf %add3A_91, %sub3A_106 : vector<400x64xf32>
    %mul3A_108 = vector.broadcast %div3A_102 : vector<1x64xf32> to vector<400x64xf32>
    %mul3A_109 = arith.mulf %sub3A_107, %mul3A_108 : vector<400x64xf32>
    %get3A_110 = arith.constant 0 : index
    %get3A_111 = arith.constant 0 : index
    %get3A_112 = vector.load %arg16[%get3A_110, %get3A_111] : memref<1x64xf32, #tpu.memory_space<vmem>>, vector<1x64xf32>
    %add3A_113 = vector.broadcast %get3A_112 : vector<1x64xf32> to vector<400x64xf32>
    %add3A_114 = arith.addf %mul3A_109, %add3A_113 : vector<400x64xf32>
    %max3A_115 = arith.constant 0.000000e+00 : f32
    %max3A_116 = vector.broadcast %max3A_115 : f32 to vector<400x64xf32>
    %max3A_117 = arith.maximumf %add3A_114, %max3A_116 : vector<400x64xf32>
    %get3A_118 = arith.constant 0 : index
    %get3A_119 = arith.constant 0 : index
    %get3A_120 = vector.load %arg19[%get3A_118, %get3A_119] : memref<1x64xf32, #tpu.memory_space<vmem>>, vector<1x64xf32>
    %mul3A_121 = vector.broadcast %get3A_120 : vector<1x64xf32> to vector<400x64xf32>
    %mul3A_122 = arith.mulf %max3A_117, %mul3A_121 : vector<400x64xf32>
    %reduce_sum3A_123 = arith.constant dense<0.000000e+00> : vector<400xf32>
    %reduce_sum3A_124 = vector.multi_reduction <add>, %mul3A_122, %reduce_sum3A_123 [1] : vector<400x64xf32> to vector<400xf32>
    %broadcast_in_dim3A_125 = vector.shape_cast %reduce_sum3A_124 : vector<400xf32> to vector<400x1xf32>
    %get3A_126 = arith.constant 0 : index
    %get3A_127 = arith.constant 0 : index
    %get3A_128 = vector.load %arg20[%get3A_126, %get3A_127] : memref<1x1xf32, #tpu.memory_space<vmem>>, vector<1x1xf32>
    %add3A_129 = vector.broadcast %get3A_128 : vector<1x1xf32> to vector<400x1xf32>
    %add3A_130 = arith.addf %broadcast_in_dim3A_125, %add3A_129 : vector<400x1xf32>
    %swap3A = arith.constant 0 : index
    %swap3A_131 = arith.constant 0 : index
    %swap3A_132 = vector.load %arg21[%swap3A, %swap3A_131] : memref<400x1xf32, #tpu.memory_space<vmem>>, vector<400x1xf32>
    tpu.vector_store %arg21[%swap3A, %swap3A_131], %add3A_130 {strides = array<i32>} : memref<400x1xf32, #tpu.memory_space<vmem>>, vector<400x1xf32>,
    return
  }
  func.func @transform_0(%arg0: i32) -> (i32, i32, i32) {
    %c0_i32 = arith.constant 0 : i32
    %c0_i32_0 = arith.constant 0 : i32
    %c0_i32_1 = arith.constant 0 : i32
    return %c0_i32, %arg0, %c0_i32_0 : i32, i32, i32
  }
  func.func @transform_1(%arg0: i32) -> (i32, i32) {
    %c0_i32 = arith.constant 0 : i32
    %c0_i32_0 = arith.constant 0 : i32
    return %arg0, %c0_i32 : i32, i32
  }
  func.func @transform_2(%arg0: i32) -> (i32, i32) {
    %c0_i32 = arith.constant 0 : i32
    %c0_i32_0 = arith.constant 0 : i32
    return %arg0, %c0_i32 : i32, i32
  }
  func.func @transform_3(%arg0: i32) -> (i32, i32) {
    %c0_i32 = arith.constant 0 : i32
    %c0_i32_0 = arith.constant 0 : i32
    %c0_i32_1 = arith.constant 0 : i32
    return %c0_i32, %c0_i32_0 : i32, i32
  }
  func.func @transform_4(%arg0: i32) -> (i32, i32) {
    %c0_i32 = arith.constant 0 : i32
    %c0_i32_0 = arith.constant 0 : i32
    %c0_i32_1 = arith.constant 0 : i32
    return %c0_i32, %c0_i32_0 : i32, i32
  }
  func.func @transform_5(%arg0: i32) -> (i32, i32) {
    %c0_i32 = arith.constant 0 : i32
    %c0_i32_0 = arith.constant 0 : i32
    %c0_i32_1 = arith.constant 0 : i32
    return %c0_i32, %c0_i32_0 : i32, i32
  }
  func.func @transform_6(%arg0: i32) -> (i32, i32) {
    %c0_i32 = arith.constant 0 : i32
    %c0_i32_0 = arith.constant 0 : i32
    %c0_i32_1 = arith.constant 0 : i32
    return %c0_i32, %c0_i32_0 : i32, i32
  }
  func.func @transform_7(%arg0: i32) -> (i32, i32) {
    %c0_i32 = arith.constant 0 : i32
    %c0_i32_0 = arith.constant 0 : i32
    %c0_i32_1 = arith.constant 0 : i32
    return %c0_i32, %c0_i32_0 : i32, i32
  }
  func.func @transform_8(%arg0: i32) -> (i32, i32) {
    %c0_i32 = arith.constant 0 : i32
    %c0_i32_0 = arith.constant 0 : i32
    %c0_i32_1 = arith.constant 0 : i32
    return %c0_i32, %c0_i32_0 : i32, i32
  }
  func.func @transform_9(%arg0: i32) -> (i32, i32) {
    %c0_i32 = arith.constant 0 : i32
    %c0_i32_0 = arith.constant 0 : i32
    %c0_i32_1 = arith.constant 0 : i32
    return %c0_i32, %c0_i32_0 : i32, i32
  }
  func.func @transform_10(%arg0: i32) -> (i32, i32) {
    %c0_i32 = arith.constant 0 : i32
    %c0_i32_0 = arith.constant 0 : i32
    %c0_i32_1 = arith.constant 0 : i32
    return %c0_i32, %c0_i32_0 : i32, i32
  }
  func.func @transform_11(%arg0: i32) -> (i32, i32) {
    %c0_i32 = arith.constant 0 : i32
    %c0_i32_0 = arith.constant 0 : i32
    %c0_i32_1 = arith.constant 0 : i32
    return %c0_i32, %c0_i32_0 : i32, i32
  }
  func.func @transform_12(%arg0: i32) -> (i32, i32) {
    %c0_i32 = arith.constant 0 : i32
    %c0_i32_0 = arith.constant 0 : i32
    %c0_i32_1 = arith.constant 0 : i32
    return %c0_i32, %c0_i32_0 : i32, i32
  }
  func.func @transform_13(%arg0: i32) -> (i32, i32) {
    %c0_i32 = arith.constant 0 : i32
    %c0_i32_0 = arith.constant 0 : i32
    %c0_i32_1 = arith.constant 0 : i32
    return %c0_i32, %c0_i32_0 : i32, i32
  }
  func.func @transform_14(%arg0: i32) -> (i32, i32) {
    %c0_i32 = arith.constant 0 : i32
    %c0_i32_0 = arith.constant 0 : i32
    %c0_i32_1 = arith.constant 0 : i32
    return %c0_i32, %c0_i32_0 : i32, i32
  }
  func.func @transform_15(%arg0: i32) -> (i32, i32) {
    %c0_i32 = arith.constant 0 : i32
    %c0_i32_0 = arith.constant 0 : i32
    %c0_i32_1 = arith.constant 0 : i32
    return %c0_i32, %c0_i32_0 : i32, i32
  }
  func.func @transform_16(%arg0: i32) -> (i32, i32) {
    %c0_i32 = arith.constant 0 : i32
    %c0_i32_0 = arith.constant 0 : i32
    %c0_i32_1 = arith.constant 0 : i32
    return %c0_i32, %c0_i32_0 : i32, i32
  }
  func.func @transform_17(%arg0: i32) -> (i32, i32) {
    %c0_i32 = arith.constant 0 : i32
    %c0_i32_0 = arith.constant 0 : i32
    %c0_i32_1 = arith.constant 0 : i32
    return %c0_i32, %c0_i32_0 : i32, i32
  }
  func.func @transform_18(%arg0: i32) -> (i32, i32) {
    %c0_i32 = arith.constant 0 : i32
    %c0_i32_0 = arith.constant 0 : i32
    %c0_i32_1 = arith.constant 0 : i32
    return %c0_i32, %c0_i32_0 : i32, i32
  }
  func.func @transform_19(%arg0: i32) -> (i32, i32) {
    %c0_i32 = arith.constant 0 : i32
    %c0_i32_0 = arith.constant 0 : i32
    %c0_i32_1 = arith.constant 0 : i32
    return %c0_i32, %c0_i32_0 : i32, i32
  }
  func.func @transform_20(%arg0: i32) -> (i32, i32) {
    %c0_i32 = arith.constant 0 : i32
    %c0_i32_0 = arith.constant 0 : i32
    return %arg0, %c0_i32 : i32, i32
  }
}

</mosaic_0001>

<sc_bundles>
// kernel: kernel.11.cloned.1.call-start
scs
__scs_entry_jumppad:
0x0: {  	(pc) =	sbr.rel $0x88, $3  }
0x1: {  	(tag) =	ssettag $0x0;
	lr =	simm.s32 $0x1  }
0x2: {  	[smem:$0x3F8E] =	sst lr;
	_ =	strace $0xD0000000  }
0x3: {  	_ = 	snop  }
0x4: {  	_ = 	snop  }
0x5: {  	_ = 	snop  }
0x6: {  	_ = 	snop  }
0x7: {  	_ = 	snop  }
__scs_overlays_trampoline_lowered:
0x8: {  	[smem:$0x3F9D] =	sst s0  }
0x9: {  	[smem:$0x3F9E] =	sst s1  }
0xa: {  	[smem:$0x3F9F] =	sst s2  }
0xb: {  	[smem:$0x3FA0] =	sst s3  }
0xc: {  	[smem:$0x3FA1] =	sst s4  }
0xd: {  	[smem:$0x3FA2] =	sst s5  }
0xe: {  	[smem:$0x3FA3] =	sst s6  }
0xf: {  	[smem:$0x3FA4] =	sst s7  }
0x10: {  	[smem:$0x3FA5] =	sst s8  }
0x11: {  	[smem:$0x3FA6] =	sst s9;
	s0 =	simm.s32 @!p0 $0x0  }
0x12: {  	s1 =	sld [smem:$0x3F8C];
	s0 =	simm.s32 @p0 $0x1  }
0x13: {  	[smem:$0x3FA7] =	sst s0;
	s0 =	simm.s32 @!p1 $0x0  }
0x14: {  	s2 =	sld [smem:$0x3F8B];
	s0 =	simm.s32 @p1 $0x1  }
0x15: {  	[smem:$0x3FA8] =	sst s0;
	s0 =	simm.s32 @!p2 $0x0  }
0x16: {  	s3 =	sld [smem:$0x3FDB];
	s0 =	simm.s32 @p2 $0x1  }
0x17: {  	s4 =	simm.s32 $0x1BF5;
	[smem:$0x3FAA] =	sst s0  }
0x18: {  	s0 =	sld [smem:$0x3F8D];
	_ =	swait.ge [sflag:s4], $0x0  }
0x19: {  	s7 =	sld [smem:$0x3F8E]  }
0x1a: {  	s8 =	sadd.s32 $0xFFFFE003, lr  }
0x1b: {  	s9 =	sadd.s32 $0xFFFFFEF7, lr;
	s5 =	simm.s32 $0xFFFFFFFF;
	p2 =	slt.u32 s8, $0xFFFFF086  }
0x1c: {  	p1 =	slt.u32 s9, $0xF7A;
	s5 =	simm.s32 @!p2 $0x0  }
0x1d: {  	s5 =	simm.s32 @p1 $0x1;
	p0 =	seq.s32 s7, s2  }
0x1e: {  	s7 =	smul.u32 @!p0 $0xF7A, s2;
	p2 =	seq.s32 @!p0 s5, $0x0  }
0x1f: {  	s9 =	smul.u32 $0xF7A, s1;
	s8 =	simm.s32 @!p0 $0x1BF5;
	p2 =	por !p2, p0  }
0x20: {  	[sflag:s8] =	ssyncset.s32 @!p0 $0xFFFFF086;
	s6 =	sadd.s32 @!p0 s3, s7;
	s7 =	simm.s32 @!p0 $0x108  }
0x21: {  	s3 =	sadd.s32 s3, s9;
	s6 =	sadd.s32 @!p0 $0x88, s6;
	s7 =	simm.s32 @p2 $0x1082  }
0x22: {  	[simem:s7], [sflag:s8] =	dma.local @!p0 [hbm:s6], $0xF7A  }
0x23: {  	s9 =	sor.u32 $0xD0000000, s2;
	s6 =	simm.s32 $0x108;
	_ =	swait.ge @!p0 [sflag:s8], $0x0  }
0x24: {  	s3 =	sadd.s32 $0x88, s3;
	s6 =	simm.s32 @!p1 $0x1082;
	[sflag:s4] =	ssyncset.s32 $0xFFFFF086  }
0x25: {  	[simem:s6], [sflag:s4] =	dma.local [hbm:s3], $0xF7A  }
0x26: {  	[smem:$0x3F8E] =	sst s1;
	(tag) =	ssettag s2;
	_ =	strace s9  }
0x27: {  	s1 =	sld [smem:$0x3F9E]  }
0x28: {  	s2 =	sld [smem:$0x3F9F]  }
0x29: {  	s4 =	sld [smem:$0x3FA1]  }
0x2a: {  	p0 =	seq.s32 s5, $0x0;
	s5 =	sld [smem:$0x3FA2]  }
0x2b: {  	s6 =	sld [smem:$0x3FA3]  }
0x2c: {  	s7 =	sld [smem:$0x3FA4]  }
0x2d: {  	s3 =	simm.s32 $0x108;
	s8 =	sld [smem:$0x3FA5]  }
0x2e: {  	s3 =	simm.s32 @!p0 $0x1082;
	s9 =	sld [smem:$0x3FA6]  }
0x2f: {  	lr =	sadd.s32 s0, s3;
	s0 =	sld [smem:$0x3F9D]  }
0x30: {  	s3 =	sld [smem:$0x3FA0]  }
0x31: {  	[smem:$0x3FA9] =	sst s10  }
0x32: {  	s10 =	sld [smem:$0x3FA7];
	_ =	sdelay $0x3  }
0x33: {  	p0 =	seq.s32 s10, $0x1;
	s10 =	sld [smem:$0x3FA9];
	_ =	sdelay $0x3  }
0x34: {  	[smem:$0x3FA9] =	sst s10  }
0x35: {  	s10 =	sld [smem:$0x3FA8];
	_ =	sdelay $0x3  }
0x36: {  	p1 =	seq.s32 s10, $0x1;
	s10 =	sld [smem:$0x3FA9];
	_ =	sdelay $0x3  }
0x37: {  	[smem:$0x3FA9] =	sst s10  }
0x38: {  	s10 =	sld [smem:$0x3FAA]  }
0x39: {  	_ = 	snop;
	(pc) =	sbr.ind lr, $3  }
0x3a: {  	_ = 	snop  }
0x3b: {  	_ = 	snop  }
0x3c: {  	p2 =	seq.s32 s10, $0x1;
	s10 =	sld [smem:$0x3FA9]  }
0x3d: {  	_ =	shalt  }
0x3e: {  	_ =	shalt  }
0x3f: {  	_ =	shalt  }
0x40: {  	_ =	shalt  }
0x41: {  	_ =	shalt  }
0x42: {  	_ =	shalt  }
0x43: {  	_ =	shalt  }
0x44: {  	_ =	shalt  }
0x45: {  	_ =	shalt  }
0x46: {  	_ =	shalt  }
0x47: {  	_ =	shalt  }
0x48: {  	_ =	shalt  }
0x49: {  	_ =	shalt  }
0x4a: {  	_ =	shalt  }
0x4b: {  	_ =	shalt  }
0x4c: {  	_ =	shalt  }
0x4d: {  	_ =	shalt  }
0x4e: {  	_ =	shalt  }
0x4f: {  	_ =	shalt  }
0x50: {  	_ =	shalt  }
0x51: {  	_ =	shalt  }
0x52: {  	_ =	shalt  }
0x53: {  	_ =	shalt  }
0x54: {  	_ =	shalt  }
0x55: {  	_ =	shalt  }
0x56: {  	_ =	shalt  }
0x57: {  	_ =	shalt  }
0x58: {  	_ =	shalt  }
0x59: {  	_ =	shalt  }
0x5a: {  	_ =	shalt  }
0x5b: {  	_ =	shalt  }
0x5c: {  	_ =	shalt  }
0x5d: {  	_ =	shalt  }
0x5e: {  	_ =	shalt  }
0x5f: {  	_ =	shalt  }
0x60: {  	_ =	shalt  }
0x61: {  	_ =	shalt  }
0x62: {  	_ =	shalt  }
0x63: {  	_ =	shalt  }
0x64: {  	_ =	shalt  }
0x65: {  	_ =	shalt  }
0x66: {  	_ =	shalt  }
0x67: {  	_ =	shalt  }
0x68: {  	_ =	shalt  }
0x69: {  	_ =	shalt  }
0x6a: {  	_ =	shalt  }
0x6b: {  	_ =	shalt  }
0x6c: {  	_ =	shalt  }
0x6d: {  	_ =	shalt  }
0x6e: {  	_ =	shalt  }
0x6f: {  	_ =	shalt  }
0x70: {  	_ =	shalt  }
0x71: {  	_ =	shalt  }
0x72: {  	_ =	shalt  }
0x73: {  	_ =	shalt  }
0x74: {  	_ =	shalt  }
0x75: {  	_ =	shalt  }
0x76: {  	_ =	shalt  }
0x77: {  	_ =	shalt  }
0x78: {  	_ =	shalt  }
0x79: {  	_ =	shalt  }
0x7a: {  	_ =	shalt  }
0x7b: {  	_ =	shalt  }
0x7c: {  	_ =	shalt  }
0x7d: {  	_ =	shalt  }
0x7e: {  	_ =	shalt  }
0x7f: {  	_ =	shalt  }
0x80: {  	_ =	shalt  }
0x81: {  	_ =	shalt  }
0x82: {  	_ =	shalt  }
0x83: {  	_ =	shalt  }
0x84: {  	_ =	shalt  }
0x85: {  	_ =	shalt  }
0x86: {  	_ =	shalt  }
0x87: {  	_ =	shalt  }
.Lfunc_end0:
.L_simem_size_0:
called_computation_lowered:
.L_overlay_start_0:
0x88: {  	s2 =	sld [smem:$0x3FD9]  }
0x89: {  	s3 =	sld [smem:$0x3FFE];
	_ =	sdelay $0x1  }
0x8a: {  	s1 =	srdreg.scid  }
0x8b: {  	s0 =	sand.u32 $0x1, s1  }
0x8c: {  	s16 =	sshll.u32 s0, $0xA;
	s2 =	sadd.s32 s3, s2  }
0x8d: {  	s2 =	sadd.s32 s2, s16  }
0x8e: {  	[smem:$0x3FB5] =	sst s2  }
0x8f: {  	_ = 	snop  }
0x90: {  	(tm) =	ssettm $0x1  }
0x91: {  	s17 =	sld [smem:$0x3FFB];
	_ =	sdelay $0x3  }
0x92: {  	_ =	strace s17  }
0x93: {  	s2 =	sld [smem:$0x3FFC];
	_ =	sdelay $0x3  }
0x94: {  	_ =	strace s2  }
0x95: {  	s2 =	sld [smem:$0x3FFD];
	_ =	sdelay $0x3  }
0x96: {  	_ =	strace s2  }
0x97: {  	_ =	strace $0x8FFFFFFF  }
0x98: {  	s18 =	sld [smem:$0x3FDB];
	_ =	sdelay $0x1  }
0x99: {  	s19 =	simm.s32 $_scs_section_size  }
0x9a: {  	s4 =	simm.s32 $_size__tile_overlayer_lowered;
	s5 =	simm.s32 $_tile_overlayer_lowered  }
0x9b: {  	s22 =	simm.s32 $0x1BFF;
	s21 =	sshll.u32 s5, $0x1;
	s2 =	sadd.s32 s19, s18  }
0x9c: {  	s6 =	simm.s32 $0x0;
	s20 =	sshll.u32 s4, $0x1;
	s4 =	sadd.s32 s21, s2  }
0x9d: {  	[timem:s6], [sflag:s22] =	dma.local [hbm:s4], s20  }
0x9e: {  	_ =	swait.ge [sflag:s22], s20  }
0x9f: {  	s3 =	ssub.s32 $0x0, s20;
	[sflag:s22] =	ssyncset.done $0x0  }
0xa0: {  	[sflag:s22] =	ssyncadd.s32 s3;
	_ =	sdelay $0x1  }
0xa1: {  	s23 =	simm.s32 $0x1B8B  }
0xa2: {  	_ =	swait.ge [sflag:s23], $0x1  }
0xa3: {  	[sflag:s23] =	ssyncset.done $0x0  }
0xa4: {  	s25 =	simm.s32 $0x1B8E;
	s24 =	sld [smem:$0x3FFE];
	[sflag:s23] =	ssyncadd.s32 $0xFFFFFFFF  }
0xa5: {  	s26 =	simm.s32 $execute0_lowered;
	[smem:$0x3FD2] =	sst s25  }
0xa6: {  	s4 =	sshll.u32 s26, $0x1;
	_ =	strace $0x80000046;
	[dreg:$0x1] =	wrdreg $0xFFFFFFFF  }
0xa7: {  	s28 =	simm.s32 $_size_execute0_lowered;
	s2 =	sadd.s32 s2, s4;
	[dreg:$0x0] =	wrdreg $0x0  }
0xa8: {  	s4 =	sshll.u32 s28, $0x1;
	[dreg:$0x2] =	wrdreg s2  }
0xa9: {  	[dreg:$0x3] =	wrdreg s4  }
0xaa: {  	[dreg:$0x4] =	wrdreg $0xC0  }
0xab: {  	_ =	task [dreg:s6], $0x5FFFF  }
0xac: {  	[dreg:$0x1] =	wrdreg $0xFFFFFFFF  }
0xad: {  	[dreg:$0x0] =	wrdreg $0x60  }
0xae: {  	[dreg:$0x2] =	wrdreg s24  }
0xaf: {  	[dreg:$0x3] =	wrdreg $0x41000  }
0xb0: {  	[dreg:$0x4] =	wrdreg $0x9  }
0xb1: {  	_ =	task.clear_ibuf [dreg:s6], $0x5FFFF;
	_ =	strace $0x90000046  }
0xb2: {  	s29 =	simm.s32 $0x9;
	_ =	strace $0x80000048  }
0xb3: {  	_ =	swait.ge [sflag:s29], $0x1  }
0xb4: {  	[sflag:s29] =	ssyncadd.s32 $0xFFFFFFFF  }
0xb5: {  	_ =	strace $0x90000048  }
0xb6: {  	_ =	sfence  }
0xb7: {  	s30 =	sld [smem:$0x0];
	_ =	sdelay $0x2  }
0xb8: {  	s31 =	sshll.u32 s1, $0xD;
	s1 =	sshrl.u32 s1, $0x2  }
0xb9: {  	s3 =	sand.u32 $0x4000, s31;
	s1 =	sadd.s32 s1, s30  }
0xba: {  	s0 =	sor.u32 s3, s0;
	s1 =	sshll.u32 s1, $0x11  }
0xbb: {  	s0 =	sor.u32 s1, s0  }
0xbc: {  	s0 =	sadd.s32 $0x8F2B, s0  }
0xbd: {  	[sflag:s0] =	ssyncadd.remote.s32 $0x1  }
0xbe: {  	_ =	sfence.sel $0xFFFF  }
0xbf: {  	[dreg:$0x0] =	wrdreg $0xFFFFFFFF;
	(pc) =	sbr.abs _section_cstart, $3  }
0xc0: {  	[dreg:$0x1] =	wrdreg $0xFFFFFFFF  }
0xc1: {  	_ =	task.clear_ibuf [dreg:s6], $0x2FFFF;
	_ =	strace $0x9FFFFFFF  }
0xc2: {  	(tm) =	ssettm $0x7FFFFFFF  }
0xc3: {  	_ =	shalt  }
tec
execute0_lowered:
.L_overlay_start_1:
0x0: {  	(tag) =	ssettag $0x1  }
0x1: {  	s4 =	rddreg [dreg:$0x0];
	s2 =	srdreg.scid  }
0x2: {  	s1 =	rddreg [dreg:$0x1];
	s6 =	sand.u32 $0x1, s2  }
0x3: {  	s2 =	stileid.u32;
	s5 =	smul.u32 $0x9E00, s6  }
0x4: {  	s0 =	rddreg [dreg:$0x2];
	s3 =	simm.s32 $0x0;
	s7 =	smul.u32 $0x50000, s2  }
0x5: {  	s18 =	simm.s32 $0x80;
	s19 =	simm.s32 $0x0;
	s9 =	smul.u32 $0x14000, s2  }
0x6: {  	[smem:$0x7FF] =	sst s3;
	s13 =	sadd.s32 $0x18600, s4;
	s16 =	smul.u32 $0x140000, s6  }
0x7: {  	_ =	strace $0x80000047;
	s28 =	ssub.s32 $0x2, s6;
	s30 =	smul.u32 $0x9E0, s2  }
0x8: {  	s29 =	sshrl.u32 s28, $0x1;
	s14 =	sadd.s32 s5, s4;
	s7 =	sshrl.u32 s7, $0x2  }
0x9: {  	s10 =	sadd.s32 $0x4000, s9;
	s15 =	ssub.s32 s28, s29;
	s11 =	sadd.s32 $0x8000, s9  }
0xa: {  	s12 =	sadd.s32 $0xC000, s9;
	s17 =	sadd.s32 $0x10000, s9;
	s9 =	sadd.s32 s9, s16  }
0xb: {  	s4 =	sadd.s32 s7, s1;
	s5 =	sadd.s32 s10, s1;
	s6 =	sadd.s32 s11, s1  }
0xc: {  	s7 =	sadd.s32 s12, s1;
	s8 =	sadd.s32 s17, s1;
	s10 =	sadd.s32 s16, s10  }
0xd: {  	s9 =	sshrl.u32 s9, $0x3;
	s11 =	sadd.s32 s16, s11;
	s12 =	sadd.s32 s16, s12  }
0xe: {  	s16 =	sadd.s32 s16, s17;
	s31 =	sadd.s32 s30, s14;
	s14 =	smax.u32 s15, $0x1  }
0xf: {  	s17 =	simm.s32 $0x1;
	s10 =	sshrl.u32 s10, $0x3;
	s9 =	sadd.s32 s13, s9  }
0x10: {  	s11 =	sshrl.u32 s11, $0x3;
	s12 =	sshrl.u32 s12, $0x3;
	s16 =	sshrl.u32 s16, $0x3  }
0x11: {  	s15 =	sadd.s32 $0x4A00, s31;
	s10 =	sadd.s32 s13, s10;
	s11 =	sadd.s32 s13, s11  }
0x12: {  	v0 =	vimm.f32 $0.0e+00;
	v1 =	vimm.f32 $1.000000000e+00;
	s12 =	sadd.s32 s13, s12;
	s13 =	sadd.s32 s13, s16;
	s16 =	simm.s32 $0x100  }
.LBB2_1:
0x13: {  	s20 =	simm.s32 $0x0;
	s21 =	simm.s32 $0x200  }
.LBB2_2:
0x14: {  	p0 =	sne.s32 s21, $0xFE00;
	[tilespmem:s20+$0x170] =	vst v0  }
0x15: {  	[tilespmem:s20+$0x100] =	vst v0  }
0x16: {  	[tilespmem:s20+$0x110] =	vst v0  }
.Ltmp0:
0x17: {  	[tilespmem:s20+$0x120] =	vst v0;
	(pc) =	sbr.rel @p0 .LBB2_2-.Ltmp0, $4  }
0x18: {  	[tilespmem:s20+$0x130] =	vst v0  }
0x19: {  	[tilespmem:s20+$0x140] =	vst v0  }
0x1a: {  	[tilespmem:s20+$0x150] =	vst v0  }
0x1b: {  	[tilespmem:s20+$0x160] =	vst v0;
	s20 =	sshra.s32 s21, $0x2;
	s21 =	sadd.s32 $0x200, s21  }
0x1c: {  	[tilespmem:s20+$0x170] =	vst v0  }
0x1d: {  	[tilespmem:s20+$0x100] =	vst v0  }
0x1e: {  	[tilespmem:s20+$0x110] =	vst v0  }
0x1f: {  	[tilespmem:s20+$0x120] =	vst v0  }
0x20: {  	[tilespmem:s20+$0x130] =	vst v0  }
0x21: {  	[tilespmem:s20+$0x140] =	vst v0  }
0x22: {  	[tilespmem:s20+$0x150] =	vst v0  }
0x23: {  	[tilespmem:s20+$0x160] =	vst v0  }
0x24: {  	[spmem:s4] =	stream.linear.scatter [tilespmem:s16], [sflag:$0x1], $0x4000, $0x38;
	[tilespmem:$0x18100] =	vst v63  }
0x25: {  	_ =	swait.ge [sflag:s17], $0x4000  }
0x26: {  	[sflag:s17] =	ssyncset.done $0x0  }
0x27: {  	[sflag:s17] =	ssyncadd.s32 $0xFFFFC000  }
0x28: {  	[spmem:s5] =	stream.linear.scatter [tilespmem:s16], [sflag:$0x1], $0x4000, $0x38;
	[tilespmem:$0x18100] =	vst v63  }
0x29: {  	_ =	swait.ge [sflag:s17], $0x4000  }
0x2a: {  	[sflag:s17] =	ssyncset.done $0x0  }
0x2b: {  	[sflag:s17] =	ssyncadd.s32 $0xFFFFC000  }
0x2c: {  	[spmem:s6] =	stream.linear.scatter [tilespmem:s16], [sflag:$0x1], $0x4000, $0x38;
	[tilespmem:$0x18100] =	vst v63  }
0x2d: {  	_ =	swait.ge [sflag:s17], $0x4000  }
0x2e: {  	[sflag:s17] =	ssyncset.done $0x0  }
0x2f: {  	[sflag:s17] =	ssyncadd.s32 $0xFFFFC000  }
0x30: {  	[spmem:s7] =	stream.linear.scatter [tilespmem:s16], [sflag:$0x1], $0x4000, $0x38;
	[tilespmem:$0x18100] =	vst v63  }
0x31: {  	_ =	swait.ge [sflag:s17], $0x4000  }
0x32: {  	[sflag:s17] =	ssyncset.done $0x0  }
0x33: {  	[sflag:s17] =	ssyncadd.s32 $0xFFFFC000  }
0x34: {  	[spmem:s8] =	stream.linear.scatter [tilespmem:s16], [sflag:$0x1], $0x4000, $0x38;
	[tilespmem:$0x18100] =	vst v63  }
0x35: {  	_ =	swait.ge [sflag:s17], $0x4000  }
0x36: {  	[sflag:s17] =	ssyncset.done $0x0  }
0x37: {  	[sflag:s17] =	ssyncadd.s32 $0xFFFFC000  }
0x38: {  	s20 =	simm.s32 $0x0;
	s21 =	simm.s32 $0x200;
	[bflag:$0x0] =	sbarrier.arrive $0xFFFF  }
.LBB2_4:
0x39: {  	p0 =	sne.s32 s21, $0xFE00;
	[tilespmem:s20+$0x170] =	vst v1  }
0x3a: {  	[tilespmem:s20+$0x100] =	vst v1  }
0x3b: {  	[tilespmem:s20+$0x110] =	vst v1  }
.Ltmp1:
0x3c: {  	[tilespmem:s20+$0x120] =	vst v1;
	(pc) =	sbr.rel @p0 .LBB2_4-.Ltmp1, $4  }
0x3d: {  	[tilespmem:s20+$0x130] =	vst v1  }
0x3e: {  	[tilespmem:s20+$0x140] =	vst v1  }
0x3f: {  	[tilespmem:s20+$0x150] =	vst v1  }
0x40: {  	[tilespmem:s20+$0x160] =	vst v1;
	s20 =	sshra.s32 s21, $0x2;
	s21 =	sadd.s32 $0x200, s21  }
0x41: {  	[tilespmem:s20+$0x170] =	vst v1  }
0x42: {  	[tilespmem:s20+$0x100] =	vst v1  }
0x43: {  	[tilespmem:s20+$0x110] =	vst v1  }
0x44: {  	[tilespmem:s20+$0x120] =	vst v1  }
0x45: {  	[tilespmem:s20+$0x130] =	vst v1  }
0x46: {  	[tilespmem:s20+$0x140] =	vst v1  }
0x47: {  	[tilespmem:s20+$0x150] =	vst v1  }
0x48: {  	[tilespmem:s20+$0x160] =	vst v1;
	s31 =	sadd.s32 $0x0, s15  }
0x49: {  	[tilespmem:s3], [sflag:$0x1] =	stream.linear.gather [hbm4b:s31+s3], $0x100, $0x38;
	[tilespmem:$0x18100] =	vst v63  }
0x4a: {  	_ =	swait.ge [sflag:s17], $0x100  }
0x4b: {  	[sflag:s17] =	ssyncset.done $0x0  }
0x4c: {  	[sflag:s17] =	ssyncadd.s32 $0xFFFFFF00  }
0x4d: {  	[spmem:s1] =	stream.indirect.scatter.add.f32 [tilespmem:s16], [sflag:$0x1], $0x80, s18, s18, $0xb8;
	[tilespmem:$0x18100] =	vst v63  }
0x4e: {  	_ =	swait.ge [sflag:s17], $0x4000  }
0x4f: {  	s20 =	simm.s32 $0x20;
	s21 =	simm.s32 $0x40;
	[sflag:s17] =	ssyncset.done $0x0  }
.LBB2_6:
0x50: {  	s22 =	sadd.s32 s20, s15  }
0x51: {  	[sflag:s17] =	ssyncadd.s32 $0xFFFFC000;
	s20 =	smov.u32 s21;
	s23 =	sadd.s32 $0x20, s21  }
0x52: {  	[tilespmem:s3], [sflag:$0x1] =	stream.linear.gather [hbm4b:s22+s3], $0x100, $0x38;
	[tilespmem:$0x18100] =	vst v63  }
0x53: {  	p0 =	sne.s32 s21, $0x9C0;
	_ =	swait.ge [sflag:s17], $0x100  }
.Ltmp2:
0x54: {  	[sflag:s17] =	ssyncset.done $0x0;
	(pc) =	sbr.rel @p0 .LBB2_6-.Ltmp2, $4  }
0x55: {  	[sflag:s17] =	ssyncadd.s32 $0xFFFFFF00  }
0x56: {  	[spmem:s1] =	stream.indirect.scatter.add.f32 [tilespmem:s16], [sflag:$0x1], $0x80, s18, s18, $0xb8;
	[tilespmem:$0x18100] =	vst v63  }
0x57: {  	_ =	swait.ge [sflag:s17], $0x4000  }
0x58: {  	s21 =	smov.u32 s23;
	[sflag:s17] =	ssyncset.done $0x0  }
0x59: {  	s20 =	sadd.s32 s20, s15;
	[sflag:s17] =	ssyncadd.s32 $0xFFFFC000  }
0x5a: {  	[tilespmem:s3], [sflag:$0x1] =	stream.linear.gather [hbm4b:s20+s3], $0x100, $0x38;
	[tilespmem:$0x18100] =	vst v63  }
0x5b: {  	_ =	swait.ge [sflag:s17], $0x100  }
0x5c: {  	[sflag:s17] =	ssyncset.done $0x0  }
0x5d: {  	[sflag:s17] =	ssyncadd.s32 $0xFFFFFF00  }
0x5e: {  	[spmem:s1] =	stream.indirect.scatter.add.f32 [tilespmem:s16], [sflag:$0x1], $0x80, s18, s18, $0xb8;
	[tilespmem:$0x18100] =	vst v63  }
0x5f: {  	_ =	swait.ge [sflag:s17], $0x4000  }
0x60: {  	[sflag:s17] =	ssyncset.done $0x0  }
0x61: {  	s26 =	sshll.u32 s2, $0x6;
	[sflag:s17] =	ssyncadd.s32 $0xFFFFC000  }
0x62: {  	s21 =	sshrl.u32 s4, $0x3;
	s20 =	sor.u32 $0x1C01, s26;
	[bflag:$0x0] =	sbarrier.arrive $0xFFFF  }
0x63: {  	[hbm:s9], [sflag:s20] =	dma.local [spmem:s21], $0x800  }
0x64: {  	_ =	swait.ge [sflag:s17], $0x800  }
0x65: {  	[sflag:s17] =	ssyncset.done $0x0  }
0x66: {  	s28 =	sshrl.u32 s5, $0x3;
	[sflag:s17] =	ssyncadd.s32 $0xFFFFF800  }
0x67: {  	[hbm:s10], [sflag:s20] =	dma.local [spmem:s28], $0x800  }
0x68: {  	_ =	swait.ge [sflag:s17], $0x800  }
0x69: {  	[sflag:s17] =	ssyncset.done $0x0  }
0x6a: {  	s29 =	sshrl.u32 s6, $0x3;
	[sflag:s17] =	ssyncadd.s32 $0xFFFFF800  }
0x6b: {  	[hbm:s11], [sflag:s20] =	dma.local [spmem:s29], $0x800  }
0x6c: {  	_ =	swait.ge [sflag:s17], $0x800  }
0x6d: {  	[sflag:s17] =	ssyncset.done $0x0  }
0x6e: {  	s30 =	sshrl.u32 s7, $0x3;
	[sflag:s17] =	ssyncadd.s32 $0xFFFFF800  }
0x6f: {  	[hbm:s12], [sflag:s20] =	dma.local [spmem:s30], $0x800  }
0x70: {  	s19 =	sadd.s32 $0x1, s19;
	_ =	swait.ge [sflag:s17], $0x800  }
0x71: {  	p0 =	sne.s32 s19, s14;
	[sflag:s17] =	ssyncset.done $0x0  }
.Ltmp3:
0x72: {  	s31 =	sshrl.u32 s8, $0x3;
	[sflag:s17] =	ssyncadd.s32 $0xFFFFF800;
	(pc) =	sbr.rel @p0 .LBB2_1-.Ltmp3, $4  }
0x73: {  	[hbm:s13], [sflag:s20] =	dma.local [spmem:s31], $0x800  }
0x74: {  	_ =	swait.ge [sflag:s17], $0x800  }
0x75: {  	[sflag:s17] =	ssyncset.done $0x0  }
0x76: {  	[sflag:s17] =	ssyncadd.s32 $0xFFFFF800  }
0x77: {  	_ =	sfence.sel $0x180000  }
0x78: {  	[bflag:$0x0] =	sbarrier.arrive $0xFFFF  }
0x79: {  	p0 =	sne.s32 s2, $0x0;
	_ =	strace $0x90000047  }
0x7a: {  	s0 =	sadd.s32 @!p0 $0x100000, s0;
	[bflag:$0x2] =	sbarrier.arrive $0xFFFF  }
0x7b: {  	[sflag:s0] =	ssyncadd.tile.s32 @!p0 $0x1;
	_ =	shalt  }
.Lfunc_end2:
_tile_overlayer_lowered:
.L_overlay_start_2:
0x7c: {  	(tag) =	ssettag $0x2  }
0x7d: {  	s0 =	rddreg [dreg:$0x0];
	s2 =	stileid.u32  }
0x7e: {  	s1 =	rddreg [dreg:$0x1];
	p0 =	sne.s32 s2, $0x0  }
0x7f: {  	s3 =	rddreg [dreg:$0x2];
	[bflag:$0x3] =	sbarrier.arrive $0xFFFF;
	s2 =	simm.s32 @!p0 $0x1C01  }
0x80: {  	[timem:s3], [sflag:s2] =	dma.local @!p0 [hbm:s0], s1  }
0x81: {  	s0 =	simm.s32 @!p0 $0x1  }
0x82: {  	_ =	swait.ge @!p0 [sflag:s0], s1  }
0x83: {  	s1 =	ssub.s32 @!p0 $0x0, s1;
	[sflag:s0] =	ssyncset.done @!p0 $0x0  }
0x84: {  	[sflag:s0] =	ssyncadd.s32 @!p0 s1  }
0x85: {  	[bflag:$0x3] =	sbarrier.arrive $0xFFFF  }
0x86: {  	_ =	shalt  }

// kernel: kernel.14.cloned.1.call-start
scs
__scs_entry_jumppad:
0x0: {  	(pc) =	sbr.rel $0x88, $3  }
0x1: {  	(tag) =	ssettag $0x0;
	lr =	simm.s32 $0x1  }
0x2: {  	[smem:$0x3F8E] =	sst lr;
	_ =	strace $0xD0000000  }
0x3: {  	_ = 	snop  }
0x4: {  	_ = 	snop  }
0x5: {  	_ = 	snop  }
0x6: {  	_ = 	snop  }
0x7: {  	_ = 	snop  }
__scs_overlays_trampoline_lowered:
0x8: {  	[smem:$0x3F9D] =	sst s0  }
0x9: {  	[smem:$0x3F9E] =	sst s1  }
0xa: {  	[smem:$0x3F9F] =	sst s2  }
0xb: {  	[smem:$0x3FA0] =	sst s3  }
0xc: {  	[smem:$0x3FA1] =	sst s4  }
0xd: {  	[smem:$0x3FA2] =	sst s5  }
0xe: {  	[smem:$0x3FA3] =	sst s6  }
0xf: {  	[smem:$0x3FA4] =	sst s7  }
0x10: {  	[smem:$0x3FA5] =	sst s8  }
0x11: {  	[smem:$0x3FA6] =	sst s9;
	s0 =	simm.s32 @!p0 $0x0  }
0x12: {  	s1 =	sld [smem:$0x3F8C];
	s0 =	simm.s32 @p0 $0x1  }
0x13: {  	[smem:$0x3FA7] =	sst s0;
	s0 =	simm.s32 @!p1 $0x0  }
0x14: {  	s2 =	sld [smem:$0x3F8B];
	s0 =	simm.s32 @p1 $0x1  }
0x15: {  	[smem:$0x3FA8] =	sst s0;
	s0 =	simm.s32 @!p2 $0x0  }
0x16: {  	s3 =	sld [smem:$0x3FDB];
	s0 =	simm.s32 @p2 $0x1  }
0x17: {  	s4 =	simm.s32 $0x1BF5;
	[smem:$0x3FAA] =	sst s0  }
0x18: {  	s0 =	sld [smem:$0x3F8D];
	_ =	swait.ge [sflag:s4], $0x0  }
0x19: {  	s7 =	sld [smem:$0x3F8E]  }
0x1a: {  	s8 =	sadd.s32 $0xFFFFE003, lr  }
0x1b: {  	s9 =	sadd.s32 $0xFFFFFEF7, lr;
	s5 =	simm.s32 $0xFFFFFFFF;
	p2 =	slt.u32 s8, $0xFFFFF086  }
0x1c: {  	p1 =	slt.u32 s9, $0xF7A;
	s5 =	simm.s32 @!p2 $0x0  }
0x1d: {  	s5 =	simm.s32 @p1 $0x1;
	p0 =	seq.s32 s7, s2  }
0x1e: {  	s7 =	smul.u32 @!p0 $0xF7A, s2;
	p2 =	seq.s32 @!p0 s5, $0x0  }
0x1f: {  	s9 =	smul.u32 $0xF7A, s1;
	s8 =	simm.s32 @!p0 $0x1BF5;
	p2 =	por !p2, p0  }
0x20: {  	[sflag:s8] =	ssyncset.s32 @!p0 $0xFFFFF086;
	s6 =	sadd.s32 @!p0 s3, s7;
	s7 =	simm.s32 @!p0 $0x108  }
0x21: {  	s3 =	sadd.s32 s3, s9;
	s6 =	sadd.s32 @!p0 $0x88, s6;
	s7 =	simm.s32 @p2 $0x1082  }
0x22: {  	[simem:s7], [sflag:s8] =	dma.local @!p0 [hbm:s6], $0xF7A  }
0x23: {  	s9 =	sor.u32 $0xD0000000, s2;
	s6 =	simm.s32 $0x108;
	_ =	swait.ge @!p0 [sflag:s8], $0x0  }
0x24: {  	s3 =	sadd.s32 $0x88, s3;
	s6 =	simm.s32 @!p1 $0x1082;
	[sflag:s4] =	ssyncset.s32 $0xFFFFF086  }
0x25: {  	[simem:s6], [sflag:s4] =	dma.local [hbm:s3], $0xF7A  }
0x26: {  	[smem:$0x3F8E] =	sst s1;
	(tag) =	ssettag s2;
	_ =	strace s9  }
0x27: {  	s1 =	sld [smem:$0x3F9E]  }
0x28: {  	s2 =	sld [smem:$0x3F9F]  }
0x29: {  	s4 =	sld [smem:$0x3FA1]  }
0x2a: {  	p0 =	seq.s32 s5, $0x0;
	s5 =	sld [smem:$0x3FA2]  }
0x2b: {  	s6 =	sld [smem:$0x3FA3]  }
0x2c: {  	s7 =	sld [smem:$0x3FA4]  }
0x2d: {  	s3 =	simm.s32 $0x108;
	s8 =	sld [smem:$0x3FA5]  }
0x2e: {  	s3 =	simm.s32 @!p0 $0x1082;
	s9 =	sld [smem:$0x3FA6]  }
0x2f: {  	lr =	sadd.s32 s0, s3;
	s0 =	sld [smem:$0x3F9D]  }
0x30: {  	s3 =	sld [smem:$0x3FA0]  }
0x31: {  	[smem:$0x3FA9] =	sst s10  }
0x32: {  	s10 =	sld [smem:$0x3FA7];
	_ =	sdelay $0x3  }
0x33: {  	p0 =	seq.s32 s10, $0x1;
	s10 =	sld [smem:$0x3FA9];
	_ =	sdelay $0x3  }
0x34: {  	[smem:$0x3FA9] =	sst s10  }
0x35: {  	s10 =	sld [smem:$0x3FA8];
	_ =	sdelay $0x3  }
0x36: {  	p1 =	seq.s32 s10, $0x1;
	s10 =	sld [smem:$0x3FA9];
	_ =	sdelay $0x3  }
0x37: {  	[smem:$0x3FA9] =	sst s10  }
0x38: {  	s10 =	sld [smem:$0x3FAA]  }
0x39: {  	_ = 	snop;
	(pc) =	sbr.ind lr, $3  }
0x3a: {  	_ = 	snop  }
0x3b: {  	_ = 	snop  }
0x3c: {  	p2 =	seq.s32 s10, $0x1;
	s10 =	sld [smem:$0x3FA9]  }
0x3d: {  	_ =	shalt  }
0x3e: {  	_ =	shalt  }
0x3f: {  	_ =	shalt  }
0x40: {  	_ =	shalt  }
0x41: {  	_ =	shalt  }
0x42: {  	_ =	shalt  }
0x43: {  	_ =	shalt  }
0x44: {  	_ =	shalt  }
0x45: {  	_ =	shalt  }
0x46: {  	_ =	shalt  }
0x47: {  	_ =	shalt  }
0x48: {  	_ =	shalt  }
0x49: {  	_ =	shalt  }
0x4a: {  	_ =	shalt  }
0x4b: {  	_ =	shalt  }
0x4c: {  	_ =	shalt  }
0x4d: {  	_ =	shalt  }
0x4e: {  	_ =	shalt  }
0x4f: {  	_ =	shalt  }
0x50: {  	_ =	shalt  }
0x51: {  	_ =	shalt  }
0x52: {  	_ =	shalt  }
0x53: {  	_ =	shalt  }
0x54: {  	_ =	shalt  }
0x55: {  	_ =	shalt  }
0x56: {  	_ =	shalt  }
0x57: {  	_ =	shalt  }
0x58: {  	_ =	shalt  }
0x59: {  	_ =	shalt  }
0x5a: {  	_ =	shalt  }
0x5b: {  	_ =	shalt  }
0x5c: {  	_ =	shalt  }
0x5d: {  	_ =	shalt  }
0x5e: {  	_ =	shalt  }
0x5f: {  	_ =	shalt  }
0x60: {  	_ =	shalt  }
0x61: {  	_ =	shalt  }
0x62: {  	_ =	shalt  }
0x63: {  	_ =	shalt  }
0x64: {  	_ =	shalt  }
0x65: {  	_ =	shalt  }
0x66: {  	_ =	shalt  }
0x67: {  	_ =	shalt  }
0x68: {  	_ =	shalt  }
0x69: {  	_ =	shalt  }
0x6a: {  	_ =	shalt  }
0x6b: {  	_ =	shalt  }
0x6c: {  	_ =	shalt  }
0x6d: {  	_ =	shalt  }
0x6e: {  	_ =	shalt  }
0x6f: {  	_ =	shalt  }
0x70: {  	_ =	shalt  }
0x71: {  	_ =	shalt  }
0x72: {  	_ =	shalt  }
0x73: {  	_ =	shalt  }
0x74: {  	_ =	shalt  }
0x75: {  	_ =	shalt  }
0x76: {  	_ =	shalt  }
0x77: {  	_ =	shalt  }
0x78: {  	_ =	shalt  }
0x79: {  	_ =	shalt  }
0x7a: {  	_ =	shalt  }
0x7b: {  	_ =	shalt  }
0x7c: {  	_ =	shalt  }
0x7d: {  	_ =	shalt  }
0x7e: {  	_ =	shalt  }
0x7f: {  	_ =	shalt  }
0x80: {  	_ =	shalt  }
0x81: {  	_ =	shalt  }
0x82: {  	_ =	shalt  }
0x83: {  	_ =	shalt  }
0x84: {  	_ =	shalt  }
0x85: {  	_ =	shalt  }
0x86: {  	_ =	shalt  }
0x87: {  	_ =	shalt  }
.Lfunc_end0:
.L_simem_size_0:
called_computation.1_lowered:
.L_overlay_start_0:
0x88: {  	s2 =	sld [smem:$0x3FD9]  }
0x89: {  	s3 =	sld [smem:$0x3FFE];
	_ =	sdelay $0x1  }
0x8a: {  	s1 =	srdreg.scid  }
0x8b: {  	s0 =	sand.u32 $0x1, s1  }
0x8c: {  	s17 =	sshll.u32 s0, $0xA;
	s2 =	sadd.s32 s3, s2  }
0x8d: {  	s2 =	sadd.s32 s2, s17  }
0x8e: {  	[smem:$0x3FB5] =	sst s2  }
0x8f: {  	_ = 	snop  }
0x90: {  	s18 =	sld [smem:$0x3FC9];
	(tm) =	ssettm $0x1  }
0x91: {  	s19 =	sld [smem:$0x3FFB];
	_ =	sdelay $0x3  }
0x92: {  	_ =	strace s19  }
0x93: {  	s2 =	sld [smem:$0x3FFC];
	_ =	sdelay $0x3  }
0x94: {  	_ =	strace s2  }
0x95: {  	s2 =	sld [smem:$0x3FFD];
	_ =	sdelay $0x3  }
0x96: {  	_ =	strace s2  }
0x97: {  	_ =	strace $0x8FFFFFFF  }
0x98: {  	s20 =	sld [smem:$0x3FDB];
	_ =	sdelay $0x1  }
0x99: {  	s4 =	simm.s32 $_scs_section_size  }
0x9a: {  	s5 =	simm.s32 $_size__tile_overlayer_lowered;
	s6 =	simm.s32 $_tile_overlayer_lowered  }
0x9b: {  	s7 =	simm.s32 $0x1BFF;
	s21 =	sshll.u32 s6, $0x1;
	s4 =	sadd.s32 s4, s20  }
0x9c: {  	s22 =	simm.s32 $0x0;
	s5 =	sshll.u32 s5, $0x1;
	s6 =	sadd.s32 s21, s4  }
0x9d: {  	[timem:s22], [sflag:s7] =	dma.local [hbm:s6], s5  }
0x9e: {  	_ =	swait.ge [sflag:s7], s5  }
0x9f: {  	s5 =	ssub.s32 $0x0, s5;
	[sflag:s7] =	ssyncset.done $0x0  }
0xa0: {  	[sflag:s7] =	ssyncadd.s32 s5;
	_ =	sdelay $0x1  }
0xa1: {  	s23 =	simm.s32 $0x1B8B  }
0xa2: {  	_ =	swait.ge [sflag:s23], $0x1  }
0xa3: {  	[sflag:s23] =	ssyncset.done $0x0  }
0xa4: {  	[sflag:s23] =	ssyncadd.s32 $0xFFFFFFFF  }
0xa5: {  	s5 =	sld [smem:$0x0]  }
0xa6: {  	s6 =	sand.u32 $0xFFFFFFFE, s1  }
0xa7: {  	p0 =	sne.s32 s1, s6  }
0xa8: {  	s6 =	sshll.u32 @p0 s6, $0xE  }
0xa9: {  	s6 =	sadd.s32 @p0 $0x11B8D, s6;
	s7 =	sshll.u32 @p0 s5, $0x11  }
0xaa: {  	s6 =	sor.u32 @p0 s7, s6  }
0xab: {  	[sflag:s6] =	ssyncadd.remote.s32 @p0 $0x1;
	_ =	sdelay $0x1  }
0xac: {  	s6 =	simm.s32 @p0 $0x1B8D  }
0xad: {  	_ =	swait.eq @p0 [sflag:s6], $0x1  }
0xae: {  	[sflag:s6] =	ssyncadd.s32 @p0 $0xFFFFFFFF  }
0xaf: {  	s7 =	sshll.u32 @!p0 s1, $0xE  }
0xb0: {  	s7 =	sor.u32 @!p0 $0x4000, s7;
	s6 =	simm.s32 @!p0 $0x1B8D  }
0xb1: {  	s5 =	sshll.u32 @!p0 s5, $0x11;
	s7 =	sadd.s32 @!p0 $0x11B8D, s7;
	_ =	swait.eq @!p0 [sflag:s6], $0x1  }
0xb2: {  	s5 =	sor.u32 @!p0 s5, s7;
	[sflag:s6] =	ssyncadd.s32 @!p0 $0xFFFFFFFF  }
0xb3: {  	s25 =	simm.s32 $0x1B8E;
	s24 =	sld [smem:$0x3FFE];
	[sflag:s5] =	ssyncadd.remote.s32 @!p0 $0x1  }
0xb4: {  	s26 =	simm.s32 $execute0_lowered;
	[smem:$0x3FD2] =	sst s25  }
0xb5: {  	s6 =	sshll.u32 s26, $0x1;
	_ =	strace $0x80000049;
	[dreg:$0x1] =	wrdreg $0xFFFFFFFF  }
0xb6: {  	s28 =	simm.s32 $_size_execute0_lowered;
	s4 =	sadd.s32 s4, s6;
	[dreg:$0x0] =	wrdreg $0x0  }
0xb7: {  	s6 =	sshll.u32 s28, $0x1;
	[dreg:$0x2] =	wrdreg s4  }
0xb8: {  	[dreg:$0x3] =	wrdreg s6  }
0xb9: {  	[dreg:$0x4] =	wrdreg $0xC0  }
0xba: {  	_ =	task [dreg:s22], $0x5FFFF  }
0xbb: {  	[dreg:$0x1] =	wrdreg $0xFFFFFFFF  }
0xbc: {  	[dreg:$0x0] =	wrdreg $0x60  }
0xbd: {  	[dreg:$0x2] =	wrdreg s18  }
0xbe: {  	[dreg:$0x3] =	wrdreg s24  }
0xbf: {  	[dreg:$0x4] =	wrdreg $0x82000  }
0xc0: {  	[dreg:$0x5] =	wrdreg $0xA  }
0xc1: {  	_ =	task.clear_ibuf [dreg:s22], $0x6FFFF;
	_ =	strace $0x90000049  }
0xc2: {  	s29 =	simm.s32 $0xA;
	_ =	strace $0x8000004B  }
0xc3: {  	_ =	swait.ge [sflag:s29], $0x1  }
0xc4: {  	[sflag:s29] =	ssyncadd.s32 $0xFFFFFFFF  }
0xc5: {  	_ =	strace $0x9000004B  }
0xc6: {  	_ =	sfence  }
0xc7: {  	s30 =	sld [smem:$0x0];
	_ =	sdelay $0x2  }
0xc8: {  	s31 =	sshll.u32 s1, $0xD;
	s1 =	sshrl.u32 s1, $0x2  }
0xc9: {  	s4 =	sand.u32 $0x4000, s31;
	s1 =	sadd.s32 s1, s30  }
0xca: {  	s0 =	sor.u32 s4, s0;
	s1 =	sshll.u32 s1, $0x11  }
0xcb: {  	s0 =	sor.u32 s1, s0  }
0xcc: {  	s0 =	sadd.s32 $0x8F2B, s0  }
0xcd: {  	[sflag:s0] =	ssyncadd.remote.s32 $0x1  }
0xce: {  	_ =	sfence.sel $0xFFFF  }
0xcf: {  	[dreg:$0x0] =	wrdreg $0xFFFFFFFF;
	(pc) =	sbr.abs _section_cstart, $3  }
0xd0: {  	[dreg:$0x1] =	wrdreg $0xFFFFFFFF  }
0xd1: {  	_ =	task.clear_ibuf [dreg:s22], $0x2FFFF;
	_ =	strace $0x9FFFFFFF  }
0xd2: {  	(tm) =	ssettm $0x7FFFFFFF  }
0xd3: {  	_ =	shalt  }
tec
execute0_lowered:
.L_overlay_start_1:
0x0: {  	(tag) =	ssettag $0x1  }
0x1: {  	s1 =	rddreg [dreg:$0x0]  }
0x2: {  	s0 =	rddreg [dreg:$0x1]  }
0x3: {  	s2 =	rddreg [dreg:$0x2];
	s3 =	srdreg.scid  }
0x4: {  	s4 =	simm.s32 $0x0;
	s21 =	stileid.u32;
	s22 =	simm.s32 $0x80  }
0x5: {  	s23 =	simm.s32 $0x200;
	s28 =	simm.s32 $0x4;
	s29 =	simm.s32 $0x1  }
0x6: {  	s30 =	simm.s32 $0x2;
	s31 =	simm.s32 $0x180;
	s3 =	sand.u32 $0x1, s3  }
0x7: {  	[smem:$0x7FF] =	sst s4;
	s6 =	sadd.s32 $0x4A00, s0;
	s10 =	smul.u32 $0x50000, s21  }
0x8: {  	s0 =	sadd.s32 $0x68600, s0;
	s11 =	smul.u32 $0x14000, s21;
	s5 =	sshll.u32 s3, $0x4  }
0x9: {  	_ =	strace $0x8000004A;
	s8 =	ssub.s32 $0x2, s3;
	s15 =	smul.u32 $0x140000, s3  }
0xa: {  	s3 =	smul.u32 $0x4F0, s3;
	s5 =	sor.u32 s21, s5;
	s9 =	sshrl.u32 s8, $0x1  }
0xb: {  	s24 =	sshrl.u32 s10, $0x2;
	s12 =	sadd.s32 $0x4000, s11;
	s21 =	smul.u32 $0x4F, s21  }
0xc: {  	s13 =	sadd.s32 $0x8000, s11;
	s16 =	sadd.s32 $0xC000, s11;
	s7 =	smul.u32 $0x4F00, s5  }
0xd: {  	s18 =	sadd.s32 $0x10000, s11;
	s5 =	smul.u32 $0x9E0, s5;
	s17 =	ssub.s32 s8, s9  }
0xe: {  	s8 =	sadd.s32 s12, s2;
	s9 =	sadd.s32 s13, s2;
	s14 =	sadd.s32 s11, s15  }
0xf: {  	s10 =	sadd.s32 s16, s2;
	s11 =	sadd.s32 s18, s2;
	s12 =	sadd.s32 s15, s12  }
0x10: {  	s13 =	sadd.s32 s15, s13;
	s16 =	sadd.s32 s15, s16;
	s15 =	sadd.s32 s15, s18  }
0x11: {  	s14 =	sshrl.u32 s14, $0x3;
	s19 =	sshrl.u32 s12, $0x3;
	s20 =	sshrl.u32 s13, $0x3  }
0x12: {  	s3 =	sadd.s32 s21, s3;
	s16 =	sshrl.u32 s16, $0x3;
	s18 =	sshrl.u32 s15, $0x3  }
0x13: {  	s17 =	smax.u32 s17, $0x1;
	s21 =	simm.s32 $0x3;
	s7 =	sshrl.u32 s7, $0x3  }
0x14: {  	s5 =	sadd.s32 s6, s5;
	s25 =	sadd.s32 s0, s14;
	s13 =	sadd.s32 s0, s19  }
0x15: {  	s14 =	sadd.s32 s0, s20;
	s3 =	sshll.u32 s3, $0x5;
	s15 =	sadd.s32 s0, s16  }
0x16: {  	s16 =	sadd.s32 s0, s18;
	s0 =	simm.s32 $0x0;
	s7 =	sadd.s32 s6, s7  }
0x17: {  	[dreg:$0x5] =	wrdreg s25;
	s26 =	sadd.s32 s3, s6;
	s12 =	smov.u32 s5  }
0x18: {  	s18 =	sadd.s32 $0x9C0, s5;
	s25 =	simm.s32 $0x4200;
	s7 =	sadd.s32 $0x20, s7  }
0x19: {  	s19 =	sadd.s32 $0x60, s26;
	s20 =	sadd.s32 $0x40, s26;
	s26 =	simm.s32 $0x5  }
0x1a: {  	v0 =	vimm.f32 $0.0e+00;
	[dreg:$0x4] =	wrdreg s7;
	s7 =	sadd.s32 s24, s2;
	s24 =	simm.s32 $0x100  }
.LBB2_1:
0x1b: {  	[tilespmem:s4], [sflag:$0x3] =	stream.linear.gather [hbm4b:s12+s4], $0x100, $0x38;
	[tilespmem:$0x1C200] =	vst v63  }
0x1c: {  	_ =	swait.ge [sflag:s21], $0x100  }
0x1d: {  	[sflag:s21] =	ssyncset.done $0x0  }
0x1e: {  	[sflag:s21] =	ssyncadd.s32 $0xFFFFFF00  }
0x1f: {  	[tilespmem:s23], [sflag:$0x1] =	stream.indirect.gather [hbm4b:s1+s22], $0x80, s4, s22, $0xb8;
	[tilespmem:$0x1C200] =	vst v63  }
0x20: {  	s3 =	rddreg [dreg:$0x4]  }
0x21: {  	[tilespmem:s24], [sflag:$0x4] =	stream.linear.gather [hbm4b:s3+s4], $0x100, $0x38;
	[tilespmem:$0x1C200] =	vst v63  }
0x22: {  	s6 =	simm.s32 $0x200;
	s3 =	simm.s32 $0x0  }
.LBB2_2:
0x23: {  	p0 =	sne.s32 s6, $0xFE00;
	[tilespmem:s3+$0x4270] =	vst v0  }
0x24: {  	[tilespmem:s3+$0x4200] =	vst v0  }
0x25: {  	[tilespmem:s3+$0x4210] =	vst v0  }
.Ltmp0:
0x26: {  	[tilespmem:s3+$0x4220] =	vst v0;
	(pc) =	sbr.rel @p0 .LBB2_2-.Ltmp0, $4  }
0x27: {  	[tilespmem:s3+$0x4230] =	vst v0  }
0x28: {  	[tilespmem:s3+$0x4240] =	vst v0  }
0x29: {  	[tilespmem:s3+$0x4250] =	vst v0  }
0x2a: {  	[tilespmem:s3+$0x4260] =	vst v0;
	s3 =	sshra.s32 s6, $0x2;
	s6 =	sadd.s32 $0x200, s6  }
0x2b: {  	[tilespmem:s3+$0x4270] =	vst v0  }
0x2c: {  	[tilespmem:s3+$0x4200] =	vst v0  }
0x2d: {  	[tilespmem:s3+$0x4210] =	vst v0  }
0x2e: {  	[tilespmem:s3+$0x4220] =	vst v0  }
0x2f: {  	[tilespmem:s3+$0x4230] =	vst v0  }
0x30: {  	[tilespmem:s3+$0x4240] =	vst v0  }
0x31: {  	[tilespmem:s3+$0x4250] =	vst v0  }
0x32: {  	[tilespmem:s3+$0x4260] =	vst v0  }
0x33: {  	[spmem:s7] =	stream.linear.scatter [tilespmem:s25], [sflag:$0x5], $0x4000, $0x38;
	[tilespmem:$0x1C200] =	vst v63  }
0x34: {  	_ =	swait.ge [sflag:s26], $0x4000  }
0x35: {  	[sflag:s26] =	ssyncset.done $0x0  }
0x36: {  	[sflag:s26] =	ssyncadd.s32 $0xFFFFC000  }
0x37: {  	[spmem:s8] =	stream.linear.scatter [tilespmem:s25], [sflag:$0x5], $0x4000, $0x38;
	[tilespmem:$0x1C200] =	vst v63  }
0x38: {  	_ =	swait.ge [sflag:s26], $0x4000  }
0x39: {  	[sflag:s26] =	ssyncset.done $0x0  }
0x3a: {  	[sflag:s26] =	ssyncadd.s32 $0xFFFFC000  }
0x3b: {  	[spmem:s9] =	stream.linear.scatter [tilespmem:s25], [sflag:$0x5], $0x4000, $0x38;
	[tilespmem:$0x1C200] =	vst v63  }
0x3c: {  	_ =	swait.ge [sflag:s26], $0x4000  }
0x3d: {  	[sflag:s26] =	ssyncset.done $0x0  }
0x3e: {  	[sflag:s26] =	ssyncadd.s32 $0xFFFFC000  }
0x3f: {  	[spmem:s10] =	stream.linear.scatter [tilespmem:s25], [sflag:$0x5], $0x4000, $0x38;
	[tilespmem:$0x1C200] =	vst v63  }
0x40: {  	_ =	swait.ge [sflag:s26], $0x4000  }
0x41: {  	[sflag:s26] =	ssyncset.done $0x0  }
0x42: {  	[sflag:s26] =	ssyncadd.s32 $0xFFFFC000  }
0x43: {  	[spmem:s11] =	stream.linear.scatter [tilespmem:s25], [sflag:$0x5], $0x4000, $0x38;
	[tilespmem:$0x1C200] =	vst v63  }
0x44: {  	_ =	swait.ge [sflag:s26], $0x4000  }
0x45: {  	[sflag:s26] =	ssyncset.done $0x0  }
0x46: {  	[sflag:s26] =	ssyncadd.s32 $0xFFFFC000  }
0x47: {  	[bflag:$0x0] =	sbarrier.arrive $0xFFFF  }
0x48: {  	_ =	swait.ge [sflag:s28], $0x100  }
0x49: {  	[sflag:s28] =	ssyncset.done $0x0  }
0x4a: {  	[sflag:s28] =	ssyncadd.s32 $0xFFFFFF00  }
0x4b: {  	_ =	swait.ge [sflag:s29], $0x4000  }
0x4c: {  	[sflag:s29] =	ssyncset.done $0x0  }
0x4d: {  	[sflag:s29] =	ssyncadd.s32 $0xFFFFC000  }
0x4e: {  	[tilespmem:s25], [sflag:$0x2] =	stream.indirect.gather [hbm4b:s1+s22], $0x80, s24, s22, $0xb8;
	[tilespmem:$0x1C200] =	vst v63  }
0x4f: {  	_ = 	snop  }
0x50: {  	[spmem:s2] =	stream.indirect.scatter.add.f32 [tilespmem:s23], [sflag:$0x5], $0x80, s22, s22, $0xb8;
	[tilespmem:$0x1C200] =	vst v63  }
0x51: {  	_ =	swait.ge [sflag:s26], $0x4000  }
0x52: {  	[sflag:s26] =	ssyncset.done $0x0  }
0x53: {  	s6 =	sadd.s32 $0x0, s20;
	[sflag:s26] =	ssyncadd.s32 $0xFFFFC000  }
0x54: {  	[tilespmem:s4], [sflag:$0x3] =	stream.linear.gather [hbm4b:s6+s4], $0x100, $0x38;
	[tilespmem:$0x1C200] =	vst v63  }
0x55: {  	_ =	swait.ge [sflag:s30], $0x4000  }
0x56: {  	[sflag:s30] =	ssyncset.done $0x0  }
0x57: {  	[sflag:s30] =	ssyncadd.s32 $0xFFFFC000  }
0x58: {  	_ =	swait.ge [sflag:s21], $0x100  }
0x59: {  	[sflag:s21] =	ssyncset.done $0x0  }
0x5a: {  	[sflag:s21] =	ssyncadd.s32 $0xFFFFFF00  }
0x5b: {  	[tilespmem:s23], [sflag:$0x1] =	stream.indirect.gather [hbm4b:s1+s22], $0x80, s4, s22, $0xb8;
	[tilespmem:$0x1C200] =	vst v63  }
0x5c: {  	_ = 	snop  }
0x5d: {  	[spmem:s2] =	stream.indirect.scatter.add.f32 [tilespmem:s25], [sflag:$0x5], $0x80, s31, s22, $0xb8;
	[tilespmem:$0x1C200] =	vst v63  }
0x5e: {  	_ =	swait.ge [sflag:s26], $0x4000  }
0x5f: {  	[sflag:s26] =	ssyncset.done $0x0  }
0x60: {  	s3 =	simm.s32 $0x40;
	s6 =	sadd.s32 $0x0, s19;
	[sflag:s26] =	ssyncadd.s32 $0xFFFFC000  }
.LBB2_4:
0x61: {  	[tilespmem:s24], [sflag:$0x4] =	stream.linear.gather [hbm4b:s6+s4], $0x100, $0x38;
	[tilespmem:$0x1C200] =	vst v63  }
0x62: {  	s6 =	smov.u32 s3  }
0x63: {  	p0 =	sne.s32 s3, $0x940;
	s3 =	sadd.s32 $0x40, s3;
	_ =	swait.ge [sflag:s28], $0x100  }
0x64: {  	[sflag:s28] =	ssyncset.done $0x0  }
0x65: {  	[sflag:s28] =	ssyncadd.s32 $0xFFFFFF00  }
0x66: {  	_ =	swait.ge [sflag:s29], $0x4000  }
0x67: {  	[sflag:s29] =	ssyncset.done $0x0  }
0x68: {  	[sflag:s29] =	ssyncadd.s32 $0xFFFFC000  }
0x69: {  	[tilespmem:s25], [sflag:$0x2] =	stream.indirect.gather [hbm4b:s1+s22], $0x80, s24, s22, $0xb8;
	[tilespmem:$0x1C200] =	vst v63  }
0x6a: {  	_ = 	snop  }
0x6b: {  	[spmem:s2] =	stream.indirect.scatter.add.f32 [tilespmem:s23], [sflag:$0x5], $0x80, s22, s22, $0xb8;
	[tilespmem:$0x1C200] =	vst v63  }
0x6c: {  	_ =	swait.ge [sflag:s26], $0x4000  }
0x6d: {  	[sflag:s26] =	ssyncset.done $0x0  }
0x6e: {  	s5 =	sadd.s32 s6, s20;
	[sflag:s26] =	ssyncadd.s32 $0xFFFFC000  }
0x6f: {  	[tilespmem:s4], [sflag:$0x3] =	stream.linear.gather [hbm4b:s5+s4], $0x100, $0x38;
	[tilespmem:$0x1C200] =	vst v63  }
0x70: {  	_ =	swait.ge [sflag:s30], $0x4000  }
0x71: {  	[sflag:s30] =	ssyncset.done $0x0  }
0x72: {  	[sflag:s30] =	ssyncadd.s32 $0xFFFFC000  }
0x73: {  	_ =	swait.ge [sflag:s21], $0x100  }
0x74: {  	[sflag:s21] =	ssyncset.done $0x0  }
0x75: {  	[sflag:s21] =	ssyncadd.s32 $0xFFFFFF00  }
0x76: {  	[tilespmem:s23], [sflag:$0x1] =	stream.indirect.gather [hbm4b:s1+s22], $0x80, s4, s22, $0xb8;
	[tilespmem:$0x1C200] =	vst v63  }
.Ltmp1:
0x77: {  	(pc) =	sbr.rel @p0 .LBB2_4-.Ltmp1, $4  }
0x78: {  	[spmem:s2] =	stream.indirect.scatter.add.f32 [tilespmem:s25], [sflag:$0x5], $0x80, s31, s22, $0xb8;
	[tilespmem:$0x1C200] =	vst v63  }
0x79: {  	_ =	swait.ge [sflag:s26], $0x4000  }
0x7a: {  	[sflag:s26] =	ssyncset.done $0x0  }
0x7b: {  	s6 =	sadd.s32 s6, s19;
	[sflag:s26] =	ssyncadd.s32 $0xFFFFC000  }
0x7c: {  	[tilespmem:s24], [sflag:$0x4] =	stream.linear.gather [hbm4b:s6+s4], $0x100, $0x38;
	[tilespmem:$0x1C200] =	vst v63  }
0x7d: {  	_ =	swait.ge [sflag:s28], $0x100  }
0x7e: {  	[sflag:s28] =	ssyncset.done $0x0  }
0x7f: {  	[sflag:s28] =	ssyncadd.s32 $0xFFFFFF00  }
0x80: {  	_ =	swait.ge [sflag:s29], $0x4000  }
0x81: {  	[sflag:s29] =	ssyncset.done $0x0  }
0x82: {  	[sflag:s29] =	ssyncadd.s32 $0xFFFFC000  }
0x83: {  	[tilespmem:s25], [sflag:$0x2] =	stream.indirect.gather [hbm4b:s1+s22], $0x80, s24, s22, $0xb8;
	[tilespmem:$0x1C200] =	vst v63  }
0x84: {  	_ = 	snop  }
0x85: {  	[spmem:s2] =	stream.indirect.scatter.add.f32 [tilespmem:s23], [sflag:$0x5], $0x80, s22, s22, $0xb8;
	[tilespmem:$0x1C200] =	vst v63  }
0x86: {  	_ =	swait.ge [sflag:s26], $0x4000  }
0x87: {  	[sflag:s26] =	ssyncset.done $0x0  }
0x88: {  	[sflag:s26] =	ssyncadd.s32 $0xFFFFC000  }
0x89: {  	[tilespmem:s4], [sflag:$0x3] =	stream.linear.gather [hbm4b:s18+s4], $0x100, $0x38;
	[tilespmem:$0x1C200] =	vst v63  }
0x8a: {  	_ =	swait.ge [sflag:s30], $0x4000  }
0x8b: {  	[sflag:s30] =	ssyncset.done $0x0  }
0x8c: {  	[sflag:s30] =	ssyncadd.s32 $0xFFFFC000  }
0x8d: {  	_ =	swait.ge [sflag:s21], $0x100  }
0x8e: {  	[sflag:s21] =	ssyncset.done $0x0  }
0x8f: {  	[sflag:s21] =	ssyncadd.s32 $0xFFFFFF00  }
0x90: {  	[tilespmem:s23], [sflag:$0x1] =	stream.indirect.gather [hbm4b:s1+s22], $0x80, s4, s22, $0xb8;
	[tilespmem:$0x1C200] =	vst v63  }
0x91: {  	_ = 	snop  }
0x92: {  	[spmem:s2] =	stream.indirect.scatter.add.f32 [tilespmem:s25], [sflag:$0x5], $0x80, s31, s22, $0xb8;
	[tilespmem:$0x1C200] =	vst v63  }
0x93: {  	_ =	swait.ge [sflag:s26], $0x4000  }
0x94: {  	[sflag:s26] =	ssyncset.done $0x0  }
0x95: {  	[sflag:s26] =	ssyncadd.s32 $0xFFFFC000  }
0x96: {  	_ =	swait.ge [sflag:s29], $0x4000  }
0x97: {  	[sflag:s29] =	ssyncset.done $0x0  }
0x98: {  	[sflag:s29] =	ssyncadd.s32 $0xFFFFC000  }
0x99: {  	[spmem:s2] =	stream.indirect.scatter.add.f32 [tilespmem:s23], [sflag:$0x5], $0x80, s22, s22, $0xb8;
	[tilespmem:$0x1C200] =	vst v63  }
0x9a: {  	_ =	swait.ge [sflag:s26], $0x4000  }
0x9b: {  	[sflag:s26] =	ssyncset.done $0x0  }
0x9c: {  	s3 =	stileid.u32;
	[sflag:s26] =	ssyncadd.s32 $0xFFFFC000  }
0x9d: {  	s3 =	sshll.u32 s3, $0x6;
	[bflag:$0x0] =	sbarrier.arrive $0xFFFF  }
0x9e: {  	s5 =	sshrl.u32 s7, $0x3;
	s3 =	sor.u32 $0x1C05, s3;
	s6 =	rddreg [dreg:$0x5]  }
0x9f: {  	[hbm:s6], [sflag:s3] =	dma.local [spmem:s5], $0x800  }
0xa0: {  	_ =	swait.ge [sflag:s26], $0x800  }
0xa1: {  	[sflag:s26] =	ssyncset.done $0x0  }
0xa2: {  	s6 =	sshrl.u32 s8, $0x3;
	[sflag:s26] =	ssyncadd.s32 $0xFFFFF800  }
0xa3: {  	[hbm:s13], [sflag:s3] =	dma.local [spmem:s6], $0x800  }
0xa4: {  	_ =	swait.ge [sflag:s26], $0x800  }
0xa5: {  	[sflag:s26] =	ssyncset.done $0x0  }
0xa6: {  	s6 =	sshrl.u32 s9, $0x3;
	[sflag:s26] =	ssyncadd.s32 $0xFFFFF800  }
0xa7: {  	[hbm:s14], [sflag:s3] =	dma.local [spmem:s6], $0x800  }
0xa8: {  	_ =	swait.ge [sflag:s26], $0x800  }
0xa9: {  	[sflag:s26] =	ssyncset.done $0x0  }
0xaa: {  	s6 =	sshrl.u32 s10, $0x3;
	[sflag:s26] =	ssyncadd.s32 $0xFFFFF800  }
0xab: {  	[hbm:s15], [sflag:s3] =	dma.local [spmem:s6], $0x800  }
0xac: {  	s0 =	sadd.s32 $0x1, s0;
	_ =	swait.ge [sflag:s26], $0x800  }
0xad: {  	p0 =	sne.s32 s0, s17;
	[sflag:s26] =	ssyncset.done $0x0  }
.Ltmp2:
0xae: {  	s6 =	sshrl.u32 s11, $0x3;
	[sflag:s26] =	ssyncadd.s32 $0xFFFFF800;
	(pc) =	sbr.rel @p0 .LBB2_1-.Ltmp2, $4  }
0xaf: {  	[hbm:s16], [sflag:s3] =	dma.local [spmem:s6], $0x800  }
0xb0: {  	_ =	swait.ge [sflag:s26], $0x800  }
0xb1: {  	[sflag:s26] =	ssyncset.done $0x0  }
0xb2: {  	[sflag:s26] =	ssyncadd.s32 $0xFFFFF800  }
0xb3: {  	_ =	sfence.sel $0x180000  }
0xb4: {  	[bflag:$0x0] =	sbarrier.arrive $0xFFFF  }
0xb5: {  	_ =	strace $0x9000004A  }
0xb6: {  	s0 =	stileid.u32;
	[bflag:$0x2] =	sbarrier.arrive $0xFFFF  }
0xb7: {  	p0 =	sne.s32 s0, $0x0;
	s0 =	rddreg [dreg:$0x3]  }
0xb8: {  	s0 =	sadd.s32 @!p0 $0x100000, s0  }
0xb9: {  	[sflag:s0] =	ssyncadd.tile.s32 @!p0 $0x1;
	_ =	shalt  }
.Lfunc_end2:
_tile_overlayer_lowered:
.L_overlay_start_2:
0xba: {  	(tag) =	ssettag $0x2  }
0xbb: {  	s0 =	rddreg [dreg:$0x0];
	s2 =	stileid.u32  }
0xbc: {  	s1 =	rddreg [dreg:$0x1];
	p0 =	sne.s32 s2, $0x0  }
0xbd: {  	s3 =	rddreg [dreg:$0x2];
	[bflag:$0x3] =	sbarrier.arrive $0xFFFF;
	s2 =	simm.s32 @!p0 $0x1C05  }
0xbe: {  	[timem:s3], [sflag:s2] =	dma.local @!p0 [hbm:s0], s1  }
0xbf: {  	s0 =	simm.s32 @!p0 $0x5  }
0xc0: {  	_ =	swait.ge @!p0 [sflag:s0], s1  }
0xc1: {  	s1 =	ssub.s32 @!p0 $0x0, s1;
	[sflag:s0] =	ssyncset.done @!p0 $0x0  }
0xc2: {  	[sflag:s0] =	ssyncadd.s32 @!p0 s1  }
0xc3: {  	[bflag:$0x3] =	sbarrier.arrive $0xFFFF  }
0xc4: {  	_ =	shalt  }

// kernel: kernel.17.cloned.1.call-start
scs
__scs_entry_jumppad:
0x0: {  	(pc) =	sbr.rel $0x88, $3  }
0x1: {  	(tag) =	ssettag $0x0;
	lr =	simm.s32 $0x1  }
0x2: {  	[smem:$0x3F8E] =	sst lr;
	_ =	strace $0xD0000000  }
0x3: {  	_ = 	snop  }
0x4: {  	_ = 	snop  }
0x5: {  	_ = 	snop  }
0x6: {  	_ = 	snop  }
0x7: {  	_ = 	snop  }
__scs_overlays_trampoline_lowered:
0x8: {  	[smem:$0x3F9D] =	sst s0  }
0x9: {  	[smem:$0x3F9E] =	sst s1  }
0xa: {  	[smem:$0x3F9F] =	sst s2  }
0xb: {  	[smem:$0x3FA0] =	sst s3  }
0xc: {  	[smem:$0x3FA1] =	sst s4  }
0xd: {  	[smem:$0x3FA2] =	sst s5  }
0xe: {  	[smem:$0x3FA3] =	sst s6  }
0xf: {  	[smem:$0x3FA4] =	sst s7  }
0x10: {  	[smem:$0x3FA5] =	sst s8  }
0x11: {  	[smem:$0x3FA6] =	sst s9;
	s0 =	simm.s32 @!p0 $0x0  }
0x12: {  	s1 =	sld [smem:$0x3F8C];
	s0 =	simm.s32 @p0 $0x1  }
0x13: {  	[smem:$0x3FA7] =	sst s0;
	s0 =	simm.s32 @!p1 $0x0  }
0x14: {  	s2 =	sld [smem:$0x3F8B];
	s0 =	simm.s32 @p1 $0x1  }
0x15: {  	[smem:$0x3FA8] =	sst s0;
	s0 =	simm.s32 @!p2 $0x0  }
0x16: {  	s3 =	sld [smem:$0x3FDB];
	s0 =	simm.s32 @p2 $0x1  }
0x17: {  	s4 =	simm.s32 $0x1BF5;
	[smem:$0x3FAA] =	sst s0  }
0x18: {  	s0 =	sld [smem:$0x3F8D];
	_ =	swait.ge [sflag:s4], $0x0  }
0x19: {  	s7 =	sld [smem:$0x3F8E]  }
0x1a: {  	s8 =	sadd.s32 $0xFFFFE003, lr  }
0x1b: {  	s9 =	sadd.s32 $0xFFFFFEF7, lr;
	s5 =	simm.s32 $0xFFFFFFFF;
	p2 =	slt.u32 s8, $0xFFFFF086  }
0x1c: {  	p1 =	slt.u32 s9, $0xF7A;
	s5 =	simm.s32 @!p2 $0x0  }
0x1d: {  	s5 =	simm.s32 @p1 $0x1;
	p0 =	seq.s32 s7, s2  }
0x1e: {  	s7 =	smul.u32 @!p0 $0xF7A, s2;
	p2 =	seq.s32 @!p0 s5, $0x0  }
0x1f: {  	s9 =	smul.u32 $0xF7A, s1;
	s8 =	simm.s32 @!p0 $0x1BF5;
	p2 =	por !p2, p0  }
0x20: {  	[sflag:s8] =	ssyncset.s32 @!p0 $0xFFFFF086;
	s6 =	sadd.s32 @!p0 s3, s7;
	s7 =	simm.s32 @!p0 $0x108  }
0x21: {  	s3 =	sadd.s32 s3, s9;
	s6 =	sadd.s32 @!p0 $0x88, s6;
	s7 =	simm.s32 @p2 $0x1082  }
0x22: {  	[simem:s7], [sflag:s8] =	dma.local @!p0 [hbm:s6], $0xF7A  }
0x23: {  	s9 =	sor.u32 $0xD0000000, s2;
	s6 =	simm.s32 $0x108;
	_ =	swait.ge @!p0 [sflag:s8], $0x0  }
0x24: {  	s3 =	sadd.s32 $0x88, s3;
	s6 =	simm.s32 @!p1 $0x1082;
	[sflag:s4] =	ssyncset.s32 $0xFFFFF086  }
0x25: {  	[simem:s6], [sflag:s4] =	dma.local [hbm:s3], $0xF7A  }
0x26: {  	[smem:$0x3F8E] =	sst s1;
	(tag) =	ssettag s2;
	_ =	strace s9  }
0x27: {  	s1 =	sld [smem:$0x3F9E]  }
0x28: {  	s2 =	sld [smem:$0x3F9F]  }
0x29: {  	s4 =	sld [smem:$0x3FA1]  }
0x2a: {  	p0 =	seq.s32 s5, $0x0;
	s5 =	sld [smem:$0x3FA2]  }
0x2b: {  	s6 =	sld [smem:$0x3FA3]  }
0x2c: {  	s7 =	sld [smem:$0x3FA4]  }
0x2d: {  	s3 =	simm.s32 $0x108;
	s8 =	sld [smem:$0x3FA5]  }
0x2e: {  	s3 =	simm.s32 @!p0 $0x1082;
	s9 =	sld [smem:$0x3FA6]  }
0x2f: {  	lr =	sadd.s32 s0, s3;
	s0 =	sld [smem:$0x3F9D]  }
0x30: {  	s3 =	sld [smem:$0x3FA0]  }
0x31: {  	[smem:$0x3FA9] =	sst s10  }
0x32: {  	s10 =	sld [smem:$0x3FA7];
	_ =	sdelay $0x3  }
0x33: {  	p0 =	seq.s32 s10, $0x1;
	s10 =	sld [smem:$0x3FA9];
	_ =	sdelay $0x3  }
0x34: {  	[smem:$0x3FA9] =	sst s10  }
0x35: {  	s10 =	sld [smem:$0x3FA8];
	_ =	sdelay $0x3  }
0x36: {  	p1 =	seq.s32 s10, $0x1;
	s10 =	sld [smem:$0x3FA9];
	_ =	sdelay $0x3  }
0x37: {  	[smem:$0x3FA9] =	sst s10  }
0x38: {  	s10 =	sld [smem:$0x3FAA]  }
0x39: {  	_ = 	snop;
	(pc) =	sbr.ind lr, $3  }
0x3a: {  	_ = 	snop  }
0x3b: {  	_ = 	snop  }
0x3c: {  	p2 =	seq.s32 s10, $0x1;
	s10 =	sld [smem:$0x3FA9]  }
0x3d: {  	_ =	shalt  }
0x3e: {  	_ =	shalt  }
0x3f: {  	_ =	shalt  }
0x40: {  	_ =	shalt  }
0x41: {  	_ =	shalt  }
0x42: {  	_ =	shalt  }
0x43: {  	_ =	shalt  }
0x44: {  	_ =	shalt  }
0x45: {  	_ =	shalt  }
0x46: {  	_ =	shalt  }
0x47: {  	_ =	shalt  }
0x48: {  	_ =	shalt  }
0x49: {  	_ =	shalt  }
0x4a: {  	_ =	shalt  }
0x4b: {  	_ =	shalt  }
0x4c: {  	_ =	shalt  }
0x4d: {  	_ =	shalt  }
0x4e: {  	_ =	shalt  }
0x4f: {  	_ =	shalt  }
0x50: {  	_ =	shalt  }
0x51: {  	_ =	shalt  }
0x52: {  	_ =	shalt  }
0x53: {  	_ =	shalt  }
0x54: {  	_ =	shalt  }
0x55: {  	_ =	shalt  }
0x56: {  	_ =	shalt  }
0x57: {  	_ =	shalt  }
0x58: {  	_ =	shalt  }
0x59: {  	_ =	shalt  }
0x5a: {  	_ =	shalt  }
0x5b: {  	_ =	shalt  }
0x5c: {  	_ =	shalt  }
0x5d: {  	_ =	shalt  }
0x5e: {  	_ =	shalt  }
0x5f: {  	_ =	shalt  }
0x60: {  	_ =	shalt  }
0x61: {  	_ =	shalt  }
0x62: {  	_ =	shalt  }
0x63: {  	_ =	shalt  }
0x64: {  	_ =	shalt  }
0x65: {  	_ =	shalt  }
0x66: {  	_ =	shalt  }
0x67: {  	_ =	shalt  }
0x68: {  	_ =	shalt  }
0x69: {  	_ =	shalt  }
0x6a: {  	_ =	shalt  }
0x6b: {  	_ =	shalt  }
0x6c: {  	_ =	shalt  }
0x6d: {  	_ =	shalt  }
0x6e: {  	_ =	shalt  }
0x6f: {  	_ =	shalt  }
0x70: {  	_ =	shalt  }
0x71: {  	_ =	shalt  }
0x72: {  	_ =	shalt  }
0x73: {  	_ =	shalt  }
0x74: {  	_ =	shalt  }
0x75: {  	_ =	shalt  }
0x76: {  	_ =	shalt  }
0x77: {  	_ =	shalt  }
0x78: {  	_ =	shalt  }
0x79: {  	_ =	shalt  }
0x7a: {  	_ =	shalt  }
0x7b: {  	_ =	shalt  }
0x7c: {  	_ =	shalt  }
0x7d: {  	_ =	shalt  }
0x7e: {  	_ =	shalt  }
0x7f: {  	_ =	shalt  }
0x80: {  	_ =	shalt  }
0x81: {  	_ =	shalt  }
0x82: {  	_ =	shalt  }
0x83: {  	_ =	shalt  }
0x84: {  	_ =	shalt  }
0x85: {  	_ =	shalt  }
0x86: {  	_ =	shalt  }
0x87: {  	_ =	shalt  }
.Lfunc_end0:
.L_simem_size_0:
called_computation.2_lowered:
.L_overlay_start_0:
0x88: {  	s2 =	sld [smem:$0x3FD9]  }
0x89: {  	s3 =	sld [smem:$0x3FFE];
	_ =	sdelay $0x1  }
0x8a: {  	s1 =	srdreg.scid  }
0x8b: {  	s0 =	sand.u32 $0x1, s1  }
0x8c: {  	s16 =	sshll.u32 s0, $0xA;
	s2 =	sadd.s32 s3, s2  }
0x8d: {  	s2 =	sadd.s32 s2, s16  }
0x8e: {  	[smem:$0x3FB5] =	sst s2  }
0x8f: {  	_ = 	snop  }
0x90: {  	(tm) =	ssettm $0x1  }
0x91: {  	s17 =	sld [smem:$0x3FFB];
	_ =	sdelay $0x3  }
0x92: {  	_ =	strace s17  }
0x93: {  	s2 =	sld [smem:$0x3FFC];
	_ =	sdelay $0x3  }
0x94: {  	_ =	strace s2  }
0x95: {  	s2 =	sld [smem:$0x3FFD];
	_ =	sdelay $0x3  }
0x96: {  	_ =	strace s2  }
0x97: {  	_ =	strace $0x8FFFFFFF  }
0x98: {  	s18 =	sld [smem:$0x3FDB];
	_ =	sdelay $0x1  }
0x99: {  	s19 =	simm.s32 $_scs_section_size  }
0x9a: {  	s4 =	simm.s32 $_size__tile_overlayer_lowered;
	s5 =	simm.s32 $_tile_overlayer_lowered  }
0x9b: {  	s22 =	simm.s32 $0x1BFF;
	s21 =	sshll.u32 s5, $0x1;
	s2 =	sadd.s32 s19, s18  }
0x9c: {  	s6 =	simm.s32 $0x0;
	s20 =	sshll.u32 s4, $0x1;
	s4 =	sadd.s32 s21, s2  }
0x9d: {  	[timem:s6], [sflag:s22] =	dma.local [hbm:s4], s20  }
0x9e: {  	_ =	swait.ge [sflag:s22], s20  }
0x9f: {  	s3 =	ssub.s32 $0x0, s20;
	[sflag:s22] =	ssyncset.done $0x0  }
0xa0: {  	[sflag:s22] =	ssyncadd.s32 s3;
	_ =	sdelay $0x1  }
0xa1: {  	s23 =	simm.s32 $0x1B8B  }
0xa2: {  	_ =	swait.ge [sflag:s23], $0x1  }
0xa3: {  	[sflag:s23] =	ssyncset.done $0x0  }
0xa4: {  	s25 =	simm.s32 $0x1B8E;
	s24 =	sld [smem:$0x3FFE];
	[sflag:s23] =	ssyncadd.s32 $0xFFFFFFFF  }
0xa5: {  	s26 =	simm.s32 $execute0_lowered;
	[smem:$0x3FD2] =	sst s25  }
0xa6: {  	s4 =	sshll.u32 s26, $0x1;
	_ =	strace $0x8000004C;
	[dreg:$0x1] =	wrdreg $0xFFFFFFFF  }
0xa7: {  	s28 =	simm.s32 $_size_execute0_lowered;
	s2 =	sadd.s32 s2, s4;
	[dreg:$0x0] =	wrdreg $0x0  }
0xa8: {  	s4 =	sshll.u32 s28, $0x1;
	[dreg:$0x2] =	wrdreg s2  }
0xa9: {  	[dreg:$0x3] =	wrdreg s4  }
0xaa: {  	[dreg:$0x4] =	wrdreg $0xC0  }
0xab: {  	_ =	task [dreg:s6], $0x5FFFF  }
0xac: {  	[dreg:$0x1] =	wrdreg $0xFFFFFFFF  }
0xad: {  	[dreg:$0x0] =	wrdreg $0x60  }
0xae: {  	[dreg:$0x2] =	wrdreg s24  }
0xaf: {  	[dreg:$0x3] =	wrdreg $0x82000  }
0xb0: {  	[dreg:$0x4] =	wrdreg $0x9  }
0xb1: {  	_ =	task.clear_ibuf [dreg:s6], $0x5FFFF;
	_ =	strace $0x9000004C  }
0xb2: {  	s29 =	simm.s32 $0x9;
	_ =	strace $0x8000004E  }
0xb3: {  	_ =	swait.ge [sflag:s29], $0x1  }
0xb4: {  	[sflag:s29] =	ssyncadd.s32 $0xFFFFFFFF  }
0xb5: {  	_ =	strace $0x9000004E  }
0xb6: {  	_ =	sfence  }
0xb7: {  	s30 =	sld [smem:$0x0];
	_ =	sdelay $0x2  }
0xb8: {  	s31 =	sshll.u32 s1, $0xD;
	s1 =	sshrl.u32 s1, $0x2  }
0xb9: {  	s3 =	sand.u32 $0x4000, s31;
	s1 =	sadd.s32 s1, s30  }
0xba: {  	s0 =	sor.u32 s3, s0;
	s1 =	sshll.u32 s1, $0x11  }
0xbb: {  	s0 =	sor.u32 s1, s0  }
0xbc: {  	s0 =	sadd.s32 $0x8F2B, s0  }
0xbd: {  	[sflag:s0] =	ssyncadd.remote.s32 $0x1  }
0xbe: {  	_ =	sfence.sel $0xFFFF  }
0xbf: {  	[dreg:$0x0] =	wrdreg $0xFFFFFFFF;
	(pc) =	sbr.abs _section_cstart, $3  }
0xc0: {  	[dreg:$0x1] =	wrdreg $0xFFFFFFFF  }
0xc1: {  	_ =	task.clear_ibuf [dreg:s6], $0x2FFFF;
	_ =	strace $0x9FFFFFFF  }
0xc2: {  	(tm) =	ssettm $0x7FFFFFFF  }
0xc3: {  	_ =	shalt  }
tec
execute0_lowered:
.L_overlay_start_1:
0x0: {  	(tag) =	ssettag $0x1  }
0x1: {  	s0 =	rddreg [dreg:$0x0]  }
0x2: {  	s1 =	rddreg [dreg:$0x1];
	s2 =	srdreg.scid;
	s3 =	simm.s32 $0x0  }
0x3: {  	s21 =	stileid.u32;
	s22 =	simm.s32 $0x80;
	s23 =	simm.s32 $0x200  }
0x4: {  	s28 =	simm.s32 $0x4;
	s29 =	simm.s32 $0x1;
	s30 =	simm.s32 $0x2  }
0x5: {  	s31 =	simm.s32 $0x180;
	s2 =	sand.u32 $0x1, s2;
	s10 =	smul.u32 $0x50000, s21  }
0x6: {  	[smem:$0x7FF] =	sst s3;
	s6 =	sadd.s32 $0x4A00, s0;
	s11 =	smul.u32 $0x14000, s21  }
0x7: {  	s4 =	sshll.u32 s2, $0x4;
	_ =	strace $0x8000004D;
	s15 =	smul.u32 $0x140000, s2  }
0x8: {  	s8 =	ssub.s32 $0x2, s2;
	s2 =	smul.u32 $0x4F0, s2;
	s5 =	sor.u32 s21, s4  }
0x9: {  	s4 =	sadd.s32 $0x18600, s0;
	s0 =	sadd.s32 $0x3F800, s0;
	s9 =	sshrl.u32 s8, $0x1  }
0xa: {  	s24 =	sshrl.u32 s10, $0x2;
	s12 =	sadd.s32 $0x4000, s11;
	s21 =	smul.u32 $0x4F, s21  }
0xb: {  	s13 =	sadd.s32 $0x8000, s11;
	s16 =	sadd.s32 $0xC000, s11;
	s7 =	smul.u32 $0x4F00, s5  }
0xc: {  	s18 =	sadd.s32 $0x10000, s11;
	s5 =	smul.u32 $0x9E0, s5;
	s17 =	ssub.s32 s8, s9  }
0xd: {  	s8 =	sadd.s32 s12, s1;
	s9 =	sadd.s32 s13, s1;
	s14 =	sadd.s32 s11, s15  }
0xe: {  	s10 =	sadd.s32 s16, s1;
	s11 =	sadd.s32 s18, s1;
	s12 =	sadd.s32 s15, s12  }
0xf: {  	s13 =	sadd.s32 s15, s13;
	s16 =	sadd.s32 s15, s16;
	s15 =	sadd.s32 s15, s18  }
0x10: {  	s14 =	sshrl.u32 s14, $0x3;
	s19 =	sshrl.u32 s12, $0x3;
	s20 =	sshrl.u32 s13, $0x3  }
0x11: {  	s2 =	sadd.s32 s21, s2;
	s16 =	sshrl.u32 s16, $0x3;
	s18 =	sshrl.u32 s15, $0x3  }
0x12: {  	s17 =	smax.u32 s17, $0x1;
	s21 =	simm.s32 $0x3;
	s7 =	sshrl.u32 s7, $0x3  }
0x13: {  	s5 =	sadd.s32 s6, s5;
	s25 =	sadd.s32 s0, s14;
	s13 =	sadd.s32 s0, s19  }
0x14: {  	s14 =	sadd.s32 s0, s20;
	s2 =	sshll.u32 s2, $0x5;
	s15 =	sadd.s32 s0, s16  }
0x15: {  	s16 =	sadd.s32 s0, s18;
	s0 =	simm.s32 $0x0;
	s7 =	sadd.s32 s6, s7  }
0x16: {  	[dreg:$0x4] =	wrdreg s25;
	s26 =	sadd.s32 s2, s6;
	s12 =	smov.u32 s5  }
0x17: {  	s18 =	sadd.s32 $0x9C0, s5;
	s25 =	simm.s32 $0x4200;
	s7 =	sadd.s32 $0x20, s7  }
0x18: {  	s19 =	sadd.s32 $0x60, s26;
	s20 =	sadd.s32 $0x40, s26;
	s26 =	simm.s32 $0x5  }
0x19: {  	v0 =	vimm.f32 $0.0e+00;
	[dreg:$0x3] =	wrdreg s7;
	s7 =	sadd.s32 s24, s1;
	s24 =	simm.s32 $0x100  }
.LBB2_1:
0x1a: {  	[tilespmem:s3], [sflag:$0x3] =	stream.linear.gather [hbm4b:s12+s3], $0x100, $0x38;
	[tilespmem:$0x1C200] =	vst v63  }
0x1b: {  	_ =	swait.ge [sflag:s21], $0x100  }
0x1c: {  	[sflag:s21] =	ssyncset.done $0x0  }
0x1d: {  	[sflag:s21] =	ssyncadd.s32 $0xFFFFFF00  }
0x1e: {  	[tilespmem:s23], [sflag:$0x1] =	stream.indirect.gather [hbm4b:s4+s22], $0x80, s3, s22, $0xb8;
	[tilespmem:$0x1C200] =	vst v63  }
0x1f: {  	s2 =	rddreg [dreg:$0x3]  }
0x20: {  	[tilespmem:s24], [sflag:$0x4] =	stream.linear.gather [hbm4b:s2+s3], $0x100, $0x38;
	[tilespmem:$0x1C200] =	vst v63  }
0x21: {  	s6 =	simm.s32 $0x200;
	s2 =	simm.s32 $0x0  }
.LBB2_2:
0x22: {  	p0 =	sne.s32 s6, $0xFE00;
	[tilespmem:s2+$0x4270] =	vst v0  }
0x23: {  	[tilespmem:s2+$0x4200] =	vst v0  }
0x24: {  	[tilespmem:s2+$0x4210] =	vst v0  }
.Ltmp0:
0x25: {  	[tilespmem:s2+$0x4220] =	vst v0;
	(pc) =	sbr.rel @p0 .LBB2_2-.Ltmp0, $4  }
0x26: {  	[tilespmem:s2+$0x4230] =	vst v0  }
0x27: {  	[tilespmem:s2+$0x4240] =	vst v0  }
0x28: {  	[tilespmem:s2+$0x4250] =	vst v0  }
0x29: {  	[tilespmem:s2+$0x4260] =	vst v0;
	s2 =	sshra.s32 s6, $0x2;
	s6 =	sadd.s32 $0x200, s6  }
0x2a: {  	[tilespmem:s2+$0x4270] =	vst v0  }
0x2b: {  	[tilespmem:s2+$0x4200] =	vst v0  }
0x2c: {  	[tilespmem:s2+$0x4210] =	vst v0  }
0x2d: {  	[tilespmem:s2+$0x4220] =	vst v0  }
0x2e: {  	[tilespmem:s2+$0x4230] =	vst v0  }
0x2f: {  	[tilespmem:s2+$0x4240] =	vst v0  }
0x30: {  	[tilespmem:s2+$0x4250] =	vst v0  }
0x31: {  	[tilespmem:s2+$0x4260] =	vst v0  }
0x32: {  	[spmem:s7] =	stream.linear.scatter [tilespmem:s25], [sflag:$0x5], $0x4000, $0x38;
	[tilespmem:$0x1C200] =	vst v63  }
0x33: {  	_ =	swait.ge [sflag:s26], $0x4000  }
0x34: {  	[sflag:s26] =	ssyncset.done $0x0  }
0x35: {  	[sflag:s26] =	ssyncadd.s32 $0xFFFFC000  }
0x36: {  	[spmem:s8] =	stream.linear.scatter [tilespmem:s25], [sflag:$0x5], $0x4000, $0x38;
	[tilespmem:$0x1C200] =	vst v63  }
0x37: {  	_ =	swait.ge [sflag:s26], $0x4000  }
0x38: {  	[sflag:s26] =	ssyncset.done $0x0  }
0x39: {  	[sflag:s26] =	ssyncadd.s32 $0xFFFFC000  }
0x3a: {  	[spmem:s9] =	stream.linear.scatter [tilespmem:s25], [sflag:$0x5], $0x4000, $0x38;
	[tilespmem:$0x1C200] =	vst v63  }
0x3b: {  	_ =	swait.ge [sflag:s26], $0x4000  }
0x3c: {  	[sflag:s26] =	ssyncset.done $0x0  }
0x3d: {  	[sflag:s26] =	ssyncadd.s32 $0xFFFFC000  }
0x3e: {  	[spmem:s10] =	stream.linear.scatter [tilespmem:s25], [sflag:$0x5], $0x4000, $0x38;
	[tilespmem:$0x1C200] =	vst v63  }
0x3f: {  	_ =	swait.ge [sflag:s26], $0x4000  }
0x40: {  	[sflag:s26] =	ssyncset.done $0x0  }
0x41: {  	[sflag:s26] =	ssyncadd.s32 $0xFFFFC000  }
0x42: {  	[spmem:s11] =	stream.linear.scatter [tilespmem:s25], [sflag:$0x5], $0x4000, $0x38;
	[tilespmem:$0x1C200] =	vst v63  }
0x43: {  	_ =	swait.ge [sflag:s26], $0x4000  }
0x44: {  	[sflag:s26] =	ssyncset.done $0x0  }
0x45: {  	[sflag:s26] =	ssyncadd.s32 $0xFFFFC000  }
0x46: {  	[bflag:$0x0] =	sbarrier.arrive $0xFFFF  }
0x47: {  	_ =	swait.ge [sflag:s28], $0x100  }
0x48: {  	[sflag:s28] =	ssyncset.done $0x0  }
0x49: {  	[sflag:s28] =	ssyncadd.s32 $0xFFFFFF00  }
0x4a: {  	_ =	swait.ge [sflag:s29], $0x4000  }
0x4b: {  	[sflag:s29] =	ssyncset.done $0x0  }
0x4c: {  	[sflag:s29] =	ssyncadd.s32 $0xFFFFC000  }
0x4d: {  	[tilespmem:s25], [sflag:$0x2] =	stream.indirect.gather [hbm4b:s4+s22], $0x80, s24, s22, $0xb8;
	[tilespmem:$0x1C200] =	vst v63  }
0x4e: {  	_ = 	snop  }
0x4f: {  	[spmem:s1] =	stream.indirect.scatter.add.f32 [tilespmem:s23], [sflag:$0x5], $0x80, s22, s22, $0xb8;
	[tilespmem:$0x1C200] =	vst v63  }
0x50: {  	_ =	swait.ge [sflag:s26], $0x4000  }
0x51: {  	[sflag:s26] =	ssyncset.done $0x0  }
0x52: {  	s6 =	sadd.s32 $0x0, s20;
	[sflag:s26] =	ssyncadd.s32 $0xFFFFC000  }
0x53: {  	[tilespmem:s3], [sflag:$0x3] =	stream.linear.gather [hbm4b:s6+s3], $0x100, $0x38;
	[tilespmem:$0x1C200] =	vst v63  }
0x54: {  	_ =	swait.ge [sflag:s30], $0x4000  }
0x55: {  	[sflag:s30] =	ssyncset.done $0x0  }
0x56: {  	[sflag:s30] =	ssyncadd.s32 $0xFFFFC000  }
0x57: {  	_ =	swait.ge [sflag:s21], $0x100  }
0x58: {  	[sflag:s21] =	ssyncset.done $0x0  }
0x59: {  	[sflag:s21] =	ssyncadd.s32 $0xFFFFFF00  }
0x5a: {  	[tilespmem:s23], [sflag:$0x1] =	stream.indirect.gather [hbm4b:s4+s22], $0x80, s3, s22, $0xb8;
	[tilespmem:$0x1C200] =	vst v63  }
0x5b: {  	_ = 	snop  }
0x5c: {  	[spmem:s1] =	stream.indirect.scatter.add.f32 [tilespmem:s25], [sflag:$0x5], $0x80, s31, s22, $0xb8;
	[tilespmem:$0x1C200] =	vst v63  }
0x5d: {  	_ =	swait.ge [sflag:s26], $0x4000  }
0x5e: {  	[sflag:s26] =	ssyncset.done $0x0  }
0x5f: {  	s2 =	simm.s32 $0x40;
	s6 =	sadd.s32 $0x0, s19;
	[sflag:s26] =	ssyncadd.s32 $0xFFFFC000  }
.LBB2_4:
0x60: {  	[tilespmem:s24], [sflag:$0x4] =	stream.linear.gather [hbm4b:s6+s3], $0x100, $0x38;
	[tilespmem:$0x1C200] =	vst v63  }
0x61: {  	s6 =	smov.u32 s2  }
0x62: {  	p0 =	sne.s32 s2, $0x940;
	s2 =	sadd.s32 $0x40, s2;
	_ =	swait.ge [sflag:s28], $0x100  }
0x63: {  	[sflag:s28] =	ssyncset.done $0x0  }
0x64: {  	[sflag:s28] =	ssyncadd.s32 $0xFFFFFF00  }
0x65: {  	_ =	swait.ge [sflag:s29], $0x4000  }
0x66: {  	[sflag:s29] =	ssyncset.done $0x0  }
0x67: {  	[sflag:s29] =	ssyncadd.s32 $0xFFFFC000  }
0x68: {  	[tilespmem:s25], [sflag:$0x2] =	stream.indirect.gather [hbm4b:s4+s22], $0x80, s24, s22, $0xb8;
	[tilespmem:$0x1C200] =	vst v63  }
0x69: {  	_ = 	snop  }
0x6a: {  	[spmem:s1] =	stream.indirect.scatter.add.f32 [tilespmem:s23], [sflag:$0x5], $0x80, s22, s22, $0xb8;
	[tilespmem:$0x1C200] =	vst v63  }
0x6b: {  	_ =	swait.ge [sflag:s26], $0x4000  }
0x6c: {  	[sflag:s26] =	ssyncset.done $0x0  }
0x6d: {  	s5 =	sadd.s32 s6, s20;
	[sflag:s26] =	ssyncadd.s32 $0xFFFFC000  }
0x6e: {  	[tilespmem:s3], [sflag:$0x3] =	stream.linear.gather [hbm4b:s5+s3], $0x100, $0x38;
	[tilespmem:$0x1C200] =	vst v63  }
0x6f: {  	_ =	swait.ge [sflag:s30], $0x4000  }
0x70: {  	[sflag:s30] =	ssyncset.done $0x0  }
0x71: {  	[sflag:s30] =	ssyncadd.s32 $0xFFFFC000  }
0x72: {  	_ =	swait.ge [sflag:s21], $0x100  }
0x73: {  	[sflag:s21] =	ssyncset.done $0x0  }
0x74: {  	[sflag:s21] =	ssyncadd.s32 $0xFFFFFF00  }
0x75: {  	[tilespmem:s23], [sflag:$0x1] =	stream.indirect.gather [hbm4b:s4+s22], $0x80, s3, s22, $0xb8;
	[tilespmem:$0x1C200] =	vst v63  }
.Ltmp1:
0x76: {  	(pc) =	sbr.rel @p0 .LBB2_4-.Ltmp1, $4  }
0x77: {  	[spmem:s1] =	stream.indirect.scatter.add.f32 [tilespmem:s25], [sflag:$0x5], $0x80, s31, s22, $0xb8;
	[tilespmem:$0x1C200] =	vst v63  }
0x78: {  	_ =	swait.ge [sflag:s26], $0x4000  }
0x79: {  	[sflag:s26] =	ssyncset.done $0x0  }
0x7a: {  	s6 =	sadd.s32 s6, s19;
	[sflag:s26] =	ssyncadd.s32 $0xFFFFC000  }
0x7b: {  	[tilespmem:s24], [sflag:$0x4] =	stream.linear.gather [hbm4b:s6+s3], $0x100, $0x38;
	[tilespmem:$0x1C200] =	vst v63  }
0x7c: {  	_ =	swait.ge [sflag:s28], $0x100  }
0x7d: {  	[sflag:s28] =	ssyncset.done $0x0  }
0x7e: {  	[sflag:s28] =	ssyncadd.s32 $0xFFFFFF00  }
0x7f: {  	_ =	swait.ge [sflag:s29], $0x4000  }
0x80: {  	[sflag:s29] =	ssyncset.done $0x0  }
0x81: {  	[sflag:s29] =	ssyncadd.s32 $0xFFFFC000  }
0x82: {  	[tilespmem:s25], [sflag:$0x2] =	stream.indirect.gather [hbm4b:s4+s22], $0x80, s24, s22, $0xb8;
	[tilespmem:$0x1C200] =	vst v63  }
0x83: {  	_ = 	snop  }
0x84: {  	[spmem:s1] =	stream.indirect.scatter.add.f32 [tilespmem:s23], [sflag:$0x5], $0x80, s22, s22, $0xb8;
	[tilespmem:$0x1C200] =	vst v63  }
0x85: {  	_ =	swait.ge [sflag:s26], $0x4000  }
0x86: {  	[sflag:s26] =	ssyncset.done $0x0  }
0x87: {  	[sflag:s26] =	ssyncadd.s32 $0xFFFFC000  }
0x88: {  	[tilespmem:s3], [sflag:$0x3] =	stream.linear.gather [hbm4b:s18+s3], $0x100, $0x38;
	[tilespmem:$0x1C200] =	vst v63  }
0x89: {  	_ =	swait.ge [sflag:s30], $0x4000  }
0x8a: {  	[sflag:s30] =	ssyncset.done $0x0  }
0x8b: {  	[sflag:s30] =	ssyncadd.s32 $0xFFFFC000  }
0x8c: {  	_ =	swait.ge [sflag:s21], $0x100  }
0x8d: {  	[sflag:s21] =	ssyncset.done $0x0  }
0x8e: {  	[sflag:s21] =	ssyncadd.s32 $0xFFFFFF00  }
0x8f: {  	[tilespmem:s23], [sflag:$0x1] =	stream.indirect.gather [hbm4b:s4+s22], $0x80, s3, s22, $0xb8;
	[tilespmem:$0x1C200] =	vst v63  }
0x90: {  	_ = 	snop  }
0x91: {  	[spmem:s1] =	stream.indirect.scatter.add.f32 [tilespmem:s25], [sflag:$0x5], $0x80, s31, s22, $0xb8;
	[tilespmem:$0x1C200] =	vst v63  }
0x92: {  	_ =	swait.ge [sflag:s26], $0x4000  }
0x93: {  	[sflag:s26] =	ssyncset.done $0x0  }
0x94: {  	[sflag:s26] =	ssyncadd.s32 $0xFFFFC000  }
0x95: {  	_ =	swait.ge [sflag:s29], $0x4000  }
0x96: {  	[sflag:s29] =	ssyncset.done $0x0  }
0x97: {  	[sflag:s29] =	ssyncadd.s32 $0xFFFFC000  }
0x98: {  	[spmem:s1] =	stream.indirect.scatter.add.f32 [tilespmem:s23], [sflag:$0x5], $0x80, s22, s22, $0xb8;
	[tilespmem:$0x1C200] =	vst v63  }
0x99: {  	_ =	swait.ge [sflag:s26], $0x4000  }
0x9a: {  	[sflag:s26] =	ssyncset.done $0x0  }
0x9b: {  	s2 =	stileid.u32;
	[sflag:s26] =	ssyncadd.s32 $0xFFFFC000  }
0x9c: {  	s2 =	sshll.u32 s2, $0x6;
	[bflag:$0x0] =	sbarrier.arrive $0xFFFF  }
0x9d: {  	s5 =	sshrl.u32 s7, $0x3;
	s2 =	sor.u32 $0x1C05, s2;
	s6 =	rddreg [dreg:$0x4]  }
0x9e: {  	[hbm:s6], [sflag:s2] =	dma.local [spmem:s5], $0x800  }
0x9f: {  	_ =	swait.ge [sflag:s26], $0x800  }
0xa0: {  	[sflag:s26] =	ssyncset.done $0x0  }
0xa1: {  	s6 =	sshrl.u32 s8, $0x3;
	[sflag:s26] =	ssyncadd.s32 $0xFFFFF800  }
0xa2: {  	[hbm:s13], [sflag:s2] =	dma.local [spmem:s6], $0x800  }
0xa3: {  	_ =	swait.ge [sflag:s26], $0x800  }
0xa4: {  	[sflag:s26] =	ssyncset.done $0x0  }
0xa5: {  	s6 =	sshrl.u32 s9, $0x3;
	[sflag:s26] =	ssyncadd.s32 $0xFFFFF800  }
0xa6: {  	[hbm:s14], [sflag:s2] =	dma.local [spmem:s6], $0x800  }
0xa7: {  	_ =	swait.ge [sflag:s26], $0x800  }
0xa8: {  	[sflag:s26] =	ssyncset.done $0x0  }
0xa9: {  	s6 =	sshrl.u32 s10, $0x3;
	[sflag:s26] =	ssyncadd.s32 $0xFFFFF800  }
0xaa: {  	[hbm:s15], [sflag:s2] =	dma.local [spmem:s6], $0x800  }
0xab: {  	s0 =	sadd.s32 $0x1, s0;
	_ =	swait.ge [sflag:s26], $0x800  }
0xac: {  	p0 =	sne.s32 s0, s17;
	[sflag:s26] =	ssyncset.done $0x0  }
.Ltmp2:
0xad: {  	s6 =	sshrl.u32 s11, $0x3;
	[sflag:s26] =	ssyncadd.s32 $0xFFFFF800;
	(pc) =	sbr.rel @p0 .LBB2_1-.Ltmp2, $4  }
0xae: {  	[hbm:s16], [sflag:s2] =	dma.local [spmem:s6], $0x800  }
0xaf: {  	_ =	swait.ge [sflag:s26], $0x800  }
0xb0: {  	[sflag:s26] =	ssyncset.done $0x0  }
0xb1: {  	[sflag:s26] =	ssyncadd.s32 $0xFFFFF800  }
0xb2: {  	_ =	sfence.sel $0x180000  }
0xb3: {  	[bflag:$0x0] =	sbarrier.arrive $0xFFFF  }
0xb4: {  	_ =	strace $0x9000004D  }
0xb5: {  	s0 =	stileid.u32;
	[bflag:$0x2] =	sbarrier.arrive $0xFFFF  }
0xb6: {  	p0 =	sne.s32 s0, $0x0;
	s0 =	rddreg [dreg:$0x2]  }
0xb7: {  	s0 =	sadd.s32 @!p0 $0x100000, s0  }
0xb8: {  	[sflag:s0] =	ssyncadd.tile.s32 @!p0 $0x1;
	_ =	shalt  }
.Lfunc_end2:
_tile_overlayer_lowered:
.L_overlay_start_2:
0xb9: {  	(tag) =	ssettag $0x2  }
0xba: {  	s0 =	rddreg [dreg:$0x0];
	s2 =	stileid.u32  }
0xbb: {  	s1 =	rddreg [dreg:$0x1];
	p0 =	sne.s32 s2, $0x0  }
0xbc: {  	s3 =	rddreg [dreg:$0x2];
	[bflag:$0x3] =	sbarrier.arrive $0xFFFF;
	s2 =	simm.s32 @!p0 $0x1C05  }
0xbd: {  	[timem:s3], [sflag:s2] =	dma.local @!p0 [hbm:s0], s1  }
0xbe: {  	s0 =	simm.s32 @!p0 $0x5  }
0xbf: {  	_ =	swait.ge @!p0 [sflag:s0], s1  }
0xc0: {  	s1 =	ssub.s32 @!p0 $0x0, s1;
	[sflag:s0] =	ssyncset.done @!p0 $0x0  }
0xc1: {  	[sflag:s0] =	ssyncadd.s32 @!p0 s1  }
0xc2: {  	[bflag:$0x3] =	sbarrier.arrive $0xFFFF  }
0xc3: {  	_ =	shalt  }

// kernel: kernel.20.cloned.1.call-start
scs
__scs_entry_jumppad:
0x0: {  	(pc) =	sbr.rel $0x88, $3  }
0x1: {  	(tag) =	ssettag $0x0;
	lr =	simm.s32 $0x1  }
0x2: {  	[smem:$0x3F8E] =	sst lr;
	_ =	strace $0xD0000000  }
0x3: {  	_ = 	snop  }
0x4: {  	_ = 	snop  }
0x5: {  	_ = 	snop  }
0x6: {  	_ = 	snop  }
0x7: {  	_ = 	snop  }
__scs_overlays_trampoline_lowered:
0x8: {  	[smem:$0x3F9D] =	sst s0  }
0x9: {  	[smem:$0x3F9E] =	sst s1  }
0xa: {  	[smem:$0x3F9F] =	sst s2  }
0xb: {  	[smem:$0x3FA0] =	sst s3  }
0xc: {  	[smem:$0x3FA1] =	sst s4  }
0xd: {  	[smem:$0x3FA2] =	sst s5  }
0xe: {  	[smem:$0x3FA3] =	sst s6  }
0xf: {  	[smem:$0x3FA4] =	sst s7  }
0x10: {  	[smem:$0x3FA5] =	sst s8  }
0x11: {  	[smem:$0x3FA6] =	sst s9;
	s0 =	simm.s32 @!p0 $0x0  }
0x12: {  	s1 =	sld [smem:$0x3F8C];
	s0 =	simm.s32 @p0 $0x1  }
0x13: {  	[smem:$0x3FA7] =	sst s0;
	s0 =	simm.s32 @!p1 $0x0  }
0x14: {  	s2 =	sld [smem:$0x3F8B];
	s0 =	simm.s32 @p1 $0x1  }
0x15: {  	[smem:$0x3FA8] =	sst s0;
	s0 =	simm.s32 @!p2 $0x0  }
0x16: {  	s3 =	sld [smem:$0x3FDB];
	s0 =	simm.s32 @p2 $0x1  }
0x17: {  	s4 =	simm.s32 $0x1BF5;
	[smem:$0x3FAA] =	sst s0  }
0x18: {  	s0 =	sld [smem:$0x3F8D];
	_ =	swait.ge [sflag:s4], $0x0  }
0x19: {  	s7 =	sld [smem:$0x3F8E]  }
0x1a: {  	s8 =	sadd.s32 $0xFFFFE003, lr  }
0x1b: {  	s9 =	sadd.s32 $0xFFFFFEF7, lr;
	s5 =	simm.s32 $0xFFFFFFFF;
	p2 =	slt.u32 s8, $0xFFFFF086  }
0x1c: {  	p1 =	slt.u32 s9, $0xF7A;
	s5 =	simm.s32 @!p2 $0x0  }
0x1d: {  	s5 =	simm.s32 @p1 $0x1;
	p0 =	seq.s32 s7, s2  }
0x1e: {  	s7 =	smul.u32 @!p0 $0xF7A, s2;
	p2 =	seq.s32 @!p0 s5, $0x0  }
0x1f: {  	s9 =	smul.u32 $0xF7A, s1;
	s8 =	simm.s32 @!p0 $0x1BF5;
	p2 =	por !p2, p0  }
0x20: {  	[sflag:s8] =	ssyncset.s32 @!p0 $0xFFFFF086;
	s6 =	sadd.s32 @!p0 s3, s7;
	s7 =	simm.s32 @!p0 $0x108  }
0x21: {  	s3 =	sadd.s32 s3, s9;
	s6 =	sadd.s32 @!p0 $0x88, s6;
	s7 =	simm.s32 @p2 $0x1082  }
0x22: {  	[simem:s7], [sflag:s8] =	dma.local @!p0 [hbm:s6], $0xF7A  }
0x23: {  	s9 =	sor.u32 $0xD0000000, s2;
	s6 =	simm.s32 $0x108;
	_ =	swait.ge @!p0 [sflag:s8], $0x0  }
0x24: {  	s3 =	sadd.s32 $0x88, s3;
	s6 =	simm.s32 @!p1 $0x1082;
	[sflag:s4] =	ssyncset.s32 $0xFFFFF086  }
0x25: {  	[simem:s6], [sflag:s4] =	dma.local [hbm:s3], $0xF7A  }
0x26: {  	[smem:$0x3F8E] =	sst s1;
	(tag) =	ssettag s2;
	_ =	strace s9  }
0x27: {  	s1 =	sld [smem:$0x3F9E]  }
0x28: {  	s2 =	sld [smem:$0x3F9F]  }
0x29: {  	s4 =	sld [smem:$0x3FA1]  }
0x2a: {  	p0 =	seq.s32 s5, $0x0;
	s5 =	sld [smem:$0x3FA2]  }
0x2b: {  	s6 =	sld [smem:$0x3FA3]  }
0x2c: {  	s7 =	sld [smem:$0x3FA4]  }
0x2d: {  	s3 =	simm.s32 $0x108;
	s8 =	sld [smem:$0x3FA5]  }
0x2e: {  	s3 =	simm.s32 @!p0 $0x1082;
	s9 =	sld [smem:$0x3FA6]  }
0x2f: {  	lr =	sadd.s32 s0, s3;
	s0 =	sld [smem:$0x3F9D]  }
0x30: {  	s3 =	sld [smem:$0x3FA0]  }
0x31: {  	[smem:$0x3FA9] =	sst s10  }
0x32: {  	s10 =	sld [smem:$0x3FA7];
	_ =	sdelay $0x3  }
0x33: {  	p0 =	seq.s32 s10, $0x1;
	s10 =	sld [smem:$0x3FA9];
	_ =	sdelay $0x3  }
0x34: {  	[smem:$0x3FA9] =	sst s10  }
0x35: {  	s10 =	sld [smem:$0x3FA8];
	_ =	sdelay $0x3  }
0x36: {  	p1 =	seq.s32 s10, $0x1;
	s10 =	sld [smem:$0x3FA9];
	_ =	sdelay $0x3  }
0x37: {  	[smem:$0x3FA9] =	sst s10  }
0x38: {  	s10 =	sld [smem:$0x3FAA]  }
0x39: {  	_ = 	snop;
	(pc) =	sbr.ind lr, $3  }
0x3a: {  	_ = 	snop  }
0x3b: {  	_ = 	snop  }
0x3c: {  	p2 =	seq.s32 s10, $0x1;
	s10 =	sld [smem:$0x3FA9]  }
0x3d: {  	_ =	shalt  }
0x3e: {  	_ =	shalt  }
0x3f: {  	_ =	shalt  }
0x40: {  	_ =	shalt  }
0x41: {  	_ =	shalt  }
0x42: {  	_ =	shalt  }
0x43: {  	_ =	shalt  }
0x44: {  	_ =	shalt  }
0x45: {  	_ =	shalt  }
0x46: {  	_ =	shalt  }
0x47: {  	_ =	shalt  }
0x48: {  	_ =	shalt  }
0x49: {  	_ =	shalt  }
0x4a: {  	_ =	shalt  }
0x4b: {  	_ =	shalt  }
0x4c: {  	_ =	shalt  }
0x4d: {  	_ =	shalt  }
0x4e: {  	_ =	shalt  }
0x4f: {  	_ =	shalt  }
0x50: {  	_ =	shalt  }
0x51: {  	_ =	shalt  }
0x52: {  	_ =	shalt  }
0x53: {  	_ =	shalt  }
0x54: {  	_ =	shalt  }
0x55: {  	_ =	shalt  }
0x56: {  	_ =	shalt  }
0x57: {  	_ =	shalt  }
0x58: {  	_ =	shalt  }
0x59: {  	_ =	shalt  }
0x5a: {  	_ =	shalt  }
0x5b: {  	_ =	shalt  }
0x5c: {  	_ =	shalt  }
0x5d: {  	_ =	shalt  }
0x5e: {  	_ =	shalt  }
0x5f: {  	_ =	shalt  }
0x60: {  	_ =	shalt  }
0x61: {  	_ =	shalt  }
0x62: {  	_ =	shalt  }
0x63: {  	_ =	shalt  }
0x64: {  	_ =	shalt  }
0x65: {  	_ =	shalt  }
0x66: {  	_ =	shalt  }
0x67: {  	_ =	shalt  }
0x68: {  	_ =	shalt  }
0x69: {  	_ =	shalt  }
0x6a: {  	_ =	shalt  }
0x6b: {  	_ =	shalt  }
0x6c: {  	_ =	shalt  }
0x6d: {  	_ =	shalt  }
0x6e: {  	_ =	shalt  }
0x6f: {  	_ =	shalt  }
0x70: {  	_ =	shalt  }
0x71: {  	_ =	shalt  }
0x72: {  	_ =	shalt  }
0x73: {  	_ =	shalt  }
0x74: {  	_ =	shalt  }
0x75: {  	_ =	shalt  }
0x76: {  	_ =	shalt  }
0x77: {  	_ =	shalt  }
0x78: {  	_ =	shalt  }
0x79: {  	_ =	shalt  }
0x7a: {  	_ =	shalt  }
0x7b: {  	_ =	shalt  }
0x7c: {  	_ =	shalt  }
0x7d: {  	_ =	shalt  }
0x7e: {  	_ =	shalt  }
0x7f: {  	_ =	shalt  }
0x80: {  	_ =	shalt  }
0x81: {  	_ =	shalt  }
0x82: {  	_ =	shalt  }
0x83: {  	_ =	shalt  }
0x84: {  	_ =	shalt  }
0x85: {  	_ =	shalt  }
0x86: {  	_ =	shalt  }
0x87: {  	_ =	shalt  }
.Lfunc_end0:
.L_simem_size_0:
called_computation.3_lowered:
.L_overlay_start_0:
0x88: {  	s2 =	sld [smem:$0x3FD9]  }
0x89: {  	s3 =	sld [smem:$0x3FFE];
	_ =	sdelay $0x1  }
0x8a: {  	s1 =	srdreg.scid  }
0x8b: {  	s0 =	sand.u32 $0x1, s1  }
0x8c: {  	s16 =	sshll.u32 s0, $0xA;
	s2 =	sadd.s32 s3, s2  }
0x8d: {  	s2 =	sadd.s32 s2, s16  }
0x8e: {  	[smem:$0x3FB5] =	sst s2  }
0x8f: {  	_ = 	snop  }
0x90: {  	(tm) =	ssettm $0x1  }
0x91: {  	s17 =	sld [smem:$0x3FFB];
	_ =	sdelay $0x3  }
0x92: {  	_ =	strace s17  }
0x93: {  	s2 =	sld [smem:$0x3FFC];
	_ =	sdelay $0x3  }
0x94: {  	_ =	strace s2  }
0x95: {  	s2 =	sld [smem:$0x3FFD];
	_ =	sdelay $0x3  }
0x96: {  	_ =	strace s2  }
0x97: {  	_ =	strace $0x8FFFFFFF  }
0x98: {  	s18 =	sld [smem:$0x3FDB];
	_ =	sdelay $0x1  }
0x99: {  	s19 =	simm.s32 $_scs_section_size  }
0x9a: {  	s4 =	simm.s32 $_size__tile_overlayer_lowered;
	s5 =	simm.s32 $_tile_overlayer_lowered  }
0x9b: {  	s22 =	simm.s32 $0x1BFF;
	s21 =	sshll.u32 s5, $0x1;
	s2 =	sadd.s32 s19, s18  }
0x9c: {  	s6 =	simm.s32 $0x0;
	s20 =	sshll.u32 s4, $0x1;
	s4 =	sadd.s32 s21, s2  }
0x9d: {  	[timem:s6], [sflag:s22] =	dma.local [hbm:s4], s20  }
0x9e: {  	_ =	swait.ge [sflag:s22], s20  }
0x9f: {  	s3 =	ssub.s32 $0x0, s20;
	[sflag:s22] =	ssyncset.done $0x0  }
0xa0: {  	[sflag:s22] =	ssyncadd.s32 s3;
	_ =	sdelay $0x1  }
0xa1: {  	s23 =	simm.s32 $0x1B8B  }
0xa2: {  	_ =	swait.ge [sflag:s23], $0x1  }
0xa3: {  	[sflag:s23] =	ssyncset.done $0x0  }
0xa4: {  	s25 =	simm.s32 $0x1B8E;
	s24 =	sld [smem:$0x3FFE];
	[sflag:s23] =	ssyncadd.s32 $0xFFFFFFFF  }
0xa5: {  	s26 =	simm.s32 $execute0_lowered;
	[smem:$0x3FD2] =	sst s25  }
0xa6: {  	s4 =	sshll.u32 s26, $0x1;
	_ =	strace $0x8000004F;
	[dreg:$0x1] =	wrdreg $0xFFFFFFFF  }
0xa7: {  	s28 =	simm.s32 $_size_execute0_lowered;
	s2 =	sadd.s32 s2, s4;
	[dreg:$0x0] =	wrdreg $0x0  }
0xa8: {  	s4 =	sshll.u32 s28, $0x1;
	[dreg:$0x2] =	wrdreg s2  }
0xa9: {  	[dreg:$0x3] =	wrdreg s4  }
0xaa: {  	[dreg:$0x4] =	wrdreg $0xC0  }
0xab: {  	_ =	task [dreg:s6], $0x5FFFF  }
0xac: {  	[dreg:$0x1] =	wrdreg $0xFFFFFFFF  }
0xad: {  	[dreg:$0x0] =	wrdreg $0x60  }
0xae: {  	[dreg:$0x2] =	wrdreg s24  }
0xaf: {  	[dreg:$0x3] =	wrdreg $0x82000  }
0xb0: {  	[dreg:$0x4] =	wrdreg $0x9  }
0xb1: {  	_ =	task.clear_ibuf [dreg:s6], $0x5FFFF;
	_ =	strace $0x9000004F  }
0xb2: {  	s29 =	simm.s32 $0x9;
	_ =	strace $0x80000051  }
0xb3: {  	_ =	swait.ge [sflag:s29], $0x1  }
0xb4: {  	[sflag:s29] =	ssyncadd.s32 $0xFFFFFFFF  }
0xb5: {  	_ =	strace $0x90000051  }
0xb6: {  	_ =	sfence  }
0xb7: {  	s30 =	sld [smem:$0x0];
	_ =	sdelay $0x2  }
0xb8: {  	s31 =	sshll.u32 s1, $0xD;
	s1 =	sshrl.u32 s1, $0x2  }
0xb9: {  	s3 =	sand.u32 $0x4000, s31;
	s1 =	sadd.s32 s1, s30  }
0xba: {  	s0 =	sor.u32 s3, s0;
	s1 =	sshll.u32 s1, $0x11  }
0xbb: {  	s0 =	sor.u32 s1, s0  }
0xbc: {  	s0 =	sadd.s32 $0x8F2B, s0  }
0xbd: {  	[sflag:s0] =	ssyncadd.remote.s32 $0x1  }
0xbe: {  	_ =	sfence.sel $0xFFFF  }
0xbf: {  	[dreg:$0x0] =	wrdreg $0xFFFFFFFF;
	(pc) =	sbr.abs _section_cstart, $3  }
0xc0: {  	[dreg:$0x1] =	wrdreg $0xFFFFFFFF  }
0xc1: {  	_ =	task.clear_ibuf [dreg:s6], $0x2FFFF;
	_ =	strace $0x9FFFFFFF  }
0xc2: {  	(tm) =	ssettm $0x7FFFFFFF  }
0xc3: {  	_ =	shalt  }
tec
execute0_lowered:
.L_overlay_start_1:
0x0: {  	(tag) =	ssettag $0x1  }
0x1: {  	s0 =	rddreg [dreg:$0x0]  }
0x2: {  	s1 =	rddreg [dreg:$0x1];
	s2 =	srdreg.scid;
	s3 =	simm.s32 $0x0  }
0x3: {  	s21 =	stileid.u32;
	s22 =	simm.s32 $0x80;
	s23 =	simm.s32 $0x200  }
0x4: {  	s28 =	simm.s32 $0x4;
	s29 =	simm.s32 $0x1;
	s30 =	simm.s32 $0x2  }
0x5: {  	s31 =	simm.s32 $0x180;
	s2 =	sand.u32 $0x1, s2;
	s10 =	smul.u32 $0x50000, s21  }
0x6: {  	[smem:$0x7FF] =	sst s3;
	s6 =	sadd.s32 $0x4A00, s0;
	s11 =	smul.u32 $0x14000, s21  }
0x7: {  	s4 =	sshll.u32 s2, $0x4;
	_ =	strace $0x80000050;
	s15 =	smul.u32 $0x140000, s2  }
0x8: {  	s8 =	ssub.s32 $0x2, s2;
	s2 =	smul.u32 $0x4F0, s2;
	s5 =	sor.u32 s21, s4  }
0x9: {  	s4 =	sadd.s32 $0x18600, s0;
	s0 =	sadd.s32 $0x3F800, s0;
	s9 =	sshrl.u32 s8, $0x1  }
0xa: {  	s24 =	sshrl.u32 s10, $0x2;
	s12 =	sadd.s32 $0x4000, s11;
	s21 =	smul.u32 $0x4F, s21  }
0xb: {  	s13 =	sadd.s32 $0x8000, s11;
	s16 =	sadd.s32 $0xC000, s11;
	s7 =	smul.u32 $0x4F00, s5  }
0xc: {  	s18 =	sadd.s32 $0x10000, s11;
	s5 =	smul.u32 $0x9E0, s5;
	s17 =	ssub.s32 s8, s9  }
0xd: {  	s8 =	sadd.s32 s12, s1;
	s9 =	sadd.s32 s13, s1;
	s14 =	sadd.s32 s11, s15  }
0xe: {  	s10 =	sadd.s32 s16, s1;
	s11 =	sadd.s32 s18, s1;
	s12 =	sadd.s32 s15, s12  }
0xf: {  	s13 =	sadd.s32 s15, s13;
	s16 =	sadd.s32 s15, s16;
	s15 =	sadd.s32 s15, s18  }
0x10: {  	s14 =	sshrl.u32 s14, $0x3;
	s19 =	sshrl.u32 s12, $0x3;
	s20 =	sshrl.u32 s13, $0x3  }
0x11: {  	s2 =	sadd.s32 s21, s2;
	s16 =	sshrl.u32 s16, $0x3;
	s18 =	sshrl.u32 s15, $0x3  }
0x12: {  	s17 =	smax.u32 s17, $0x1;
	s21 =	simm.s32 $0x3;
	s7 =	sshrl.u32 s7, $0x3  }
0x13: {  	s5 =	sadd.s32 s6, s5;
	s25 =	sadd.s32 s0, s14;
	s13 =	sadd.s32 s0, s19  }
0x14: {  	s14 =	sadd.s32 s0, s20;
	s2 =	sshll.u32 s2, $0x5;
	s15 =	sadd.s32 s0, s16  }
0x15: {  	s16 =	sadd.s32 s0, s18;
	s0 =	simm.s32 $0x0;
	s7 =	sadd.s32 s6, s7  }
0x16: {  	[dreg:$0x4] =	wrdreg s25;
	s26 =	sadd.s32 s2, s6;
	s12 =	smov.u32 s5  }
0x17: {  	s18 =	sadd.s32 $0x9C0, s5;
	s25 =	simm.s32 $0x4200;
	s7 =	sadd.s32 $0x20, s7  }
0x18: {  	s19 =	sadd.s32 $0x60, s26;
	s20 =	sadd.s32 $0x40, s26;
	s26 =	simm.s32 $0x5  }
0x19: {  	v0 =	vimm.f32 $0.0e+00;
	[dreg:$0x3] =	wrdreg s7;
	s7 =	sadd.s32 s24, s1;
	s24 =	simm.s32 $0x100  }
.LBB2_1:
0x1a: {  	[tilespmem:s3], [sflag:$0x3] =	stream.linear.gather [hbm4b:s12+s3], $0x100, $0x38;
	[tilespmem:$0x1C200] =	vst v63  }
0x1b: {  	_ =	swait.ge [sflag:s21], $0x100  }
0x1c: {  	[sflag:s21] =	ssyncset.done $0x0  }
0x1d: {  	[sflag:s21] =	ssyncadd.s32 $0xFFFFFF00  }
0x1e: {  	[tilespmem:s23], [sflag:$0x1] =	stream.indirect.gather [hbm4b:s4+s22], $0x80, s3, s22, $0xb8;
	[tilespmem:$0x1C200] =	vst v63  }
0x1f: {  	s2 =	rddreg [dreg:$0x3]  }
0x20: {  	[tilespmem:s24], [sflag:$0x4] =	stream.linear.gather [hbm4b:s2+s3], $0x100, $0x38;
	[tilespmem:$0x1C200] =	vst v63  }
0x21: {  	s6 =	simm.s32 $0x200;
	s2 =	simm.s32 $0x0  }
.LBB2_2:
0x22: {  	p0 =	sne.s32 s6, $0xFE00;
	[tilespmem:s2+$0x4270] =	vst v0  }
0x23: {  	[tilespmem:s2+$0x4200] =	vst v0  }
0x24: {  	[tilespmem:s2+$0x4210] =	vst v0  }
.Ltmp0:
0x25: {  	[tilespmem:s2+$0x4220] =	vst v0;
	(pc) =	sbr.rel @p0 .LBB2_2-.Ltmp0, $4  }
0x26: {  	[tilespmem:s2+$0x4230] =	vst v0  }
0x27: {  	[tilespmem:s2+$0x4240] =	vst v0  }
0x28: {  	[tilespmem:s2+$0x4250] =	vst v0  }
0x29: {  	[tilespmem:s2+$0x4260] =	vst v0;
	s2 =	sshra.s32 s6, $0x2;
	s6 =	sadd.s32 $0x200, s6  }
0x2a: {  	[tilespmem:s2+$0x4270] =	vst v0  }
0x2b: {  	[tilespmem:s2+$0x4200] =	vst v0  }
0x2c: {  	[tilespmem:s2+$0x4210] =	vst v0  }
0x2d: {  	[tilespmem:s2+$0x4220] =	vst v0  }
0x2e: {  	[tilespmem:s2+$0x4230] =	vst v0  }
0x2f: {  	[tilespmem:s2+$0x4240] =	vst v0  }
0x30: {  	[tilespmem:s2+$0x4250] =	vst v0  }
0x31: {  	[tilespmem:s2+$0x4260] =	vst v0  }
0x32: {  	[spmem:s7] =	stream.linear.scatter [tilespmem:s25], [sflag:$0x5], $0x4000, $0x38;
	[tilespmem:$0x1C200] =	vst v63  }
0x33: {  	_ =	swait.ge [sflag:s26], $0x4000  }
0x34: {  	[sflag:s26] =	ssyncset.done $0x0  }
0x35: {  	[sflag:s26] =	ssyncadd.s32 $0xFFFFC000  }
0x36: {  	[spmem:s8] =	stream.linear.scatter [tilespmem:s25], [sflag:$0x5], $0x4000, $0x38;
	[tilespmem:$0x1C200] =	vst v63  }
0x37: {  	_ =	swait.ge [sflag:s26], $0x4000  }
0x38: {  	[sflag:s26] =	ssyncset.done $0x0  }
0x39: {  	[sflag:s26] =	ssyncadd.s32 $0xFFFFC000  }
0x3a: {  	[spmem:s9] =	stream.linear.scatter [tilespmem:s25], [sflag:$0x5], $0x4000, $0x38;
	[tilespmem:$0x1C200] =	vst v63  }
0x3b: {  	_ =	swait.ge [sflag:s26], $0x4000  }
0x3c: {  	[sflag:s26] =	ssyncset.done $0x0  }
0x3d: {  	[sflag:s26] =	ssyncadd.s32 $0xFFFFC000  }
0x3e: {  	[spmem:s10] =	stream.linear.scatter [tilespmem:s25], [sflag:$0x5], $0x4000, $0x38;
	[tilespmem:$0x1C200] =	vst v63  }
0x3f: {  	_ =	swait.ge [sflag:s26], $0x4000  }
0x40: {  	[sflag:s26] =	ssyncset.done $0x0  }
0x41: {  	[sflag:s26] =	ssyncadd.s32 $0xFFFFC000  }
0x42: {  	[spmem:s11] =	stream.linear.scatter [tilespmem:s25], [sflag:$0x5], $0x4000, $0x38;
	[tilespmem:$0x1C200] =	vst v63  }
0x43: {  	_ =	swait.ge [sflag:s26], $0x4000  }
0x44: {  	[sflag:s26] =	ssyncset.done $0x0  }
0x45: {  	[sflag:s26] =	ssyncadd.s32 $0xFFFFC000  }
0x46: {  	[bflag:$0x0] =	sbarrier.arrive $0xFFFF  }
0x47: {  	_ =	swait.ge [sflag:s28], $0x100  }
0x48: {  	[sflag:s28] =	ssyncset.done $0x0  }
0x49: {  	[sflag:s28] =	ssyncadd.s32 $0xFFFFFF00  }
0x4a: {  	_ =	swait.ge [sflag:s29], $0x4000  }
0x4b: {  	[sflag:s29] =	ssyncset.done $0x0  }
0x4c: {  	[sflag:s29] =	ssyncadd.s32 $0xFFFFC000  }
0x4d: {  	[tilespmem:s25], [sflag:$0x2] =	stream.indirect.gather [hbm4b:s4+s22], $0x80, s24, s22, $0xb8;
	[tilespmem:$0x1C200] =	vst v63  }
0x4e: {  	_ = 	snop  }
0x4f: {  	[spmem:s1] =	stream.indirect.scatter.add.f32 [tilespmem:s23], [sflag:$0x5], $0x80, s22, s22, $0xb8;
	[tilespmem:$0x1C200] =	vst v63  }
0x50: {  	_ =	swait.ge [sflag:s26], $0x4000  }
0x51: {  	[sflag:s26] =	ssyncset.done $0x0  }
0x52: {  	s6 =	sadd.s32 $0x0, s20;
	[sflag:s26] =	ssyncadd.s32 $0xFFFFC000  }
0x53: {  	[tilespmem:s3], [sflag:$0x3] =	stream.linear.gather [hbm4b:s6+s3], $0x100, $0x38;
	[tilespmem:$0x1C200] =	vst v63  }
0x54: {  	_ =	swait.ge [sflag:s30], $0x4000  }
0x55: {  	[sflag:s30] =	ssyncset.done $0x0  }
0x56: {  	[sflag:s30] =	ssyncadd.s32 $0xFFFFC000  }
0x57: {  	_ =	swait.ge [sflag:s21], $0x100  }
0x58: {  	[sflag:s21] =	ssyncset.done $0x0  }
0x59: {  	[sflag:s21] =	ssyncadd.s32 $0xFFFFFF00  }
0x5a: {  	[tilespmem:s23], [sflag:$0x1] =	stream.indirect.gather [hbm4b:s4+s22], $0x80, s3, s22, $0xb8;
	[tilespmem:$0x1C200] =	vst v63  }
0x5b: {  	_ = 	snop  }
0x5c: {  	[spmem:s1] =	stream.indirect.scatter.add.f32 [tilespmem:s25], [sflag:$0x5], $0x80, s31, s22, $0xb8;
	[tilespmem:$0x1C200] =	vst v63  }
0x5d: {  	_ =	swait.ge [sflag:s26], $0x4000  }
0x5e: {  	[sflag:s26] =	ssyncset.done $0x0  }
0x5f: {  	s2 =	simm.s32 $0x40;
	s6 =	sadd.s32 $0x0, s19;
	[sflag:s26] =	ssyncadd.s32 $0xFFFFC000  }
.LBB2_4:
0x60: {  	[tilespmem:s24], [sflag:$0x4] =	stream.linear.gather [hbm4b:s6+s3], $0x100, $0x38;
	[tilespmem:$0x1C200] =	vst v63  }
0x61: {  	s6 =	smov.u32 s2  }
0x62: {  	p0 =	sne.s32 s2, $0x940;
	s2 =	sadd.s32 $0x40, s2;
	_ =	swait.ge [sflag:s28], $0x100  }
0x63: {  	[sflag:s28] =	ssyncset.done $0x0  }
0x64: {  	[sflag:s28] =	ssyncadd.s32 $0xFFFFFF00  }
0x65: {  	_ =	swait.ge [sflag:s29], $0x4000  }
0x66: {  	[sflag:s29] =	ssyncset.done $0x0  }
0x67: {  	[sflag:s29] =	ssyncadd.s32 $0xFFFFC000  }
0x68: {  	[tilespmem:s25], [sflag:$0x2] =	stream.indirect.gather [hbm4b:s4+s22], $0x80, s24, s22, $0xb8;
	[tilespmem:$0x1C200] =	vst v63  }
0x69: {  	_ = 	snop  }
0x6a: {  	[spmem:s1] =	stream.indirect.scatter.add.f32 [tilespmem:s23], [sflag:$0x5], $0x80, s22, s22, $0xb8;
	[tilespmem:$0x1C200] =	vst v63  }
0x6b: {  	_ =	swait.ge [sflag:s26], $0x4000  }
0x6c: {  	[sflag:s26] =	ssyncset.done $0x0  }
0x6d: {  	s5 =	sadd.s32 s6, s20;
	[sflag:s26] =	ssyncadd.s32 $0xFFFFC000  }
0x6e: {  	[tilespmem:s3], [sflag:$0x3] =	stream.linear.gather [hbm4b:s5+s3], $0x100, $0x38;
	[tilespmem:$0x1C200] =	vst v63  }
0x6f: {  	_ =	swait.ge [sflag:s30], $0x4000  }
0x70: {  	[sflag:s30] =	ssyncset.done $0x0  }
0x71: {  	[sflag:s30] =	ssyncadd.s32 $0xFFFFC000  }
0x72: {  	_ =	swait.ge [sflag:s21], $0x100  }
0x73: {  	[sflag:s21] =	ssyncset.done $0x0  }
0x74: {  	[sflag:s21] =	ssyncadd.s32 $0xFFFFFF00  }
0x75: {  	[tilespmem:s23], [sflag:$0x1] =	stream.indirect.gather [hbm4b:s4+s22], $0x80, s3, s22, $0xb8;
	[tilespmem:$0x1C200] =	vst v63  }
.Ltmp1:
0x76: {  	(pc) =	sbr.rel @p0 .LBB2_4-.Ltmp1, $4  }
0x77: {  	[spmem:s1] =	stream.indirect.scatter.add.f32 [tilespmem:s25], [sflag:$0x5], $0x80, s31, s22, $0xb8;
	[tilespmem:$0x1C200] =	vst v63  }
0x78: {  	_ =	swait.ge [sflag:s26], $0x4000  }
0x79: {  	[sflag:s26] =	ssyncset.done $0x0  }
0x7a: {  	s6 =	sadd.s32 s6, s19;
	[sflag:s26] =	ssyncadd.s32 $0xFFFFC000  }
0x7b: {  	[tilespmem:s24], [sflag:$0x4] =	stream.linear.gather [hbm4b:s6+s3], $0x100, $0x38;
	[tilespmem:$0x1C200] =	vst v63  }
0x7c: {  	_ =	swait.ge [sflag:s28], $0x100  }
0x7d: {  	[sflag:s28] =	ssyncset.done $0x0  }
0x7e: {  	[sflag:s28] =	ssyncadd.s32 $0xFFFFFF00  }
0x7f: {  	_ =	swait.ge [sflag:s29], $0x4000  }
0x80: {  	[sflag:s29] =	ssyncset.done $0x0  }
0x81: {  	[sflag:s29] =	ssyncadd.s32 $0xFFFFC000  }
0x82: {  	[tilespmem:s25], [sflag:$0x2] =	stream.indirect.gather [hbm4b:s4+s22], $0x80, s24, s22, $0xb8;
	[tilespmem:$0x1C200] =	vst v63  }
0x83: {  	_ = 	snop  }
0x84: {  	[spmem:s1] =	stream.indirect.scatter.add.f32 [tilespmem:s23], [sflag:$0x5], $0x80, s22, s22, $0xb8;
	[tilespmem:$0x1C200] =	vst v63  }
0x85: {  	_ =	swait.ge [sflag:s26], $0x4000  }
0x86: {  	[sflag:s26] =	ssyncset.done $0x0  }
0x87: {  	[sflag:s26] =	ssyncadd.s32 $0xFFFFC000  }
0x88: {  	[tilespmem:s3], [sflag:$0x3] =	stream.linear.gather [hbm4b:s18+s3], $0x100, $0x38;
	[tilespmem:$0x1C200] =	vst v63  }
0x89: {  	_ =	swait.ge [sflag:s30], $0x4000  }
0x8a: {  	[sflag:s30] =	ssyncset.done $0x0  }
0x8b: {  	[sflag:s30] =	ssyncadd.s32 $0xFFFFC000  }
0x8c: {  	_ =	swait.ge [sflag:s21], $0x100  }
0x8d: {  	[sflag:s21] =	ssyncset.done $0x0  }
0x8e: {  	[sflag:s21] =	ssyncadd.s32 $0xFFFFFF00  }
0x8f: {  	[tilespmem:s23], [sflag:$0x1] =	stream.indirect.gather [hbm4b:s4+s22], $0x80, s3, s22, $0xb8;
	[tilespmem:$0x1C200] =	vst v63  }
0x90: {  	_ = 	snop  }
0x91: {  	[spmem:s1] =	stream.indirect.scatter.add.f32 [tilespmem:s25], [sflag:$0x5], $0x80, s31, s22, $0xb8;
	[tilespmem:$0x1C200] =	vst v63  }
0x92: {  	_ =	swait.ge [sflag:s26], $0x4000  }
0x93: {  	[sflag:s26] =	ssyncset.done $0x0  }
0x94: {  	[sflag:s26] =	ssyncadd.s32 $0xFFFFC000  }
0x95: {  	_ =	swait.ge [sflag:s29], $0x4000  }
0x96: {  	[sflag:s29] =	ssyncset.done $0x0  }
0x97: {  	[sflag:s29] =	ssyncadd.s32 $0xFFFFC000  }
0x98: {  	[spmem:s1] =	stream.indirect.scatter.add.f32 [tilespmem:s23], [sflag:$0x5], $0x80, s22, s22, $0xb8;
	[tilespmem:$0x1C200] =	vst v63  }
0x99: {  	_ =	swait.ge [sflag:s26], $0x4000  }
0x9a: {  	[sflag:s26] =	ssyncset.done $0x0  }
0x9b: {  	s2 =	stileid.u32;
	[sflag:s26] =	ssyncadd.s32 $0xFFFFC000  }
0x9c: {  	s2 =	sshll.u32 s2, $0x6;
	[bflag:$0x0] =	sbarrier.arrive $0xFFFF  }
0x9d: {  	s5 =	sshrl.u32 s7, $0x3;
	s2 =	sor.u32 $0x1C05, s2;
	s6 =	rddreg [dreg:$0x4]  }
0x9e: {  	[hbm:s6], [sflag:s2] =	dma.local [spmem:s5], $0x800  }
0x9f: {  	_ =	swait.ge [sflag:s26], $0x800  }
0xa0: {  	[sflag:s26] =	ssyncset.done $0x0  }
0xa1: {  	s6 =	sshrl.u32 s8, $0x3;
	[sflag:s26] =	ssyncadd.s32 $0xFFFFF800  }
0xa2: {  	[hbm:s13], [sflag:s2] =	dma.local [spmem:s6], $0x800  }
0xa3: {  	_ =	swait.ge [sflag:s26], $0x800  }
0xa4: {  	[sflag:s26] =	ssyncset.done $0x0  }
0xa5: {  	s6 =	sshrl.u32 s9, $0x3;
	[sflag:s26] =	ssyncadd.s32 $0xFFFFF800  }
0xa6: {  	[hbm:s14], [sflag:s2] =	dma.local [spmem:s6], $0x800  }
0xa7: {  	_ =	swait.ge [sflag:s26], $0x800  }
0xa8: {  	[sflag:s26] =	ssyncset.done $0x0  }
0xa9: {  	s6 =	sshrl.u32 s10, $0x3;
	[sflag:s26] =	ssyncadd.s32 $0xFFFFF800  }
0xaa: {  	[hbm:s15], [sflag:s2] =	dma.local [spmem:s6], $0x800  }
0xab: {  	s0 =	sadd.s32 $0x1, s0;
	_ =	swait.ge [sflag:s26], $0x800  }
0xac: {  	p0 =	sne.s32 s0, s17;
	[sflag:s26] =	ssyncset.done $0x0  }
.Ltmp2:
0xad: {  	s6 =	sshrl.u32 s11, $0x3;
	[sflag:s26] =	ssyncadd.s32 $0xFFFFF800;
	(pc) =	sbr.rel @p0 .LBB2_1-.Ltmp2, $4  }
0xae: {  	[hbm:s16], [sflag:s2] =	dma.local [spmem:s6], $0x800  }
0xaf: {  	_ =	swait.ge [sflag:s26], $0x800  }
0xb0: {  	[sflag:s26] =	ssyncset.done $0x0  }
0xb1: {  	[sflag:s26] =	ssyncadd.s32 $0xFFFFF800  }
0xb2: {  	_ =	sfence.sel $0x180000  }
0xb3: {  	[bflag:$0x0] =	sbarrier.arrive $0xFFFF  }
0xb4: {  	_ =	strace $0x90000050  }
0xb5: {  	s0 =	stileid.u32;
	[bflag:$0x2] =	sbarrier.arrive $0xFFFF  }
0xb6: {  	p0 =	sne.s32 s0, $0x0;
	s0 =	rddreg [dreg:$0x2]  }
0xb7: {  	s0 =	sadd.s32 @!p0 $0x100000, s0  }
0xb8: {  	[sflag:s0] =	ssyncadd.tile.s32 @!p0 $0x1;
	_ =	shalt  }
.Lfunc_end2:
_tile_overlayer_lowered:
.L_overlay_start_2:
0xb9: {  	(tag) =	ssettag $0x2  }
0xba: {  	s0 =	rddreg [dreg:$0x0];
	s2 =	stileid.u32  }
0xbb: {  	s1 =	rddreg [dreg:$0x1];
	p0 =	sne.s32 s2, $0x0  }
0xbc: {  	s3 =	rddreg [dreg:$0x2];
	[bflag:$0x3] =	sbarrier.arrive $0xFFFF;
	s2 =	simm.s32 @!p0 $0x1C05  }
0xbd: {  	[timem:s3], [sflag:s2] =	dma.local @!p0 [hbm:s0], s1  }
0xbe: {  	s0 =	simm.s32 @!p0 $0x5  }
0xbf: {  	_ =	swait.ge @!p0 [sflag:s0], s1  }
0xc0: {  	s1 =	ssub.s32 @!p0 $0x0, s1;
	[sflag:s0] =	ssyncset.done @!p0 $0x0  }
0xc1: {  	[sflag:s0] =	ssyncadd.s32 @!p0 s1  }
0xc2: {  	[bflag:$0x3] =	sbarrier.arrive $0xFFFF  }
0xc3: {  	_ =	shalt  }

// kernel: kernel.23.cloned.1.call-start
scs
__scs_entry_jumppad:
0x0: {  	(pc) =	sbr.rel $0x88, $3  }
0x1: {  	(tag) =	ssettag $0x0;
	lr =	simm.s32 $0x1  }
0x2: {  	[smem:$0x3F8E] =	sst lr;
	_ =	strace $0xD0000000  }
0x3: {  	_ = 	snop  }
0x4: {  	_ = 	snop  }
0x5: {  	_ = 	snop  }
0x6: {  	_ = 	snop  }
0x7: {  	_ = 	snop  }
__scs_overlays_trampoline_lowered:
0x8: {  	[smem:$0x3F9D] =	sst s0  }
0x9: {  	[smem:$0x3F9E] =	sst s1  }
0xa: {  	[smem:$0x3F9F] =	sst s2  }
0xb: {  	[smem:$0x3FA0] =	sst s3  }
0xc: {  	[smem:$0x3FA1] =	sst s4  }
0xd: {  	[smem:$0x3FA2] =	sst s5  }
0xe: {  	[smem:$0x3FA3] =	sst s6  }
0xf: {  	[smem:$0x3FA4] =	sst s7  }
0x10: {  	[smem:$0x3FA5] =	sst s8  }
0x11: {  	[smem:$0x3FA6] =	sst s9;
	s0 =	simm.s32 @!p0 $0x0  }
0x12: {  	s1 =	sld [smem:$0x3F8C];
	s0 =	simm.s32 @p0 $0x1  }
0x13: {  	[smem:$0x3FA7] =	sst s0;
	s0 =	simm.s32 @!p1 $0x0  }
0x14: {  	s2 =	sld [smem:$0x3F8B];
	s0 =	simm.s32 @p1 $0x1  }
0x15: {  	[smem:$0x3FA8] =	sst s0;
	s0 =	simm.s32 @!p2 $0x0  }
0x16: {  	s3 =	sld [smem:$0x3FDB];
	s0 =	simm.s32 @p2 $0x1  }
0x17: {  	s4 =	simm.s32 $0x1BF5;
	[smem:$0x3FAA] =	sst s0  }
0x18: {  	s0 =	sld [smem:$0x3F8D];
	_ =	swait.ge [sflag:s4], $0x0  }
0x19: {  	s7 =	sld [smem:$0x3F8E]  }
0x1a: {  	s8 =	sadd.s32 $0xFFFFE003, lr  }
0x1b: {  	s9 =	sadd.s32 $0xFFFFFEF7, lr;
	s5 =	simm.s32 $0xFFFFFFFF;
	p2 =	slt.u32 s8, $0xFFFFF086  }
0x1c: {  	p1 =	slt.u32 s9, $0xF7A;
	s5 =	simm.s32 @!p2 $0x0  }
0x1d: {  	s5 =	simm.s32 @p1 $0x1;
	p0 =	seq.s32 s7, s2  }
0x1e: {  	s7 =	smul.u32 @!p0 $0xF7A, s2;
	p2 =	seq.s32 @!p0 s5, $0x0  }
0x1f: {  	s9 =	smul.u32 $0xF7A, s1;
	s8 =	simm.s32 @!p0 $0x1BF5;
	p2 =	por !p2, p0  }
0x20: {  	[sflag:s8] =	ssyncset.s32 @!p0 $0xFFFFF086;
	s6 =	sadd.s32 @!p0 s3, s7;
	s7 =	simm.s32 @!p0 $0x108  }
0x21: {  	s3 =	sadd.s32 s3, s9;
	s6 =	sadd.s32 @!p0 $0x88, s6;
	s7 =	simm.s32 @p2 $0x1082  }
0x22: {  	[simem:s7], [sflag:s8] =	dma.local @!p0 [hbm:s6], $0xF7A  }
0x23: {  	s9 =	sor.u32 $0xD0000000, s2;
	s6 =	simm.s32 $0x108;
	_ =	swait.ge @!p0 [sflag:s8], $0x0  }
0x24: {  	s3 =	sadd.s32 $0x88, s3;
	s6 =	simm.s32 @!p1 $0x1082;
	[sflag:s4] =	ssyncset.s32 $0xFFFFF086  }
0x25: {  	[simem:s6], [sflag:s4] =	dma.local [hbm:s3], $0xF7A  }
0x26: {  	[smem:$0x3F8E] =	sst s1;
	(tag) =	ssettag s2;
	_ =	strace s9  }
0x27: {  	s1 =	sld [smem:$0x3F9E]  }
0x28: {  	s2 =	sld [smem:$0x3F9F]  }
0x29: {  	s4 =	sld [smem:$0x3FA1]  }
0x2a: {  	p0 =	seq.s32 s5, $0x0;
	s5 =	sld [smem:$0x3FA2]  }
0x2b: {  	s6 =	sld [smem:$0x3FA3]  }
0x2c: {  	s7 =	sld [smem:$0x3FA4]  }
0x2d: {  	s3 =	simm.s32 $0x108;
	s8 =	sld [smem:$0x3FA5]  }
0x2e: {  	s3 =	simm.s32 @!p0 $0x1082;
	s9 =	sld [smem:$0x3FA6]  }
0x2f: {  	lr =	sadd.s32 s0, s3;
	s0 =	sld [smem:$0x3F9D]  }
0x30: {  	s3 =	sld [smem:$0x3FA0]  }
0x31: {  	[smem:$0x3FA9] =	sst s10  }
0x32: {  	s10 =	sld [smem:$0x3FA7];
	_ =	sdelay $0x3  }
0x33: {  	p0 =	seq.s32 s10, $0x1;
	s10 =	sld [smem:$0x3FA9];
	_ =	sdelay $0x3  }
0x34: {  	[smem:$0x3FA9] =	sst s10  }
0x35: {  	s10 =	sld [smem:$0x3FA8];
	_ =	sdelay $0x3  }
0x36: {  	p1 =	seq.s32 s10, $0x1;
	s10 =	sld [smem:$0x3FA9];
	_ =	sdelay $0x3  }
0x37: {  	[smem:$0x3FA9] =	sst s10  }
0x38: {  	s10 =	sld [smem:$0x3FAA]  }
0x39: {  	_ = 	snop;
	(pc) =	sbr.ind lr, $3  }
0x3a: {  	_ = 	snop  }
0x3b: {  	_ = 	snop  }
0x3c: {  	p2 =	seq.s32 s10, $0x1;
	s10 =	sld [smem:$0x3FA9]  }
0x3d: {  	_ =	shalt  }
0x3e: {  	_ =	shalt  }
0x3f: {  	_ =	shalt  }
0x40: {  	_ =	shalt  }
0x41: {  	_ =	shalt  }
0x42: {  	_ =	shalt  }
0x43: {  	_ =	shalt  }
0x44: {  	_ =	shalt  }
0x45: {  	_ =	shalt  }
0x46: {  	_ =	shalt  }
0x47: {  	_ =	shalt  }
0x48: {  	_ =	shalt  }
0x49: {  	_ =	shalt  }
0x4a: {  	_ =	shalt  }
0x4b: {  	_ =	shalt  }
0x4c: {  	_ =	shalt  }
0x4d: {  	_ =	shalt  }
0x4e: {  	_ =	shalt  }
0x4f: {  	_ =	shalt  }
0x50: {  	_ =	shalt  }
0x51: {  	_ =	shalt  }
0x52: {  	_ =	shalt  }
0x53: {  	_ =	shalt  }
0x54: {  	_ =	shalt  }
0x55: {  	_ =	shalt  }
0x56: {  	_ =	shalt  }
0x57: {  	_ =	shalt  }
0x58: {  	_ =	shalt  }
0x59: {  	_ =	shalt  }
0x5a: {  	_ =	shalt  }
0x5b: {  	_ =	shalt  }
0x5c: {  	_ =	shalt  }
0x5d: {  	_ =	shalt  }
0x5e: {  	_ =	shalt  }
0x5f: {  	_ =	shalt  }
0x60: {  	_ =	shalt  }
0x61: {  	_ =	shalt  }
0x62: {  	_ =	shalt  }
0x63: {  	_ =	shalt  }
0x64: {  	_ =	shalt  }
0x65: {  	_ =	shalt  }
0x66: {  	_ =	shalt  }
0x67: {  	_ =	shalt  }
0x68: {  	_ =	shalt  }
0x69: {  	_ =	shalt  }
0x6a: {  	_ =	shalt  }
0x6b: {  	_ =	shalt  }
0x6c: {  	_ =	shalt  }
0x6d: {  	_ =	shalt  }
0x6e: {  	_ =	shalt  }
0x6f: {  	_ =	shalt  }
0x70: {  	_ =	shalt  }
0x71: {  	_ =	shalt  }
0x72: {  	_ =	shalt  }
0x73: {  	_ =	shalt  }
0x74: {  	_ =	shalt  }
0x75: {  	_ =	shalt  }
0x76: {  	_ =	shalt  }
0x77: {  	_ =	shalt  }
0x78: {  	_ =	shalt  }
0x79: {  	_ =	shalt  }
0x7a: {  	_ =	shalt  }
0x7b: {  	_ =	shalt  }
0x7c: {  	_ =	shalt  }
0x7d: {  	_ =	shalt  }
0x7e: {  	_ =	shalt  }
0x7f: {  	_ =	shalt  }
0x80: {  	_ =	shalt  }
0x81: {  	_ =	shalt  }
0x82: {  	_ =	shalt  }
0x83: {  	_ =	shalt  }
0x84: {  	_ =	shalt  }
0x85: {  	_ =	shalt  }
0x86: {  	_ =	shalt  }
0x87: {  	_ =	shalt  }
.Lfunc_end0:
.L_simem_size_0:
called_computation.4_lowered:
.L_overlay_start_0:
0x88: {  	s2 =	sld [smem:$0x3FD9]  }
0x89: {  	s3 =	sld [smem:$0x3FFE];
	_ =	sdelay $0x1  }
0x8a: {  	s1 =	srdreg.scid  }
0x8b: {  	s0 =	sand.u32 $0x1, s1  }
0x8c: {  	s16 =	sshll.u32 s0, $0xA;
	s2 =	sadd.s32 s3, s2  }
0x8d: {  	s2 =	sadd.s32 s2, s16  }
0x8e: {  	[smem:$0x3FB5] =	sst s2  }
0x8f: {  	_ = 	snop  }
0x90: {  	(tm) =	ssettm $0x1  }
0x91: {  	s17 =	sld [smem:$0x3FFB];
	_ =	sdelay $0x3  }
0x92: {  	_ =	strace s17  }
0x93: {  	s2 =	sld [smem:$0x3FFC];
	_ =	sdelay $0x3  }
0x94: {  	_ =	strace s2  }
0x95: {  	s2 =	sld [smem:$0x3FFD];
	_ =	sdelay $0x3  }
0x96: {  	_ =	strace s2  }
0x97: {  	_ =	strace $0x8FFFFFFF  }
0x98: {  	s18 =	sld [smem:$0x3FDB];
	_ =	sdelay $0x1  }
0x99: {  	s19 =	simm.s32 $_scs_section_size  }
0x9a: {  	s4 =	simm.s32 $_size__tile_overlayer_lowered;
	s5 =	simm.s32 $_tile_overlayer_lowered  }
0x9b: {  	s22 =	simm.s32 $0x1BFF;
	s21 =	sshll.u32 s5, $0x1;
	s2 =	sadd.s32 s19, s18  }
0x9c: {  	s6 =	simm.s32 $0x0;
	s20 =	sshll.u32 s4, $0x1;
	s4 =	sadd.s32 s21, s2  }
0x9d: {  	[timem:s6], [sflag:s22] =	dma.local [hbm:s4], s20  }
0x9e: {  	_ =	swait.ge [sflag:s22], s20  }
0x9f: {  	s3 =	ssub.s32 $0x0, s20;
	[sflag:s22] =	ssyncset.done $0x0  }
0xa0: {  	[sflag:s22] =	ssyncadd.s32 s3;
	_ =	sdelay $0x1  }
0xa1: {  	s23 =	simm.s32 $0x1B8B  }
0xa2: {  	_ =	swait.ge [sflag:s23], $0x1  }
0xa3: {  	[sflag:s23] =	ssyncset.done $0x0  }
0xa4: {  	s25 =	simm.s32 $0x1B8E;
	s24 =	sld [smem:$0x3FFE];
	[sflag:s23] =	ssyncadd.s32 $0xFFFFFFFF  }
0xa5: {  	s26 =	simm.s32 $execute0_lowered;
	[smem:$0x3FD2] =	sst s25  }
0xa6: {  	s4 =	sshll.u32 s26, $0x1;
	_ =	strace $0x80000052;
	[dreg:$0x1] =	wrdreg $0xFFFFFFFF  }
0xa7: {  	s28 =	simm.s32 $_size_execute0_lowered;
	s2 =	sadd.s32 s2, s4;
	[dreg:$0x0] =	wrdreg $0x0  }
0xa8: {  	s4 =	sshll.u32 s28, $0x1;
	[dreg:$0x2] =	wrdreg s2  }
0xa9: {  	[dreg:$0x3] =	wrdreg s4  }
0xaa: {  	[dreg:$0x4] =	wrdreg $0xC0  }
0xab: {  	_ =	task [dreg:s6], $0x5FFFF  }
0xac: {  	[dreg:$0x1] =	wrdreg $0xFFFFFFFF  }
0xad: {  	[dreg:$0x0] =	wrdreg $0x60  }
0xae: {  	[dreg:$0x2] =	wrdreg s24  }
0xaf: {  	[dreg:$0x3] =	wrdreg $0x82000  }
0xb0: {  	[dreg:$0x4] =	wrdreg $0x9  }
0xb1: {  	_ =	task.clear_ibuf [dreg:s6], $0x5FFFF;
	_ =	strace $0x90000052  }
0xb2: {  	s29 =	simm.s32 $0x9;
	_ =	strace $0x80000054  }
0xb3: {  	_ =	swait.ge [sflag:s29], $0x1  }
0xb4: {  	[sflag:s29] =	ssyncadd.s32 $0xFFFFFFFF  }
0xb5: {  	_ =	strace $0x90000054  }
0xb6: {  	_ =	sfence  }
0xb7: {  	s30 =	sld [smem:$0x0];
	_ =	sdelay $0x2  }
0xb8: {  	s31 =	sshll.u32 s1, $0xD;
	s1 =	sshrl.u32 s1, $0x2  }
0xb9: {  	s3 =	sand.u32 $0x4000, s31;
	s1 =	sadd.s32 s1, s30  }
0xba: {  	s0 =	sor.u32 s3, s0;
	s1 =	sshll.u32 s1, $0x11  }
0xbb: {  	s0 =	sor.u32 s1, s0  }
0xbc: {  	s0 =	sadd.s32 $0x8F2B, s0  }
0xbd: {  	[sflag:s0] =	ssyncadd.remote.s32 $0x1  }
0xbe: {  	_ =	sfence.sel $0xFFFF  }
0xbf: {  	[dreg:$0x0] =	wrdreg $0xFFFFFFFF;
	(pc) =	sbr.abs _section_cstart, $3  }
0xc0: {  	[dreg:$0x1] =	wrdreg $0xFFFFFFFF  }
0xc1: {  	_ =	task.clear_ibuf [dreg:s6], $0x2FFFF;
	_ =	strace $0x9FFFFFFF  }
0xc2: {  	(tm) =	ssettm $0x7FFFFFFF  }
0xc3: {  	_ =	shalt  }
tec
execute0_lowered:
.L_overlay_start_1:
0x0: {  	(tag) =	ssettag $0x1  }
0x1: {  	s0 =	rddreg [dreg:$0x0]  }
0x2: {  	s1 =	rddreg [dreg:$0x1];
	s2 =	srdreg.scid;
	s3 =	simm.s32 $0x0  }
0x3: {  	s21 =	stileid.u32;
	s22 =	simm.s32 $0x80;
	s23 =	simm.s32 $0x200  }
0x4: {  	s28 =	simm.s32 $0x4;
	s29 =	simm.s32 $0x1;
	s30 =	simm.s32 $0x2  }
0x5: {  	s31 =	simm.s32 $0x180;
	s2 =	sand.u32 $0x1, s2;
	s10 =	smul.u32 $0x50000, s21  }
0x6: {  	[smem:$0x7FF] =	sst s3;
	s6 =	sadd.s32 $0x4A00, s0;
	s11 =	smul.u32 $0x14000, s21  }
0x7: {  	s4 =	sshll.u32 s2, $0x4;
	_ =	strace $0x80000053;
	s15 =	smul.u32 $0x140000, s2  }
0x8: {  	s8 =	ssub.s32 $0x2, s2;
	s2 =	smul.u32 $0x4F0, s2;
	s5 =	sor.u32 s21, s4  }
0x9: {  	s4 =	sadd.s32 $0x18600, s0;
	s0 =	sadd.s32 $0x3F800, s0;
	s9 =	sshrl.u32 s8, $0x1  }
0xa: {  	s24 =	sshrl.u32 s10, $0x2;
	s12 =	sadd.s32 $0x4000, s11;
	s21 =	smul.u32 $0x4F, s21  }
0xb: {  	s13 =	sadd.s32 $0x8000, s11;
	s16 =	sadd.s32 $0xC000, s11;
	s7 =	smul.u32 $0x4F00, s5  }
0xc: {  	s18 =	sadd.s32 $0x10000, s11;
	s5 =	smul.u32 $0x9E0, s5;
	s17 =	ssub.s32 s8, s9  }
0xd: {  	s8 =	sadd.s32 s12, s1;
	s9 =	sadd.s32 s13, s1;
	s14 =	sadd.s32 s11, s15  }
0xe: {  	s10 =	sadd.s32 s16, s1;
	s11 =	sadd.s32 s18, s1;
	s12 =	sadd.s32 s15, s12  }
0xf: {  	s13 =	sadd.s32 s15, s13;
	s16 =	sadd.s32 s15, s16;
	s15 =	sadd.s32 s15, s18  }
0x10: {  	s14 =	sshrl.u32 s14, $0x3;
	s19 =	sshrl.u32 s12, $0x3;
	s20 =	sshrl.u32 s13, $0x3  }
0x11: {  	s2 =	sadd.s32 s21, s2;
	s16 =	sshrl.u32 s16, $0x3;
	s18 =	sshrl.u32 s15, $0x3  }
0x12: {  	s17 =	smax.u32 s17, $0x1;
	s21 =	simm.s32 $0x3;
	s7 =	sshrl.u32 s7, $0x3  }
0x13: {  	s5 =	sadd.s32 s6, s5;
	s25 =	sadd.s32 s0, s14;
	s13 =	sadd.s32 s0, s19  }
0x14: {  	s14 =	sadd.s32 s0, s20;
	s2 =	sshll.u32 s2, $0x5;
	s15 =	sadd.s32 s0, s16  }
0x15: {  	s16 =	sadd.s32 s0, s18;
	s0 =	simm.s32 $0x0;
	s7 =	sadd.s32 s6, s7  }
0x16: {  	[dreg:$0x4] =	wrdreg s25;
	s26 =	sadd.s32 s2, s6;
	s12 =	smov.u32 s5  }
0x17: {  	s18 =	sadd.s32 $0x9C0, s5;
	s25 =	simm.s32 $0x4200;
	s7 =	sadd.s32 $0x20, s7  }
0x18: {  	s19 =	sadd.s32 $0x60, s26;
	s20 =	sadd.s32 $0x40, s26;
	s26 =	simm.s32 $0x5  }
0x19: {  	v0 =	vimm.f32 $0.0e+00;
	[dreg:$0x3] =	wrdreg s7;
	s7 =	sadd.s32 s24, s1;
	s24 =	simm.s32 $0x100  }
.LBB2_1:
0x1a: {  	[tilespmem:s3], [sflag:$0x3] =	stream.linear.gather [hbm4b:s12+s3], $0x100, $0x38;
	[tilespmem:$0x1C200] =	vst v63  }
0x1b: {  	_ =	swait.ge [sflag:s21], $0x100  }
0x1c: {  	[sflag:s21] =	ssyncset.done $0x0  }
0x1d: {  	[sflag:s21] =	ssyncadd.s32 $0xFFFFFF00  }
0x1e: {  	[tilespmem:s23], [sflag:$0x1] =	stream.indirect.gather [hbm4b:s4+s22], $0x80, s3, s22, $0xb8;
	[tilespmem:$0x1C200] =	vst v63  }
0x1f: {  	s2 =	rddreg [dreg:$0x3]  }
0x20: {  	[tilespmem:s24], [sflag:$0x4] =	stream.linear.gather [hbm4b:s2+s3], $0x100, $0x38;
	[tilespmem:$0x1C200] =	vst v63  }
0x21: {  	s6 =	simm.s32 $0x200;
	s2 =	simm.s32 $0x0  }
.LBB2_2:
0x22: {  	p0 =	sne.s32 s6, $0xFE00;
	[tilespmem:s2+$0x4270] =	vst v0  }
0x23: {  	[tilespmem:s2+$0x4200] =	vst v0  }
0x24: {  	[tilespmem:s2+$0x4210] =	vst v0  }
.Ltmp0:
0x25: {  	[tilespmem:s2+$0x4220] =	vst v0;
	(pc) =	sbr.rel @p0 .LBB2_2-.Ltmp0, $4  }
0x26: {  	[tilespmem:s2+$0x4230] =	vst v0  }
0x27: {  	[tilespmem:s2+$0x4240] =	vst v0  }
0x28: {  	[tilespmem:s2+$0x4250] =	vst v0  }
0x29: {  	[tilespmem:s2+$0x4260] =	vst v0;
	s2 =	sshra.s32 s6, $0x2;
	s6 =	sadd.s32 $0x200, s6  }
0x2a: {  	[tilespmem:s2+$0x4270] =	vst v0  }
0x2b: {  	[tilespmem:s2+$0x4200] =	vst v0  }
0x2c: {  	[tilespmem:s2+$0x4210] =	vst v0  }
0x2d: {  	[tilespmem:s2+$0x4220] =	vst v0  }
0x2e: {  	[tilespmem:s2+$0x4230] =	vst v0  }
0x2f: {  	[tilespmem:s2+$0x4240] =	vst v0  }
0x30: {  	[tilespmem:s2+$0x4250] =	vst v0  }
0x31: {  	[tilespmem:s2+$0x4260] =	vst v0  }
0x32: {  	[spmem:s7] =	stream.linear.scatter [tilespmem:s25], [sflag:$0x5], $0x4000, $0x38;
	[tilespmem:$0x1C200] =	vst v63  }
0x33: {  	_ =	swait.ge [sflag:s26], $0x4000  }
0x34: {  	[sflag:s26] =	ssyncset.done $0x0  }
0x35: {  	[sflag:s26] =	ssyncadd.s32 $0xFFFFC000  }
0x36: {  	[spmem:s8] =	stream.linear.scatter [tilespmem:s25], [sflag:$0x5], $0x4000, $0x38;
	[tilespmem:$0x1C200] =	vst v63  }
0x37: {  	_ =	swait.ge [sflag:s26], $0x4000  }
0x38: {  	[sflag:s26] =	ssyncset.done $0x0  }
0x39: {  	[sflag:s26] =	ssyncadd.s32 $0xFFFFC000  }
0x3a: {  	[spmem:s9] =	stream.linear.scatter [tilespmem:s25], [sflag:$0x5], $0x4000, $0x38;
	[tilespmem:$0x1C200] =	vst v63  }
0x3b: {  	_ =	swait.ge [sflag:s26], $0x4000  }
0x3c: {  	[sflag:s26] =	ssyncset.done $0x0  }
0x3d: {  	[sflag:s26] =	ssyncadd.s32 $0xFFFFC000  }
0x3e: {  	[spmem:s10] =	stream.linear.scatter [tilespmem:s25], [sflag:$0x5], $0x4000, $0x38;
	[tilespmem:$0x1C200] =	vst v63  }
0x3f: {  	_ =	swait.ge [sflag:s26], $0x4000  }
0x40: {  	[sflag:s26] =	ssyncset.done $0x0  }
0x41: {  	[sflag:s26] =	ssyncadd.s32 $0xFFFFC000  }
0x42: {  	[spmem:s11] =	stream.linear.scatter [tilespmem:s25], [sflag:$0x5], $0x4000, $0x38;
	[tilespmem:$0x1C200] =	vst v63  }
0x43: {  	_ =	swait.ge [sflag:s26], $0x4000  }
0x44: {  	[sflag:s26] =	ssyncset.done $0x0  }
0x45: {  	[sflag:s26] =	ssyncadd.s32 $0xFFFFC000  }
0x46: {  	[bflag:$0x0] =	sbarrier.arrive $0xFFFF  }
0x47: {  	_ =	swait.ge [sflag:s28], $0x100  }
0x48: {  	[sflag:s28] =	ssyncset.done $0x0  }
0x49: {  	[sflag:s28] =	ssyncadd.s32 $0xFFFFFF00  }
0x4a: {  	_ =	swait.ge [sflag:s29], $0x4000  }
0x4b: {  	[sflag:s29] =	ssyncset.done $0x0  }
0x4c: {  	[sflag:s29] =	ssyncadd.s32 $0xFFFFC000  }
0x4d: {  	[tilespmem:s25], [sflag:$0x2] =	stream.indirect.gather [hbm4b:s4+s22], $0x80, s24, s22, $0xb8;
	[tilespmem:$0x1C200] =	vst v63  }
0x4e: {  	_ = 	snop  }
0x4f: {  	[spmem:s1] =	stream.indirect.scatter.add.f32 [tilespmem:s23], [sflag:$0x5], $0x80, s22, s22, $0xb8;
	[tilespmem:$0x1C200] =	vst v63  }
0x50: {  	_ =	swait.ge [sflag:s26], $0x4000  }
0x51: {  	[sflag:s26] =	ssyncset.done $0x0  }
0x52: {  	s6 =	sadd.s32 $0x0, s20;
	[sflag:s26] =	ssyncadd.s32 $0xFFFFC000  }
0x53: {  	[tilespmem:s3], [sflag:$0x3] =	stream.linear.gather [hbm4b:s6+s3], $0x100, $0x38;
	[tilespmem:$0x1C200] =	vst v63  }
0x54: {  	_ =	swait.ge [sflag:s30], $0x4000  }
0x55: {  	[sflag:s30] =	ssyncset.done $0x0  }
0x56: {  	[sflag:s30] =	ssyncadd.s32 $0xFFFFC000  }
0x57: {  	_ =	swait.ge [sflag:s21], $0x100  }
0x58: {  	[sflag:s21] =	ssyncset.done $0x0  }
0x59: {  	[sflag:s21] =	ssyncadd.s32 $0xFFFFFF00  }
0x5a: {  	[tilespmem:s23], [sflag:$0x1] =	stream.indirect.gather [hbm4b:s4+s22], $0x80, s3, s22, $0xb8;
	[tilespmem:$0x1C200] =	vst v63  }
0x5b: {  	_ = 	snop  }
0x5c: {  	[spmem:s1] =	stream.indirect.scatter.add.f32 [tilespmem:s25], [sflag:$0x5], $0x80, s31, s22, $0xb8;
	[tilespmem:$0x1C200] =	vst v63  }
0x5d: {  	_ =	swait.ge [sflag:s26], $0x4000  }
0x5e: {  	[sflag:s26] =	ssyncset.done $0x0  }
0x5f: {  	s2 =	simm.s32 $0x40;
	s6 =	sadd.s32 $0x0, s19;
	[sflag:s26] =	ssyncadd.s32 $0xFFFFC000  }
.LBB2_4:
0x60: {  	[tilespmem:s24], [sflag:$0x4] =	stream.linear.gather [hbm4b:s6+s3], $0x100, $0x38;
	[tilespmem:$0x1C200] =	vst v63  }
0x61: {  	s6 =	smov.u32 s2  }
0x62: {  	p0 =	sne.s32 s2, $0x940;
	s2 =	sadd.s32 $0x40, s2;
	_ =	swait.ge [sflag:s28], $0x100  }
0x63: {  	[sflag:s28] =	ssyncset.done $0x0  }
0x64: {  	[sflag:s28] =	ssyncadd.s32 $0xFFFFFF00  }
0x65: {  	_ =	swait.ge [sflag:s29], $0x4000  }
0x66: {  	[sflag:s29] =	ssyncset.done $0x0  }
0x67: {  	[sflag:s29] =	ssyncadd.s32 $0xFFFFC000  }
0x68: {  	[tilespmem:s25], [sflag:$0x2] =	stream.indirect.gather [hbm4b:s4+s22], $0x80, s24, s22, $0xb8;
	[tilespmem:$0x1C200] =	vst v63  }
0x69: {  	_ = 	snop  }
0x6a: {  	[spmem:s1] =	stream.indirect.scatter.add.f32 [tilespmem:s23], [sflag:$0x5], $0x80, s22, s22, $0xb8;
	[tilespmem:$0x1C200] =	vst v63  }
0x6b: {  	_ =	swait.ge [sflag:s26], $0x4000  }
0x6c: {  	[sflag:s26] =	ssyncset.done $0x0  }
0x6d: {  	s5 =	sadd.s32 s6, s20;
	[sflag:s26] =	ssyncadd.s32 $0xFFFFC000  }
0x6e: {  	[tilespmem:s3], [sflag:$0x3] =	stream.linear.gather [hbm4b:s5+s3], $0x100, $0x38;
	[tilespmem:$0x1C200] =	vst v63  }
0x6f: {  	_ =	swait.ge [sflag:s30], $0x4000  }
0x70: {  	[sflag:s30] =	ssyncset.done $0x0  }
0x71: {  	[sflag:s30] =	ssyncadd.s32 $0xFFFFC000  }
0x72: {  	_ =	swait.ge [sflag:s21], $0x100  }
0x73: {  	[sflag:s21] =	ssyncset.done $0x0  }
0x74: {  	[sflag:s21] =	ssyncadd.s32 $0xFFFFFF00  }
0x75: {  	[tilespmem:s23], [sflag:$0x1] =	stream.indirect.gather [hbm4b:s4+s22], $0x80, s3, s22, $0xb8;
	[tilespmem:$0x1C200] =	vst v63  }
.Ltmp1:
0x76: {  	(pc) =	sbr.rel @p0 .LBB2_4-.Ltmp1, $4  }
0x77: {  	[spmem:s1] =	stream.indirect.scatter.add.f32 [tilespmem:s25], [sflag:$0x5], $0x80, s31, s22, $0xb8;
	[tilespmem:$0x1C200] =	vst v63  }
0x78: {  	_ =	swait.ge [sflag:s26], $0x4000  }
0x79: {  	[sflag:s26] =	ssyncset.done $0x0  }
0x7a: {  	s6 =	sadd.s32 s6, s19;
	[sflag:s26] =	ssyncadd.s32 $0xFFFFC000  }
0x7b: {  	[tilespmem:s24], [sflag:$0x4] =	stream.linear.gather [hbm4b:s6+s3], $0x100, $0x38;
	[tilespmem:$0x1C200] =	vst v63  }
0x7c: {  	_ =	swait.ge [sflag:s28], $0x100  }
0x7d: {  	[sflag:s28] =	ssyncset.done $0x0  }
0x7e: {  	[sflag:s28] =	ssyncadd.s32 $0xFFFFFF00  }
0x7f: {  	_ =	swait.ge [sflag:s29], $0x4000  }
0x80: {  	[sflag:s29] =	ssyncset.done $0x0  }
0x81: {  	[sflag:s29] =	ssyncadd.s32 $0xFFFFC000  }
0x82: {  	[tilespmem:s25], [sflag:$0x2] =	stream.indirect.gather [hbm4b:s4+s22], $0x80, s24, s22, $0xb8;
	[tilespmem:$0x1C200] =	vst v63  }
0x83: {  	_ = 	snop  }
0x84: {  	[spmem:s1] =	stream.indirect.scatter.add.f32 [tilespmem:s23], [sflag:$0x5], $0x80, s22, s22, $0xb8;
	[tilespmem:$0x1C200] =	vst v63  }
0x85: {  	_ =	swait.ge [sflag:s26], $0x4000  }
0x86: {  	[sflag:s26] =	ssyncset.done $0x0  }
0x87: {  	[sflag:s26] =	ssyncadd.s32 $0xFFFFC000  }
0x88: {  	[tilespmem:s3], [sflag:$0x3] =	stream.linear.gather [hbm4b:s18+s3], $0x100, $0x38;
	[tilespmem:$0x1C200] =	vst v63  }
0x89: {  	_ =	swait.ge [sflag:s30], $0x4000  }
0x8a: {  	[sflag:s30] =	ssyncset.done $0x0  }
0x8b: {  	[sflag:s30] =	ssyncadd.s32 $0xFFFFC000  }
0x8c: {  	_ =	swait.ge [sflag:s21], $0x100  }
0x8d: {  	[sflag:s21] =	ssyncset.done $0x0  }
0x8e: {  	[sflag:s21] =	ssyncadd.s32 $0xFFFFFF00  }
0x8f: {  	[tilespmem:s23], [sflag:$0x1] =	stream.indirect.gather [hbm4b:s4+s22], $0x80, s3, s22, $0xb8;
	[tilespmem:$0x1C200] =	vst v63  }
0x90: {  	_ = 	snop  }
0x91: {  	[spmem:s1] =	stream.indirect.scatter.add.f32 [tilespmem:s25], [sflag:$0x5], $0x80, s31, s22, $0xb8;
	[tilespmem:$0x1C200] =	vst v63  }
0x92: {  	_ =	swait.ge [sflag:s26], $0x4000  }
0x93: {  	[sflag:s26] =	ssyncset.done $0x0  }
0x94: {  	[sflag:s26] =	ssyncadd.s32 $0xFFFFC000  }
0x95: {  	_ =	swait.ge [sflag:s29], $0x4000  }
0x96: {  	[sflag:s29] =	ssyncset.done $0x0  }
0x97: {  	[sflag:s29] =	ssyncadd.s32 $0xFFFFC000  }
0x98: {  	[spmem:s1] =	stream.indirect.scatter.add.f32 [tilespmem:s23], [sflag:$0x5], $0x80, s22, s22, $0xb8;
	[tilespmem:$0x1C200] =	vst v63  }
0x99: {  	_ =	swait.ge [sflag:s26], $0x4000  }
0x9a: {  	[sflag:s26] =	ssyncset.done $0x0  }
0x9b: {  	s2 =	stileid.u32;
	[sflag:s26] =	ssyncadd.s32 $0xFFFFC000  }
0x9c: {  	s2 =	sshll.u32 s2, $0x6;
	[bflag:$0x0] =	sbarrier.arrive $0xFFFF  }
0x9d: {  	s5 =	sshrl.u32 s7, $0x3;
	s2 =	sor.u32 $0x1C05, s2;
	s6 =	rddreg [dreg:$0x4]  }
0x9e: {  	[hbm:s6], [sflag:s2] =	dma.local [spmem:s5], $0x800  }
0x9f: {  	_ =	swait.ge [sflag:s26], $0x800  }
0xa0: {  	[sflag:s26] =	ssyncset.done $0x0  }
0xa1: {  	s6 =	sshrl.u32 s8, $0x3;
	[sflag:s26] =	ssyncadd.s32 $0xFFFFF800  }
0xa2: {  	[hbm:s13], [sflag:s2] =	dma.local [spmem:s6], $0x800  }
0xa3: {  	_ =	swait.ge [sflag:s26], $0x800  }
0xa4: {  	[sflag:s26] =	ssyncset.done $0x0  }
0xa5: {  	s6 =	sshrl.u32 s9, $0x3;
	[sflag:s26] =	ssyncadd.s32 $0xFFFFF800  }
0xa6: {  	[hbm:s14], [sflag:s2] =	dma.local [spmem:s6], $0x800  }
0xa7: {  	_ =	swait.ge [sflag:s26], $0x800  }
0xa8: {  	[sflag:s26] =	ssyncset.done $0x0  }
0xa9: {  	s6 =	sshrl.u32 s10, $0x3;
	[sflag:s26] =	ssyncadd.s32 $0xFFFFF800  }
0xaa: {  	[hbm:s15], [sflag:s2] =	dma.local [spmem:s6], $0x800  }
0xab: {  	s0 =	sadd.s32 $0x1, s0;
	_ =	swait.ge [sflag:s26], $0x800  }
0xac: {  	p0 =	sne.s32 s0, s17;
	[sflag:s26] =	ssyncset.done $0x0  }
.Ltmp2:
0xad: {  	s6 =	sshrl.u32 s11, $0x3;
	[sflag:s26] =	ssyncadd.s32 $0xFFFFF800;
	(pc) =	sbr.rel @p0 .LBB2_1-.Ltmp2, $4  }
0xae: {  	[hbm:s16], [sflag:s2] =	dma.local [spmem:s6], $0x800  }
0xaf: {  	_ =	swait.ge [sflag:s26], $0x800  }
0xb0: {  	[sflag:s26] =	ssyncset.done $0x0  }
0xb1: {  	[sflag:s26] =	ssyncadd.s32 $0xFFFFF800  }
0xb2: {  	_ =	sfence.sel $0x180000  }
0xb3: {  	[bflag:$0x0] =	sbarrier.arrive $0xFFFF  }
0xb4: {  	_ =	strace $0x90000053  }
0xb5: {  	s0 =	stileid.u32;
	[bflag:$0x2] =	sbarrier.arrive $0xFFFF  }
0xb6: {  	p0 =	sne.s32 s0, $0x0;
	s0 =	rddreg [dreg:$0x2]  }
0xb7: {  	s0 =	sadd.s32 @!p0 $0x100000, s0  }
0xb8: {  	[sflag:s0] =	ssyncadd.tile.s32 @!p0 $0x1;
	_ =	shalt  }
.Lfunc_end2:
_tile_overlayer_lowered:
.L_overlay_start_2:
0xb9: {  	(tag) =	ssettag $0x2  }
0xba: {  	s0 =	rddreg [dreg:$0x0];
	s2 =	stileid.u32  }
0xbb: {  	s1 =	rddreg [dreg:$0x1];
	p0 =	sne.s32 s2, $0x0  }
0xbc: {  	s3 =	rddreg [dreg:$0x2];
	[bflag:$0x3] =	sbarrier.arrive $0xFFFF;
	s2 =	simm.s32 @!p0 $0x1C05  }
0xbd: {  	[timem:s3], [sflag:s2] =	dma.local @!p0 [hbm:s0], s1  }
0xbe: {  	s0 =	simm.s32 @!p0 $0x5  }
0xbf: {  	_ =	swait.ge @!p0 [sflag:s0], s1  }
0xc0: {  	s1 =	ssub.s32 @!p0 $0x0, s1;
	[sflag:s0] =	ssyncset.done @!p0 $0x0  }
0xc1: {  	[sflag:s0] =	ssyncadd.s32 @!p0 s1  }
0xc2: {  	[bflag:$0x3] =	sbarrier.arrive $0xFFFF  }
0xc3: {  	_ =	shalt  }

</sc_bundles>
